<compile_context>
chip_gen: v7x
topology: tpu7x:2x2x1
jax: 0.10.2.dev20260603
libtpu: 0.0.44.dev20260713+nightly
codegen_flags: <defaults>
</compile_context>

<pallas_src>
import jax
import jax.numpy as jnp
from jax import lax
from jax.experimental import pallas as pl
from jax.experimental.pallas import tpu as pltpu
from jax.experimental.pallas import tpu_sc as plsc

NC = 2
NS = 16
LANES = 16


def _i32(v):
    return jnp.asarray(v, dtype=jnp.int32)


def _dense_body(x_ref, wcat_ref, dvec_ref, asrc_ref, adst_ref,
                dense0_ref, h_ref, as_ref, ad_ref, q_ref):
    xw = jnp.dot(x_ref[...], wcat_ref[...], preferred_element_type=jnp.float32)
    dense0_ref[...] = xw[:, :256] + dvec_ref[...]
    a_s = []
    a_d = []
    for r in range(4):
        hr = xw[:, 256 * (r + 1):256 * (r + 2)]
        h_ref[r, :, :] = hr
        a_s.append(jnp.sum(hr * asrc_ref[r, :][None, :], axis=-1, keepdims=True))
        a_d.append(jnp.sum(hr * adst_ref[r, :][None, :], axis=-1, keepdims=True))
    a_s = jnp.concatenate(a_s, axis=1)
    a_d = jnp.concatenate(a_d, axis=1)
    as_ref[...] = a_s
    ad_ref[...] = a_d
    loop = a_s + a_d
    loop = jnp.maximum(loop, 0.2 * loop)
    q_ref[...] = jnp.exp(loop)


def _dense_stage(x, wcat, dvec, asrc, adst, n):
    bn = 1000
    grid = n // bn
    z = lambda i: (_i32(i), _i32(0))
    zz = lambda i: (_i32(0), _i32(0))
    return pl.pallas_call(
        _dense_body,
        grid=(grid,),
        in_specs=[
            pl.BlockSpec((bn, 256), z),
            pl.BlockSpec((256, 1280), zz),
            pl.BlockSpec((1, 256), zz),
            pl.BlockSpec((4, 256), zz),
            pl.BlockSpec((4, 256), zz),
        ],
        out_specs=[
            pl.BlockSpec((bn, 256), z),
            pl.BlockSpec((4, bn, 256), lambda i: (_i32(0), _i32(i), _i32(0))),
            pl.BlockSpec((bn, 4), z),
            pl.BlockSpec((bn, 4), z),
            pl.BlockSpec((bn, 4), z),
        ],
        out_shape=[
            jax.ShapeDtypeStruct((n, 256), jnp.float32),
            jax.ShapeDtypeStruct((4, n, 256), jnp.float32),
            jax.ShapeDtypeStruct((n, 4), jnp.float32),
            jax.ShapeDtypeStruct((n, 4), jnp.float32),
            jax.ShapeDtypeStruct((n, 4), jnp.float32),
        ],
    )(x, wcat, dvec, asrc, adst)


def _make_sc_stage(n, e):
    ne = 8
    oh = n // ne
    segs = 4 * oh
    srows = (segs + 127) // 128 * 8
    ept = e // NS
    ch = 2000
    nch = ept // ch
    gpc = ch // LANES
    K = 32
    cap = 2560 + 2 * K
    slab = oh // NS
    rem = oh - NS * slab
    assert srows % 80 == 0

    def body(epk, as_h, ad_h, q1, dense0, h2, out_sc, den_out,
             tbl, avals, fs_c, dseg_c, p_c, denp, e123,
             rows, wbuf, ridx, den_v, rowidx, qv, out_sh, den_sh, sem):
        c = lax.axis_index("c")
        s = lax.axis_index("s")
        zf = jnp.zeros((LANES,), jnp.float32)
        zi = jnp.zeros((LANES,), jnp.int32)

        pltpu.sync_copy(as_h, tbl)

        def a1_chunk(j, carry):
            pltpu.sync_copy(epk.at[s * _i32(nch) + j], e123)

            def grp(g, carry2):
                sl = pl.ds(g * _i32(LANES), LANES)
                idx = e123[0, sl] * _i32(4) + e123[2, sl]
                avals[pl.ds(j * _i32(ch) + g * _i32(LANES), LANES)] = (
                    plsc.load_gather(tbl, [idx]))
                return carry2
            return lax.fori_loop(_i32(0), _i32(gpc), grp, carry)
        lax.fori_loop(_i32(0), _i32(nch), a1_chunk, _i32(0))

        pltpu.sync_copy(ad_h, tbl)

        def a15_chunk(j, carry):
            pltpu.sync_copy(epk.at[s * _i32(nch) + j], e123)

            def grp(g, carry2):
                sl = pl.ds(g * _i32(LANES), LANES)
                vsl = pl.ds(j * _i32(ch) + g * _i32(LANES), LANES)
                ad16 = plsc.load_gather(tbl,
                                        [e123[1, sl] * _i32(4) + e123[2, sl]])
                a = avals[vsl] + ad16
                a = jnp.maximum(a, 0.2 * a)
                avals[vsl] = jnp.exp(a)
                return carry2
            return lax.fori_loop(_i32(0), _i32(gpc), grp, carry)
        lax.fori_loop(_i32(0), _i32(nch), a15_chunk, _i32(0))

        for kk in range(srows // 80):
            for g in range(5):
                rowidx[_i32(kk), pl.ds(g * LANES, LANES)] = (
                    lax.iota(jnp.int32, LANES) + _i32(kk * 80 + g * LANES))

        def eighth(qq, carry0):
            e8 = c * _i32(ne // NC) + qq
            qbase = e8 * _i32(oh)

            pltpu.sync_copy(dense0.at[pl.ds(qbase + s * _i32(slab), slab)],
                            out_sh.at[pl.ds(s * _i32(slab), slab)])

            @pl.when(s == 0)
            def _():
                pltpu.sync_copy(dense0.at[pl.ds(qbase + _i32(NS * slab), rem)],
                                out_sh.at[pl.ds(NS * slab, rem)])

            def zero_denp(i, carry):
                denp[i, :] = zf
                return carry
            lax.fori_loop(_i32(0), _i32(srows), zero_denp, _i32(0))

            @pl.when(s == 0)
            def _():
                pltpu.sync_copy(denp, den_sh)

            def a2_chunk(j, cnt):
                pltpu.sync_copy(epk.at[s * _i32(nch) + j], e123)

                def grp(g, cnt2):
                    sl = pl.ds(g * _i32(LANES), LANES)
                    s16 = e123[0, sl]
                    d16 = e123[1, sl]
                    t16 = e123[2, sl]
                    p = avals[pl.ds(j * _i32(ch) + g * _i32(LANES), LANES)]
                    dloc = d16 - qbase
                    inh = (d16 >= qbase) & (dloc < _i32(oh))
                    dseg = dloc * _i32(4) + t16
                    plsc.addupdate_scatter(
                        denp,
                        [lax.shift_right_logical(dseg, _i32(4)),
                         dseg & _i32(15)], p, mask=inh)
                    plsc.store_compressed(fs_c.at[pl.ds(cnt2, LANES)],
                                          t16 * _i32(n) + s16, mask=inh)
                    plsc.store_compressed(dseg_c.at[pl.ds(cnt2, LANES)], dseg,
                                          mask=inh)
                    plsc.store_compressed(p_c.at[pl.ds(cnt2, LANES)], p, mask=inh)
                    return cnt2 + jnp.sum(inh.astype(jnp.int32), dtype=jnp.int32)
                return lax.fori_loop(_i32(0), _i32(gpc), grp, cnt)
            cnt = lax.fori_loop(_i32(0), _i32(nch), a2_chunk, _i32(0))

            def padk(i, carry):
                fs_c[pl.ds(cnt + i * _i32(LANES), LANES)] = zi
                dseg_c[pl.ds(cnt + i * _i32(LANES), LANES)] = zi
                p_c[pl.ds(cnt + i * _i32(LANES), LANES)] = zf
                return carry
            lax.fori_loop(_i32(0), _i32(2 * K // LANES), padk, _i32(0))

            plsc.subcore_barrier()

            for kk in range(srows // 80):
                pltpu.sync_copy(denp.at[pl.ds(kk * 80, 80)],
                                den_sh.at[rowidx.at[_i32(kk)]], add=True)
            plsc.subcore_barrier()

            @pl.when(s == 1)
            def _():
                pltpu.sync_copy(den_sh, den_out.at[e8])

            pltpu.sync_copy(den_sh, den_v)
            pltpu.sync_copy(q1.at[pl.ds(e8 * _i32(segs), segs)],
                            qv.at[pl.ds(0, segs)])

            def addq(i, carry):
                den_v[i, :] = den_v[i, :] + qv[pl.ds(i * _i32(LANES), LANES)]
                return carry
            lax.fori_loop(_i32(0), _i32((segs + LANES - 1) // LANES), addq,
                          _i32(0))

            nchunks = (cnt + _i32(K - 1)) // _i32(K)

            def issue(ci, rbuf, rsem):
                coff = jnp.minimum(ci, nchunks) * _i32(K)
                pltpu.async_copy(h2.at[fs_c.at[pl.ds(coff, K)]], rbuf, rsem)

            def drain(rbuf, rsem):
                pltpu.make_async_copy(h2.at[pl.ds(0, K)], rbuf, rsem).wait()

            def process(ci, rbuf, rsem):
                coff = ci * _i32(K)

                def g(k, carry2):
                    sl = pl.ds(coff + k * _i32(LANES), LANES)
                    dseg16 = dseg_c[sl]
                    den16 = plsc.load_gather(
                        den_v,
                        [lax.shift_right_logical(dseg16, _i32(4)),
                         dseg16 & _i32(15)])
                    wbuf[pl.ds(k * _i32(LANES), LANES)] = p_c[sl] / den16
                    ridx[pl.ds(k * _i32(LANES), LANES)] = lax.shift_right_logical(
                        dseg16, _i32(2))
                    return carry2
                lax.fori_loop(_i32(0), _i32(K // LANES), g, _i32(0))

                drain(rbuf, rsem)

                def rowscale(r, carry2):
                    wspl = plsc.load_gather(wbuf, [zi + r])
                    for cb in range(256 // LANES):
                        sl = pl.ds(cb * LANES, LANES)
                        rbuf[r, sl] = rbuf[r, sl] * wspl
                    return carry2
                lax.fori_loop(_i32(0), _i32(K), rowscale, _i32(0))

                pltpu.sync_copy(rbuf, out_sh.at[ridx], add=True)

            def one(t, carry):
                issue(t, rows, sem)
                process(t, rows, sem)
                return carry
            lax.fori_loop(_i32(0), nchunks, one, _i32(0))

            plsc.subcore_barrier()

            pltpu.sync_copy(out_sh.at[pl.ds(s * _i32(slab), slab)],
                            out_sc.at[pl.ds(qbase + s * _i32(slab), slab)])

            @pl.when(s == 0)
            def _():
                pltpu.sync_copy(out_sh.at[pl.ds(NS * slab, rem)],
                                out_sc.at[pl.ds(qbase + _i32(NS * slab), rem)])

            plsc.subcore_barrier()
            return carry0
        lax.fori_loop(_i32(0), _i32(ne // NC), eighth, _i32(0))

    mesh = plsc.VectorSubcoreMesh(core_axis_name="c", subcore_axis_name="s",
                                  num_cores=NC, num_subcores=NS)
    return pl.kernel(
        body,
        out_type=[
            jax.ShapeDtypeStruct((n, 256), jnp.float32),
            jax.ShapeDtypeStruct((ne, srows, 16), jnp.float32),
        ],
        mesh=mesh,
        compiler_params=pltpu.CompilerParams(needs_layout_passes=False,
                                             use_tc_tiling_on_sc=False),
        scratch_types=[
            pltpu.VMEM((4 * n,), jnp.float32),
            pltpu.VMEM((ept,), jnp.float32),
            pltpu.VMEM((cap,), jnp.int32),
            pltpu.VMEM((cap,), jnp.int32),
            pltpu.VMEM((cap,), jnp.float32),
            pltpu.VMEM((srows, 16), jnp.float32),
            pltpu.VMEM((3, ch), jnp.int32),
            pltpu.VMEM((K, 256), jnp.float32),
            pltpu.VMEM((K,), jnp.float32),
            pltpu.VMEM((K,), jnp.int32),
            pltpu.VMEM((srows, 16), jnp.float32),
            pltpu.VMEM((srows // 80, 80), jnp.int32),
            pltpu.VMEM((srows * 16,), jnp.float32),
            pltpu.VMEM_SHARED((oh, 256), jnp.float32),
            pltpu.VMEM_SHARED((srows, 16), jnp.float32),
            pltpu.SemaphoreType.DMA,
        ],
    )


def _comb_body(sc_ref, h_ref, q_ref, den_ref, out_ref):
    q = q_ref[...]
    coef = q / (den_ref[...] + q)
    acc = sc_ref[...]
    for r in range(4):
        acc = acc + coef[:, r:r + 1] * h_ref[r]
    out_ref[...] = acc


def _comb_stage(sc_out, h, q, den, n):
    bn = 1000
    grid = n // bn
    z = lambda i: (_i32(i), _i32(0))
    return pl.pallas_call(
        _comb_body,
        grid=(grid,),
        in_specs=[
            pl.BlockSpec((bn, 256), z),
            pl.BlockSpec((4, bn, 256), lambda i: (_i32(0), _i32(i), _i32(0))),
            pl.BlockSpec((bn, 4), z),
            pl.BlockSpec((bn, 4), z),
        ],
        out_specs=pl.BlockSpec((bn, 256), z),
        out_shape=jax.ShapeDtypeStruct((n, 256), jnp.float32),
    )(sc_out, h, q, den)


def kernel(x, edge_index, edge_type, W_self, b_self, W, att_src, att_dst, bias):
    n = x.shape[0]
    e = edge_type.shape[0]
    x = x.astype(jnp.float32)
    wcat = jnp.concatenate(
        [W_self.astype(jnp.float32)] + [W[r].astype(jnp.float32) for r in range(4)],
        axis=1)
    dvec = (b_self + jnp.sum(bias, axis=0)).astype(jnp.float32)[None, :]

    dense0, H, AS, AD, Q = _dense_stage(x, wcat, dvec,
                                        att_src.astype(jnp.float32),
                                        att_dst.astype(jnp.float32), n)

    ch = 2000
    epk = jnp.concatenate(
        [edge_index.astype(jnp.int32), edge_type.astype(jnp.int32)[None, :]],
        axis=0)
    epk = epk.reshape(3, e // ch, ch).transpose(1, 0, 2)

    sc_out, den = _make_sc_stage(n, e)(
        epk, AS.reshape(-1), AD.reshape(-1), Q.reshape(-1),
        dense0, H.reshape(4 * n, 256))

    segs = 4 * n // 8
    den = den.reshape(8, -1)[:, :segs].reshape(n, 4)
    out = _comb_stage(sc_out, H, Q, den, n)
    return out.astype(jnp.float64)

# --- scband reference (transcript-rebuilt; emitter-appended) ---
"""Pipeline reference for scband-rgatconv-9088150798512 (READ-ONLY COPY).

The authoritative reference and input builder live on the scoring server;
editing this copy changes nothing except your own understanding.
"""

import jax
jax.config.update("jax_enable_x64", True)
import jax.numpy as jnp
import numpy as np

N = 10000
E = 160000
IN = 256
OUT = 256
R = 4


def setup_inputs(seed: int = 0) -> dict:
    key = jax.random.key(seed)
    ks = jax.random.split(key, 10)
    x = jax.random.normal(ks[0], (N, IN), dtype=jnp.float32)
    edge_index = jax.random.randint(ks[1], (2, E), 0, N, dtype=jnp.int64)
    edge_type = jax.random.randint(ks[2], (E,), 0, R, dtype=jnp.int64)
    # self-loop linear
    W_self = jax.random.normal(ks[3], (IN, OUT), dtype=jnp.float32) * (1.0 / np.sqrt(IN))
    b_self = jnp.zeros((OUT,), dtype=jnp.float32)
    # per-relation GATConv params (heads=1): shared lin for src/dst, att_src, att_dst, bias
    W = jax.random.normal(ks[4], (R, IN, OUT), dtype=jnp.float32) * (1.0 / np.sqrt(IN))
    att_src = jax.random.normal(ks[5], (R, OUT), dtype=jnp.float32) * 0.1
    att_dst = jax.random.normal(ks[6], (R, OUT), dtype=jnp.float32) * 0.1
    bias = jnp.zeros((R, OUT), dtype=jnp.float32)
    return {"x": x, "edge_index": edge_index, "edge_type": edge_type,
            "W_self": W_self, "b_self": b_self, "W": W,
            "att_src": att_src, "att_dst": att_dst, "bias": bias}


def _gat_conv(x, rel_edge_index, edge_mask, Wr, a_src_vec, a_dst_vec, b, n_nodes):
    # PyG GATConv defaults: heads=1, add_self_loops=True, negative_slope=0.2
    src = rel_edge_index[0]
    dst = rel_edge_index[1]
    loop = jnp.arange(n_nodes, dtype=src.dtype)
    src = jnp.concatenate([src, loop])
    dst = jnp.concatenate([dst, loop])
    mask = jnp.concatenate([edge_mask, jnp.ones((n_nodes,), dtype=jnp.bool_)])
    h = x @ Wr  # [N, OUT]
    alpha_src = (h * a_src_vec[None, :]).sum(axis=-1)  # [N]
    alpha_dst = (h * a_dst_vec[None, :]).sum(axis=-1)  # [N]
    alpha = jax.nn.leaky_relu(alpha_src[src] + alpha_dst[dst], negative_slope=0.2)
    alpha = jnp.where(mask, alpha, -jnp.inf)
    # softmax over incoming edges per dst node
    amax = jax.ops.segment_max(alpha, dst, num_segments=n_nodes)
    alpha = jnp.exp(alpha - amax[dst])
    denom = jax.ops.segment_sum(alpha, dst, num_segments=n_nodes)
    alpha = alpha / (denom[dst] + 1e-16)
    out = jax.ops.segment_sum(h[src] * alpha[:, None], dst, num_segments=n_nodes)
    return out + b[None, :]


def reference(x, edge_index, edge_type, W_self, b_self, W, att_src, att_dst, bias):
    x_new = x @ W_self + b_self[None, :]
    n_nodes = x.shape[0]
    for i in range(R):
        mask = edge_type == i
        x_new = x_new + _gat_conv(x, edge_index, mask, W[i], att_src[i], att_dst[i], bias[i], n_nodes)
    return x_new

if __name__ == "__main__":
    import jax
    _d = setup_inputs()
    print(jax.jit(kernel)(*tuple(_d.values())))

</pallas_src>

<mosaic_0001>
#map = affine_map<(d0, d1) -> (0, 0, 0)>
#map1 = affine_map<(d0, d1) -> (0)>
#map2 = affine_map<(d0, d1) -> (0, 0)>
module attributes {stable_mosaic.version = 14 : i64} {
  func.func @body(%arg0: i32, %arg1: i32, %arg2: memref<80x3x2000xi32, #tpu.memory_space<hbm>>, %arg3: memref<40000xf32, #tpu.memory_space<hbm>>, %arg4: memref<40000xf32, #tpu.memory_space<hbm>>, %arg5: memref<40000xf32, #tpu.memory_space<hbm>>, %arg6: memref<10000x256xf32, #tpu.memory_space<hbm>>, %arg7: memref<40000x256xf32, #tpu.memory_space<hbm>>, %arg8: memref<10000x256xf32, #tpu.memory_space<hbm>>, %arg9: memref<8x320x16xf32, #tpu.memory_space<hbm>>, %arg10: memref<40000xf32, #tpu.memory_space<vmem>>, %arg11: memref<10000xf32, #tpu.memory_space<vmem>>, %arg12: memref<2624xi32, #tpu.memory_space<vmem>>, %arg13: memref<2624xi32, #tpu.memory_space<vmem>>, %arg14: memref<2624xf32, #tpu.memory_space<vmem>>, %arg15: memref<320x16xf32, #tpu.memory_space<vmem>>, %arg16: memref<3x2000xi32, #tpu.memory_space<vmem>>, %arg17: memref<32x256xf32, #tpu.memory_space<vmem>>, %arg18: memref<32xf32, #tpu.memory_space<vmem>>, %arg19: memref<32xi32, #tpu.memory_space<vmem>>, %arg20: memref<320x16xf32, #tpu.memory_space<vmem>>, %arg21: memref<4x80xi32, #tpu.memory_space<vmem>>, %arg22: memref<5120xf32, #tpu.memory_space<vmem>>, %arg23: memref<1250x256xf32, #tpu.memory_space<vmem_shared>>, %arg24: memref<320x16xf32, #tpu.memory_space<vmem_shared>>, %arg25: memref<!tpu.dma_semaphore, #tpu.memory_space<semaphore_mem>>) attributes {dimension_semantics = [#tpu.dimension_semantics<core_parallel>, #tpu.dimension_semantics<subcore_parallel>], iteration_bounds = array<i64: 2, 16>, scalar_prefetch = 0 : i64, scratch_operands = 16 : i64, tpu.core_type = #tpu.core_type<sc_vector_subcore>, window_params = [{transform_indices = #map}, {transform_indices = #map1}, {transform_indices = #map1}, {transform_indices = #map1}, {transform_indices = #map2}, {transform_indices = #map2}, {transform_indices = #map2}, {transform_indices = #map}]} {
    %broadcast_in_dim3A = arith.constant 0.000000e+00 : f32
    %broadcast_in_dim3A_0 = vector.broadcast %broadcast_in_dim3A : f32 to vector<16xf32>
    %broadcast_in_dim3A_1 = arith.constant 0 : i32
    %broadcast_in_dim3A_2 = vector.broadcast %broadcast_in_dim3A_1 : i32 to vector<16xi32>
    "tpu.region"() ({
      %run_scoped3A = tpu.sem_alloc : memref<!tpu.dma_semaphore, #tpu.memory_space<semaphore_mem>>
      tpu.enqueue_dma source(%arg3 : memref<40000xf32, #tpu.memory_space<hbm>>) target(%arg10 : memref<40000xf32, #tpu.memory_space<vmem>>) target_semaphore(%run_scoped3A : memref<!tpu.dma_semaphore, #tpu.memory_space<semaphore_mem>>)
      tpu.wait_dma2 semaphore(%run_scoped3A : memref<!tpu.dma_semaphore, #tpu.memory_space<semaphore_mem>>) src(%arg3 : memref<40000xf32, #tpu.memory_space<hbm>>) dst(%arg10 : memref<40000xf32, #tpu.memory_space<vmem>>)
      tpu.yield
    }) : () -> ()
    %while3A = arith.constant 0 : i32
    %while3A_3 = arith.constant 0 : i32
    %while3A_4 = arith.constant 5 : i32
    %while3A_5 = arith.subi %while3A_4, %while3A_3 : i32
    %while3A_6 = arith.addi %while3A_3, %while3A_5 : i32
    %while3A_7 = arith.constant 1 : i32
    %while3A_8 = arith.divsi %while3A_5, %while3A_7 : i32
    %while3A_9 = arith.muli %while3A_8, %while3A_7 : i32
    %while3A_10 = arith.addi %while3A_3, %while3A_9 : i32
    %while3A_11 = arith.constant 1 : i32
    scf.for %while3A_192 = %while3A_3 to %while3A_10 step %while3A_11  : i32 {
      %mul3A = arith.constant 5 : i32
      %mul3A_193 = arith.muli %arg1, %mul3A : i32
      %add3A_194 = arith.addi %mul3A_193, %while3A_192 : i32
      "tpu.region"() ({
        %run_scoped3A = tpu.sem_alloc : memref<!tpu.dma_semaphore, #tpu.memory_space<semaphore_mem>>
        %dma_start3A = arith.constant 0 : i32
        %dma_start3A_205 = arith.constant 0 : i32
        %dma_start3A_206 = tpu.memref_slice %arg2[%add3A_194, %dma_start3A, %dma_start3A_205] : memref<80x3x2000xi32, #tpu.memory_space<hbm>> -> memref<1x3x2000xi32, #tpu.memory_space<hbm>>
        %dma_start3A_207 = tpu.memref_squeeze %dma_start3A_206 : memref<1x3x2000xi32, #tpu.memory_space<hbm>> -> memref<3x2000xi32, #tpu.memory_space<hbm>>
        %dma_start3A_208 = arith.constant 0 : i32
        %dma_start3A_209 = arith.constant 0 : i32
        %dma_start3A_210 = tpu.memref_slice %arg2[%add3A_194, %dma_start3A_208, %dma_start3A_209] : memref<80x3x2000xi32, #tpu.memory_space<hbm>> -> memref<1x3x2000xi32, #tpu.memory_space<hbm>>
        %dma_start3A_211 = tpu.memref_squeeze %dma_start3A_210 : memref<1x3x2000xi32, #tpu.memory_space<hbm>> -> memref<3x2000xi32, #tpu.memory_space<hbm>>
        tpu.enqueue_dma source(%dma_start3A_211 : memref<3x2000xi32, #tpu.memory_space<hbm>>) target(%arg16 : memref<3x2000xi32, #tpu.memory_space<vmem>>) target_semaphore(%run_scoped3A : memref<!tpu.dma_semaphore, #tpu.memory_space<semaphore_mem>>)
        %dma_wait3A = arith.constant 0 : i32
        %dma_wait3A_212 = arith.constant 0 : i32
        %dma_wait3A_213 = tpu.memref_slice %arg2[%add3A_194, %dma_wait3A, %dma_wait3A_212] : memref<80x3x2000xi32, #tpu.memory_space<hbm>> -> memref<1x3x2000xi32, #tpu.memory_space<hbm>>
        %dma_wait3A_214 = tpu.memref_squeeze %dma_wait3A_213 : memref<1x3x2000xi32, #tpu.memory_space<hbm>> -> memref<3x2000xi32, #tpu.memory_space<hbm>>
        %dma_wait3A_215 = arith.constant 0 : i32
        %dma_wait3A_216 = arith.constant 0 : i32
        %dma_wait3A_217 = tpu.memref_slice %arg2[%add3A_194, %dma_wait3A_215, %dma_wait3A_216] : memref<80x3x2000xi32, #tpu.memory_space<hbm>> -> memref<1x3x2000xi32, #tpu.memory_space<hbm>>
        %dma_wait3A_218 = tpu.memref_squeeze %dma_wait3A_217 : memref<1x3x2000xi32, #tpu.memory_space<hbm>> -> memref<3x2000xi32, #tpu.memory_space<hbm>>
        tpu.wait_dma2 semaphore(%run_scoped3A : memref<!tpu.dma_semaphore, #tpu.memory_space<semaphore_mem>>) src(%dma_wait3A_218 : memref<3x2000xi32, #tpu.memory_space<hbm>>) dst(%arg16 : memref<3x2000xi32, #tpu.memory_space<vmem>>)
        tpu.yield
      }) : () -> ()
      %while3A_195 = arith.constant 0 : i32
      %while3A_196 = arith.constant 125 : i32
      %while3A_197 = arith.subi %while3A_196, %while3A_195 : i32
      %while3A_198 = arith.addi %while3A_195, %while3A_197 : i32
      %while3A_199 = arith.constant 1 : i32
      %while3A_200 = arith.divsi %while3A_197, %while3A_199 : i32
      %while3A_201 = arith.muli %while3A_200, %while3A_199 : i32
      %while3A_202 = arith.addi %while3A_195, %while3A_201 : i32
      %while3A_203 = arith.constant 1 : i32
      scf.for %while3A_205 = %while3A_195 to %while3A_202 step %while3A_203  : i32 {
        %mul3A_206 = arith.constant 16 : i32
        %mul3A_207 = arith.muli %while3A_205, %mul3A_206 : i32
        %get3A = arith.constant 0 : i64
        %get3A_208 = arith.index_cast %get3A : i64 to index
        %get3A_209 = arith.index_cast %mul3A_207 : i32 to index
        %get3A_210 = tpu.vector_load %arg16[%get3A_208, %get3A_209] {strides = array<i32>} : memref<3x2000xi32, #tpu.memory_space<vmem>>, vector<16xi32>,
        %mul3A_211 = arith.constant 4 : i32
        %mul3A_212 = vector.broadcast %mul3A_211 : i32 to vector<16xi32>
        %mul3A_213 = arith.muli %get3A_210, %mul3A_212 : vector<16xi32>
        %get3A_214 = arith.constant 2 : i64
        %get3A_215 = arith.index_cast %get3A_214 : i64 to index
        %get3A_216 = arith.index_cast %mul3A_207 : i32 to index
        %get3A_217 = tpu.vector_load %arg16[%get3A_215, %get3A_216] {strides = array<i32>} : memref<3x2000xi32, #tpu.memory_space<vmem>>, vector<16xi32>,
        %add3A_218 = arith.addi %mul3A_213, %get3A_217 : vector<16xi32>
        %gather3A = tpu.vector_load_idx %arg10[%add3A_218] : memref<40000xf32, #tpu.memory_space<vmem>>[vector<16xi32>], vector<16xf32>,
        %mul3A_219 = arith.constant 2000 : i32
        %mul3A_220 = arith.muli %while3A_192, %mul3A_219 : i32
        %mul3A_221 = arith.constant 16 : i32
        %mul3A_222 = arith.muli %while3A_205, %mul3A_221 : i32
        %add3A_223 = arith.addi %mul3A_220, %mul3A_222 : i32
        %swap3A_224 = arith.index_cast %add3A_223 : i32 to index
        %swap3A_225 = tpu.vector_load %arg11[%swap3A_224] {strides = array<i32>} : memref<10000xf32, #tpu.memory_space<vmem>>, vector<16xf32>,
        tpu.vector_store %arg11[%swap3A_224], %gather3A {strides = array<i32>} : memref<10000xf32, #tpu.memory_space<vmem>>, vector<16xf32>,
      }
      %while3A_204 = arith.constant 1 : i32
      scf.for %while3A_205 = %while3A_202 to %while3A_198 step %while3A_204  : i32 {
        %mul3A_206 = arith.constant 16 : i32
        %mul3A_207 = arith.muli %while3A_205, %mul3A_206 : i32
        %get3A = arith.constant 0 : i64
        %get3A_208 = arith.index_cast %get3A : i64 to index
        %get3A_209 = arith.index_cast %mul3A_207 : i32 to index
        %get3A_210 = tpu.vector_load %arg16[%get3A_208, %get3A_209] {strides = array<i32>} : memref<3x2000xi32, #tpu.memory_space<vmem>>, vector<16xi32>,
        %mul3A_211 = arith.constant 4 : i32
        %mul3A_212 = vector.broadcast %mul3A_211 : i32 to vector<16xi32>
        %mul3A_213 = arith.muli %get3A_210, %mul3A_212 : vector<16xi32>
        %get3A_214 = arith.constant 2 : i64
        %get3A_215 = arith.index_cast %get3A_214 : i64 to index
        %get3A_216 = arith.index_cast %mul3A_207 : i32 to index
        %get3A_217 = tpu.vector_load %arg16[%get3A_215, %get3A_216] {strides = array<i32>} : memref<3x2000xi32, #tpu.memory_space<vmem>>, vector<16xi32>,
        %add3A_218 = arith.addi %mul3A_213, %get3A_217 : vector<16xi32>
        %gather3A = tpu.vector_load_idx %arg10[%add3A_218] : memref<40000xf32, #tpu.memory_space<vmem>>[vector<16xi32>], vector<16xf32>,
        %mul3A_219 = arith.constant 2000 : i32
        %mul3A_220 = arith.muli %while3A_192, %mul3A_219 : i32
        %mul3A_221 = arith.constant 16 : i32
        %mul3A_222 = arith.muli %while3A_205, %mul3A_221 : i32
        %add3A_223 = arith.addi %mul3A_220, %mul3A_222 : i32
        %swap3A_224 = arith.index_cast %add3A_223 : i32 to index
        %swap3A_225 = tpu.vector_load %arg11[%swap3A_224] {strides = array<i32>} : memref<10000xf32, #tpu.memory_space<vmem>>, vector<16xf32>,
        tpu.vector_store %arg11[%swap3A_224], %gather3A {strides = array<i32>} : memref<10000xf32, #tpu.memory_space<vmem>>, vector<16xf32>,
      }
    }
    %while3A_12 = arith.constant 1 : i32
    scf.for %while3A_192 = %while3A_10 to %while3A_6 step %while3A_12  : i32 {
      %mul3A = arith.constant 5 : i32
      %mul3A_193 = arith.muli %arg1, %mul3A : i32
      %add3A_194 = arith.addi %mul3A_193, %while3A_192 : i32
      "tpu.region"() ({
        %run_scoped3A = tpu.sem_alloc : memref<!tpu.dma_semaphore, #tpu.memory_space<semaphore_mem>>
        %dma_start3A = arith.constant 0 : i32
        %dma_start3A_205 = arith.constant 0 : i32
        %dma_start3A_206 = tpu.memref_slice %arg2[%add3A_194, %dma_start3A, %dma_start3A_205] : memref<80x3x2000xi32, #tpu.memory_space<hbm>> -> memref<1x3x2000xi32, #tpu.memory_space<hbm>>
        %dma_start3A_207 = tpu.memref_squeeze %dma_start3A_206 : memref<1x3x2000xi32, #tpu.memory_space<hbm>> -> memref<3x2000xi32, #tpu.memory_space<hbm>>
        %dma_start3A_208 = arith.constant 0 : i32
        %dma_start3A_209 = arith.constant 0 : i32
        %dma_start3A_210 = tpu.memref_slice %arg2[%add3A_194, %dma_start3A_208, %dma_start3A_209] : memref<80x3x2000xi32, #tpu.memory_space<hbm>> -> memref<1x3x2000xi32, #tpu.memory_space<hbm>>
        %dma_start3A_211 = tpu.memref_squeeze %dma_start3A_210 : memref<1x3x2000xi32, #tpu.memory_space<hbm>> -> memref<3x2000xi32, #tpu.memory_space<hbm>>
        tpu.enqueue_dma source(%dma_start3A_211 : memref<3x2000xi32, #tpu.memory_space<hbm>>) target(%arg16 : memref<3x2000xi32, #tpu.memory_space<vmem>>) target_semaphore(%run_scoped3A : memref<!tpu.dma_semaphore, #tpu.memory_space<semaphore_mem>>)
        %dma_wait3A = arith.constant 0 : i32
        %dma_wait3A_212 = arith.constant 0 : i32
        %dma_wait3A_213 = tpu.memref_slice %arg2[%add3A_194, %dma_wait3A, %dma_wait3A_212] : memref<80x3x2000xi32, #tpu.memory_space<hbm>> -> memref<1x3x2000xi32, #tpu.memory_space<hbm>>
        %dma_wait3A_214 = tpu.memref_squeeze %dma_wait3A_213 : memref<1x3x2000xi32, #tpu.memory_space<hbm>> -> memref<3x2000xi32, #tpu.memory_space<hbm>>
        %dma_wait3A_215 = arith.constant 0 : i32
        %dma_wait3A_216 = arith.constant 0 : i32
        %dma_wait3A_217 = tpu.memref_slice %arg2[%add3A_194, %dma_wait3A_215, %dma_wait3A_216] : memref<80x3x2000xi32, #tpu.memory_space<hbm>> -> memref<1x3x2000xi32, #tpu.memory_space<hbm>>
        %dma_wait3A_218 = tpu.memref_squeeze %dma_wait3A_217 : memref<1x3x2000xi32, #tpu.memory_space<hbm>> -> memref<3x2000xi32, #tpu.memory_space<hbm>>
        tpu.wait_dma2 semaphore(%run_scoped3A : memref<!tpu.dma_semaphore, #tpu.memory_space<semaphore_mem>>) src(%dma_wait3A_218 : memref<3x2000xi32, #tpu.memory_space<hbm>>) dst(%arg16 : memref<3x2000xi32, #tpu.memory_space<vmem>>)
        tpu.yield
      }) : () -> ()
      %while3A_195 = arith.constant 0 : i32
      %while3A_196 = arith.constant 125 : i32
      %while3A_197 = arith.subi %while3A_196, %while3A_195 : i32
      %while3A_198 = arith.addi %while3A_195, %while3A_197 : i32
      %while3A_199 = arith.constant 1 : i32
      %while3A_200 = arith.divsi %while3A_197, %while3A_199 : i32
      %while3A_201 = arith.muli %while3A_200, %while3A_199 : i32
      %while3A_202 = arith.addi %while3A_195, %while3A_201 : i32
      %while3A_203 = arith.constant 1 : i32
      scf.for %while3A_205 = %while3A_195 to %while3A_202 step %while3A_203  : i32 {
        %mul3A_206 = arith.constant 16 : i32
        %mul3A_207 = arith.muli %while3A_205, %mul3A_206 : i32
        %get3A = arith.constant 0 : i64
        %get3A_208 = arith.index_cast %get3A : i64 to index
        %get3A_209 = arith.index_cast %mul3A_207 : i32 to index
        %get3A_210 = tpu.vector_load %arg16[%get3A_208, %get3A_209] {strides = array<i32>} : memref<3x2000xi32, #tpu.memory_space<vmem>>, vector<16xi32>,
        %mul3A_211 = arith.constant 4 : i32
        %mul3A_212 = vector.broadcast %mul3A_211 : i32 to vector<16xi32>
        %mul3A_213 = arith.muli %get3A_210, %mul3A_212 : vector<16xi32>
        %get3A_214 = arith.constant 2 : i64
        %get3A_215 = arith.index_cast %get3A_214 : i64 to index
        %get3A_216 = arith.index_cast %mul3A_207 : i32 to index
        %get3A_217 = tpu.vector_load %arg16[%get3A_215, %get3A_216] {strides = array<i32>} : memref<3x2000xi32, #tpu.memory_space<vmem>>, vector<16xi32>,
        %add3A_218 = arith.addi %mul3A_213, %get3A_217 : vector<16xi32>
        %gather3A = tpu.vector_load_idx %arg10[%add3A_218] : memref<40000xf32, #tpu.memory_space<vmem>>[vector<16xi32>], vector<16xf32>,
        %mul3A_219 = arith.constant 2000 : i32
        %mul3A_220 = arith.muli %while3A_192, %mul3A_219 : i32
        %mul3A_221 = arith.constant 16 : i32
        %mul3A_222 = arith.muli %while3A_205, %mul3A_221 : i32
        %add3A_223 = arith.addi %mul3A_220, %mul3A_222 : i32
        %swap3A_224 = arith.index_cast %add3A_223 : i32 to index
        %swap3A_225 = tpu.vector_load %arg11[%swap3A_224] {strides = array<i32>} : memref<10000xf32, #tpu.memory_space<vmem>>, vector<16xf32>,
        tpu.vector_store %arg11[%swap3A_224], %gather3A {strides = array<i32>} : memref<10000xf32, #tpu.memory_space<vmem>>, vector<16xf32>,
      }
      %while3A_204 = arith.constant 1 : i32
      scf.for %while3A_205 = %while3A_202 to %while3A_198 step %while3A_204  : i32 {
        %mul3A_206 = arith.constant 16 : i32
        %mul3A_207 = arith.muli %while3A_205, %mul3A_206 : i32
        %get3A = arith.constant 0 : i64
        %get3A_208 = arith.index_cast %get3A : i64 to index
        %get3A_209 = arith.index_cast %mul3A_207 : i32 to index
        %get3A_210 = tpu.vector_load %arg16[%get3A_208, %get3A_209] {strides = array<i32>} : memref<3x2000xi32, #tpu.memory_space<vmem>>, vector<16xi32>,
        %mul3A_211 = arith.constant 4 : i32
        %mul3A_212 = vector.broadcast %mul3A_211 : i32 to vector<16xi32>
        %mul3A_213 = arith.muli %get3A_210, %mul3A_212 : vector<16xi32>
        %get3A_214 = arith.constant 2 : i64
        %get3A_215 = arith.index_cast %get3A_214 : i64 to index
        %get3A_216 = arith.index_cast %mul3A_207 : i32 to index
        %get3A_217 = tpu.vector_load %arg16[%get3A_215, %get3A_216] {strides = array<i32>} : memref<3x2000xi32, #tpu.memory_space<vmem>>, vector<16xi32>,
        %add3A_218 = arith.addi %mul3A_213, %get3A_217 : vector<16xi32>
        %gather3A = tpu.vector_load_idx %arg10[%add3A_218] : memref<40000xf32, #tpu.memory_space<vmem>>[vector<16xi32>], vector<16xf32>,
        %mul3A_219 = arith.constant 2000 : i32
        %mul3A_220 = arith.muli %while3A_192, %mul3A_219 : i32
        %mul3A_221 = arith.constant 16 : i32
        %mul3A_222 = arith.muli %while3A_205, %mul3A_221 : i32
        %add3A_223 = arith.addi %mul3A_220, %mul3A_222 : i32
        %swap3A_224 = arith.index_cast %add3A_223 : i32 to index
        %swap3A_225 = tpu.vector_load %arg11[%swap3A_224] {strides = array<i32>} : memref<10000xf32, #tpu.memory_space<vmem>>, vector<16xf32>,
        tpu.vector_store %arg11[%swap3A_224], %gather3A {strides = array<i32>} : memref<10000xf32, #tpu.memory_space<vmem>>, vector<16xf32>,
      }
    }
    "tpu.region"() ({
      %run_scoped3A = tpu.sem_alloc : memref<!tpu.dma_semaphore, #tpu.memory_space<semaphore_mem>>
      tpu.enqueue_dma source(%arg4 : memref<40000xf32, #tpu.memory_space<hbm>>) target(%arg10 : memref<40000xf32, #tpu.memory_space<vmem>>) target_semaphore(%run_scoped3A : memref<!tpu.dma_semaphore, #tpu.memory_space<semaphore_mem>>)
      tpu.wait_dma2 semaphore(%run_scoped3A : memref<!tpu.dma_semaphore, #tpu.memory_space<semaphore_mem>>) src(%arg4 : memref<40000xf32, #tpu.memory_space<hbm>>) dst(%arg10 : memref<40000xf32, #tpu.memory_space<vmem>>)
      tpu.yield
    }) : () -> ()
    %while3A_13 = arith.constant 0 : i32
    %while3A_14 = arith.constant 0 : i32
    %while3A_15 = arith.constant 5 : i32
    %while3A_16 = arith.subi %while3A_15, %while3A_14 : i32
    %while3A_17 = arith.addi %while3A_14, %while3A_16 : i32
    %while3A_18 = arith.constant 1 : i32
    %while3A_19 = arith.divsi %while3A_16, %while3A_18 : i32
    %while3A_20 = arith.muli %while3A_19, %while3A_18 : i32
    %while3A_21 = arith.addi %while3A_14, %while3A_20 : i32
    %while3A_22 = arith.constant 1 : i32
    scf.for %while3A_192 = %while3A_14 to %while3A_21 step %while3A_22  : i32 {
      %mul3A = arith.constant 5 : i32
      %mul3A_193 = arith.muli %arg1, %mul3A : i32
      %add3A_194 = arith.addi %mul3A_193, %while3A_192 : i32
      "tpu.region"() ({
        %run_scoped3A = tpu.sem_alloc : memref<!tpu.dma_semaphore, #tpu.memory_space<semaphore_mem>>
        %dma_start3A = arith.constant 0 : i32
        %dma_start3A_205 = arith.constant 0 : i32
        %dma_start3A_206 = tpu.memref_slice %arg2[%add3A_194, %dma_start3A, %dma_start3A_205] : memref<80x3x2000xi32, #tpu.memory_space<hbm>> -> memref<1x3x2000xi32, #tpu.memory_space<hbm>>
        %dma_start3A_207 = tpu.memref_squeeze %dma_start3A_206 : memref<1x3x2000xi32, #tpu.memory_space<hbm>> -> memref<3x2000xi32, #tpu.memory_space<hbm>>
        %dma_start3A_208 = arith.constant 0 : i32
        %dma_start3A_209 = arith.constant 0 : i32
        %dma_start3A_210 = tpu.memref_slice %arg2[%add3A_194, %dma_start3A_208, %dma_start3A_209] : memref<80x3x2000xi32, #tpu.memory_space<hbm>> -> memref<1x3x2000xi32, #tpu.memory_space<hbm>>
        %dma_start3A_211 = tpu.memref_squeeze %dma_start3A_210 : memref<1x3x2000xi32, #tpu.memory_space<hbm>> -> memref<3x2000xi32, #tpu.memory_space<hbm>>
        tpu.enqueue_dma source(%dma_start3A_211 : memref<3x2000xi32, #tpu.memory_space<hbm>>) target(%arg16 : memref<3x2000xi32, #tpu.memory_space<vmem>>) target_semaphore(%run_scoped3A : memref<!tpu.dma_semaphore, #tpu.memory_space<semaphore_mem>>)
        %dma_wait3A = arith.constant 0 : i32
        %dma_wait3A_212 = arith.constant 0 : i32
        %dma_wait3A_213 = tpu.memref_slice %arg2[%add3A_194, %dma_wait3A, %dma_wait3A_212] : memref<80x3x2000xi32, #tpu.memory_space<hbm>> -> memref<1x3x2000xi32, #tpu.memory_space<hbm>>
        %dma_wait3A_214 = tpu.memref_squeeze %dma_wait3A_213 : memref<1x3x2000xi32, #tpu.memory_space<hbm>> -> memref<3x2000xi32, #tpu.memory_space<hbm>>
        %dma_wait3A_215 = arith.constant 0 : i32
        %dma_wait3A_216 = arith.constant 0 : i32
        %dma_wait3A_217 = tpu.memref_slice %arg2[%add3A_194, %dma_wait3A_215, %dma_wait3A_216] : memref<80x3x2000xi32, #tpu.memory_space<hbm>> -> memref<1x3x2000xi32, #tpu.memory_space<hbm>>
        %dma_wait3A_218 = tpu.memref_squeeze %dma_wait3A_217 : memref<1x3x2000xi32, #tpu.memory_space<hbm>> -> memref<3x2000xi32, #tpu.memory_space<hbm>>
        tpu.wait_dma2 semaphore(%run_scoped3A : memref<!tpu.dma_semaphore, #tpu.memory_space<semaphore_mem>>) src(%dma_wait3A_218 : memref<3x2000xi32, #tpu.memory_space<hbm>>) dst(%arg16 : memref<3x2000xi32, #tpu.memory_space<vmem>>)
        tpu.yield
      }) : () -> ()
      %while3A_195 = arith.constant 0 : i32
      %while3A_196 = arith.constant 125 : i32
      %while3A_197 = arith.subi %while3A_196, %while3A_195 : i32
      %while3A_198 = arith.addi %while3A_195, %while3A_197 : i32
      %while3A_199 = arith.constant 1 : i32
      %while3A_200 = arith.divsi %while3A_197, %while3A_199 : i32
      %while3A_201 = arith.muli %while3A_200, %while3A_199 : i32
      %while3A_202 = arith.addi %while3A_195, %while3A_201 : i32
      %while3A_203 = arith.constant 1 : i32
      scf.for %while3A_205 = %while3A_195 to %while3A_202 step %while3A_203  : i32 {
        %mul3A_206 = arith.constant 16 : i32
        %mul3A_207 = arith.muli %while3A_205, %mul3A_206 : i32
        %mul3A_208 = arith.constant 2000 : i32
        %mul3A_209 = arith.muli %while3A_192, %mul3A_208 : i32
        %mul3A_210 = arith.constant 16 : i32
        %mul3A_211 = arith.muli %while3A_205, %mul3A_210 : i32
        %add3A_212 = arith.addi %mul3A_209, %mul3A_211 : i32
        %get3A = arith.constant 1 : i64
        %get3A_213 = arith.index_cast %get3A : i64 to index
        %get3A_214 = arith.index_cast %mul3A_207 : i32 to index
        %get3A_215 = tpu.vector_load %arg16[%get3A_213, %get3A_214] {strides = array<i32>} : memref<3x2000xi32, #tpu.memory_space<vmem>>, vector<16xi32>,
        %mul3A_216 = arith.constant 4 : i32
        %mul3A_217 = vector.broadcast %mul3A_216 : i32 to vector<16xi32>
        %mul3A_218 = arith.muli %get3A_215, %mul3A_217 : vector<16xi32>
        %get3A_219 = arith.constant 2 : i64
        %get3A_220 = arith.index_cast %get3A_219 : i64 to index
        %get3A_221 = arith.index_cast %mul3A_207 : i32 to index
        %get3A_222 = tpu.vector_load %arg16[%get3A_220, %get3A_221] {strides = array<i32>} : memref<3x2000xi32, #tpu.memory_space<vmem>>, vector<16xi32>,
        %add3A_223 = arith.addi %mul3A_218, %get3A_222 : vector<16xi32>
        %gather3A = tpu.vector_load_idx %arg10[%add3A_223] : memref<40000xf32, #tpu.memory_space<vmem>>[vector<16xi32>], vector<16xf32>,
        %get3A_224 = arith.index_cast %add3A_212 : i32 to index
        %get3A_225 = tpu.vector_load %arg11[%get3A_224] {strides = array<i32>} : memref<10000xf32, #tpu.memory_space<vmem>>, vector<16xf32>,
        %add3A_226 = arith.addf %get3A_225, %gather3A : vector<16xf32>
        %mul3A_227 = arith.constant 2.000000e-01 : f32
        %mul3A_228 = vector.broadcast %mul3A_227 : f32 to vector<16xf32>
        %mul3A_229 = arith.mulf %mul3A_228, %add3A_226 : vector<16xf32>
        %max3A = arith.maximumf %add3A_226, %mul3A_229 : vector<16xf32>
        %exp3A = math.exp %max3A : vector<16xf32>
        %swap3A_230 = arith.index_cast %add3A_212 : i32 to index
        %swap3A_231 = tpu.vector_load %arg11[%swap3A_230] {strides = array<i32>} : memref<10000xf32, #tpu.memory_space<vmem>>, vector<16xf32>,
        tpu.vector_store %arg11[%swap3A_230], %exp3A {strides = array<i32>} : memref<10000xf32, #tpu.memory_space<vmem>>, vector<16xf32>,
      }
      %while3A_204 = arith.constant 1 : i32
      scf.for %while3A_205 = %while3A_202 to %while3A_198 step %while3A_204  : i32 {
        %mul3A_206 = arith.constant 16 : i32
        %mul3A_207 = arith.muli %while3A_205, %mul3A_206 : i32
        %mul3A_208 = arith.constant 2000 : i32
        %mul3A_209 = arith.muli %while3A_192, %mul3A_208 : i32
        %mul3A_210 = arith.constant 16 : i32
        %mul3A_211 = arith.muli %while3A_205, %mul3A_210 : i32
        %add3A_212 = arith.addi %mul3A_209, %mul3A_211 : i32
        %get3A = arith.constant 1 : i64
        %get3A_213 = arith.index_cast %get3A : i64 to index
        %get3A_214 = arith.index_cast %mul3A_207 : i32 to index
        %get3A_215 = tpu.vector_load %arg16[%get3A_213, %get3A_214] {strides = array<i32>} : memref<3x2000xi32, #tpu.memory_space<vmem>>, vector<16xi32>,
        %mul3A_216 = arith.constant 4 : i32
        %mul3A_217 = vector.broadcast %mul3A_216 : i32 to vector<16xi32>
        %mul3A_218 = arith.muli %get3A_215, %mul3A_217 : vector<16xi32>
        %get3A_219 = arith.constant 2 : i64
        %get3A_220 = arith.index_cast %get3A_219 : i64 to index
        %get3A_221 = arith.index_cast %mul3A_207 : i32 to index
        %get3A_222 = tpu.vector_load %arg16[%get3A_220, %get3A_221] {strides = array<i32>} : memref<3x2000xi32, #tpu.memory_space<vmem>>, vector<16xi32>,
        %add3A_223 = arith.addi %mul3A_218, %get3A_222 : vector<16xi32>
        %gather3A = tpu.vector_load_idx %arg10[%add3A_223] : memref<40000xf32, #tpu.memory_space<vmem>>[vector<16xi32>], vector<16xf32>,
        %get3A_224 = arith.index_cast %add3A_212 : i32 to index
        %get3A_225 = tpu.vector_load %arg11[%get3A_224] {strides = array<i32>} : memref<10000xf32, #tpu.memory_space<vmem>>, vector<16xf32>,
        %add3A_226 = arith.addf %get3A_225, %gather3A : vector<16xf32>
        %mul3A_227 = arith.constant 2.000000e-01 : f32
        %mul3A_228 = vector.broadcast %mul3A_227 : f32 to vector<16xf32>
        %mul3A_229 = arith.mulf %mul3A_228, %add3A_226 : vector<16xf32>
        %max3A = arith.maximumf %add3A_226, %mul3A_229 : vector<16xf32>
        %exp3A = math.exp %max3A : vector<16xf32>
        %swap3A_230 = arith.index_cast %add3A_212 : i32 to index
        %swap3A_231 = tpu.vector_load %arg11[%swap3A_230] {strides = array<i32>} : memref<10000xf32, #tpu.memory_space<vmem>>, vector<16xf32>,
        tpu.vector_store %arg11[%swap3A_230], %exp3A {strides = array<i32>} : memref<10000xf32, #tpu.memory_space<vmem>>, vector<16xf32>,
      }
    }
    %while3A_23 = arith.constant 1 : i32
    scf.for %while3A_192 = %while3A_21 to %while3A_17 step %while3A_23  : i32 {
      %mul3A = arith.constant 5 : i32
      %mul3A_193 = arith.muli %arg1, %mul3A : i32
      %add3A_194 = arith.addi %mul3A_193, %while3A_192 : i32
      "tpu.region"() ({
        %run_scoped3A = tpu.sem_alloc : memref<!tpu.dma_semaphore, #tpu.memory_space<semaphore_mem>>
        %dma_start3A = arith.constant 0 : i32
        %dma_start3A_205 = arith.constant 0 : i32
        %dma_start3A_206 = tpu.memref_slice %arg2[%add3A_194, %dma_start3A, %dma_start3A_205] : memref<80x3x2000xi32, #tpu.memory_space<hbm>> -> memref<1x3x2000xi32, #tpu.memory_space<hbm>>
        %dma_start3A_207 = tpu.memref_squeeze %dma_start3A_206 : memref<1x3x2000xi32, #tpu.memory_space<hbm>> -> memref<3x2000xi32, #tpu.memory_space<hbm>>
        %dma_start3A_208 = arith.constant 0 : i32
        %dma_start3A_209 = arith.constant 0 : i32
        %dma_start3A_210 = tpu.memref_slice %arg2[%add3A_194, %dma_start3A_208, %dma_start3A_209] : memref<80x3x2000xi32, #tpu.memory_space<hbm>> -> memref<1x3x2000xi32, #tpu.memory_space<hbm>>
        %dma_start3A_211 = tpu.memref_squeeze %dma_start3A_210 : memref<1x3x2000xi32, #tpu.memory_space<hbm>> -> memref<3x2000xi32, #tpu.memory_space<hbm>>
        tpu.enqueue_dma source(%dma_start3A_211 : memref<3x2000xi32, #tpu.memory_space<hbm>>) target(%arg16 : memref<3x2000xi32, #tpu.memory_space<vmem>>) target_semaphore(%run_scoped3A : memref<!tpu.dma_semaphore, #tpu.memory_space<semaphore_mem>>)
        %dma_wait3A = arith.constant 0 : i32
        %dma_wait3A_212 = arith.constant 0 : i32
        %dma_wait3A_213 = tpu.memref_slice %arg2[%add3A_194, %dma_wait3A, %dma_wait3A_212] : memref<80x3x2000xi32, #tpu.memory_space<hbm>> -> memref<1x3x2000xi32, #tpu.memory_space<hbm>>
        %dma_wait3A_214 = tpu.memref_squeeze %dma_wait3A_213 : memref<1x3x2000xi32, #tpu.memory_space<hbm>> -> memref<3x2000xi32, #tpu.memory_space<hbm>>
        %dma_wait3A_215 = arith.constant 0 : i32
        %dma_wait3A_216 = arith.constant 0 : i32
        %dma_wait3A_217 = tpu.memref_slice %arg2[%add3A_194, %dma_wait3A_215, %dma_wait3A_216] : memref<80x3x2000xi32, #tpu.memory_space<hbm>> -> memref<1x3x2000xi32, #tpu.memory_space<hbm>>
        %dma_wait3A_218 = tpu.memref_squeeze %dma_wait3A_217 : memref<1x3x2000xi32, #tpu.memory_space<hbm>> -> memref<3x2000xi32, #tpu.memory_space<hbm>>
        tpu.wait_dma2 semaphore(%run_scoped3A : memref<!tpu.dma_semaphore, #tpu.memory_space<semaphore_mem>>) src(%dma_wait3A_218 : memref<3x2000xi32, #tpu.memory_space<hbm>>) dst(%arg16 : memref<3x2000xi32, #tpu.memory_space<vmem>>)
        tpu.yield
      }) : () -> ()
      %while3A_195 = arith.constant 0 : i32
      %while3A_196 = arith.constant 125 : i32
      %while3A_197 = arith.subi %while3A_196, %while3A_195 : i32
      %while3A_198 = arith.addi %while3A_195, %while3A_197 : i32
      %while3A_199 = arith.constant 1 : i32
      %while3A_200 = arith.divsi %while3A_197, %while3A_199 : i32
      %while3A_201 = arith.muli %while3A_200, %while3A_199 : i32
      %while3A_202 = arith.addi %while3A_195, %while3A_201 : i32
      %while3A_203 = arith.constant 1 : i32
      scf.for %while3A_205 = %while3A_195 to %while3A_202 step %while3A_203  : i32 {
        %mul3A_206 = arith.constant 16 : i32
        %mul3A_207 = arith.muli %while3A_205, %mul3A_206 : i32
        %mul3A_208 = arith.constant 2000 : i32
        %mul3A_209 = arith.muli %while3A_192, %mul3A_208 : i32
        %mul3A_210 = arith.constant 16 : i32
        %mul3A_211 = arith.muli %while3A_205, %mul3A_210 : i32
        %add3A_212 = arith.addi %mul3A_209, %mul3A_211 : i32
        %get3A = arith.constant 1 : i64
        %get3A_213 = arith.index_cast %get3A : i64 to index
        %get3A_214 = arith.index_cast %mul3A_207 : i32 to index
        %get3A_215 = tpu.vector_load %arg16[%get3A_213, %get3A_214] {strides = array<i32>} : memref<3x2000xi32, #tpu.memory_space<vmem>>, vector<16xi32>,
        %mul3A_216 = arith.constant 4 : i32
        %mul3A_217 = vector.broadcast %mul3A_216 : i32 to vector<16xi32>
        %mul3A_218 = arith.muli %get3A_215, %mul3A_217 : vector<16xi32>
        %get3A_219 = arith.constant 2 : i64
        %get3A_220 = arith.index_cast %get3A_219 : i64 to index
        %get3A_221 = arith.index_cast %mul3A_207 : i32 to index
        %get3A_222 = tpu.vector_load %arg16[%get3A_220, %get3A_221] {strides = array<i32>} : memref<3x2000xi32, #tpu.memory_space<vmem>>, vector<16xi32>,
        %add3A_223 = arith.addi %mul3A_218, %get3A_222 : vector<16xi32>
        %gather3A = tpu.vector_load_idx %arg10[%add3A_223] : memref<40000xf32, #tpu.memory_space<vmem>>[vector<16xi32>], vector<16xf32>,
        %get3A_224 = arith.index_cast %add3A_212 : i32 to index
        %get3A_225 = tpu.vector_load %arg11[%get3A_224] {strides = array<i32>} : memref<10000xf32, #tpu.memory_space<vmem>>, vector<16xf32>,
        %add3A_226 = arith.addf %get3A_225, %gather3A : vector<16xf32>
        %mul3A_227 = arith.constant 2.000000e-01 : f32
        %mul3A_228 = vector.broadcast %mul3A_227 : f32 to vector<16xf32>
        %mul3A_229 = arith.mulf %mul3A_228, %add3A_226 : vector<16xf32>
        %max3A = arith.maximumf %add3A_226, %mul3A_229 : vector<16xf32>
        %exp3A = math.exp %max3A : vector<16xf32>
        %swap3A_230 = arith.index_cast %add3A_212 : i32 to index
        %swap3A_231 = tpu.vector_load %arg11[%swap3A_230] {strides = array<i32>} : memref<10000xf32, #tpu.memory_space<vmem>>, vector<16xf32>,
        tpu.vector_store %arg11[%swap3A_230], %exp3A {strides = array<i32>} : memref<10000xf32, #tpu.memory_space<vmem>>, vector<16xf32>,
      }
      %while3A_204 = arith.constant 1 : i32
      scf.for %while3A_205 = %while3A_202 to %while3A_198 step %while3A_204  : i32 {
        %mul3A_206 = arith.constant 16 : i32
        %mul3A_207 = arith.muli %while3A_205, %mul3A_206 : i32
        %mul3A_208 = arith.constant 2000 : i32
        %mul3A_209 = arith.muli %while3A_192, %mul3A_208 : i32
        %mul3A_210 = arith.constant 16 : i32
        %mul3A_211 = arith.muli %while3A_205, %mul3A_210 : i32
        %add3A_212 = arith.addi %mul3A_209, %mul3A_211 : i32
        %get3A = arith.constant 1 : i64
        %get3A_213 = arith.index_cast %get3A : i64 to index
        %get3A_214 = arith.index_cast %mul3A_207 : i32 to index
        %get3A_215 = tpu.vector_load %arg16[%get3A_213, %get3A_214] {strides = array<i32>} : memref<3x2000xi32, #tpu.memory_space<vmem>>, vector<16xi32>,
        %mul3A_216 = arith.constant 4 : i32
        %mul3A_217 = vector.broadcast %mul3A_216 : i32 to vector<16xi32>
        %mul3A_218 = arith.muli %get3A_215, %mul3A_217 : vector<16xi32>
        %get3A_219 = arith.constant 2 : i64
        %get3A_220 = arith.index_cast %get3A_219 : i64 to index
        %get3A_221 = arith.index_cast %mul3A_207 : i32 to index
        %get3A_222 = tpu.vector_load %arg16[%get3A_220, %get3A_221] {strides = array<i32>} : memref<3x2000xi32, #tpu.memory_space<vmem>>, vector<16xi32>,
        %add3A_223 = arith.addi %mul3A_218, %get3A_222 : vector<16xi32>
        %gather3A = tpu.vector_load_idx %arg10[%add3A_223] : memref<40000xf32, #tpu.memory_space<vmem>>[vector<16xi32>], vector<16xf32>,
        %get3A_224 = arith.index_cast %add3A_212 : i32 to index
        %get3A_225 = tpu.vector_load %arg11[%get3A_224] {strides = array<i32>} : memref<10000xf32, #tpu.memory_space<vmem>>, vector<16xf32>,
        %add3A_226 = arith.addf %get3A_225, %gather3A : vector<16xf32>
        %mul3A_227 = arith.constant 2.000000e-01 : f32
        %mul3A_228 = vector.broadcast %mul3A_227 : f32 to vector<16xf32>
        %mul3A_229 = arith.mulf %mul3A_228, %add3A_226 : vector<16xf32>
        %max3A = arith.maximumf %add3A_226, %mul3A_229 : vector<16xf32>
        %exp3A = math.exp %max3A : vector<16xf32>
        %swap3A_230 = arith.index_cast %add3A_212 : i32 to index
        %swap3A_231 = tpu.vector_load %arg11[%swap3A_230] {strides = array<i32>} : memref<10000xf32, #tpu.memory_space<vmem>>, vector<16xf32>,
        tpu.vector_store %arg11[%swap3A_230], %exp3A {strides = array<i32>} : memref<10000xf32, #tpu.memory_space<vmem>>, vector<16xf32>,
      }
    }
    %iota3A = tpu.iota {dimensions = array<i32: 0>} : vector<16xi32>
    %add3A = arith.constant 0 : i32
    %add3A_24 = vector.broadcast %add3A : i32 to vector<16xi32>
    %add3A_25 = arith.addi %iota3A, %add3A_24 : vector<16xi32>
    %swap3A = arith.constant 0 : i32
    %swap3A_26 = arith.index_cast %swap3A : i32 to index
    %swap3A_27 = arith.constant 0 : index
    %swap3A_28 = tpu.vector_load %arg21[%swap3A_26, %swap3A_27] {strides = array<i32>} : memref<4x80xi32, #tpu.memory_space<vmem>>, vector<16xi32>,
    tpu.vector_store %arg21[%swap3A_26, %swap3A_27], %add3A_25 {strides = array<i32>} : memref<4x80xi32, #tpu.memory_space<vmem>>, vector<16xi32>,
    %iota3A_29 = tpu.iota {dimensions = array<i32: 0>} : vector<16xi32>
    %add3A_30 = arith.constant 16 : i32
    %add3A_31 = vector.broadcast %add3A_30 : i32 to vector<16xi32>
    %add3A_32 = arith.addi %iota3A_29, %add3A_31 : vector<16xi32>
    %swap3A_33 = arith.constant 0 : i32
    %swap3A_34 = arith.index_cast %swap3A_33 : i32 to index
    %swap3A_35 = arith.constant 16 : index
    %swap3A_36 = tpu.vector_load %arg21[%swap3A_34, %swap3A_35] {strides = array<i32>} : memref<4x80xi32, #tpu.memory_space<vmem>>, vector<16xi32>,
    tpu.vector_store %arg21[%swap3A_34, %swap3A_35], %add3A_32 {strides = array<i32>} : memref<4x80xi32, #tpu.memory_space<vmem>>, vector<16xi32>,
    %iota3A_37 = tpu.iota {dimensions = array<i32: 0>} : vector<16xi32>
    %add3A_38 = arith.constant 32 : i32
    %add3A_39 = vector.broadcast %add3A_38 : i32 to vector<16xi32>
    %add3A_40 = arith.addi %iota3A_37, %add3A_39 : vector<16xi32>
    %swap3A_41 = arith.constant 0 : i32
    %swap3A_42 = arith.index_cast %swap3A_41 : i32 to index
    %swap3A_43 = arith.constant 32 : index
    %swap3A_44 = tpu.vector_load %arg21[%swap3A_42, %swap3A_43] {strides = array<i32>} : memref<4x80xi32, #tpu.memory_space<vmem>>, vector<16xi32>,
    tpu.vector_store %arg21[%swap3A_42, %swap3A_43], %add3A_40 {strides = array<i32>} : memref<4x80xi32, #tpu.memory_space<vmem>>, vector<16xi32>,
    %iota3A_45 = tpu.iota {dimensions = array<i32: 0>} : vector<16xi32>
    %add3A_46 = arith.constant 48 : i32
    %add3A_47 = vector.broadcast %add3A_46 : i32 to vector<16xi32>
    %add3A_48 = arith.addi %iota3A_45, %add3A_47 : vector<16xi32>
    %swap3A_49 = arith.constant 0 : i32
    %swap3A_50 = arith.index_cast %swap3A_49 : i32 to index
    %swap3A_51 = arith.constant 48 : index
    %swap3A_52 = tpu.vector_load %arg21[%swap3A_50, %swap3A_51] {strides = array<i32>} : memref<4x80xi32, #tpu.memory_space<vmem>>, vector<16xi32>,
    tpu.vector_store %arg21[%swap3A_50, %swap3A_51], %add3A_48 {strides = array<i32>} : memref<4x80xi32, #tpu.memory_space<vmem>>, vector<16xi32>,
    %iota3A_53 = tpu.iota {dimensions = array<i32: 0>} : vector<16xi32>
    %add3A_54 = arith.constant 64 : i32
    %add3A_55 = vector.broadcast %add3A_54 : i32 to vector<16xi32>
    %add3A_56 = arith.addi %iota3A_53, %add3A_55 : vector<16xi32>
    %swap3A_57 = arith.constant 0 : i32
    %swap3A_58 = arith.index_cast %swap3A_57 : i32 to index
    %swap3A_59 = arith.constant 64 : index
    %swap3A_60 = tpu.vector_load %arg21[%swap3A_58, %swap3A_59] {strides = array<i32>} : memref<4x80xi32, #tpu.memory_space<vmem>>, vector<16xi32>,
    tpu.vector_store %arg21[%swap3A_58, %swap3A_59], %add3A_56 {strides = array<i32>} : memref<4x80xi32, #tpu.memory_space<vmem>>, vector<16xi32>,
    %iota3A_61 = tpu.iota {dimensions = array<i32: 0>} : vector<16xi32>
    %add3A_62 = arith.constant 80 : i32
    %add3A_63 = vector.broadcast %add3A_62 : i32 to vector<16xi32>
    %add3A_64 = arith.addi %iota3A_61, %add3A_63 : vector<16xi32>
    %swap3A_65 = arith.constant 1 : i32
    %swap3A_66 = arith.index_cast %swap3A_65 : i32 to index
    %swap3A_67 = arith.constant 0 : index
    %swap3A_68 = tpu.vector_load %arg21[%swap3A_66, %swap3A_67] {strides = array<i32>} : memref<4x80xi32, #tpu.memory_space<vmem>>, vector<16xi32>,
    tpu.vector_store %arg21[%swap3A_66, %swap3A_67], %add3A_64 {strides = array<i32>} : memref<4x80xi32, #tpu.memory_space<vmem>>, vector<16xi32>,
    %iota3A_69 = tpu.iota {dimensions = array<i32: 0>} : vector<16xi32>
    %add3A_70 = arith.constant 96 : i32
    %add3A_71 = vector.broadcast %add3A_70 : i32 to vector<16xi32>
    %add3A_72 = arith.addi %iota3A_69, %add3A_71 : vector<16xi32>
    %swap3A_73 = arith.constant 1 : i32
    %swap3A_74 = arith.index_cast %swap3A_73 : i32 to index
    %swap3A_75 = arith.constant 16 : index
    %swap3A_76 = tpu.vector_load %arg21[%swap3A_74, %swap3A_75] {strides = array<i32>} : memref<4x80xi32, #tpu.memory_space<vmem>>, vector<16xi32>,
    tpu.vector_store %arg21[%swap3A_74, %swap3A_75], %add3A_72 {strides = array<i32>} : memref<4x80xi32, #tpu.memory_space<vmem>>, vector<16xi32>,
    %iota3A_77 = tpu.iota {dimensions = array<i32: 0>} : vector<16xi32>
    %add3A_78 = arith.constant 112 : i32
    %add3A_79 = vector.broadcast %add3A_78 : i32 to vector<16xi32>
    %add3A_80 = arith.addi %iota3A_77, %add3A_79 : vector<16xi32>
    %swap3A_81 = arith.constant 1 : i32
    %swap3A_82 = arith.index_cast %swap3A_81 : i32 to index
    %swap3A_83 = arith.constant 32 : index
    %swap3A_84 = tpu.vector_load %arg21[%swap3A_82, %swap3A_83] {strides = array<i32>} : memref<4x80xi32, #tpu.memory_space<vmem>>, vector<16xi32>,
    tpu.vector_store %arg21[%swap3A_82, %swap3A_83], %add3A_80 {strides = array<i32>} : memref<4x80xi32, #tpu.memory_space<vmem>>, vector<16xi32>,
    %iota3A_85 = tpu.iota {dimensions = array<i32: 0>} : vector<16xi32>
    %add3A_86 = arith.constant 128 : i32
    %add3A_87 = vector.broadcast %add3A_86 : i32 to vector<16xi32>
    %add3A_88 = arith.addi %iota3A_85, %add3A_87 : vector<16xi32>
    %swap3A_89 = arith.constant 1 : i32
    %swap3A_90 = arith.index_cast %swap3A_89 : i32 to index
    %swap3A_91 = arith.constant 48 : index
    %swap3A_92 = tpu.vector_load %arg21[%swap3A_90, %swap3A_91] {strides = array<i32>} : memref<4x80xi32, #tpu.memory_space<vmem>>, vector<16xi32>,
    tpu.vector_store %arg21[%swap3A_90, %swap3A_91], %add3A_88 {strides = array<i32>} : memref<4x80xi32, #tpu.memory_space<vmem>>, vector<16xi32>,
    %iota3A_93 = tpu.iota {dimensions = array<i32: 0>} : vector<16xi32>
    %add3A_94 = arith.constant 144 : i32
    %add3A_95 = vector.broadcast %add3A_94 : i32 to vector<16xi32>
    %add3A_96 = arith.addi %iota3A_93, %add3A_95 : vector<16xi32>
    %swap3A_97 = arith.constant 1 : i32
    %swap3A_98 = arith.index_cast %swap3A_97 : i32 to index
    %swap3A_99 = arith.constant 64 : index
    %swap3A_100 = tpu.vector_load %arg21[%swap3A_98, %swap3A_99] {strides = array<i32>} : memref<4x80xi32, #tpu.memory_space<vmem>>, vector<16xi32>,
    tpu.vector_store %arg21[%swap3A_98, %swap3A_99], %add3A_96 {strides = array<i32>} : memref<4x80xi32, #tpu.memory_space<vmem>>, vector<16xi32>,
    %iota3A_101 = tpu.iota {dimensions = array<i32: 0>} : vector<16xi32>
    %add3A_102 = arith.constant 160 : i32
    %add3A_103 = vector.broadcast %add3A_102 : i32 to vector<16xi32>
    %add3A_104 = arith.addi %iota3A_101, %add3A_103 : vector<16xi32>
    %swap3A_105 = arith.constant 2 : i32
    %swap3A_106 = arith.index_cast %swap3A_105 : i32 to index
    %swap3A_107 = arith.constant 0 : index
    %swap3A_108 = tpu.vector_load %arg21[%swap3A_106, %swap3A_107] {strides = array<i32>} : memref<4x80xi32, #tpu.memory_space<vmem>>, vector<16xi32>,
    tpu.vector_store %arg21[%swap3A_106, %swap3A_107], %add3A_104 {strides = array<i32>} : memref<4x80xi32, #tpu.memory_space<vmem>>, vector<16xi32>,
    %iota3A_109 = tpu.iota {dimensions = array<i32: 0>} : vector<16xi32>
    %add3A_110 = arith.constant 176 : i32
    %add3A_111 = vector.broadcast %add3A_110 : i32 to vector<16xi32>
    %add3A_112 = arith.addi %iota3A_109, %add3A_111 : vector<16xi32>
    %swap3A_113 = arith.constant 2 : i32
    %swap3A_114 = arith.index_cast %swap3A_113 : i32 to index
    %swap3A_115 = arith.constant 16 : index
    %swap3A_116 = tpu.vector_load %arg21[%swap3A_114, %swap3A_115] {strides = array<i32>} : memref<4x80xi32, #tpu.memory_space<vmem>>, vector<16xi32>,
    tpu.vector_store %arg21[%swap3A_114, %swap3A_115], %add3A_112 {strides = array<i32>} : memref<4x80xi32, #tpu.memory_space<vmem>>, vector<16xi32>,
    %iota3A_117 = tpu.iota {dimensions = array<i32: 0>} : vector<16xi32>
    %add3A_118 = arith.constant 192 : i32
    %add3A_119 = vector.broadcast %add3A_118 : i32 to vector<16xi32>
    %add3A_120 = arith.addi %iota3A_117, %add3A_119 : vector<16xi32>
    %swap3A_121 = arith.constant 2 : i32
    %swap3A_122 = arith.index_cast %swap3A_121 : i32 to index
    %swap3A_123 = arith.constant 32 : index
    %swap3A_124 = tpu.vector_load %arg21[%swap3A_122, %swap3A_123] {strides = array<i32>} : memref<4x80xi32, #tpu.memory_space<vmem>>, vector<16xi32>,
    tpu.vector_store %arg21[%swap3A_122, %swap3A_123], %add3A_120 {strides = array<i32>} : memref<4x80xi32, #tpu.memory_space<vmem>>, vector<16xi32>,
    %iota3A_125 = tpu.iota {dimensions = array<i32: 0>} : vector<16xi32>
    %add3A_126 = arith.constant 208 : i32
    %add3A_127 = vector.broadcast %add3A_126 : i32 to vector<16xi32>
    %add3A_128 = arith.addi %iota3A_125, %add3A_127 : vector<16xi32>
    %swap3A_129 = arith.constant 2 : i32
    %swap3A_130 = arith.index_cast %swap3A_129 : i32 to index
    %swap3A_131 = arith.constant 48 : index
    %swap3A_132 = tpu.vector_load %arg21[%swap3A_130, %swap3A_131] {strides = array<i32>} : memref<4x80xi32, #tpu.memory_space<vmem>>, vector<16xi32>,
    tpu.vector_store %arg21[%swap3A_130, %swap3A_131], %add3A_128 {strides = array<i32>} : memref<4x80xi32, #tpu.memory_space<vmem>>, vector<16xi32>,
    %iota3A_133 = tpu.iota {dimensions = array<i32: 0>} : vector<16xi32>
    %add3A_134 = arith.constant 224 : i32
    %add3A_135 = vector.broadcast %add3A_134 : i32 to vector<16xi32>
    %add3A_136 = arith.addi %iota3A_133, %add3A_135 : vector<16xi32>
    %swap3A_137 = arith.constant 2 : i32
    %swap3A_138 = arith.index_cast %swap3A_137 : i32 to index
    %swap3A_139 = arith.constant 64 : index
    %swap3A_140 = tpu.vector_load %arg21[%swap3A_138, %swap3A_139] {strides = array<i32>} : memref<4x80xi32, #tpu.memory_space<vmem>>, vector<16xi32>,
    tpu.vector_store %arg21[%swap3A_138, %swap3A_139], %add3A_136 {strides = array<i32>} : memref<4x80xi32, #tpu.memory_space<vmem>>, vector<16xi32>,
    %iota3A_141 = tpu.iota {dimensions = array<i32: 0>} : vector<16xi32>
    %add3A_142 = arith.constant 240 : i32
    %add3A_143 = vector.broadcast %add3A_142 : i32 to vector<16xi32>
    %add3A_144 = arith.addi %iota3A_141, %add3A_143 : vector<16xi32>
    %swap3A_145 = arith.constant 3 : i32
    %swap3A_146 = arith.index_cast %swap3A_145 : i32 to index
    %swap3A_147 = arith.constant 0 : index
    %swap3A_148 = tpu.vector_load %arg21[%swap3A_146, %swap3A_147] {strides = array<i32>} : memref<4x80xi32, #tpu.memory_space<vmem>>, vector<16xi32>,
    tpu.vector_store %arg21[%swap3A_146, %swap3A_147], %add3A_144 {strides = array<i32>} : memref<4x80xi32, #tpu.memory_space<vmem>>, vector<16xi32>,
    %iota3A_149 = tpu.iota {dimensions = array<i32: 0>} : vector<16xi32>
    %add3A_150 = arith.constant 256 : i32
    %add3A_151 = vector.broadcast %add3A_150 : i32 to vector<16xi32>
    %add3A_152 = arith.addi %iota3A_149, %add3A_151 : vector<16xi32>
    %swap3A_153 = arith.constant 3 : i32
    %swap3A_154 = arith.index_cast %swap3A_153 : i32 to index
    %swap3A_155 = arith.constant 16 : index
    %swap3A_156 = tpu.vector_load %arg21[%swap3A_154, %swap3A_155] {strides = array<i32>} : memref<4x80xi32, #tpu.memory_space<vmem>>, vector<16xi32>,
    tpu.vector_store %arg21[%swap3A_154, %swap3A_155], %add3A_152 {strides = array<i32>} : memref<4x80xi32, #tpu.memory_space<vmem>>, vector<16xi32>,
    %iota3A_157 = tpu.iota {dimensions = array<i32: 0>} : vector<16xi32>
    %add3A_158 = arith.constant 272 : i32
    %add3A_159 = vector.broadcast %add3A_158 : i32 to vector<16xi32>
    %add3A_160 = arith.addi %iota3A_157, %add3A_159 : vector<16xi32>
    %swap3A_161 = arith.constant 3 : i32
    %swap3A_162 = arith.index_cast %swap3A_161 : i32 to index
    %swap3A_163 = arith.constant 32 : index
    %swap3A_164 = tpu.vector_load %arg21[%swap3A_162, %swap3A_163] {strides = array<i32>} : memref<4x80xi32, #tpu.memory_space<vmem>>, vector<16xi32>,
    tpu.vector_store %arg21[%swap3A_162, %swap3A_163], %add3A_160 {strides = array<i32>} : memref<4x80xi32, #tpu.memory_space<vmem>>, vector<16xi32>,
    %iota3A_165 = tpu.iota {dimensions = array<i32: 0>} : vector<16xi32>
    %add3A_166 = arith.constant 288 : i32
    %add3A_167 = vector.broadcast %add3A_166 : i32 to vector<16xi32>
    %add3A_168 = arith.addi %iota3A_165, %add3A_167 : vector<16xi32>
    %swap3A_169 = arith.constant 3 : i32
    %swap3A_170 = arith.index_cast %swap3A_169 : i32 to index
    %swap3A_171 = arith.constant 48 : index
    %swap3A_172 = tpu.vector_load %arg21[%swap3A_170, %swap3A_171] {strides = array<i32>} : memref<4x80xi32, #tpu.memory_space<vmem>>, vector<16xi32>,
    tpu.vector_store %arg21[%swap3A_170, %swap3A_171], %add3A_168 {strides = array<i32>} : memref<4x80xi32, #tpu.memory_space<vmem>>, vector<16xi32>,
    %iota3A_173 = tpu.iota {dimensions = array<i32: 0>} : vector<16xi32>
    %add3A_174 = arith.constant 304 : i32
    %add3A_175 = vector.broadcast %add3A_174 : i32 to vector<16xi32>
    %add3A_176 = arith.addi %iota3A_173, %add3A_175 : vector<16xi32>
    %swap3A_177 = arith.constant 3 : i32
    %swap3A_178 = arith.index_cast %swap3A_177 : i32 to index
    %swap3A_179 = arith.constant 64 : index
    %swap3A_180 = tpu.vector_load %arg21[%swap3A_178, %swap3A_179] {strides = array<i32>} : memref<4x80xi32, #tpu.memory_space<vmem>>, vector<16xi32>,
    tpu.vector_store %arg21[%swap3A_178, %swap3A_179], %add3A_176 {strides = array<i32>} : memref<4x80xi32, #tpu.memory_space<vmem>>, vector<16xi32>,
    %while3A_181 = arith.constant 0 : i32
    %while3A_182 = arith.constant 0 : i32
    %while3A_183 = arith.constant 4 : i32
    %while3A_184 = arith.subi %while3A_183, %while3A_182 : i32
    %while3A_185 = arith.addi %while3A_182, %while3A_184 : i32
    %while3A_186 = arith.constant 1 : i32
    %while3A_187 = arith.divsi %while3A_184, %while3A_186 : i32
    %while3A_188 = arith.muli %while3A_187, %while3A_186 : i32
    %while3A_189 = arith.addi %while3A_182, %while3A_188 : i32
    %while3A_190 = arith.constant 1 : i32
    scf.for %while3A_192 = %while3A_182 to %while3A_189 step %while3A_190  : i32 {
      %mul3A = arith.constant 4 : i32
      %mul3A_193 = arith.muli %arg0, %mul3A : i32
      %add3A_194 = arith.addi %mul3A_193, %while3A_192 : i32
      %mul3A_195 = arith.constant 1250 : i32
      %mul3A_196 = arith.muli %add3A_194, %mul3A_195 : i32
      %mul3A_197 = arith.constant 78 : i32
      %mul3A_198 = arith.muli %arg1, %mul3A_197 : i32
      %add3A_199 = arith.addi %mul3A_196, %mul3A_198 : i32
      %mul3A_200 = arith.constant 78 : i32
      %mul3A_201 = arith.muli %arg1, %mul3A_200 : i32
      "tpu.region"() ({
        %run_scoped3A_306 = tpu.sem_alloc : memref<!tpu.dma_semaphore, #tpu.memory_space<semaphore_mem>>
        %dma_start3A = arith.constant 0 : i32
        %dma_start3A_307 = tpu.memref_slice %arg23[%mul3A_201, %dma_start3A] : memref<1250x256xf32, #tpu.memory_space<vmem_shared>> -> memref<78x256xf32, #tpu.memory_space<vmem_shared>>
        %dma_start3A_308 = arith.constant 0 : i32
        %dma_start3A_309 = tpu.memref_slice %arg6[%add3A_199, %dma_start3A_308] : memref<10000x256xf32, #tpu.memory_space<hbm>> -> memref<78x256xf32, #tpu.memory_space<hbm>>
        tpu.enqueue_dma source(%dma_start3A_309 : memref<78x256xf32, #tpu.memory_space<hbm>>) target(%dma_start3A_307 : memref<78x256xf32, #tpu.memory_space<vmem_shared>>) target_semaphore(%run_scoped3A_306 : memref<!tpu.dma_semaphore, #tpu.memory_space<semaphore_mem>>)
        %dma_wait3A = arith.constant 0 : i32
        %dma_wait3A_310 = tpu.memref_slice %arg23[%mul3A_201, %dma_wait3A] : memref<1250x256xf32, #tpu.memory_space<vmem_shared>> -> memref<78x256xf32, #tpu.memory_space<vmem_shared>>
        %dma_wait3A_311 = arith.constant 0 : i32
        %dma_wait3A_312 = tpu.memref_slice %arg6[%add3A_199, %dma_wait3A_311] : memref<10000x256xf32, #tpu.memory_space<hbm>> -> memref<78x256xf32, #tpu.memory_space<hbm>>
        tpu.wait_dma2 semaphore(%run_scoped3A_306 : memref<!tpu.dma_semaphore, #tpu.memory_space<semaphore_mem>>) src(%dma_wait3A_312 : memref<78x256xf32, #tpu.memory_space<hbm>>) dst(%dma_wait3A_310 : memref<78x256xf32, #tpu.memory_space<vmem_shared>>)
        tpu.yield
      }) : () -> ()
      %eq3A = arith.constant 0 : i32
      %eq3A_202 = arith.cmpi eq, %arg1, %eq3A : i32
      %convert_element_type3A = arith.extui %eq3A_202 : i1 to i32
      %cond3A = arith.constant 0 : i32
      %cond3A_203 = arith.cmpi ne, %convert_element_type3A, %cond3A : i32
      scf.if %cond3A_203 {
        %add3A_306 = arith.constant 1248 : i32
        %add3A_307 = arith.addi %mul3A_196, %add3A_306 : i32
        "tpu.region"() ({
          %run_scoped3A_308 = tpu.sem_alloc : memref<!tpu.dma_semaphore, #tpu.memory_space<semaphore_mem>>
          %dma_start3A = arith.constant 1248 : i32
          %dma_start3A_309 = arith.constant 0 : i32
          %dma_start3A_310 = tpu.memref_slice %arg23[%dma_start3A, %dma_start3A_309] : memref<1250x256xf32, #tpu.memory_space<vmem_shared>> -> memref<2x256xf32, #tpu.memory_space<vmem_shared>>
          %dma_start3A_311 = arith.constant 0 : i32
          %dma_start3A_312 = tpu.memref_slice %arg6[%add3A_307, %dma_start3A_311] : memref<10000x256xf32, #tpu.memory_space<hbm>> -> memref<2x256xf32, #tpu.memory_space<hbm>>
          tpu.enqueue_dma source(%dma_start3A_312 : memref<2x256xf32, #tpu.memory_space<hbm>>) target(%dma_start3A_310 : memref<2x256xf32, #tpu.memory_space<vmem_shared>>) target_semaphore(%run_scoped3A_308 : memref<!tpu.dma_semaphore, #tpu.memory_space<semaphore_mem>>)
          %dma_wait3A = arith.constant 1248 : i32
          %dma_wait3A_313 = arith.constant 0 : i32
          %dma_wait3A_314 = tpu.memref_slice %arg23[%dma_wait3A, %dma_wait3A_313] : memref<1250x256xf32, #tpu.memory_space<vmem_shared>> -> memref<2x256xf32, #tpu.memory_space<vmem_shared>>
          %dma_wait3A_315 = arith.constant 0 : i32
          %dma_wait3A_316 = tpu.memref_slice %arg6[%add3A_307, %dma_wait3A_315] : memref<10000x256xf32, #tpu.memory_space<hbm>> -> memref<2x256xf32, #tpu.memory_space<hbm>>
          tpu.wait_dma2 semaphore(%run_scoped3A_308 : memref<!tpu.dma_semaphore, #tpu.memory_space<semaphore_mem>>) src(%dma_wait3A_316 : memref<2x256xf32, #tpu.memory_space<hbm>>) dst(%dma_wait3A_314 : memref<2x256xf32, #tpu.memory_space<vmem_shared>>)
          tpu.yield
        }) : () -> ()
      } else {
      }
      %while3A_204 = arith.constant 0 : i32
      %while3A_205 = arith.constant 0 : i32
      %while3A_206 = arith.constant 320 : i32
      %while3A_207 = arith.subi %while3A_206, %while3A_205 : i32
      %while3A_208 = arith.addi %while3A_205, %while3A_207 : i32
      %while3A_209 = arith.constant 1 : i32
      %while3A_210 = arith.divsi %while3A_207, %while3A_209 : i32
      %while3A_211 = arith.muli %while3A_210, %while3A_209 : i32
      %while3A_212 = arith.addi %while3A_205, %while3A_211 : i32
      %while3A_213 = arith.constant 1 : i32
      scf.for %while3A_306 = %while3A_205 to %while3A_212 step %while3A_213  : i32 {
        %swap3A_307 = arith.index_cast %while3A_306 : i32 to index
        %swap3A_308 = arith.constant 0 : index
        %swap3A_309 = tpu.vector_load %arg15[%swap3A_307, %swap3A_308] {strides = array<i32>} : memref<320x16xf32, #tpu.memory_space<vmem>>, vector<16xf32>,
        tpu.vector_store %arg15[%swap3A_307, %swap3A_308], %broadcast_in_dim3A_0 {strides = array<i32>} : memref<320x16xf32, #tpu.memory_space<vmem>>, vector<16xf32>,
      }
      %while3A_214 = arith.constant 1 : i32
      scf.for %while3A_306 = %while3A_212 to %while3A_208 step %while3A_214  : i32 {
        %swap3A_307 = arith.index_cast %while3A_306 : i32 to index
        %swap3A_308 = arith.constant 0 : index
        %swap3A_309 = tpu.vector_load %arg15[%swap3A_307, %swap3A_308] {strides = array<i32>} : memref<320x16xf32, #tpu.memory_space<vmem>>, vector<16xf32>,
        tpu.vector_store %arg15[%swap3A_307, %swap3A_308], %broadcast_in_dim3A_0 {strides = array<i32>} : memref<320x16xf32, #tpu.memory_space<vmem>>, vector<16xf32>,
      }
      %eq3A_215 = arith.constant 0 : i32
      %eq3A_216 = arith.cmpi eq, %arg1, %eq3A_215 : i32
      %convert_element_type3A_217 = arith.extui %eq3A_216 : i1 to i32
      %cond3A_218 = arith.constant 0 : i32
      %cond3A_219 = arith.cmpi ne, %convert_element_type3A_217, %cond3A_218 : i32
      scf.if %cond3A_219 {
        "tpu.region"() ({
          %run_scoped3A_306 = tpu.sem_alloc : memref<!tpu.dma_semaphore, #tpu.memory_space<semaphore_mem>>
          tpu.enqueue_dma source(%arg15 : memref<320x16xf32, #tpu.memory_space<vmem>>) target(%arg24 : memref<320x16xf32, #tpu.memory_space<vmem_shared>>) target_semaphore(%run_scoped3A_306 : memref<!tpu.dma_semaphore, #tpu.memory_space<semaphore_mem>>)
          tpu.wait_dma2 semaphore(%run_scoped3A_306 : memref<!tpu.dma_semaphore, #tpu.memory_space<semaphore_mem>>) src(%arg15 : memref<320x16xf32, #tpu.memory_space<vmem>>) dst(%arg24 : memref<320x16xf32, #tpu.memory_space<vmem_shared>>)
          tpu.yield
        }) : () -> ()
      } else {
      }
      %while3A_220 = arith.constant 0 : i32
      %while3A_221 = arith.constant 5 : i32
      %while3A_222 = arith.constant 0 : i32
      %while3A_223 = arith.subi %while3A_221, %while3A_220 : i32
      %while3A_224 = arith.addi %while3A_220, %while3A_223 : i32
      %while3A_225 = arith.constant 1 : i32
      %while3A_226 = arith.divsi %while3A_223, %while3A_225 : i32
      %while3A_227 = arith.muli %while3A_226, %while3A_225 : i32
      %while3A_228 = arith.addi %while3A_220, %while3A_227 : i32
      %while3A_229 = arith.constant 1 : i32
      %while3A_230 = scf.for %while3A_306 = %while3A_220 to %while3A_228 step %while3A_229 iter_args(%while3A_307 = %while3A_222) -> (i32)  : i32 {
        %mul3A_308 = arith.constant 5 : i32
        %mul3A_309 = arith.muli %arg1, %mul3A_308 : i32
        %add3A_310 = arith.addi %mul3A_309, %while3A_306 : i32
        "tpu.region"() ({
          %run_scoped3A_323 = tpu.sem_alloc : memref<!tpu.dma_semaphore, #tpu.memory_space<semaphore_mem>>
          %dma_start3A = arith.constant 0 : i32
          %dma_start3A_324 = arith.constant 0 : i32
          %dma_start3A_325 = tpu.memref_slice %arg2[%add3A_310, %dma_start3A, %dma_start3A_324] : memref<80x3x2000xi32, #tpu.memory_space<hbm>> -> memref<1x3x2000xi32, #tpu.memory_space<hbm>>
          %dma_start3A_326 = tpu.memref_squeeze %dma_start3A_325 : memref<1x3x2000xi32, #tpu.memory_space<hbm>> -> memref<3x2000xi32, #tpu.memory_space<hbm>>
          %dma_start3A_327 = arith.constant 0 : i32
          %dma_start3A_328 = arith.constant 0 : i32
          %dma_start3A_329 = tpu.memref_slice %arg2[%add3A_310, %dma_start3A_327, %dma_start3A_328] : memref<80x3x2000xi32, #tpu.memory_space<hbm>> -> memref<1x3x2000xi32, #tpu.memory_space<hbm>>
          %dma_start3A_330 = tpu.memref_squeeze %dma_start3A_329 : memref<1x3x2000xi32, #tpu.memory_space<hbm>> -> memref<3x2000xi32, #tpu.memory_space<hbm>>
          tpu.enqueue_dma source(%dma_start3A_330 : memref<3x2000xi32, #tpu.memory_space<hbm>>) target(%arg16 : memref<3x2000xi32, #tpu.memory_space<vmem>>) target_semaphore(%run_scoped3A_323 : memref<!tpu.dma_semaphore, #tpu.memory_space<semaphore_mem>>)
          %dma_wait3A = arith.constant 0 : i32
          %dma_wait3A_331 = arith.constant 0 : i32
          %dma_wait3A_332 = tpu.memref_slice %arg2[%add3A_310, %dma_wait3A, %dma_wait3A_331] : memref<80x3x2000xi32, #tpu.memory_space<hbm>> -> memref<1x3x2000xi32, #tpu.memory_space<hbm>>
          %dma_wait3A_333 = tpu.memref_squeeze %dma_wait3A_332 : memref<1x3x2000xi32, #tpu.memory_space<hbm>> -> memref<3x2000xi32, #tpu.memory_space<hbm>>
          %dma_wait3A_334 = arith.constant 0 : i32
          %dma_wait3A_335 = arith.constant 0 : i32
          %dma_wait3A_336 = tpu.memref_slice %arg2[%add3A_310, %dma_wait3A_334, %dma_wait3A_335] : memref<80x3x2000xi32, #tpu.memory_space<hbm>> -> memref<1x3x2000xi32, #tpu.memory_space<hbm>>
          %dma_wait3A_337 = tpu.memref_squeeze %dma_wait3A_336 : memref<1x3x2000xi32, #tpu.memory_space<hbm>> -> memref<3x2000xi32, #tpu.memory_space<hbm>>
          tpu.wait_dma2 semaphore(%run_scoped3A_323 : memref<!tpu.dma_semaphore, #tpu.memory_space<semaphore_mem>>) src(%dma_wait3A_337 : memref<3x2000xi32, #tpu.memory_space<hbm>>) dst(%arg16 : memref<3x2000xi32, #tpu.memory_space<vmem>>)
          tpu.yield
        }) : () -> ()
        %while3A_311 = arith.constant 0 : i32
        %while3A_312 = arith.constant 125 : i32
        %while3A_313 = arith.subi %while3A_312, %while3A_311 : i32
        %while3A_314 = arith.addi %while3A_311, %while3A_313 : i32
        %while3A_315 = arith.constant 1 : i32
        %while3A_316 = arith.divsi %while3A_313, %while3A_315 : i32
        %while3A_317 = arith.muli %while3A_316, %while3A_315 : i32
        %while3A_318 = arith.addi %while3A_311, %while3A_317 : i32
        %while3A_319 = arith.constant 1 : i32
        %while3A_320 = scf.for %while3A_323 = %while3A_311 to %while3A_318 step %while3A_319 iter_args(%while3A_324 = %while3A_307) -> (i32)  : i32 {
          %mul3A_325 = arith.constant 16 : i32
          %mul3A_326 = arith.muli %while3A_323, %mul3A_325 : i32
          %get3A = arith.constant 0 : i64
          %get3A_327 = arith.index_cast %get3A : i64 to index
          %get3A_328 = arith.index_cast %mul3A_326 : i32 to index
          %get3A_329 = tpu.vector_load %arg16[%get3A_327, %get3A_328] {strides = array<i32>} : memref<3x2000xi32, #tpu.memory_space<vmem>>, vector<16xi32>,
          %get3A_330 = arith.constant 1 : i64
          %get3A_331 = arith.index_cast %get3A_330 : i64 to index
          %get3A_332 = arith.index_cast %mul3A_326 : i32 to index
          %get3A_333 = tpu.vector_load %arg16[%get3A_331, %get3A_332] {strides = array<i32>} : memref<3x2000xi32, #tpu.memory_space<vmem>>, vector<16xi32>,
          %get3A_334 = arith.constant 2 : i64
          %get3A_335 = arith.index_cast %get3A_334 : i64 to index
          %get3A_336 = arith.index_cast %mul3A_326 : i32 to index
          %get3A_337 = tpu.vector_load %arg16[%get3A_335, %get3A_336] {strides = array<i32>} : memref<3x2000xi32, #tpu.memory_space<vmem>>, vector<16xi32>,
          %mul3A_338 = arith.constant 2000 : i32
          %mul3A_339 = arith.muli %while3A_306, %mul3A_338 : i32
          %mul3A_340 = arith.constant 16 : i32
          %mul3A_341 = arith.muli %while3A_323, %mul3A_340 : i32
          %add3A_342 = arith.addi %mul3A_339, %mul3A_341 : i32
          %get3A_343 = arith.index_cast %add3A_342 : i32 to index
          %get3A_344 = tpu.vector_load %arg11[%get3A_343] {strides = array<i32>} : memref<10000xf32, #tpu.memory_space<vmem>>, vector<16xf32>,
          %sub3A_345 = vector.broadcast %mul3A_196 : i32 to vector<16xi32>
          %sub3A_346 = arith.subi %get3A_333, %sub3A_345 : vector<16xi32>
          %ge3A = vector.broadcast %mul3A_196 : i32 to vector<16xi32>
          %ge3A_347 = arith.cmpi sge, %get3A_333, %ge3A : vector<16xi32>
          %lt3A = arith.constant 1250 : i32
          %lt3A_348 = vector.broadcast %lt3A : i32 to vector<16xi32>
          %lt3A_349 = arith.cmpi slt, %sub3A_346, %lt3A_348 : vector<16xi32>
          %and3A_350 = arith.andi %ge3A_347, %lt3A_349 : vector<16xi1>
          %mul3A_351 = arith.constant 4 : i32
          %mul3A_352 = vector.broadcast %mul3A_351 : i32 to vector<16xi32>
          %mul3A_353 = arith.muli %sub3A_346, %mul3A_352 : vector<16xi32>
          %add3A_354 = arith.addi %mul3A_353, %get3A_337 : vector<16xi32>
          %shift_right_logical3A = arith.constant 4 : i32
          %shift_right_logical3A_355 = vector.broadcast %shift_right_logical3A : i32 to vector<16xi32>
          %shift_right_logical3A_356 = arith.shrui %add3A_354, %shift_right_logical3A_355 : vector<16xi32>
          %and3A_357 = arith.constant 15 : i32
          %and3A_358 = vector.broadcast %and3A_357 : i32 to vector<16xi32>
          %and3A_359 = arith.andi %add3A_354, %and3A_358 : vector<16xi32>
          tpu.vector_store_idx %arg15[%shift_right_logical3A_356, %and3A_359], %get3A_344 masked %and3A_350 {add = true} : memref<320x16xf32, #tpu.memory_space<vmem>>[vector<16xi32>, vector<16xi32>], vector<16xf32>, vector<16xi1>
          %mul3A_360 = arith.constant 10000 : i32
          %mul3A_361 = vector.broadcast %mul3A_360 : i32 to vector<16xi32>
          %mul3A_362 = arith.muli %get3A_337, %mul3A_361 : vector<16xi32>
          %add3A_363 = arith.addi %mul3A_362, %get3A_329 : vector<16xi32>
          %swap3A_364 = arith.index_cast %while3A_324 : i32 to index
          %swap3A_365 = tpu.vector_load %arg12[%swap3A_364] masked %and3A_350 {strides = array<i32>} : memref<2624xi32, #tpu.memory_space<vmem>>, vector<16xi32>, vector<16xi1>
          tpu.vector_store %arg12[%swap3A_364], %add3A_363 masked %and3A_350 {strides = array<i32>} : memref<2624xi32, #tpu.memory_space<vmem>>, vector<16xi32>, vector<16xi1>
          %swap3A_366 = arith.index_cast %while3A_324 : i32 to index
          %swap3A_367 = tpu.vector_load %arg13[%swap3A_366] masked %and3A_350 {strides = array<i32>} : memref<2624xi32, #tpu.memory_space<vmem>>, vector<16xi32>, vector<16xi1>
          tpu.vector_store %arg13[%swap3A_366], %add3A_354 masked %and3A_350 {strides = array<i32>} : memref<2624xi32, #tpu.memory_space<vmem>>, vector<16xi32>, vector<16xi1>
          %swap3A_368 = arith.index_cast %while3A_324 : i32 to index
          %swap3A_369 = tpu.vector_load %arg14[%swap3A_368] masked %and3A_350 {strides = array<i32>} : memref<2624xf32, #tpu.memory_space<vmem>>, vector<16xf32>, vector<16xi1>
          tpu.vector_store %arg14[%swap3A_368], %get3A_344 masked %and3A_350 {strides = array<i32>} : memref<2624xf32, #tpu.memory_space<vmem>>, vector<16xf32>, vector<16xi1>
          %convert_element_type3A_370 = arith.extui %and3A_350 : vector<16xi1> to vector<16xi32>
          %reduce_sum3A = arith.constant true
          %reduce_sum3A_371 = vector.broadcast %reduce_sum3A : i1 to vector<16xi1>
          %reduce_sum3A_372 = tpu.scan <sum>, %convert_element_type3A_370 masked %reduce_sum3A_371 : vector<16xi32>, vector<16xi1> -> vector<16xi32>
          %reduce_sum3A_373 = vector.extract %reduce_sum3A_372[15] : i32 from vector<16xi32>
          %add3A_374 = arith.addi %while3A_324, %reduce_sum3A_373 : i32
          scf.yield %add3A_374 : i32
        }
        %while3A_321 = arith.constant 1 : i32
        %while3A_322 = scf.for %while3A_323 = %while3A_318 to %while3A_314 step %while3A_321 iter_args(%while3A_324 = %while3A_320) -> (i32)  : i32 {
          %mul3A_325 = arith.constant 16 : i32
          %mul3A_326 = arith.muli %while3A_323, %mul3A_325 : i32
          %get3A = arith.constant 0 : i64
          %get3A_327 = arith.index_cast %get3A : i64 to index
          %get3A_328 = arith.index_cast %mul3A_326 : i32 to index
          %get3A_329 = tpu.vector_load %arg16[%get3A_327, %get3A_328] {strides = array<i32>} : memref<3x2000xi32, #tpu.memory_space<vmem>>, vector<16xi32>,
          %get3A_330 = arith.constant 1 : i64
          %get3A_331 = arith.index_cast %get3A_330 : i64 to index
          %get3A_332 = arith.index_cast %mul3A_326 : i32 to index
          %get3A_333 = tpu.vector_load %arg16[%get3A_331, %get3A_332] {strides = array<i32>} : memref<3x2000xi32, #tpu.memory_space<vmem>>, vector<16xi32>,
          %get3A_334 = arith.constant 2 : i64
          %get3A_335 = arith.index_cast %get3A_334 : i64 to index
          %get3A_336 = arith.index_cast %mul3A_326 : i32 to index
          %get3A_337 = tpu.vector_load %arg16[%get3A_335, %get3A_336] {strides = array<i32>} : memref<3x2000xi32, #tpu.memory_space<vmem>>, vector<16xi32>,
          %mul3A_338 = arith.constant 2000 : i32
          %mul3A_339 = arith.muli %while3A_306, %mul3A_338 : i32
          %mul3A_340 = arith.constant 16 : i32
          %mul3A_341 = arith.muli %while3A_323, %mul3A_340 : i32
          %add3A_342 = arith.addi %mul3A_339, %mul3A_341 : i32
          %get3A_343 = arith.index_cast %add3A_342 : i32 to index
          %get3A_344 = tpu.vector_load %arg11[%get3A_343] {strides = array<i32>} : memref<10000xf32, #tpu.memory_space<vmem>>, vector<16xf32>,
          %sub3A_345 = vector.broadcast %mul3A_196 : i32 to vector<16xi32>
          %sub3A_346 = arith.subi %get3A_333, %sub3A_345 : vector<16xi32>
          %ge3A = vector.broadcast %mul3A_196 : i32 to vector<16xi32>
          %ge3A_347 = arith.cmpi sge, %get3A_333, %ge3A : vector<16xi32>
          %lt3A = arith.constant 1250 : i32
          %lt3A_348 = vector.broadcast %lt3A : i32 to vector<16xi32>
          %lt3A_349 = arith.cmpi slt, %sub3A_346, %lt3A_348 : vector<16xi32>
          %and3A_350 = arith.andi %ge3A_347, %lt3A_349 : vector<16xi1>
          %mul3A_351 = arith.constant 4 : i32
          %mul3A_352 = vector.broadcast %mul3A_351 : i32 to vector<16xi32>
          %mul3A_353 = arith.muli %sub3A_346, %mul3A_352 : vector<16xi32>
          %add3A_354 = arith.addi %mul3A_353, %get3A_337 : vector<16xi32>
          %shift_right_logical3A = arith.constant 4 : i32
          %shift_right_logical3A_355 = vector.broadcast %shift_right_logical3A : i32 to vector<16xi32>
          %shift_right_logical3A_356 = arith.shrui %add3A_354, %shift_right_logical3A_355 : vector<16xi32>
          %and3A_357 = arith.constant 15 : i32
          %and3A_358 = vector.broadcast %and3A_357 : i32 to vector<16xi32>
          %and3A_359 = arith.andi %add3A_354, %and3A_358 : vector<16xi32>
          tpu.vector_store_idx %arg15[%shift_right_logical3A_356, %and3A_359], %get3A_344 masked %and3A_350 {add = true} : memref<320x16xf32, #tpu.memory_space<vmem>>[vector<16xi32>, vector<16xi32>], vector<16xf32>, vector<16xi1>
          %mul3A_360 = arith.constant 10000 : i32
          %mul3A_361 = vector.broadcast %mul3A_360 : i32 to vector<16xi32>
          %mul3A_362 = arith.muli %get3A_337, %mul3A_361 : vector<16xi32>
          %add3A_363 = arith.addi %mul3A_362, %get3A_329 : vector<16xi32>
          %swap3A_364 = arith.index_cast %while3A_324 : i32 to index
          %swap3A_365 = tpu.vector_load %arg12[%swap3A_364] masked %and3A_350 {strides = array<i32>} : memref<2624xi32, #tpu.memory_space<vmem>>, vector<16xi32>, vector<16xi1>
          tpu.vector_store %arg12[%swap3A_364], %add3A_363 masked %and3A_350 {strides = array<i32>} : memref<2624xi32, #tpu.memory_space<vmem>>, vector<16xi32>, vector<16xi1>
          %swap3A_366 = arith.index_cast %while3A_324 : i32 to index
          %swap3A_367 = tpu.vector_load %arg13[%swap3A_366] masked %and3A_350 {strides = array<i32>} : memref<2624xi32, #tpu.memory_space<vmem>>, vector<16xi32>, vector<16xi1>
          tpu.vector_store %arg13[%swap3A_366], %add3A_354 masked %and3A_350 {strides = array<i32>} : memref<2624xi32, #tpu.memory_space<vmem>>, vector<16xi32>, vector<16xi1>
          %swap3A_368 = arith.index_cast %while3A_324 : i32 to index
          %swap3A_369 = tpu.vector_load %arg14[%swap3A_368] masked %and3A_350 {strides = array<i32>} : memref<2624xf32, #tpu.memory_space<vmem>>, vector<16xf32>, vector<16xi1>
          tpu.vector_store %arg14[%swap3A_368], %get3A_344 masked %and3A_350 {strides = array<i32>} : memref<2624xf32, #tpu.memory_space<vmem>>, vector<16xf32>, vector<16xi1>
          %convert_element_type3A_370 = arith.extui %and3A_350 : vector<16xi1> to vector<16xi32>
          %reduce_sum3A = arith.constant true
          %reduce_sum3A_371 = vector.broadcast %reduce_sum3A : i1 to vector<16xi1>
          %reduce_sum3A_372 = tpu.scan <sum>, %convert_element_type3A_370 masked %reduce_sum3A_371 : vector<16xi32>, vector<16xi1> -> vector<16xi32>
          %reduce_sum3A_373 = vector.extract %reduce_sum3A_372[15] : i32 from vector<16xi32>
          %add3A_374 = arith.addi %while3A_324, %reduce_sum3A_373 : i32
          scf.yield %add3A_374 : i32
        }
        scf.yield %while3A_322 : i32
      }
      %while3A_231 = arith.constant 1 : i32
      %while3A_232 = scf.for %while3A_306 = %while3A_228 to %while3A_224 step %while3A_231 iter_args(%while3A_307 = %while3A_230) -> (i32)  : i32 {
        %mul3A_308 = arith.constant 5 : i32
        %mul3A_309 = arith.muli %arg1, %mul3A_308 : i32
        %add3A_310 = arith.addi %mul3A_309, %while3A_306 : i32
        "tpu.region"() ({
          %run_scoped3A_323 = tpu.sem_alloc : memref<!tpu.dma_semaphore, #tpu.memory_space<semaphore_mem>>
          %dma_start3A = arith.constant 0 : i32
          %dma_start3A_324 = arith.constant 0 : i32
          %dma_start3A_325 = tpu.memref_slice %arg2[%add3A_310, %dma_start3A, %dma_start3A_324] : memref<80x3x2000xi32, #tpu.memory_space<hbm>> -> memref<1x3x2000xi32, #tpu.memory_space<hbm>>
          %dma_start3A_326 = tpu.memref_squeeze %dma_start3A_325 : memref<1x3x2000xi32, #tpu.memory_space<hbm>> -> memref<3x2000xi32, #tpu.memory_space<hbm>>
          %dma_start3A_327 = arith.constant 0 : i32
          %dma_start3A_328 = arith.constant 0 : i32
          %dma_start3A_329 = tpu.memref_slice %arg2[%add3A_310, %dma_start3A_327, %dma_start3A_328] : memref<80x3x2000xi32, #tpu.memory_space<hbm>> -> memref<1x3x2000xi32, #tpu.memory_space<hbm>>
          %dma_start3A_330 = tpu.memref_squeeze %dma_start3A_329 : memref<1x3x2000xi32, #tpu.memory_space<hbm>> -> memref<3x2000xi32, #tpu.memory_space<hbm>>
          tpu.enqueue_dma source(%dma_start3A_330 : memref<3x2000xi32, #tpu.memory_space<hbm>>) target(%arg16 : memref<3x2000xi32, #tpu.memory_space<vmem>>) target_semaphore(%run_scoped3A_323 : memref<!tpu.dma_semaphore, #tpu.memory_space<semaphore_mem>>)
          %dma_wait3A = arith.constant 0 : i32
          %dma_wait3A_331 = arith.constant 0 : i32
          %dma_wait3A_332 = tpu.memref_slice %arg2[%add3A_310, %dma_wait3A, %dma_wait3A_331] : memref<80x3x2000xi32, #tpu.memory_space<hbm>> -> memref<1x3x2000xi32, #tpu.memory_space<hbm>>
          %dma_wait3A_333 = tpu.memref_squeeze %dma_wait3A_332 : memref<1x3x2000xi32, #tpu.memory_space<hbm>> -> memref<3x2000xi32, #tpu.memory_space<hbm>>
          %dma_wait3A_334 = arith.constant 0 : i32
          %dma_wait3A_335 = arith.constant 0 : i32
          %dma_wait3A_336 = tpu.memref_slice %arg2[%add3A_310, %dma_wait3A_334, %dma_wait3A_335] : memref<80x3x2000xi32, #tpu.memory_space<hbm>> -> memref<1x3x2000xi32, #tpu.memory_space<hbm>>
          %dma_wait3A_337 = tpu.memref_squeeze %dma_wait3A_336 : memref<1x3x2000xi32, #tpu.memory_space<hbm>> -> memref<3x2000xi32, #tpu.memory_space<hbm>>
          tpu.wait_dma2 semaphore(%run_scoped3A_323 : memref<!tpu.dma_semaphore, #tpu.memory_space<semaphore_mem>>) src(%dma_wait3A_337 : memref<3x2000xi32, #tpu.memory_space<hbm>>) dst(%arg16 : memref<3x2000xi32, #tpu.memory_space<vmem>>)
          tpu.yield
        }) : () -> ()
        %while3A_311 = arith.constant 0 : i32
        %while3A_312 = arith.constant 125 : i32
        %while3A_313 = arith.subi %while3A_312, %while3A_311 : i32
        %while3A_314 = arith.addi %while3A_311, %while3A_313 : i32
        %while3A_315 = arith.constant 1 : i32
        %while3A_316 = arith.divsi %while3A_313, %while3A_315 : i32
        %while3A_317 = arith.muli %while3A_316, %while3A_315 : i32
        %while3A_318 = arith.addi %while3A_311, %while3A_317 : i32
        %while3A_319 = arith.constant 1 : i32
        %while3A_320 = scf.for %while3A_323 = %while3A_311 to %while3A_318 step %while3A_319 iter_args(%while3A_324 = %while3A_307) -> (i32)  : i32 {
          %mul3A_325 = arith.constant 16 : i32
          %mul3A_326 = arith.muli %while3A_323, %mul3A_325 : i32
          %get3A = arith.constant 0 : i64
          %get3A_327 = arith.index_cast %get3A : i64 to index
          %get3A_328 = arith.index_cast %mul3A_326 : i32 to index
          %get3A_329 = tpu.vector_load %arg16[%get3A_327, %get3A_328] {strides = array<i32>} : memref<3x2000xi32, #tpu.memory_space<vmem>>, vector<16xi32>,
          %get3A_330 = arith.constant 1 : i64
          %get3A_331 = arith.index_cast %get3A_330 : i64 to index
          %get3A_332 = arith.index_cast %mul3A_326 : i32 to index
          %get3A_333 = tpu.vector_load %arg16[%get3A_331, %get3A_332] {strides = array<i32>} : memref<3x2000xi32, #tpu.memory_space<vmem>>, vector<16xi32>,
          %get3A_334 = arith.constant 2 : i64
          %get3A_335 = arith.index_cast %get3A_334 : i64 to index
          %get3A_336 = arith.index_cast %mul3A_326 : i32 to index
          %get3A_337 = tpu.vector_load %arg16[%get3A_335, %get3A_336] {strides = array<i32>} : memref<3x2000xi32, #tpu.memory_space<vmem>>, vector<16xi32>,
          %mul3A_338 = arith.constant 2000 : i32
          %mul3A_339 = arith.muli %while3A_306, %mul3A_338 : i32
          %mul3A_340 = arith.constant 16 : i32
          %mul3A_341 = arith.muli %while3A_323, %mul3A_340 : i32
          %add3A_342 = arith.addi %mul3A_339, %mul3A_341 : i32
          %get3A_343 = arith.index_cast %add3A_342 : i32 to index
          %get3A_344 = tpu.vector_load %arg11[%get3A_343] {strides = array<i32>} : memref<10000xf32, #tpu.memory_space<vmem>>, vector<16xf32>,
          %sub3A_345 = vector.broadcast %mul3A_196 : i32 to vector<16xi32>
          %sub3A_346 = arith.subi %get3A_333, %sub3A_345 : vector<16xi32>
          %ge3A = vector.broadcast %mul3A_196 : i32 to vector<16xi32>
          %ge3A_347 = arith.cmpi sge, %get3A_333, %ge3A : vector<16xi32>
          %lt3A = arith.constant 1250 : i32
          %lt3A_348 = vector.broadcast %lt3A : i32 to vector<16xi32>
          %lt3A_349 = arith.cmpi slt, %sub3A_346, %lt3A_348 : vector<16xi32>
          %and3A_350 = arith.andi %ge3A_347, %lt3A_349 : vector<16xi1>
          %mul3A_351 = arith.constant 4 : i32
          %mul3A_352 = vector.broadcast %mul3A_351 : i32 to vector<16xi32>
          %mul3A_353 = arith.muli %sub3A_346, %mul3A_352 : vector<16xi32>
          %add3A_354 = arith.addi %mul3A_353, %get3A_337 : vector<16xi32>
          %shift_right_logical3A = arith.constant 4 : i32
          %shift_right_logical3A_355 = vector.broadcast %shift_right_logical3A : i32 to vector<16xi32>
          %shift_right_logical3A_356 = arith.shrui %add3A_354, %shift_right_logical3A_355 : vector<16xi32>
          %and3A_357 = arith.constant 15 : i32
          %and3A_358 = vector.broadcast %and3A_357 : i32 to vector<16xi32>
          %and3A_359 = arith.andi %add3A_354, %and3A_358 : vector<16xi32>
          tpu.vector_store_idx %arg15[%shift_right_logical3A_356, %and3A_359], %get3A_344 masked %and3A_350 {add = true} : memref<320x16xf32, #tpu.memory_space<vmem>>[vector<16xi32>, vector<16xi32>], vector<16xf32>, vector<16xi1>
          %mul3A_360 = arith.constant 10000 : i32
          %mul3A_361 = vector.broadcast %mul3A_360 : i32 to vector<16xi32>
          %mul3A_362 = arith.muli %get3A_337, %mul3A_361 : vector<16xi32>
          %add3A_363 = arith.addi %mul3A_362, %get3A_329 : vector<16xi32>
          %swap3A_364 = arith.index_cast %while3A_324 : i32 to index
          %swap3A_365 = tpu.vector_load %arg12[%swap3A_364] masked %and3A_350 {strides = array<i32>} : memref<2624xi32, #tpu.memory_space<vmem>>, vector<16xi32>, vector<16xi1>
          tpu.vector_store %arg12[%swap3A_364], %add3A_363 masked %and3A_350 {strides = array<i32>} : memref<2624xi32, #tpu.memory_space<vmem>>, vector<16xi32>, vector<16xi1>
          %swap3A_366 = arith.index_cast %while3A_324 : i32 to index
          %swap3A_367 = tpu.vector_load %arg13[%swap3A_366] masked %and3A_350 {strides = array<i32>} : memref<2624xi32, #tpu.memory_space<vmem>>, vector<16xi32>, vector<16xi1>
          tpu.vector_store %arg13[%swap3A_366], %add3A_354 masked %and3A_350 {strides = array<i32>} : memref<2624xi32, #tpu.memory_space<vmem>>, vector<16xi32>, vector<16xi1>
          %swap3A_368 = arith.index_cast %while3A_324 : i32 to index
          %swap3A_369 = tpu.vector_load %arg14[%swap3A_368] masked %and3A_350 {strides = array<i32>} : memref<2624xf32, #tpu.memory_space<vmem>>, vector<16xf32>, vector<16xi1>
          tpu.vector_store %arg14[%swap3A_368], %get3A_344 masked %and3A_350 {strides = array<i32>} : memref<2624xf32, #tpu.memory_space<vmem>>, vector<16xf32>, vector<16xi1>
          %convert_element_type3A_370 = arith.extui %and3A_350 : vector<16xi1> to vector<16xi32>
          %reduce_sum3A = arith.constant true
          %reduce_sum3A_371 = vector.broadcast %reduce_sum3A : i1 to vector<16xi1>
          %reduce_sum3A_372 = tpu.scan <sum>, %convert_element_type3A_370 masked %reduce_sum3A_371 : vector<16xi32>, vector<16xi1> -> vector<16xi32>
          %reduce_sum3A_373 = vector.extract %reduce_sum3A_372[15] : i32 from vector<16xi32>
          %add3A_374 = arith.addi %while3A_324, %reduce_sum3A_373 : i32
          scf.yield %add3A_374 : i32
        }
        %while3A_321 = arith.constant 1 : i32
        %while3A_322 = scf.for %while3A_323 = %while3A_318 to %while3A_314 step %while3A_321 iter_args(%while3A_324 = %while3A_320) -> (i32)  : i32 {
          %mul3A_325 = arith.constant 16 : i32
          %mul3A_326 = arith.muli %while3A_323, %mul3A_325 : i32
          %get3A = arith.constant 0 : i64
          %get3A_327 = arith.index_cast %get3A : i64 to index
          %get3A_328 = arith.index_cast %mul3A_326 : i32 to index
          %get3A_329 = tpu.vector_load %arg16[%get3A_327, %get3A_328] {strides = array<i32>} : memref<3x2000xi32, #tpu.memory_space<vmem>>, vector<16xi32>,
          %get3A_330 = arith.constant 1 : i64
          %get3A_331 = arith.index_cast %get3A_330 : i64 to index
          %get3A_332 = arith.index_cast %mul3A_326 : i32 to index
          %get3A_333 = tpu.vector_load %arg16[%get3A_331, %get3A_332] {strides = array<i32>} : memref<3x2000xi32, #tpu.memory_space<vmem>>, vector<16xi32>,
          %get3A_334 = arith.constant 2 : i64
          %get3A_335 = arith.index_cast %get3A_334 : i64 to index
          %get3A_336 = arith.index_cast %mul3A_326 : i32 to index
          %get3A_337 = tpu.vector_load %arg16[%get3A_335, %get3A_336] {strides = array<i32>} : memref<3x2000xi32, #tpu.memory_space<vmem>>, vector<16xi32>,
          %mul3A_338 = arith.constant 2000 : i32
          %mul3A_339 = arith.muli %while3A_306, %mul3A_338 : i32
          %mul3A_340 = arith.constant 16 : i32
          %mul3A_341 = arith.muli %while3A_323, %mul3A_340 : i32
          %add3A_342 = arith.addi %mul3A_339, %mul3A_341 : i32
          %get3A_343 = arith.index_cast %add3A_342 : i32 to index
          %get3A_344 = tpu.vector_load %arg11[%get3A_343] {strides = array<i32>} : memref<10000xf32, #tpu.memory_space<vmem>>, vector<16xf32>,
          %sub3A_345 = vector.broadcast %mul3A_196 : i32 to vector<16xi32>
          %sub3A_346 = arith.subi %get3A_333, %sub3A_345 : vector<16xi32>
          %ge3A = vector.broadcast %mul3A_196 : i32 to vector<16xi32>
          %ge3A_347 = arith.cmpi sge, %get3A_333, %ge3A : vector<16xi32>
          %lt3A = arith.constant 1250 : i32
          %lt3A_348 = vector.broadcast %lt3A : i32 to vector<16xi32>
          %lt3A_349 = arith.cmpi slt, %sub3A_346, %lt3A_348 : vector<16xi32>
          %and3A_350 = arith.andi %ge3A_347, %lt3A_349 : vector<16xi1>
          %mul3A_351 = arith.constant 4 : i32
          %mul3A_352 = vector.broadcast %mul3A_351 : i32 to vector<16xi32>
          %mul3A_353 = arith.muli %sub3A_346, %mul3A_352 : vector<16xi32>
          %add3A_354 = arith.addi %mul3A_353, %get3A_337 : vector<16xi32>
          %shift_right_logical3A = arith.constant 4 : i32
          %shift_right_logical3A_355 = vector.broadcast %shift_right_logical3A : i32 to vector<16xi32>
          %shift_right_logical3A_356 = arith.shrui %add3A_354, %shift_right_logical3A_355 : vector<16xi32>
          %and3A_357 = arith.constant 15 : i32
          %and3A_358 = vector.broadcast %and3A_357 : i32 to vector<16xi32>
          %and3A_359 = arith.andi %add3A_354, %and3A_358 : vector<16xi32>
          tpu.vector_store_idx %arg15[%shift_right_logical3A_356, %and3A_359], %get3A_344 masked %and3A_350 {add = true} : memref<320x16xf32, #tpu.memory_space<vmem>>[vector<16xi32>, vector<16xi32>], vector<16xf32>, vector<16xi1>
          %mul3A_360 = arith.constant 10000 : i32
          %mul3A_361 = vector.broadcast %mul3A_360 : i32 to vector<16xi32>
          %mul3A_362 = arith.muli %get3A_337, %mul3A_361 : vector<16xi32>
          %add3A_363 = arith.addi %mul3A_362, %get3A_329 : vector<16xi32>
          %swap3A_364 = arith.index_cast %while3A_324 : i32 to index
          %swap3A_365 = tpu.vector_load %arg12[%swap3A_364] masked %and3A_350 {strides = array<i32>} : memref<2624xi32, #tpu.memory_space<vmem>>, vector<16xi32>, vector<16xi1>
          tpu.vector_store %arg12[%swap3A_364], %add3A_363 masked %and3A_350 {strides = array<i32>} : memref<2624xi32, #tpu.memory_space<vmem>>, vector<16xi32>, vector<16xi1>
          %swap3A_366 = arith.index_cast %while3A_324 : i32 to index
          %swap3A_367 = tpu.vector_load %arg13[%swap3A_366] masked %and3A_350 {strides = array<i32>} : memref<2624xi32, #tpu.memory_space<vmem>>, vector<16xi32>, vector<16xi1>
          tpu.vector_store %arg13[%swap3A_366], %add3A_354 masked %and3A_350 {strides = array<i32>} : memref<2624xi32, #tpu.memory_space<vmem>>, vector<16xi32>, vector<16xi1>
          %swap3A_368 = arith.index_cast %while3A_324 : i32 to index
          %swap3A_369 = tpu.vector_load %arg14[%swap3A_368] masked %and3A_350 {strides = array<i32>} : memref<2624xf32, #tpu.memory_space<vmem>>, vector<16xf32>, vector<16xi1>
          tpu.vector_store %arg14[%swap3A_368], %get3A_344 masked %and3A_350 {strides = array<i32>} : memref<2624xf32, #tpu.memory_space<vmem>>, vector<16xf32>, vector<16xi1>
          %convert_element_type3A_370 = arith.extui %and3A_350 : vector<16xi1> to vector<16xi32>
          %reduce_sum3A = arith.constant true
          %reduce_sum3A_371 = vector.broadcast %reduce_sum3A : i1 to vector<16xi1>
          %reduce_sum3A_372 = tpu.scan <sum>, %convert_element_type3A_370 masked %reduce_sum3A_371 : vector<16xi32>, vector<16xi1> -> vector<16xi32>
          %reduce_sum3A_373 = vector.extract %reduce_sum3A_372[15] : i32 from vector<16xi32>
          %add3A_374 = arith.addi %while3A_324, %reduce_sum3A_373 : i32
          scf.yield %add3A_374 : i32
        }
        scf.yield %while3A_322 : i32
      }
      %while3A_233 = arith.constant 0 : i32
      %while3A_234 = arith.constant 0 : i32
      %while3A_235 = arith.constant 4 : i32
      %while3A_236 = arith.subi %while3A_235, %while3A_234 : i32
      %while3A_237 = arith.addi %while3A_234, %while3A_236 : i32
      %while3A_238 = arith.constant 1 : i32
      %while3A_239 = arith.divsi %while3A_236, %while3A_238 : i32
      %while3A_240 = arith.muli %while3A_239, %while3A_238 : i32
      %while3A_241 = arith.addi %while3A_234, %while3A_240 : i32
      %while3A_242 = arith.constant 1 : i32
      scf.for %while3A_306 = %while3A_234 to %while3A_241 step %while3A_242  : i32 {
        %mul3A_307 = arith.constant 16 : i32
        %mul3A_308 = arith.muli %while3A_306, %mul3A_307 : i32
        %add3A_309 = arith.addi %while3A_232, %mul3A_308 : i32
        %swap3A_310 = arith.index_cast %add3A_309 : i32 to index
        %swap3A_311 = tpu.vector_load %arg12[%swap3A_310] {strides = array<i32>} : memref<2624xi32, #tpu.memory_space<vmem>>, vector<16xi32>,
        tpu.vector_store %arg12[%swap3A_310], %broadcast_in_dim3A_2 {strides = array<i32>} : memref<2624xi32, #tpu.memory_space<vmem>>, vector<16xi32>,
        %mul3A_312 = arith.constant 16 : i32
        %mul3A_313 = arith.muli %while3A_306, %mul3A_312 : i32
        %add3A_314 = arith.addi %while3A_232, %mul3A_313 : i32
        %swap3A_315 = arith.index_cast %add3A_314 : i32 to index
        %swap3A_316 = tpu.vector_load %arg13[%swap3A_315] {strides = array<i32>} : memref<2624xi32, #tpu.memory_space<vmem>>, vector<16xi32>,
        tpu.vector_store %arg13[%swap3A_315], %broadcast_in_dim3A_2 {strides = array<i32>} : memref<2624xi32, #tpu.memory_space<vmem>>, vector<16xi32>,
        %mul3A_317 = arith.constant 16 : i32
        %mul3A_318 = arith.muli %while3A_306, %mul3A_317 : i32
        %add3A_319 = arith.addi %while3A_232, %mul3A_318 : i32
        %swap3A_320 = arith.index_cast %add3A_319 : i32 to index
        %swap3A_321 = tpu.vector_load %arg14[%swap3A_320] {strides = array<i32>} : memref<2624xf32, #tpu.memory_space<vmem>>, vector<16xf32>,
        tpu.vector_store %arg14[%swap3A_320], %broadcast_in_dim3A_0 {strides = array<i32>} : memref<2624xf32, #tpu.memory_space<vmem>>, vector<16xf32>,
      }
      %while3A_243 = arith.constant 1 : i32
      scf.for %while3A_306 = %while3A_241 to %while3A_237 step %while3A_243  : i32 {
        %mul3A_307 = arith.constant 16 : i32
        %mul3A_308 = arith.muli %while3A_306, %mul3A_307 : i32
        %add3A_309 = arith.addi %while3A_232, %mul3A_308 : i32
        %swap3A_310 = arith.index_cast %add3A_309 : i32 to index
        %swap3A_311 = tpu.vector_load %arg12[%swap3A_310] {strides = array<i32>} : memref<2624xi32, #tpu.memory_space<vmem>>, vector<16xi32>,
        tpu.vector_store %arg12[%swap3A_310], %broadcast_in_dim3A_2 {strides = array<i32>} : memref<2624xi32, #tpu.memory_space<vmem>>, vector<16xi32>,
        %mul3A_312 = arith.constant 16 : i32
        %mul3A_313 = arith.muli %while3A_306, %mul3A_312 : i32
        %add3A_314 = arith.addi %while3A_232, %mul3A_313 : i32
        %swap3A_315 = arith.index_cast %add3A_314 : i32 to index
        %swap3A_316 = tpu.vector_load %arg13[%swap3A_315] {strides = array<i32>} : memref<2624xi32, #tpu.memory_space<vmem>>, vector<16xi32>,
        tpu.vector_store %arg13[%swap3A_315], %broadcast_in_dim3A_2 {strides = array<i32>} : memref<2624xi32, #tpu.memory_space<vmem>>, vector<16xi32>,
        %mul3A_317 = arith.constant 16 : i32
        %mul3A_318 = arith.muli %while3A_306, %mul3A_317 : i32
        %add3A_319 = arith.addi %while3A_232, %mul3A_318 : i32
        %swap3A_320 = arith.index_cast %add3A_319 : i32 to index
        %swap3A_321 = tpu.vector_load %arg14[%swap3A_320] {strides = array<i32>} : memref<2624xf32, #tpu.memory_space<vmem>>, vector<16xf32>,
        tpu.vector_store %arg14[%swap3A_320], %broadcast_in_dim3A_0 {strides = array<i32>} : memref<2624xf32, #tpu.memory_space<vmem>>, vector<16xf32>,
      }
      %barrier3A = arith.constant 0 : index
      tpu.barrier barrier_id(%barrier3A)
      %run_scoped3A = arith.constant 0 : i32
      "tpu.region"() ({
        %run_scoped3A_306 = tpu.sem_alloc : memref<!tpu.dma_semaphore, #tpu.memory_space<semaphore_mem>>
        %dma_start3A = arith.constant 0 : i32
        %dma_start3A_307 = arith.constant 0 : i32
        %dma_start3A_308 = tpu.memref_slice %arg15[%dma_start3A, %dma_start3A_307] : memref<320x16xf32, #tpu.memory_space<vmem>> -> memref<80x16xf32, #tpu.memory_space<vmem>>
        %dma_start3A_309 = arith.constant 0 : i32
        %dma_start3A_310 = tpu.memref_slice %arg21[%run_scoped3A, %dma_start3A_309] : memref<4x80xi32, #tpu.memory_space<vmem>> -> memref<1x80xi32, #tpu.memory_space<vmem>>
        %dma_start3A_311 = tpu.memref_squeeze %dma_start3A_310 : memref<1x80xi32, #tpu.memory_space<vmem>> -> memref<80xi32, #tpu.memory_space<vmem>>
        %dma_start3A_312 = arith.constant 0 : i32
        %dma_start3A_313 = arith.constant 0 : i32
        %dma_start3A_314 = tpu.memref_slice %arg24[%dma_start3A_312, %dma_start3A_313] : memref<320x16xf32, #tpu.memory_space<vmem_shared>> -> memref<320x16xf32, #tpu.memory_space<vmem_shared>>
        tpu.enqueue_indirect_dma source(%dma_start3A_308 : memref<80x16xf32, #tpu.memory_space<vmem>>) target(%dma_start3A_314 : memref<320x16xf32, #tpu.memory_space<vmem_shared>>) offsets(%dma_start3A_311 : memref<80xi32, #tpu.memory_space<vmem>>) semaphore(%run_scoped3A_306 : memref<!tpu.dma_semaphore, #tpu.memory_space<semaphore_mem>>) {add = true}
        %dma_wait3A = arith.constant 0 : i32
        %dma_wait3A_315 = arith.constant 0 : i32
        %dma_wait3A_316 = tpu.memref_slice %arg15[%dma_wait3A, %dma_wait3A_315] : memref<320x16xf32, #tpu.memory_space<vmem>> -> memref<80x16xf32, #tpu.memory_space<vmem>>
        %dma_wait3A_317 = arith.constant 0 : i32
        %dma_wait3A_318 = tpu.memref_slice %arg21[%run_scoped3A, %dma_wait3A_317] : memref<4x80xi32, #tpu.memory_space<vmem>> -> memref<1x80xi32, #tpu.memory_space<vmem>>
        %dma_wait3A_319 = tpu.memref_squeeze %dma_wait3A_318 : memref<1x80xi32, #tpu.memory_space<vmem>> -> memref<80xi32, #tpu.memory_space<vmem>>
        %dma_wait3A_320 = arith.constant 0 : i32
        %dma_wait3A_321 = arith.constant 0 : i32
        %dma_wait3A_322 = tpu.memref_slice %arg24[%dma_wait3A_320, %dma_wait3A_321] : memref<320x16xf32, #tpu.memory_space<vmem_shared>> -> memref<320x16xf32, #tpu.memory_space<vmem_shared>>
        tpu.wait_indirect_dma semaphore(%run_scoped3A_306 : memref<!tpu.dma_semaphore, #tpu.memory_space<semaphore_mem>>) src(%dma_wait3A_316 : memref<80x16xf32, #tpu.memory_space<vmem>>) dst(%dma_wait3A_322 : memref<320x16xf32, #tpu.memory_space<vmem_shared>>)
        tpu.yield
      }) : () -> ()
      %run_scoped3A_244 = arith.constant 1 : i32
      "tpu.region"() ({
        %run_scoped3A_306 = tpu.sem_alloc : memref<!tpu.dma_semaphore, #tpu.memory_space<semaphore_mem>>
        %dma_start3A = arith.constant 80 : i32
        %dma_start3A_307 = arith.constant 0 : i32
        %dma_start3A_308 = tpu.memref_slice %arg15[%dma_start3A, %dma_start3A_307] : memref<320x16xf32, #tpu.memory_space<vmem>> -> memref<80x16xf32, #tpu.memory_space<vmem>>
        %dma_start3A_309 = arith.constant 0 : i32
        %dma_start3A_310 = tpu.memref_slice %arg21[%run_scoped3A_244, %dma_start3A_309] : memref<4x80xi32, #tpu.memory_space<vmem>> -> memref<1x80xi32, #tpu.memory_space<vmem>>
        %dma_start3A_311 = tpu.memref_squeeze %dma_start3A_310 : memref<1x80xi32, #tpu.memory_space<vmem>> -> memref<80xi32, #tpu.memory_space<vmem>>
        %dma_start3A_312 = arith.constant 0 : i32
        %dma_start3A_313 = arith.constant 0 : i32
        %dma_start3A_314 = tpu.memref_slice %arg24[%dma_start3A_312, %dma_start3A_313] : memref<320x16xf32, #tpu.memory_space<vmem_shared>> -> memref<320x16xf32, #tpu.memory_space<vmem_shared>>
        tpu.enqueue_indirect_dma source(%dma_start3A_308 : memref<80x16xf32, #tpu.memory_space<vmem>>) target(%dma_start3A_314 : memref<320x16xf32, #tpu.memory_space<vmem_shared>>) offsets(%dma_start3A_311 : memref<80xi32, #tpu.memory_space<vmem>>) semaphore(%run_scoped3A_306 : memref<!tpu.dma_semaphore, #tpu.memory_space<semaphore_mem>>) {add = true}
        %dma_wait3A = arith.constant 80 : i32
        %dma_wait3A_315 = arith.constant 0 : i32
        %dma_wait3A_316 = tpu.memref_slice %arg15[%dma_wait3A, %dma_wait3A_315] : memref<320x16xf32, #tpu.memory_space<vmem>> -> memref<80x16xf32, #tpu.memory_space<vmem>>
        %dma_wait3A_317 = arith.constant 0 : i32
        %dma_wait3A_318 = tpu.memref_slice %arg21[%run_scoped3A_244, %dma_wait3A_317] : memref<4x80xi32, #tpu.memory_space<vmem>> -> memref<1x80xi32, #tpu.memory_space<vmem>>
        %dma_wait3A_319 = tpu.memref_squeeze %dma_wait3A_318 : memref<1x80xi32, #tpu.memory_space<vmem>> -> memref<80xi32, #tpu.memory_space<vmem>>
        %dma_wait3A_320 = arith.constant 0 : i32
        %dma_wait3A_321 = arith.constant 0 : i32
        %dma_wait3A_322 = tpu.memref_slice %arg24[%dma_wait3A_320, %dma_wait3A_321] : memref<320x16xf32, #tpu.memory_space<vmem_shared>> -> memref<320x16xf32, #tpu.memory_space<vmem_shared>>
        tpu.wait_indirect_dma semaphore(%run_scoped3A_306 : memref<!tpu.dma_semaphore, #tpu.memory_space<semaphore_mem>>) src(%dma_wait3A_316 : memref<80x16xf32, #tpu.memory_space<vmem>>) dst(%dma_wait3A_322 : memref<320x16xf32, #tpu.memory_space<vmem_shared>>)
        tpu.yield
      }) : () -> ()
      %run_scoped3A_245 = arith.constant 2 : i32
      "tpu.region"() ({
        %run_scoped3A_306 = tpu.sem_alloc : memref<!tpu.dma_semaphore, #tpu.memory_space<semaphore_mem>>
        %dma_start3A = arith.constant 160 : i32
        %dma_start3A_307 = arith.constant 0 : i32
        %dma_start3A_308 = tpu.memref_slice %arg15[%dma_start3A, %dma_start3A_307] : memref<320x16xf32, #tpu.memory_space<vmem>> -> memref<80x16xf32, #tpu.memory_space<vmem>>
        %dma_start3A_309 = arith.constant 0 : i32
        %dma_start3A_310 = tpu.memref_slice %arg21[%run_scoped3A_245, %dma_start3A_309] : memref<4x80xi32, #tpu.memory_space<vmem>> -> memref<1x80xi32, #tpu.memory_space<vmem>>
        %dma_start3A_311 = tpu.memref_squeeze %dma_start3A_310 : memref<1x80xi32, #tpu.memory_space<vmem>> -> memref<80xi32, #tpu.memory_space<vmem>>
        %dma_start3A_312 = arith.constant 0 : i32
        %dma_start3A_313 = arith.constant 0 : i32
        %dma_start3A_314 = tpu.memref_slice %arg24[%dma_start3A_312, %dma_start3A_313] : memref<320x16xf32, #tpu.memory_space<vmem_shared>> -> memref<320x16xf32, #tpu.memory_space<vmem_shared>>
        tpu.enqueue_indirect_dma source(%dma_start3A_308 : memref<80x16xf32, #tpu.memory_space<vmem>>) target(%dma_start3A_314 : memref<320x16xf32, #tpu.memory_space<vmem_shared>>) offsets(%dma_start3A_311 : memref<80xi32, #tpu.memory_space<vmem>>) semaphore(%run_scoped3A_306 : memref<!tpu.dma_semaphore, #tpu.memory_space<semaphore_mem>>) {add = true}
        %dma_wait3A = arith.constant 160 : i32
        %dma_wait3A_315 = arith.constant 0 : i32
        %dma_wait3A_316 = tpu.memref_slice %arg15[%dma_wait3A, %dma_wait3A_315] : memref<320x16xf32, #tpu.memory_space<vmem>> -> memref<80x16xf32, #tpu.memory_space<vmem>>
        %dma_wait3A_317 = arith.constant 0 : i32
        %dma_wait3A_318 = tpu.memref_slice %arg21[%run_scoped3A_245, %dma_wait3A_317] : memref<4x80xi32, #tpu.memory_space<vmem>> -> memref<1x80xi32, #tpu.memory_space<vmem>>
        %dma_wait3A_319 = tpu.memref_squeeze %dma_wait3A_318 : memref<1x80xi32, #tpu.memory_space<vmem>> -> memref<80xi32, #tpu.memory_space<vmem>>
        %dma_wait3A_320 = arith.constant 0 : i32
        %dma_wait3A_321 = arith.constant 0 : i32
        %dma_wait3A_322 = tpu.memref_slice %arg24[%dma_wait3A_320, %dma_wait3A_321] : memref<320x16xf32, #tpu.memory_space<vmem_shared>> -> memref<320x16xf32, #tpu.memory_space<vmem_shared>>
        tpu.wait_indirect_dma semaphore(%run_scoped3A_306 : memref<!tpu.dma_semaphore, #tpu.memory_space<semaphore_mem>>) src(%dma_wait3A_316 : memref<80x16xf32, #tpu.memory_space<vmem>>) dst(%dma_wait3A_322 : memref<320x16xf32, #tpu.memory_space<vmem_shared>>)
        tpu.yield
      }) : () -> ()
      %run_scoped3A_246 = arith.constant 3 : i32
      "tpu.region"() ({
        %run_scoped3A_306 = tpu.sem_alloc : memref<!tpu.dma_semaphore, #tpu.memory_space<semaphore_mem>>
        %dma_start3A = arith.constant 240 : i32
        %dma_start3A_307 = arith.constant 0 : i32
        %dma_start3A_308 = tpu.memref_slice %arg15[%dma_start3A, %dma_start3A_307] : memref<320x16xf32, #tpu.memory_space<vmem>> -> memref<80x16xf32, #tpu.memory_space<vmem>>
        %dma_start3A_309 = arith.constant 0 : i32
        %dma_start3A_310 = tpu.memref_slice %arg21[%run_scoped3A_246, %dma_start3A_309] : memref<4x80xi32, #tpu.memory_space<vmem>> -> memref<1x80xi32, #tpu.memory_space<vmem>>
        %dma_start3A_311 = tpu.memref_squeeze %dma_start3A_310 : memref<1x80xi32, #tpu.memory_space<vmem>> -> memref<80xi32, #tpu.memory_space<vmem>>
        %dma_start3A_312 = arith.constant 0 : i32
        %dma_start3A_313 = arith.constant 0 : i32
        %dma_start3A_314 = tpu.memref_slice %arg24[%dma_start3A_312, %dma_start3A_313] : memref<320x16xf32, #tpu.memory_space<vmem_shared>> -> memref<320x16xf32, #tpu.memory_space<vmem_shared>>
        tpu.enqueue_indirect_dma source(%dma_start3A_308 : memref<80x16xf32, #tpu.memory_space<vmem>>) target(%dma_start3A_314 : memref<320x16xf32, #tpu.memory_space<vmem_shared>>) offsets(%dma_start3A_311 : memref<80xi32, #tpu.memory_space<vmem>>) semaphore(%run_scoped3A_306 : memref<!tpu.dma_semaphore, #tpu.memory_space<semaphore_mem>>) {add = true}
        %dma_wait3A = arith.constant 240 : i32
        %dma_wait3A_315 = arith.constant 0 : i32
        %dma_wait3A_316 = tpu.memref_slice %arg15[%dma_wait3A, %dma_wait3A_315] : memref<320x16xf32, #tpu.memory_space<vmem>> -> memref<80x16xf32, #tpu.memory_space<vmem>>
        %dma_wait3A_317 = arith.constant 0 : i32
        %dma_wait3A_318 = tpu.memref_slice %arg21[%run_scoped3A_246, %dma_wait3A_317] : memref<4x80xi32, #tpu.memory_space<vmem>> -> memref<1x80xi32, #tpu.memory_space<vmem>>
        %dma_wait3A_319 = tpu.memref_squeeze %dma_wait3A_318 : memref<1x80xi32, #tpu.memory_space<vmem>> -> memref<80xi32, #tpu.memory_space<vmem>>
        %dma_wait3A_320 = arith.constant 0 : i32
        %dma_wait3A_321 = arith.constant 0 : i32
        %dma_wait3A_322 = tpu.memref_slice %arg24[%dma_wait3A_320, %dma_wait3A_321] : memref<320x16xf32, #tpu.memory_space<vmem_shared>> -> memref<320x16xf32, #tpu.memory_space<vmem_shared>>
        tpu.wait_indirect_dma semaphore(%run_scoped3A_306 : memref<!tpu.dma_semaphore, #tpu.memory_space<semaphore_mem>>) src(%dma_wait3A_316 : memref<80x16xf32, #tpu.memory_space<vmem>>) dst(%dma_wait3A_322 : memref<320x16xf32, #tpu.memory_space<vmem_shared>>)
        tpu.yield
      }) : () -> ()
      %barrier3A_247 = arith.constant 0 : index
      tpu.barrier barrier_id(%barrier3A_247)
      %eq3A_248 = arith.constant 1 : i32
      %eq3A_249 = arith.cmpi eq, %arg1, %eq3A_248 : i32
      %convert_element_type3A_250 = arith.extui %eq3A_249 : i1 to i32
      %cond3A_251 = arith.constant 0 : i32
      %cond3A_252 = arith.cmpi ne, %convert_element_type3A_250, %cond3A_251 : i32
      scf.if %cond3A_252 {
        "tpu.region"() ({
          %run_scoped3A_306 = tpu.sem_alloc : memref<!tpu.dma_semaphore, #tpu.memory_space<semaphore_mem>>
          %dma_start3A = arith.constant 0 : i32
          %dma_start3A_307 = arith.constant 0 : i32
          %dma_start3A_308 = tpu.memref_slice %arg9[%add3A_194, %dma_start3A, %dma_start3A_307] : memref<8x320x16xf32, #tpu.memory_space<hbm>> -> memref<1x320x16xf32, #tpu.memory_space<hbm>>
          %dma_start3A_309 = tpu.memref_squeeze %dma_start3A_308 : memref<1x320x16xf32, #tpu.memory_space<hbm>> -> memref<320x16xf32, #tpu.memory_space<hbm>>
          tpu.enqueue_dma source(%arg24 : memref<320x16xf32, #tpu.memory_space<vmem_shared>>) target(%dma_start3A_309 : memref<320x16xf32, #tpu.memory_space<hbm>>) target_semaphore(%run_scoped3A_306 : memref<!tpu.dma_semaphore, #tpu.memory_space<semaphore_mem>>)
          %dma_wait3A = arith.constant 0 : i32
          %dma_wait3A_310 = arith.constant 0 : i32
          %dma_wait3A_311 = tpu.memref_slice %arg9[%add3A_194, %dma_wait3A, %dma_wait3A_310] : memref<8x320x16xf32, #tpu.memory_space<hbm>> -> memref<1x320x16xf32, #tpu.memory_space<hbm>>
          %dma_wait3A_312 = tpu.memref_squeeze %dma_wait3A_311 : memref<1x320x16xf32, #tpu.memory_space<hbm>> -> memref<320x16xf32, #tpu.memory_space<hbm>>
          tpu.wait_dma2 semaphore(%run_scoped3A_306 : memref<!tpu.dma_semaphore, #tpu.memory_space<semaphore_mem>>) src(%arg24 : memref<320x16xf32, #tpu.memory_space<vmem_shared>>) dst(%dma_wait3A_312 : memref<320x16xf32, #tpu.memory_space<hbm>>)
          tpu.yield
        }) : () -> ()
      } else {
      }
      "tpu.region"() ({
        %run_scoped3A_306 = tpu.sem_alloc : memref<!tpu.dma_semaphore, #tpu.memory_space<semaphore_mem>>
        tpu.enqueue_dma source(%arg24 : memref<320x16xf32, #tpu.memory_space<vmem_shared>>) target(%arg20 : memref<320x16xf32, #tpu.memory_space<vmem>>) target_semaphore(%run_scoped3A_306 : memref<!tpu.dma_semaphore, #tpu.memory_space<semaphore_mem>>)
        tpu.wait_dma2 semaphore(%run_scoped3A_306 : memref<!tpu.dma_semaphore, #tpu.memory_space<semaphore_mem>>) src(%arg24 : memref<320x16xf32, #tpu.memory_space<vmem_shared>>) dst(%arg20 : memref<320x16xf32, #tpu.memory_space<vmem>>)
        tpu.yield
      }) : () -> ()
      %mul3A_253 = arith.constant 5000 : i32
      %mul3A_254 = arith.muli %add3A_194, %mul3A_253 : i32
      "tpu.region"() ({
        %run_scoped3A_306 = tpu.sem_alloc : memref<!tpu.dma_semaphore, #tpu.memory_space<semaphore_mem>>
        %dma_start3A = arith.constant 0 : i32
        %dma_start3A_307 = tpu.memref_slice %arg22[%dma_start3A] : memref<5120xf32, #tpu.memory_space<vmem>> -> memref<5000xf32, #tpu.memory_space<vmem>>
        %dma_start3A_308 = tpu.memref_slice %arg5[%mul3A_254] : memref<40000xf32, #tpu.memory_space<hbm>> -> memref<5000xf32, #tpu.memory_space<hbm>>
        %dma_start3A_309 = arith.constant 0 : i32
        %dma_start3A_310 = tpu.memref_slice %arg22[%dma_start3A_309] : memref<5120xf32, #tpu.memory_space<vmem>> -> memref<5000xf32, #tpu.memory_space<vmem>>
        %dma_start3A_311 = tpu.memref_slice %arg5[%mul3A_254] : memref<40000xf32, #tpu.memory_space<hbm>> -> memref<5000xf32, #tpu.memory_space<hbm>>
        tpu.enqueue_dma source(%dma_start3A_311 : memref<5000xf32, #tpu.memory_space<hbm>>) target(%dma_start3A_310 : memref<5000xf32, #tpu.memory_space<vmem>>) target_semaphore(%run_scoped3A_306 : memref<!tpu.dma_semaphore, #tpu.memory_space<semaphore_mem>>)
        %dma_wait3A = arith.constant 0 : i32
        %dma_wait3A_312 = tpu.memref_slice %arg22[%dma_wait3A] : memref<5120xf32, #tpu.memory_space<vmem>> -> memref<5000xf32, #tpu.memory_space<vmem>>
        %dma_wait3A_313 = tpu.memref_slice %arg5[%mul3A_254] : memref<40000xf32, #tpu.memory_space<hbm>> -> memref<5000xf32, #tpu.memory_space<hbm>>
        %dma_wait3A_314 = arith.constant 0 : i32
        %dma_wait3A_315 = tpu.memref_slice %arg22[%dma_wait3A_314] : memref<5120xf32, #tpu.memory_space<vmem>> -> memref<5000xf32, #tpu.memory_space<vmem>>
        %dma_wait3A_316 = tpu.memref_slice %arg5[%mul3A_254] : memref<40000xf32, #tpu.memory_space<hbm>> -> memref<5000xf32, #tpu.memory_space<hbm>>
        tpu.wait_dma2 semaphore(%run_scoped3A_306 : memref<!tpu.dma_semaphore, #tpu.memory_space<semaphore_mem>>) src(%dma_wait3A_316 : memref<5000xf32, #tpu.memory_space<hbm>>) dst(%dma_wait3A_315 : memref<5000xf32, #tpu.memory_space<vmem>>)
        tpu.yield
      }) : () -> ()
      %while3A_255 = arith.constant 0 : i32
      %while3A_256 = arith.constant 0 : i32
      %while3A_257 = arith.constant 313 : i32
      %while3A_258 = arith.subi %while3A_257, %while3A_256 : i32
      %while3A_259 = arith.addi %while3A_256, %while3A_258 : i32
      %while3A_260 = arith.constant 1 : i32
      %while3A_261 = arith.divsi %while3A_258, %while3A_260 : i32
      %while3A_262 = arith.muli %while3A_261, %while3A_260 : i32
      %while3A_263 = arith.addi %while3A_256, %while3A_262 : i32
      %while3A_264 = arith.constant 1 : i32
      scf.for %while3A_306 = %while3A_256 to %while3A_263 step %while3A_264  : i32 {
        %get3A = arith.index_cast %while3A_306 : i32 to index
        %get3A_307 = arith.constant 0 : index
        %get3A_308 = tpu.vector_load %arg20[%get3A, %get3A_307] {strides = array<i32>} : memref<320x16xf32, #tpu.memory_space<vmem>>, vector<16xf32>,
        %mul3A_309 = arith.constant 16 : i32
        %mul3A_310 = arith.muli %while3A_306, %mul3A_309 : i32
        %get3A_311 = arith.index_cast %mul3A_310 : i32 to index
        %get3A_312 = tpu.vector_load %arg22[%get3A_311] {strides = array<i32>} : memref<5120xf32, #tpu.memory_space<vmem>>, vector<16xf32>,
        %add3A_313 = arith.addf %get3A_308, %get3A_312 : vector<16xf32>
        %swap3A_314 = arith.index_cast %while3A_306 : i32 to index
        %swap3A_315 = arith.constant 0 : index
        %swap3A_316 = tpu.vector_load %arg20[%swap3A_314, %swap3A_315] {strides = array<i32>} : memref<320x16xf32, #tpu.memory_space<vmem>>, vector<16xf32>,
        tpu.vector_store %arg20[%swap3A_314, %swap3A_315], %add3A_313 {strides = array<i32>} : memref<320x16xf32, #tpu.memory_space<vmem>>, vector<16xf32>,
      }
      %while3A_265 = arith.constant 1 : i32
      scf.for %while3A_306 = %while3A_263 to %while3A_259 step %while3A_265  : i32 {
        %get3A = arith.index_cast %while3A_306 : i32 to index
        %get3A_307 = arith.constant 0 : index
        %get3A_308 = tpu.vector_load %arg20[%get3A, %get3A_307] {strides = array<i32>} : memref<320x16xf32, #tpu.memory_space<vmem>>, vector<16xf32>,
        %mul3A_309 = arith.constant 16 : i32
        %mul3A_310 = arith.muli %while3A_306, %mul3A_309 : i32
        %get3A_311 = arith.index_cast %mul3A_310 : i32 to index
        %get3A_312 = tpu.vector_load %arg22[%get3A_311] {strides = array<i32>} : memref<5120xf32, #tpu.memory_space<vmem>>, vector<16xf32>,
        %add3A_313 = arith.addf %get3A_308, %get3A_312 : vector<16xf32>
        %swap3A_314 = arith.index_cast %while3A_306 : i32 to index
        %swap3A_315 = arith.constant 0 : index
        %swap3A_316 = tpu.vector_load %arg20[%swap3A_314, %swap3A_315] {strides = array<i32>} : memref<320x16xf32, #tpu.memory_space<vmem>>, vector<16xf32>,
        tpu.vector_store %arg20[%swap3A_314, %swap3A_315], %add3A_313 {strides = array<i32>} : memref<320x16xf32, #tpu.memory_space<vmem>>, vector<16xf32>,
      }
      %add3A_266 = arith.constant 31 : i32
      %add3A_267 = arith.addi %while3A_232, %add3A_266 : i32
      %jit3A = arith.constant 32 : i32
      %div3A = arith.divsi %add3A_267, %jit3A : i32
      %sign3A = arith.constant 0 : i32
      %sign3A_268 = arith.cmpi sgt, %add3A_267, %sign3A : i32
      %sign3A_269 = arith.extui %sign3A_268 : i1 to i32
      %sign3A_270 = arith.constant 0 : i32
      %sign3A_271 = arith.cmpi slt, %add3A_267, %sign3A_270 : i32
      %sign3A_272 = arith.extui %sign3A_271 : i1 to i32
      %sign3A_273 = arith.subi %sign3A_269, %sign3A_272 : i32
      %sign3A_274 = arith.constant 0 : i32
      %sign3A_275 = arith.cmpi sgt, %jit3A, %sign3A_274 : i32
      %sign3A_276 = arith.extui %sign3A_275 : i1 to i32
      %sign3A_277 = arith.constant 0 : i32
      %sign3A_278 = arith.cmpi slt, %jit3A, %sign3A_277 : i32
      %sign3A_279 = arith.extui %sign3A_278 : i1 to i32
      %sign3A_280 = arith.subi %sign3A_276, %sign3A_279 : i32
      %ne3A = arith.cmpi ne, %sign3A_273, %sign3A_280 : i32
      %rem3A = arith.remsi %add3A_267, %jit3A : i32
      %ne3A_281 = arith.constant 0 : i32
      %ne3A_282 = arith.cmpi ne, %rem3A, %ne3A_281 : i32
      %and3A = arith.andi %ne3A, %ne3A_282 : i1
      %sub3A = arith.constant 1 : i32
      %sub3A_283 = arith.subi %div3A, %sub3A : i32
      %select_n3A = arith.select %and3A, %sub3A_283, %div3A : i32
      %while3A_284 = arith.constant 0 : i32
      %while3A_285 = arith.constant 0 : i32
      %while3A_286 = arith.subi %select_n3A, %while3A_285 : i32
      %while3A_287 = arith.addi %while3A_285, %while3A_286 : i32
      %while3A_288 = arith.constant 1 : i32
      %while3A_289 = arith.divsi %while3A_286, %while3A_288 : i32
      %while3A_290 = arith.muli %while3A_289, %while3A_288 : i32
      %while3A_291 = arith.addi %while3A_285, %while3A_290 : i32
      %while3A_292 = arith.constant 1 : i32
      scf.for %while3A_306 = %while3A_285 to %while3A_291 step %while3A_292  : i32 {
        %min3A = arith.minsi %while3A_306, %select_n3A : i32
        %mul3A_307 = arith.constant 32 : i32
        %mul3A_308 = arith.muli %min3A, %mul3A_307 : i32
        %dma_start3A = tpu.memref_slice %arg12[%mul3A_308] : memref<2624xi32, #tpu.memory_space<vmem>> -> memref<32xi32, #tpu.memory_space<vmem>>
        %dma_start3A_309 = arith.constant 0 : i32
        %dma_start3A_310 = arith.constant 0 : i32
        %dma_start3A_311 = tpu.memref_slice %arg7[%dma_start3A_309, %dma_start3A_310] : memref<40000x256xf32, #tpu.memory_space<hbm>> -> memref<40000x256xf32, #tpu.memory_space<hbm>>
        tpu.enqueue_indirect_dma source(%dma_start3A_311 : memref<40000x256xf32, #tpu.memory_space<hbm>>) target(%arg17 : memref<32x256xf32, #tpu.memory_space<vmem>>) offsets(%dma_start3A : memref<32xi32, #tpu.memory_space<vmem>>) semaphore(%arg25 : memref<!tpu.dma_semaphore, #tpu.memory_space<semaphore_mem>>)
        %mul3A_312 = arith.constant 32 : i32
        %mul3A_313 = arith.muli %while3A_306, %mul3A_312 : i32
        %while3A_314 = arith.constant 0 : i32
        %while3A_315 = arith.constant 0 : i32
        %while3A_316 = arith.constant 2 : i32
        %while3A_317 = arith.subi %while3A_316, %while3A_315 : i32
        %while3A_318 = arith.addi %while3A_315, %while3A_317 : i32
        %while3A_319 = arith.constant 1 : i32
        %while3A_320 = arith.divsi %while3A_317, %while3A_319 : i32
        %while3A_321 = arith.muli %while3A_320, %while3A_319 : i32
        %while3A_322 = arith.addi %while3A_315, %while3A_321 : i32
        %while3A_323 = arith.constant 1 : i32
        scf.for %while3A_341 = %while3A_315 to %while3A_322 step %while3A_323  : i32 {
          %mul3A_342 = arith.constant 16 : i32
          %mul3A_343 = arith.muli %while3A_341, %mul3A_342 : i32
          %add3A_344 = arith.addi %mul3A_313, %mul3A_343 : i32
          %get3A = arith.index_cast %add3A_344 : i32 to index
          %get3A_345 = tpu.vector_load %arg13[%get3A] {strides = array<i32>} : memref<2624xi32, #tpu.memory_space<vmem>>, vector<16xi32>,
          %shift_right_logical3A = arith.constant 4 : i32
          %shift_right_logical3A_346 = vector.broadcast %shift_right_logical3A : i32 to vector<16xi32>
          %shift_right_logical3A_347 = arith.shrui %get3A_345, %shift_right_logical3A_346 : vector<16xi32>
          %and3A_348 = arith.constant 15 : i32
          %and3A_349 = vector.broadcast %and3A_348 : i32 to vector<16xi32>
          %and3A_350 = arith.andi %get3A_345, %and3A_349 : vector<16xi32>
          %gather3A = tpu.vector_load_idx %arg20[%shift_right_logical3A_347, %and3A_350] : memref<320x16xf32, #tpu.memory_space<vmem>>[vector<16xi32>, vector<16xi32>], vector<16xf32>,
          %get3A_351 = arith.index_cast %add3A_344 : i32 to index
          %get3A_352 = tpu.vector_load %arg14[%get3A_351] {strides = array<i32>} : memref<2624xf32, #tpu.memory_space<vmem>>, vector<16xf32>,
          %div3A_353 = arith.divf %get3A_352, %gather3A : vector<16xf32>
          %mul3A_354 = arith.constant 16 : i32
          %mul3A_355 = arith.muli %while3A_341, %mul3A_354 : i32
          %swap3A_356 = arith.index_cast %mul3A_355 : i32 to index
          %swap3A_357 = tpu.vector_load %arg18[%swap3A_356] {strides = array<i32>} : memref<32xf32, #tpu.memory_space<vmem>>, vector<16xf32>,
          tpu.vector_store %arg18[%swap3A_356], %div3A_353 {strides = array<i32>} : memref<32xf32, #tpu.memory_space<vmem>>, vector<16xf32>,
          %shift_right_logical3A_358 = arith.constant 2 : i32
          %shift_right_logical3A_359 = vector.broadcast %shift_right_logical3A_358 : i32 to vector<16xi32>
          %shift_right_logical3A_360 = arith.shrui %get3A_345, %shift_right_logical3A_359 : vector<16xi32>
          %mul3A_361 = arith.constant 16 : i32
          %mul3A_362 = arith.muli %while3A_341, %mul3A_361 : i32
          %swap3A_363 = arith.index_cast %mul3A_362 : i32 to index
          %swap3A_364 = tpu.vector_load %arg19[%swap3A_363] {strides = array<i32>} : memref<32xi32, #tpu.memory_space<vmem>>, vector<16xi32>,
          tpu.vector_store %arg19[%swap3A_363], %shift_right_logical3A_360 {strides = array<i32>} : memref<32xi32, #tpu.memory_space<vmem>>, vector<16xi32>,
        }
        %while3A_324 = arith.constant 1 : i32
        scf.for %while3A_341 = %while3A_322 to %while3A_318 step %while3A_324  : i32 {
          %mul3A_342 = arith.constant 16 : i32
          %mul3A_343 = arith.muli %while3A_341, %mul3A_342 : i32
          %add3A_344 = arith.addi %mul3A_313, %mul3A_343 : i32
          %get3A = arith.index_cast %add3A_344 : i32 to index
          %get3A_345 = tpu.vector_load %arg13[%get3A] {strides = array<i32>} : memref<2624xi32, #tpu.memory_space<vmem>>, vector<16xi32>,
          %shift_right_logical3A = arith.constant 4 : i32
          %shift_right_logical3A_346 = vector.broadcast %shift_right_logical3A : i32 to vector<16xi32>
          %shift_right_logical3A_347 = arith.shrui %get3A_345, %shift_right_logical3A_346 : vector<16xi32>
          %and3A_348 = arith.constant 15 : i32
          %and3A_349 = vector.broadcast %and3A_348 : i32 to vector<16xi32>
          %and3A_350 = arith.andi %get3A_345, %and3A_349 : vector<16xi32>
          %gather3A = tpu.vector_load_idx %arg20[%shift_right_logical3A_347, %and3A_350] : memref<320x16xf32, #tpu.memory_space<vmem>>[vector<16xi32>, vector<16xi32>], vector<16xf32>,
          %get3A_351 = arith.index_cast %add3A_344 : i32 to index
          %get3A_352 = tpu.vector_load %arg14[%get3A_351] {strides = array<i32>} : memref<2624xf32, #tpu.memory_space<vmem>>, vector<16xf32>,
          %div3A_353 = arith.divf %get3A_352, %gather3A : vector<16xf32>
          %mul3A_354 = arith.constant 16 : i32
          %mul3A_355 = arith.muli %while3A_341, %mul3A_354 : i32
          %swap3A_356 = arith.index_cast %mul3A_355 : i32 to index
          %swap3A_357 = tpu.vector_load %arg18[%swap3A_356] {strides = array<i32>} : memref<32xf32, #tpu.memory_space<vmem>>, vector<16xf32>,
          tpu.vector_store %arg18[%swap3A_356], %div3A_353 {strides = array<i32>} : memref<32xf32, #tpu.memory_space<vmem>>, vector<16xf32>,
          %shift_right_logical3A_358 = arith.constant 2 : i32
          %shift_right_logical3A_359 = vector.broadcast %shift_right_logical3A_358 : i32 to vector<16xi32>
          %shift_right_logical3A_360 = arith.shrui %get3A_345, %shift_right_logical3A_359 : vector<16xi32>
          %mul3A_361 = arith.constant 16 : i32
          %mul3A_362 = arith.muli %while3A_341, %mul3A_361 : i32
          %swap3A_363 = arith.index_cast %mul3A_362 : i32 to index
          %swap3A_364 = tpu.vector_load %arg19[%swap3A_363] {strides = array<i32>} : memref<32xi32, #tpu.memory_space<vmem>>, vector<16xi32>,
          tpu.vector_store %arg19[%swap3A_363], %shift_right_logical3A_360 {strides = array<i32>} : memref<32xi32, #tpu.memory_space<vmem>>, vector<16xi32>,
        }
        %dma_wait3A = arith.constant 0 : i32
        %dma_wait3A_325 = arith.constant 0 : i32
        %dma_wait3A_326 = tpu.memref_slice %arg7[%dma_wait3A, %dma_wait3A_325] : memref<40000x256xf32, #tpu.memory_space<hbm>> -> memref<32x256xf32, #tpu.memory_space<hbm>>
        %dma_wait3A_327 = arith.constant 0 : i32
        %dma_wait3A_328 = arith.constant 0 : i32
        %dma_wait3A_329 = tpu.memref_slice %arg7[%dma_wait3A_327, %dma_wait3A_328] : memref<40000x256xf32, #tpu.memory_space<hbm>> -> memref<32x256xf32, #tpu.memory_space<hbm>>
        tpu.wait_dma2 semaphore(%arg25 : memref<!tpu.dma_semaphore, #tpu.memory_space<semaphore_mem>>) src(%dma_wait3A_329 : memref<32x256xf32, #tpu.memory_space<hbm>>) dst(%arg17 : memref<32x256xf32, #tpu.memory_space<vmem>>)
        %while3A_330 = arith.constant 0 : i32
        %while3A_331 = arith.constant 0 : i32
        %while3A_332 = arith.constant 32 : i32
        %while3A_333 = arith.subi %while3A_332, %while3A_331 : i32
        %while3A_334 = arith.addi %while3A_331, %while3A_333 : i32
        %while3A_335 = arith.constant 1 : i32
        %while3A_336 = arith.divsi %while3A_333, %while3A_335 : i32
        %while3A_337 = arith.muli %while3A_336, %while3A_335 : i32
        %while3A_338 = arith.addi %while3A_331, %while3A_337 : i32
        %while3A_339 = arith.constant 1 : i32
        scf.for %while3A_341 = %while3A_331 to %while3A_338 step %while3A_339  : i32 {
          %add3A_342 = vector.broadcast %while3A_341 : i32 to vector<16xi32>
          %add3A_343 = arith.addi %broadcast_in_dim3A_2, %add3A_342 : vector<16xi32>
          %gather3A = tpu.vector_load_idx %arg18[%add3A_343] : memref<32xf32, #tpu.memory_space<vmem>>[vector<16xi32>], vector<16xf32>,
          %get3A = arith.index_cast %while3A_341 : i32 to index
          %get3A_344 = arith.constant 0 : index
          %get3A_345 = tpu.vector_load %arg17[%get3A, %get3A_344] {strides = array<i32>} : memref<32x256xf32, #tpu.memory_space<vmem>>, vector<16xf32>,
          %mul3A_346 = arith.mulf %get3A_345, %gather3A : vector<16xf32>
          %swap3A_347 = arith.index_cast %while3A_341 : i32 to index
          %swap3A_348 = arith.constant 0 : index
          %swap3A_349 = tpu.vector_load %arg17[%swap3A_347, %swap3A_348] {strides = array<i32>} : memref<32x256xf32, #tpu.memory_space<vmem>>, vector<16xf32>,
          tpu.vector_store %arg17[%swap3A_347, %swap3A_348], %mul3A_346 {strides = array<i32>} : memref<32x256xf32, #tpu.memory_space<vmem>>, vector<16xf32>,
          %get3A_350 = arith.index_cast %while3A_341 : i32 to index
          %get3A_351 = arith.constant 16 : index
          %get3A_352 = tpu.vector_load %arg17[%get3A_350, %get3A_351] {strides = array<i32>} : memref<32x256xf32, #tpu.memory_space<vmem>>, vector<16xf32>,
          %mul3A_353 = arith.mulf %get3A_352, %gather3A : vector<16xf32>
          %swap3A_354 = arith.index_cast %while3A_341 : i32 to index
          %swap3A_355 = arith.constant 16 : index
          %swap3A_356 = tpu.vector_load %arg17[%swap3A_354, %swap3A_355] {strides = array<i32>} : memref<32x256xf32, #tpu.memory_space<vmem>>, vector<16xf32>,
          tpu.vector_store %arg17[%swap3A_354, %swap3A_355], %mul3A_353 {strides = array<i32>} : memref<32x256xf32, #tpu.memory_space<vmem>>, vector<16xf32>,
          %get3A_357 = arith.index_cast %while3A_341 : i32 to index
          %get3A_358 = arith.constant 32 : index
          %get3A_359 = tpu.vector_load %arg17[%get3A_357, %get3A_358] {strides = array<i32>} : memref<32x256xf32, #tpu.memory_space<vmem>>, vector<16xf32>,
          %mul3A_360 = arith.mulf %get3A_359, %gather3A : vector<16xf32>
          %swap3A_361 = arith.index_cast %while3A_341 : i32 to index
          %swap3A_362 = arith.constant 32 : index
          %swap3A_363 = tpu.vector_load %arg17[%swap3A_361, %swap3A_362] {strides = array<i32>} : memref<32x256xf32, #tpu.memory_space<vmem>>, vector<16xf32>,
          tpu.vector_store %arg17[%swap3A_361, %swap3A_362], %mul3A_360 {strides = array<i32>} : memref<32x256xf32, #tpu.memory_space<vmem>>, vector<16xf32>,
          %get3A_364 = arith.index_cast %while3A_341 : i32 to index
          %get3A_365 = arith.constant 48 : index
          %get3A_366 = tpu.vector_load %arg17[%get3A_364, %get3A_365] {strides = array<i32>} : memref<32x256xf32, #tpu.memory_space<vmem>>, vector<16xf32>,
          %mul3A_367 = arith.mulf %get3A_366, %gather3A : vector<16xf32>
          %swap3A_368 = arith.index_cast %while3A_341 : i32 to index
          %swap3A_369 = arith.constant 48 : index
          %swap3A_370 = tpu.vector_load %arg17[%swap3A_368, %swap3A_369] {strides = array<i32>} : memref<32x256xf32, #tpu.memory_space<vmem>>, vector<16xf32>,
          tpu.vector_store %arg17[%swap3A_368, %swap3A_369], %mul3A_367 {strides = array<i32>} : memref<32x256xf32, #tpu.memory_space<vmem>>, vector<16xf32>,
          %get3A_371 = arith.index_cast %while3A_341 : i32 to index
          %get3A_372 = arith.constant 64 : index
          %get3A_373 = tpu.vector_load %arg17[%get3A_371, %get3A_372] {strides = array<i32>} : memref<32x256xf32, #tpu.memory_space<vmem>>, vector<16xf32>,
          %mul3A_374 = arith.mulf %get3A_373, %gather3A : vector<16xf32>
          %swap3A_375 = arith.index_cast %while3A_341 : i32 to index
          %swap3A_376 = arith.constant 64 : index
          %swap3A_377 = tpu.vector_load %arg17[%swap3A_375, %swap3A_376] {strides = array<i32>} : memref<32x256xf32, #tpu.memory_space<vmem>>, vector<16xf32>,
          tpu.vector_store %arg17[%swap3A_375, %swap3A_376], %mul3A_374 {strides = array<i32>} : memref<32x256xf32, #tpu.memory_space<vmem>>, vector<16xf32>,
          %get3A_378 = arith.index_cast %while3A_341 : i32 to index
          %get3A_379 = arith.constant 80 : index
          %get3A_380 = tpu.vector_load %arg17[%get3A_378, %get3A_379] {strides = array<i32>} : memref<32x256xf32, #tpu.memory_space<vmem>>, vector<16xf32>,
          %mul3A_381 = arith.mulf %get3A_380, %gather3A : vector<16xf32>
          %swap3A_382 = arith.index_cast %while3A_341 : i32 to index
          %swap3A_383 = arith.constant 80 : index
          %swap3A_384 = tpu.vector_load %arg17[%swap3A_382, %swap3A_383] {strides = array<i32>} : memref<32x256xf32, #tpu.memory_space<vmem>>, vector<16xf32>,
          tpu.vector_store %arg17[%swap3A_382, %swap3A_383], %mul3A_381 {strides = array<i32>} : memref<32x256xf32, #tpu.memory_space<vmem>>, vector<16xf32>,
          %get3A_385 = arith.index_cast %while3A_341 : i32 to index
          %get3A_386 = arith.constant 96 : index
          %get3A_387 = tpu.vector_load %arg17[%get3A_385, %get3A_386] {strides = array<i32>} : memref<32x256xf32, #tpu.memory_space<vmem>>, vector<16xf32>,
          %mul3A_388 = arith.mulf %get3A_387, %gather3A : vector<16xf32>
          %swap3A_389 = arith.index_cast %while3A_341 : i32 to index
          %swap3A_390 = arith.constant 96 : index
          %swap3A_391 = tpu.vector_load %arg17[%swap3A_389, %swap3A_390] {strides = array<i32>} : memref<32x256xf32, #tpu.memory_space<vmem>>, vector<16xf32>,
          tpu.vector_store %arg17[%swap3A_389, %swap3A_390], %mul3A_388 {strides = array<i32>} : memref<32x256xf32, #tpu.memory_space<vmem>>, vector<16xf32>,
          %get3A_392 = arith.index_cast %while3A_341 : i32 to index
          %get3A_393 = arith.constant 112 : index
          %get3A_394 = tpu.vector_load %arg17[%get3A_392, %get3A_393] {strides = array<i32>} : memref<32x256xf32, #tpu.memory_space<vmem>>, vector<16xf32>,
          %mul3A_395 = arith.mulf %get3A_394, %gather3A : vector<16xf32>
          %swap3A_396 = arith.index_cast %while3A_341 : i32 to index
          %swap3A_397 = arith.constant 112 : index
          %swap3A_398 = tpu.vector_load %arg17[%swap3A_396, %swap3A_397] {strides = array<i32>} : memref<32x256xf32, #tpu.memory_space<vmem>>, vector<16xf32>,
          tpu.vector_store %arg17[%swap3A_396, %swap3A_397], %mul3A_395 {strides = array<i32>} : memref<32x256xf32, #tpu.memory_space<vmem>>, vector<16xf32>,
          %get3A_399 = arith.index_cast %while3A_341 : i32 to index
          %get3A_400 = arith.constant 128 : index
          %get3A_401 = tpu.vector_load %arg17[%get3A_399, %get3A_400] {strides = array<i32>} : memref<32x256xf32, #tpu.memory_space<vmem>>, vector<16xf32>,
          %mul3A_402 = arith.mulf %get3A_401, %gather3A : vector<16xf32>
          %swap3A_403 = arith.index_cast %while3A_341 : i32 to index
          %swap3A_404 = arith.constant 128 : index
          %swap3A_405 = tpu.vector_load %arg17[%swap3A_403, %swap3A_404] {strides = array<i32>} : memref<32x256xf32, #tpu.memory_space<vmem>>, vector<16xf32>,
          tpu.vector_store %arg17[%swap3A_403, %swap3A_404], %mul3A_402 {strides = array<i32>} : memref<32x256xf32, #tpu.memory_space<vmem>>, vector<16xf32>,
          %get3A_406 = arith.index_cast %while3A_341 : i32 to index
          %get3A_407 = arith.constant 144 : index
          %get3A_408 = tpu.vector_load %arg17[%get3A_406, %get3A_407] {strides = array<i32>} : memref<32x256xf32, #tpu.memory_space<vmem>>, vector<16xf32>,
          %mul3A_409 = arith.mulf %get3A_408, %gather3A : vector<16xf32>
          %swap3A_410 = arith.index_cast %while3A_341 : i32 to index
          %swap3A_411 = arith.constant 144 : index
          %swap3A_412 = tpu.vector_load %arg17[%swap3A_410, %swap3A_411] {strides = array<i32>} : memref<32x256xf32, #tpu.memory_space<vmem>>, vector<16xf32>,
          tpu.vector_store %arg17[%swap3A_410, %swap3A_411], %mul3A_409 {strides = array<i32>} : memref<32x256xf32, #tpu.memory_space<vmem>>, vector<16xf32>,
          %get3A_413 = arith.index_cast %while3A_341 : i32 to index
          %get3A_414 = arith.constant 160 : index
          %get3A_415 = tpu.vector_load %arg17[%get3A_413, %get3A_414] {strides = array<i32>} : memref<32x256xf32, #tpu.memory_space<vmem>>, vector<16xf32>,
          %mul3A_416 = arith.mulf %get3A_415, %gather3A : vector<16xf32>
          %swap3A_417 = arith.index_cast %while3A_341 : i32 to index
          %swap3A_418 = arith.constant 160 : index
          %swap3A_419 = tpu.vector_load %arg17[%swap3A_417, %swap3A_418] {strides = array<i32>} : memref<32x256xf32, #tpu.memory_space<vmem>>, vector<16xf32>,
          tpu.vector_store %arg17[%swap3A_417, %swap3A_418], %mul3A_416 {strides = array<i32>} : memref<32x256xf32, #tpu.memory_space<vmem>>, vector<16xf32>,
          %get3A_420 = arith.index_cast %while3A_341 : i32 to index
          %get3A_421 = arith.constant 176 : index
          %get3A_422 = tpu.vector_load %arg17[%get3A_420, %get3A_421] {strides = array<i32>} : memref<32x256xf32, #tpu.memory_space<vmem>>, vector<16xf32>,
          %mul3A_423 = arith.mulf %get3A_422, %gather3A : vector<16xf32>
          %swap3A_424 = arith.index_cast %while3A_341 : i32 to index
          %swap3A_425 = arith.constant 176 : index
          %swap3A_426 = tpu.vector_load %arg17[%swap3A_424, %swap3A_425] {strides = array<i32>} : memref<32x256xf32, #tpu.memory_space<vmem>>, vector<16xf32>,
          tpu.vector_store %arg17[%swap3A_424, %swap3A_425], %mul3A_423 {strides = array<i32>} : memref<32x256xf32, #tpu.memory_space<vmem>>, vector<16xf32>,
          %get3A_427 = arith.index_cast %while3A_341 : i32 to index
          %get3A_428 = arith.constant 192 : index
          %get3A_429 = tpu.vector_load %arg17[%get3A_427, %get3A_428] {strides = array<i32>} : memref<32x256xf32, #tpu.memory_space<vmem>>, vector<16xf32>,
          %mul3A_430 = arith.mulf %get3A_429, %gather3A : vector<16xf32>
          %swap3A_431 = arith.index_cast %while3A_341 : i32 to index
          %swap3A_432 = arith.constant 192 : index
          %swap3A_433 = tpu.vector_load %arg17[%swap3A_431, %swap3A_432] {strides = array<i32>} : memref<32x256xf32, #tpu.memory_space<vmem>>, vector<16xf32>,
          tpu.vector_store %arg17[%swap3A_431, %swap3A_432], %mul3A_430 {strides = array<i32>} : memref<32x256xf32, #tpu.memory_space<vmem>>, vector<16xf32>,
          %get3A_434 = arith.index_cast %while3A_341 : i32 to index
          %get3A_435 = arith.constant 208 : index
          %get3A_436 = tpu.vector_load %arg17[%get3A_434, %get3A_435] {strides = array<i32>} : memref<32x256xf32, #tpu.memory_space<vmem>>, vector<16xf32>,
          %mul3A_437 = arith.mulf %get3A_436, %gather3A : vector<16xf32>
          %swap3A_438 = arith.index_cast %while3A_341 : i32 to index
          %swap3A_439 = arith.constant 208 : index
          %swap3A_440 = tpu.vector_load %arg17[%swap3A_438, %swap3A_439] {strides = array<i32>} : memref<32x256xf32, #tpu.memory_space<vmem>>, vector<16xf32>,
          tpu.vector_store %arg17[%swap3A_438, %swap3A_439], %mul3A_437 {strides = array<i32>} : memref<32x256xf32, #tpu.memory_space<vmem>>, vector<16xf32>,
          %get3A_441 = arith.index_cast %while3A_341 : i32 to index
          %get3A_442 = arith.constant 224 : index
          %get3A_443 = tpu.vector_load %arg17[%get3A_441, %get3A_442] {strides = array<i32>} : memref<32x256xf32, #tpu.memory_space<vmem>>, vector<16xf32>,
          %mul3A_444 = arith.mulf %get3A_443, %gather3A : vector<16xf32>
          %swap3A_445 = arith.index_cast %while3A_341 : i32 to index
          %swap3A_446 = arith.constant 224 : index
          %swap3A_447 = tpu.vector_load %arg17[%swap3A_445, %swap3A_446] {strides = array<i32>} : memref<32x256xf32, #tpu.memory_space<vmem>>, vector<16xf32>,
          tpu.vector_store %arg17[%swap3A_445, %swap3A_446], %mul3A_444 {strides = array<i32>} : memref<32x256xf32, #tpu.memory_space<vmem>>, vector<16xf32>,
          %get3A_448 = arith.index_cast %while3A_341 : i32 to index
          %get3A_449 = arith.constant 240 : index
          %get3A_450 = tpu.vector_load %arg17[%get3A_448, %get3A_449] {strides = array<i32>} : memref<32x256xf32, #tpu.memory_space<vmem>>, vector<16xf32>,
          %mul3A_451 = arith.mulf %get3A_450, %gather3A : vector<16xf32>
          %swap3A_452 = arith.index_cast %while3A_341 : i32 to index
          %swap3A_453 = arith.constant 240 : index
          %swap3A_454 = tpu.vector_load %arg17[%swap3A_452, %swap3A_453] {strides = array<i32>} : memref<32x256xf32, #tpu.memory_space<vmem>>, vector<16xf32>,
          tpu.vector_store %arg17[%swap3A_452, %swap3A_453], %mul3A_451 {strides = array<i32>} : memref<32x256xf32, #tpu.memory_space<vmem>>, vector<16xf32>,
        }
        %while3A_340 = arith.constant 1 : i32
        scf.for %while3A_341 = %while3A_338 to %while3A_334 step %while3A_340  : i32 {
          %add3A_342 = vector.broadcast %while3A_341 : i32 to vector<16xi32>
          %add3A_343 = arith.addi %broadcast_in_dim3A_2, %add3A_342 : vector<16xi32>
          %gather3A = tpu.vector_load_idx %arg18[%add3A_343] : memref<32xf32, #tpu.memory_space<vmem>>[vector<16xi32>], vector<16xf32>,
          %get3A = arith.index_cast %while3A_341 : i32 to index
          %get3A_344 = arith.constant 0 : index
          %get3A_345 = tpu.vector_load %arg17[%get3A, %get3A_344] {strides = array<i32>} : memref<32x256xf32, #tpu.memory_space<vmem>>, vector<16xf32>,
          %mul3A_346 = arith.mulf %get3A_345, %gather3A : vector<16xf32>
          %swap3A_347 = arith.index_cast %while3A_341 : i32 to index
          %swap3A_348 = arith.constant 0 : index
          %swap3A_349 = tpu.vector_load %arg17[%swap3A_347, %swap3A_348] {strides = array<i32>} : memref<32x256xf32, #tpu.memory_space<vmem>>, vector<16xf32>,
          tpu.vector_store %arg17[%swap3A_347, %swap3A_348], %mul3A_346 {strides = array<i32>} : memref<32x256xf32, #tpu.memory_space<vmem>>, vector<16xf32>,
          %get3A_350 = arith.index_cast %while3A_341 : i32 to index
          %get3A_351 = arith.constant 16 : index
          %get3A_352 = tpu.vector_load %arg17[%get3A_350, %get3A_351] {strides = array<i32>} : memref<32x256xf32, #tpu.memory_space<vmem>>, vector<16xf32>,
          %mul3A_353 = arith.mulf %get3A_352, %gather3A : vector<16xf32>
          %swap3A_354 = arith.index_cast %while3A_341 : i32 to index
          %swap3A_355 = arith.constant 16 : index
          %swap3A_356 = tpu.vector_load %arg17[%swap3A_354, %swap3A_355] {strides = array<i32>} : memref<32x256xf32, #tpu.memory_space<vmem>>, vector<16xf32>,
          tpu.vector_store %arg17[%swap3A_354, %swap3A_355], %mul3A_353 {strides = array<i32>} : memref<32x256xf32, #tpu.memory_space<vmem>>, vector<16xf32>,
          %get3A_357 = arith.index_cast %while3A_341 : i32 to index
          %get3A_358 = arith.constant 32 : index
          %get3A_359 = tpu.vector_load %arg17[%get3A_357, %get3A_358] {strides = array<i32>} : memref<32x256xf32, #tpu.memory_space<vmem>>, vector<16xf32>,
          %mul3A_360 = arith.mulf %get3A_359, %gather3A : vector<16xf32>
          %swap3A_361 = arith.index_cast %while3A_341 : i32 to index
          %swap3A_362 = arith.constant 32 : index
          %swap3A_363 = tpu.vector_load %arg17[%swap3A_361, %swap3A_362] {strides = array<i32>} : memref<32x256xf32, #tpu.memory_space<vmem>>, vector<16xf32>,
          tpu.vector_store %arg17[%swap3A_361, %swap3A_362], %mul3A_360 {strides = array<i32>} : memref<32x256xf32, #tpu.memory_space<vmem>>, vector<16xf32>,
          %get3A_364 = arith.index_cast %while3A_341 : i32 to index
          %get3A_365 = arith.constant 48 : index
          %get3A_366 = tpu.vector_load %arg17[%get3A_364, %get3A_365] {strides = array<i32>} : memref<32x256xf32, #tpu.memory_space<vmem>>, vector<16xf32>,
          %mul3A_367 = arith.mulf %get3A_366, %gather3A : vector<16xf32>
          %swap3A_368 = arith.index_cast %while3A_341 : i32 to index
          %swap3A_369 = arith.constant 48 : index
          %swap3A_370 = tpu.vector_load %arg17[%swap3A_368, %swap3A_369] {strides = array<i32>} : memref<32x256xf32, #tpu.memory_space<vmem>>, vector<16xf32>,
          tpu.vector_store %arg17[%swap3A_368, %swap3A_369], %mul3A_367 {strides = array<i32>} : memref<32x256xf32, #tpu.memory_space<vmem>>, vector<16xf32>,
          %get3A_371 = arith.index_cast %while3A_341 : i32 to index
          %get3A_372 = arith.constant 64 : index
          %get3A_373 = tpu.vector_load %arg17[%get3A_371, %get3A_372] {strides = array<i32>} : memref<32x256xf32, #tpu.memory_space<vmem>>, vector<16xf32>,
          %mul3A_374 = arith.mulf %get3A_373, %gather3A : vector<16xf32>
          %swap3A_375 = arith.index_cast %while3A_341 : i32 to index
          %swap3A_376 = arith.constant 64 : index
          %swap3A_377 = tpu.vector_load %arg17[%swap3A_375, %swap3A_376] {strides = array<i32>} : memref<32x256xf32, #tpu.memory_space<vmem>>, vector<16xf32>,
          tpu.vector_store %arg17[%swap3A_375, %swap3A_376], %mul3A_374 {strides = array<i32>} : memref<32x256xf32, #tpu.memory_space<vmem>>, vector<16xf32>,
          %get3A_378 = arith.index_cast %while3A_341 : i32 to index
          %get3A_379 = arith.constant 80 : index
          %get3A_380 = tpu.vector_load %arg17[%get3A_378, %get3A_379] {strides = array<i32>} : memref<32x256xf32, #tpu.memory_space<vmem>>, vector<16xf32>,
          %mul3A_381 = arith.mulf %get3A_380, %gather3A : vector<16xf32>
          %swap3A_382 = arith.index_cast %while3A_341 : i32 to index
          %swap3A_383 = arith.constant 80 : index
          %swap3A_384 = tpu.vector_load %arg17[%swap3A_382, %swap3A_383] {strides = array<i32>} : memref<32x256xf32, #tpu.memory_space<vmem>>, vector<16xf32>,
          tpu.vector_store %arg17[%swap3A_382, %swap3A_383], %mul3A_381 {strides = array<i32>} : memref<32x256xf32, #tpu.memory_space<vmem>>, vector<16xf32>,
          %get3A_385 = arith.index_cast %while3A_341 : i32 to index
          %get3A_386 = arith.constant 96 : index
          %get3A_387 = tpu.vector_load %arg17[%get3A_385, %get3A_386] {strides = array<i32>} : memref<32x256xf32, #tpu.memory_space<vmem>>, vector<16xf32>,
          %mul3A_388 = arith.mulf %get3A_387, %gather3A : vector<16xf32>
          %swap3A_389 = arith.index_cast %while3A_341 : i32 to index
          %swap3A_390 = arith.constant 96 : index
          %swap3A_391 = tpu.vector_load %arg17[%swap3A_389, %swap3A_390] {strides = array<i32>} : memref<32x256xf32, #tpu.memory_space<vmem>>, vector<16xf32>,
          tpu.vector_store %arg17[%swap3A_389, %swap3A_390], %mul3A_388 {strides = array<i32>} : memref<32x256xf32, #tpu.memory_space<vmem>>, vector<16xf32>,
          %get3A_392 = arith.index_cast %while3A_341 : i32 to index
          %get3A_393 = arith.constant 112 : index
          %get3A_394 = tpu.vector_load %arg17[%get3A_392, %get3A_393] {strides = array<i32>} : memref<32x256xf32, #tpu.memory_space<vmem>>, vector<16xf32>,
          %mul3A_395 = arith.mulf %get3A_394, %gather3A : vector<16xf32>
          %swap3A_396 = arith.index_cast %while3A_341 : i32 to index
          %swap3A_397 = arith.constant 112 : index
          %swap3A_398 = tpu.vector_load %arg17[%swap3A_396, %swap3A_397] {strides = array<i32>} : memref<32x256xf32, #tpu.memory_space<vmem>>, vector<16xf32>,
          tpu.vector_store %arg17[%swap3A_396, %swap3A_397], %mul3A_395 {strides = array<i32>} : memref<32x256xf32, #tpu.memory_space<vmem>>, vector<16xf32>,
          %get3A_399 = arith.index_cast %while3A_341 : i32 to index
          %get3A_400 = arith.constant 128 : index
          %get3A_401 = tpu.vector_load %arg17[%get3A_399, %get3A_400] {strides = array<i32>} : memref<32x256xf32, #tpu.memory_space<vmem>>, vector<16xf32>,
          %mul3A_402 = arith.mulf %get3A_401, %gather3A : vector<16xf32>
          %swap3A_403 = arith.index_cast %while3A_341 : i32 to index
          %swap3A_404 = arith.constant 128 : index
          %swap3A_405 = tpu.vector_load %arg17[%swap3A_403, %swap3A_404] {strides = array<i32>} : memref<32x256xf32, #tpu.memory_space<vmem>>, vector<16xf32>,
          tpu.vector_store %arg17[%swap3A_403, %swap3A_404], %mul3A_402 {strides = array<i32>} : memref<32x256xf32, #tpu.memory_space<vmem>>, vector<16xf32>,
          %get3A_406 = arith.index_cast %while3A_341 : i32 to index
          %get3A_407 = arith.constant 144 : index
          %get3A_408 = tpu.vector_load %arg17[%get3A_406, %get3A_407] {strides = array<i32>} : memref<32x256xf32, #tpu.memory_space<vmem>>, vector<16xf32>,
          %mul3A_409 = arith.mulf %get3A_408, %gather3A : vector<16xf32>
          %swap3A_410 = arith.index_cast %while3A_341 : i32 to index
          %swap3A_411 = arith.constant 144 : index
          %swap3A_412 = tpu.vector_load %arg17[%swap3A_410, %swap3A_411] {strides = array<i32>} : memref<32x256xf32, #tpu.memory_space<vmem>>, vector<16xf32>,
          tpu.vector_store %arg17[%swap3A_410, %swap3A_411], %mul3A_409 {strides = array<i32>} : memref<32x256xf32, #tpu.memory_space<vmem>>, vector<16xf32>,
          %get3A_413 = arith.index_cast %while3A_341 : i32 to index
          %get3A_414 = arith.constant 160 : index
          %get3A_415 = tpu.vector_load %arg17[%get3A_413, %get3A_414] {strides = array<i32>} : memref<32x256xf32, #tpu.memory_space<vmem>>, vector<16xf32>,
          %mul3A_416 = arith.mulf %get3A_415, %gather3A : vector<16xf32>
          %swap3A_417 = arith.index_cast %while3A_341 : i32 to index
          %swap3A_418 = arith.constant 160 : index
          %swap3A_419 = tpu.vector_load %arg17[%swap3A_417, %swap3A_418] {strides = array<i32>} : memref<32x256xf32, #tpu.memory_space<vmem>>, vector<16xf32>,
          tpu.vector_store %arg17[%swap3A_417, %swap3A_418], %mul3A_416 {strides = array<i32>} : memref<32x256xf32, #tpu.memory_space<vmem>>, vector<16xf32>,
          %get3A_420 = arith.index_cast %while3A_341 : i32 to index
          %get3A_421 = arith.constant 176 : index
          %get3A_422 = tpu.vector_load %arg17[%get3A_420, %get3A_421] {strides = array<i32>} : memref<32x256xf32, #tpu.memory_space<vmem>>, vector<16xf32>,
          %mul3A_423 = arith.mulf %get3A_422, %gather3A : vector<16xf32>
          %swap3A_424 = arith.index_cast %while3A_341 : i32 to index
          %swap3A_425 = arith.constant 176 : index
          %swap3A_426 = tpu.vector_load %arg17[%swap3A_424, %swap3A_425] {strides = array<i32>} : memref<32x256xf32, #tpu.memory_space<vmem>>, vector<16xf32>,
          tpu.vector_store %arg17[%swap3A_424, %swap3A_425], %mul3A_423 {strides = array<i32>} : memref<32x256xf32, #tpu.memory_space<vmem>>, vector<16xf32>,
          %get3A_427 = arith.index_cast %while3A_341 : i32 to index
          %get3A_428 = arith.constant 192 : index
          %get3A_429 = tpu.vector_load %arg17[%get3A_427, %get3A_428] {strides = array<i32>} : memref<32x256xf32, #tpu.memory_space<vmem>>, vector<16xf32>,
          %mul3A_430 = arith.mulf %get3A_429, %gather3A : vector<16xf32>
          %swap3A_431 = arith.index_cast %while3A_341 : i32 to index
          %swap3A_432 = arith.constant 192 : index
          %swap3A_433 = tpu.vector_load %arg17[%swap3A_431, %swap3A_432] {strides = array<i32>} : memref<32x256xf32, #tpu.memory_space<vmem>>, vector<16xf32>,
          tpu.vector_store %arg17[%swap3A_431, %swap3A_432], %mul3A_430 {strides = array<i32>} : memref<32x256xf32, #tpu.memory_space<vmem>>, vector<16xf32>,
          %get3A_434 = arith.index_cast %while3A_341 : i32 to index
          %get3A_435 = arith.constant 208 : index
          %get3A_436 = tpu.vector_load %arg17[%get3A_434, %get3A_435] {strides = array<i32>} : memref<32x256xf32, #tpu.memory_space<vmem>>, vector<16xf32>,
          %mul3A_437 = arith.mulf %get3A_436, %gather3A : vector<16xf32>
          %swap3A_438 = arith.index_cast %while3A_341 : i32 to index
          %swap3A_439 = arith.constant 208 : index
          %swap3A_440 = tpu.vector_load %arg17[%swap3A_438, %swap3A_439] {strides = array<i32>} : memref<32x256xf32, #tpu.memory_space<vmem>>, vector<16xf32>,
          tpu.vector_store %arg17[%swap3A_438, %swap3A_439], %mul3A_437 {strides = array<i32>} : memref<32x256xf32, #tpu.memory_space<vmem>>, vector<16xf32>,
          %get3A_441 = arith.index_cast %while3A_341 : i32 to index
          %get3A_442 = arith.constant 224 : index
          %get3A_443 = tpu.vector_load %arg17[%get3A_441, %get3A_442] {strides = array<i32>} : memref<32x256xf32, #tpu.memory_space<vmem>>, vector<16xf32>,
          %mul3A_444 = arith.mulf %get3A_443, %gather3A : vector<16xf32>
          %swap3A_445 = arith.index_cast %while3A_341 : i32 to index
          %swap3A_446 = arith.constant 224 : index
          %swap3A_447 = tpu.vector_load %arg17[%swap3A_445, %swap3A_446] {strides = array<i32>} : memref<32x256xf32, #tpu.memory_space<vmem>>, vector<16xf32>,
          tpu.vector_store %arg17[%swap3A_445, %swap3A_446], %mul3A_444 {strides = array<i32>} : memref<32x256xf32, #tpu.memory_space<vmem>>, vector<16xf32>,
          %get3A_448 = arith.index_cast %while3A_341 : i32 to index
          %get3A_449 = arith.constant 240 : index
          %get3A_450 = tpu.vector_load %arg17[%get3A_448, %get3A_449] {strides = array<i32>} : memref<32x256xf32, #tpu.memory_space<vmem>>, vector<16xf32>,
          %mul3A_451 = arith.mulf %get3A_450, %gather3A : vector<16xf32>
          %swap3A_452 = arith.index_cast %while3A_341 : i32 to index
          %swap3A_453 = arith.constant 240 : index
          %swap3A_454 = tpu.vector_load %arg17[%swap3A_452, %swap3A_453] {strides = array<i32>} : memref<32x256xf32, #tpu.memory_space<vmem>>, vector<16xf32>,
          tpu.vector_store %arg17[%swap3A_452, %swap3A_453], %mul3A_451 {strides = array<i32>} : memref<32x256xf32, #tpu.memory_space<vmem>>, vector<16xf32>,
        }
        "tpu.region"() ({
          %run_scoped3A_341 = tpu.sem_alloc : memref<!tpu.dma_semaphore, #tpu.memory_space<semaphore_mem>>
          %dma_start3A_342 = arith.constant 0 : i32
          %dma_start3A_343 = arith.constant 0 : i32
          %dma_start3A_344 = tpu.memref_slice %arg23[%dma_start3A_342, %dma_start3A_343] : memref<1250x256xf32, #tpu.memory_space<vmem_shared>> -> memref<1250x256xf32, #tpu.memory_space<vmem_shared>>
          tpu.enqueue_indirect_dma source(%arg17 : memref<32x256xf32, #tpu.memory_space<vmem>>) target(%dma_start3A_344 : memref<1250x256xf32, #tpu.memory_space<vmem_shared>>) offsets(%arg19 : memref<32xi32, #tpu.memory_space<vmem>>) semaphore(%run_scoped3A_341 : memref<!tpu.dma_semaphore, #tpu.memory_space<semaphore_mem>>) {add = true}
          %dma_wait3A_345 = arith.constant 0 : i32
          %dma_wait3A_346 = arith.constant 0 : i32
          %dma_wait3A_347 = tpu.memref_slice %arg23[%dma_wait3A_345, %dma_wait3A_346] : memref<1250x256xf32, #tpu.memory_space<vmem_shared>> -> memref<1250x256xf32, #tpu.memory_space<vmem_shared>>
          tpu.wait_indirect_dma semaphore(%run_scoped3A_341 : memref<!tpu.dma_semaphore, #tpu.memory_space<semaphore_mem>>) src(%arg17 : memref<32x256xf32, #tpu.memory_space<vmem>>) dst(%dma_wait3A_347 : memref<1250x256xf32, #tpu.memory_space<vmem_shared>>)
          tpu.yield
        }) : () -> ()
      }
      %while3A_293 = arith.constant 1 : i32
      scf.for %while3A_306 = %while3A_291 to %while3A_287 step %while3A_293  : i32 {
        %min3A = arith.minsi %while3A_306, %select_n3A : i32
        %mul3A_307 = arith.constant 32 : i32
        %mul3A_308 = arith.muli %min3A, %mul3A_307 : i32
        %dma_start3A = tpu.memref_slice %arg12[%mul3A_308] : memref<2624xi32, #tpu.memory_space<vmem>> -> memref<32xi32, #tpu.memory_space<vmem>>
        %dma_start3A_309 = arith.constant 0 : i32
        %dma_start3A_310 = arith.constant 0 : i32
        %dma_start3A_311 = tpu.memref_slice %arg7[%dma_start3A_309, %dma_start3A_310] : memref<40000x256xf32, #tpu.memory_space<hbm>> -> memref<40000x256xf32, #tpu.memory_space<hbm>>
        tpu.enqueue_indirect_dma source(%dma_start3A_311 : memref<40000x256xf32, #tpu.memory_space<hbm>>) target(%arg17 : memref<32x256xf32, #tpu.memory_space<vmem>>) offsets(%dma_start3A : memref<32xi32, #tpu.memory_space<vmem>>) semaphore(%arg25 : memref<!tpu.dma_semaphore, #tpu.memory_space<semaphore_mem>>)
        %mul3A_312 = arith.constant 32 : i32
        %mul3A_313 = arith.muli %while3A_306, %mul3A_312 : i32
        %while3A_314 = arith.constant 0 : i32
        %while3A_315 = arith.constant 0 : i32
        %while3A_316 = arith.constant 2 : i32
        %while3A_317 = arith.subi %while3A_316, %while3A_315 : i32
        %while3A_318 = arith.addi %while3A_315, %while3A_317 : i32
        %while3A_319 = arith.constant 1 : i32
        %while3A_320 = arith.divsi %while3A_317, %while3A_319 : i32
        %while3A_321 = arith.muli %while3A_320, %while3A_319 : i32
        %while3A_322 = arith.addi %while3A_315, %while3A_321 : i32
        %while3A_323 = arith.constant 1 : i32
        scf.for %while3A_341 = %while3A_315 to %while3A_322 step %while3A_323  : i32 {
          %mul3A_342 = arith.constant 16 : i32
          %mul3A_343 = arith.muli %while3A_341, %mul3A_342 : i32
          %add3A_344 = arith.addi %mul3A_313, %mul3A_343 : i32
          %get3A = arith.index_cast %add3A_344 : i32 to index
          %get3A_345 = tpu.vector_load %arg13[%get3A] {strides = array<i32>} : memref<2624xi32, #tpu.memory_space<vmem>>, vector<16xi32>,
          %shift_right_logical3A = arith.constant 4 : i32
          %shift_right_logical3A_346 = vector.broadcast %shift_right_logical3A : i32 to vector<16xi32>
          %shift_right_logical3A_347 = arith.shrui %get3A_345, %shift_right_logical3A_346 : vector<16xi32>
          %and3A_348 = arith.constant 15 : i32
          %and3A_349 = vector.broadcast %and3A_348 : i32 to vector<16xi32>
          %and3A_350 = arith.andi %get3A_345, %and3A_349 : vector<16xi32>
          %gather3A = tpu.vector_load_idx %arg20[%shift_right_logical3A_347, %and3A_350] : memref<320x16xf32, #tpu.memory_space<vmem>>[vector<16xi32>, vector<16xi32>], vector<16xf32>,
          %get3A_351 = arith.index_cast %add3A_344 : i32 to index
          %get3A_352 = tpu.vector_load %arg14[%get3A_351] {strides = array<i32>} : memref<2624xf32, #tpu.memory_space<vmem>>, vector<16xf32>,
          %div3A_353 = arith.divf %get3A_352, %gather3A : vector<16xf32>
          %mul3A_354 = arith.constant 16 : i32
          %mul3A_355 = arith.muli %while3A_341, %mul3A_354 : i32
          %swap3A_356 = arith.index_cast %mul3A_355 : i32 to index
          %swap3A_357 = tpu.vector_load %arg18[%swap3A_356] {strides = array<i32>} : memref<32xf32, #tpu.memory_space<vmem>>, vector<16xf32>,
          tpu.vector_store %arg18[%swap3A_356], %div3A_353 {strides = array<i32>} : memref<32xf32, #tpu.memory_space<vmem>>, vector<16xf32>,
          %shift_right_logical3A_358 = arith.constant 2 : i32
          %shift_right_logical3A_359 = vector.broadcast %shift_right_logical3A_358 : i32 to vector<16xi32>
          %shift_right_logical3A_360 = arith.shrui %get3A_345, %shift_right_logical3A_359 : vector<16xi32>
          %mul3A_361 = arith.constant 16 : i32
          %mul3A_362 = arith.muli %while3A_341, %mul3A_361 : i32
          %swap3A_363 = arith.index_cast %mul3A_362 : i32 to index
          %swap3A_364 = tpu.vector_load %arg19[%swap3A_363] {strides = array<i32>} : memref<32xi32, #tpu.memory_space<vmem>>, vector<16xi32>,
          tpu.vector_store %arg19[%swap3A_363], %shift_right_logical3A_360 {strides = array<i32>} : memref<32xi32, #tpu.memory_space<vmem>>, vector<16xi32>,
        }
        %while3A_324 = arith.constant 1 : i32
        scf.for %while3A_341 = %while3A_322 to %while3A_318 step %while3A_324  : i32 {
          %mul3A_342 = arith.constant 16 : i32
          %mul3A_343 = arith.muli %while3A_341, %mul3A_342 : i32
          %add3A_344 = arith.addi %mul3A_313, %mul3A_343 : i32
          %get3A = arith.index_cast %add3A_344 : i32 to index
          %get3A_345 = tpu.vector_load %arg13[%get3A] {strides = array<i32>} : memref<2624xi32, #tpu.memory_space<vmem>>, vector<16xi32>,
          %shift_right_logical3A = arith.constant 4 : i32
          %shift_right_logical3A_346 = vector.broadcast %shift_right_logical3A : i32 to vector<16xi32>
          %shift_right_logical3A_347 = arith.shrui %get3A_345, %shift_right_logical3A_346 : vector<16xi32>
          %and3A_348 = arith.constant 15 : i32
          %and3A_349 = vector.broadcast %and3A_348 : i32 to vector<16xi32>
          %and3A_350 = arith.andi %get3A_345, %and3A_349 : vector<16xi32>
          %gather3A = tpu.vector_load_idx %arg20[%shift_right_logical3A_347, %and3A_350] : memref<320x16xf32, #tpu.memory_space<vmem>>[vector<16xi32>, vector<16xi32>], vector<16xf32>,
          %get3A_351 = arith.index_cast %add3A_344 : i32 to index
          %get3A_352 = tpu.vector_load %arg14[%get3A_351] {strides = array<i32>} : memref<2624xf32, #tpu.memory_space<vmem>>, vector<16xf32>,
          %div3A_353 = arith.divf %get3A_352, %gather3A : vector<16xf32>
          %mul3A_354 = arith.constant 16 : i32
          %mul3A_355 = arith.muli %while3A_341, %mul3A_354 : i32
          %swap3A_356 = arith.index_cast %mul3A_355 : i32 to index
          %swap3A_357 = tpu.vector_load %arg18[%swap3A_356] {strides = array<i32>} : memref<32xf32, #tpu.memory_space<vmem>>, vector<16xf32>,
          tpu.vector_store %arg18[%swap3A_356], %div3A_353 {strides = array<i32>} : memref<32xf32, #tpu.memory_space<vmem>>, vector<16xf32>,
          %shift_right_logical3A_358 = arith.constant 2 : i32
          %shift_right_logical3A_359 = vector.broadcast %shift_right_logical3A_358 : i32 to vector<16xi32>
          %shift_right_logical3A_360 = arith.shrui %get3A_345, %shift_right_logical3A_359 : vector<16xi32>
          %mul3A_361 = arith.constant 16 : i32
          %mul3A_362 = arith.muli %while3A_341, %mul3A_361 : i32
          %swap3A_363 = arith.index_cast %mul3A_362 : i32 to index
          %swap3A_364 = tpu.vector_load %arg19[%swap3A_363] {strides = array<i32>} : memref<32xi32, #tpu.memory_space<vmem>>, vector<16xi32>,
          tpu.vector_store %arg19[%swap3A_363], %shift_right_logical3A_360 {strides = array<i32>} : memref<32xi32, #tpu.memory_space<vmem>>, vector<16xi32>,
        }
        %dma_wait3A = arith.constant 0 : i32
        %dma_wait3A_325 = arith.constant 0 : i32
        %dma_wait3A_326 = tpu.memref_slice %arg7[%dma_wait3A, %dma_wait3A_325] : memref<40000x256xf32, #tpu.memory_space<hbm>> -> memref<32x256xf32, #tpu.memory_space<hbm>>
        %dma_wait3A_327 = arith.constant 0 : i32
        %dma_wait3A_328 = arith.constant 0 : i32
        %dma_wait3A_329 = tpu.memref_slice %arg7[%dma_wait3A_327, %dma_wait3A_328] : memref<40000x256xf32, #tpu.memory_space<hbm>> -> memref<32x256xf32, #tpu.memory_space<hbm>>
        tpu.wait_dma2 semaphore(%arg25 : memref<!tpu.dma_semaphore, #tpu.memory_space<semaphore_mem>>) src(%dma_wait3A_329 : memref<32x256xf32, #tpu.memory_space<hbm>>) dst(%arg17 : memref<32x256xf32, #tpu.memory_space<vmem>>)
        %while3A_330 = arith.constant 0 : i32
        %while3A_331 = arith.constant 0 : i32
        %while3A_332 = arith.constant 32 : i32
        %while3A_333 = arith.subi %while3A_332, %while3A_331 : i32
        %while3A_334 = arith.addi %while3A_331, %while3A_333 : i32
        %while3A_335 = arith.constant 1 : i32
        %while3A_336 = arith.divsi %while3A_333, %while3A_335 : i32
        %while3A_337 = arith.muli %while3A_336, %while3A_335 : i32
        %while3A_338 = arith.addi %while3A_331, %while3A_337 : i32
        %while3A_339 = arith.constant 1 : i32
        scf.for %while3A_341 = %while3A_331 to %while3A_338 step %while3A_339  : i32 {
          %add3A_342 = vector.broadcast %while3A_341 : i32 to vector<16xi32>
          %add3A_343 = arith.addi %broadcast_in_dim3A_2, %add3A_342 : vector<16xi32>
          %gather3A = tpu.vector_load_idx %arg18[%add3A_343] : memref<32xf32, #tpu.memory_space<vmem>>[vector<16xi32>], vector<16xf32>,
          %get3A = arith.index_cast %while3A_341 : i32 to index
          %get3A_344 = arith.constant 0 : index
          %get3A_345 = tpu.vector_load %arg17[%get3A, %get3A_344] {strides = array<i32>} : memref<32x256xf32, #tpu.memory_space<vmem>>, vector<16xf32>,
          %mul3A_346 = arith.mulf %get3A_345, %gather3A : vector<16xf32>
          %swap3A_347 = arith.index_cast %while3A_341 : i32 to index
          %swap3A_348 = arith.constant 0 : index
          %swap3A_349 = tpu.vector_load %arg17[%swap3A_347, %swap3A_348] {strides = array<i32>} : memref<32x256xf32, #tpu.memory_space<vmem>>, vector<16xf32>,
          tpu.vector_store %arg17[%swap3A_347, %swap3A_348], %mul3A_346 {strides = array<i32>} : memref<32x256xf32, #tpu.memory_space<vmem>>, vector<16xf32>,
          %get3A_350 = arith.index_cast %while3A_341 : i32 to index
          %get3A_351 = arith.constant 16 : index
          %get3A_352 = tpu.vector_load %arg17[%get3A_350, %get3A_351] {strides = array<i32>} : memref<32x256xf32, #tpu.memory_space<vmem>>, vector<16xf32>,
          %mul3A_353 = arith.mulf %get3A_352, %gather3A : vector<16xf32>
          %swap3A_354 = arith.index_cast %while3A_341 : i32 to index
          %swap3A_355 = arith.constant 16 : index
          %swap3A_356 = tpu.vector_load %arg17[%swap3A_354, %swap3A_355] {strides = array<i32>} : memref<32x256xf32, #tpu.memory_space<vmem>>, vector<16xf32>,
          tpu.vector_store %arg17[%swap3A_354, %swap3A_355], %mul3A_353 {strides = array<i32>} : memref<32x256xf32, #tpu.memory_space<vmem>>, vector<16xf32>,
          %get3A_357 = arith.index_cast %while3A_341 : i32 to index
          %get3A_358 = arith.constant 32 : index
          %get3A_359 = tpu.vector_load %arg17[%get3A_357, %get3A_358] {strides = array<i32>} : memref<32x256xf32, #tpu.memory_space<vmem>>, vector<16xf32>,
          %mul3A_360 = arith.mulf %get3A_359, %gather3A : vector<16xf32>
          %swap3A_361 = arith.index_cast %while3A_341 : i32 to index
          %swap3A_362 = arith.constant 32 : index
          %swap3A_363 = tpu.vector_load %arg17[%swap3A_361, %swap3A_362] {strides = array<i32>} : memref<32x256xf32, #tpu.memory_space<vmem>>, vector<16xf32>,
          tpu.vector_store %arg17[%swap3A_361, %swap3A_362], %mul3A_360 {strides = array<i32>} : memref<32x256xf32, #tpu.memory_space<vmem>>, vector<16xf32>,
          %get3A_364 = arith.index_cast %while3A_341 : i32 to index
          %get3A_365 = arith.constant 48 : index
          %get3A_366 = tpu.vector_load %arg17[%get3A_364, %get3A_365] {strides = array<i32>} : memref<32x256xf32, #tpu.memory_space<vmem>>, vector<16xf32>,
          %mul3A_367 = arith.mulf %get3A_366, %gather3A : vector<16xf32>
          %swap3A_368 = arith.index_cast %while3A_341 : i32 to index
          %swap3A_369 = arith.constant 48 : index
          %swap3A_370 = tpu.vector_load %arg17[%swap3A_368, %swap3A_369] {strides = array<i32>} : memref<32x256xf32, #tpu.memory_space<vmem>>, vector<16xf32>,
          tpu.vector_store %arg17[%swap3A_368, %swap3A_369], %mul3A_367 {strides = array<i32>} : memref<32x256xf32, #tpu.memory_space<vmem>>, vector<16xf32>,
          %get3A_371 = arith.index_cast %while3A_341 : i32 to index
          %get3A_372 = arith.constant 64 : index
          %get3A_373 = tpu.vector_load %arg17[%get3A_371, %get3A_372] {strides = array<i32>} : memref<32x256xf32, #tpu.memory_space<vmem>>, vector<16xf32>,
          %mul3A_374 = arith.mulf %get3A_373, %gather3A : vector<16xf32>
          %swap3A_375 = arith.index_cast %while3A_341 : i32 to index
          %swap3A_376 = arith.constant 64 : index
          %swap3A_377 = tpu.vector_load %arg17[%swap3A_375, %swap3A_376] {strides = array<i32>} : memref<32x256xf32, #tpu.memory_space<vmem>>, vector<16xf32>,
          tpu.vector_store %arg17[%swap3A_375, %swap3A_376], %mul3A_374 {strides = array<i32>} : memref<32x256xf32, #tpu.memory_space<vmem>>, vector<16xf32>,
          %get3A_378 = arith.index_cast %while3A_341 : i32 to index
          %get3A_379 = arith.constant 80 : index
          %get3A_380 = tpu.vector_load %arg17[%get3A_378, %get3A_379] {strides = array<i32>} : memref<32x256xf32, #tpu.memory_space<vmem>>, vector<16xf32>,
          %mul3A_381 = arith.mulf %get3A_380, %gather3A : vector<16xf32>
          %swap3A_382 = arith.index_cast %while3A_341 : i32 to index
          %swap3A_383 = arith.constant 80 : index
          %swap3A_384 = tpu.vector_load %arg17[%swap3A_382, %swap3A_383] {strides = array<i32>} : memref<32x256xf32, #tpu.memory_space<vmem>>, vector<16xf32>,
          tpu.vector_store %arg17[%swap3A_382, %swap3A_383], %mul3A_381 {strides = array<i32>} : memref<32x256xf32, #tpu.memory_space<vmem>>, vector<16xf32>,
          %get3A_385 = arith.index_cast %while3A_341 : i32 to index
          %get3A_386 = arith.constant 96 : index
          %get3A_387 = tpu.vector_load %arg17[%get3A_385, %get3A_386] {strides = array<i32>} : memref<32x256xf32, #tpu.memory_space<vmem>>, vector<16xf32>,
          %mul3A_388 = arith.mulf %get3A_387, %gather3A : vector<16xf32>
          %swap3A_389 = arith.index_cast %while3A_341 : i32 to index
          %swap3A_390 = arith.constant 96 : index
          %swap3A_391 = tpu.vector_load %arg17[%swap3A_389, %swap3A_390] {strides = array<i32>} : memref<32x256xf32, #tpu.memory_space<vmem>>, vector<16xf32>,
          tpu.vector_store %arg17[%swap3A_389, %swap3A_390], %mul3A_388 {strides = array<i32>} : memref<32x256xf32, #tpu.memory_space<vmem>>, vector<16xf32>,
          %get3A_392 = arith.index_cast %while3A_341 : i32 to index
          %get3A_393 = arith.constant 112 : index
          %get3A_394 = tpu.vector_load %arg17[%get3A_392, %get3A_393] {strides = array<i32>} : memref<32x256xf32, #tpu.memory_space<vmem>>, vector<16xf32>,
          %mul3A_395 = arith.mulf %get3A_394, %gather3A : vector<16xf32>
          %swap3A_396 = arith.index_cast %while3A_341 : i32 to index
          %swap3A_397 = arith.constant 112 : index
          %swap3A_398 = tpu.vector_load %arg17[%swap3A_396, %swap3A_397] {strides = array<i32>} : memref<32x256xf32, #tpu.memory_space<vmem>>, vector<16xf32>,
          tpu.vector_store %arg17[%swap3A_396, %swap3A_397], %mul3A_395 {strides = array<i32>} : memref<32x256xf32, #tpu.memory_space<vmem>>, vector<16xf32>,
          %get3A_399 = arith.index_cast %while3A_341 : i32 to index
          %get3A_400 = arith.constant 128 : index
          %get3A_401 = tpu.vector_load %arg17[%get3A_399, %get3A_400] {strides = array<i32>} : memref<32x256xf32, #tpu.memory_space<vmem>>, vector<16xf32>,
          %mul3A_402 = arith.mulf %get3A_401, %gather3A : vector<16xf32>
          %swap3A_403 = arith.index_cast %while3A_341 : i32 to index
          %swap3A_404 = arith.constant 128 : index
          %swap3A_405 = tpu.vector_load %arg17[%swap3A_403, %swap3A_404] {strides = array<i32>} : memref<32x256xf32, #tpu.memory_space<vmem>>, vector<16xf32>,
          tpu.vector_store %arg17[%swap3A_403, %swap3A_404], %mul3A_402 {strides = array<i32>} : memref<32x256xf32, #tpu.memory_space<vmem>>, vector<16xf32>,
          %get3A_406 = arith.index_cast %while3A_341 : i32 to index
          %get3A_407 = arith.constant 144 : index
          %get3A_408 = tpu.vector_load %arg17[%get3A_406, %get3A_407] {strides = array<i32>} : memref<32x256xf32, #tpu.memory_space<vmem>>, vector<16xf32>,
          %mul3A_409 = arith.mulf %get3A_408, %gather3A : vector<16xf32>
          %swap3A_410 = arith.index_cast %while3A_341 : i32 to index
          %swap3A_411 = arith.constant 144 : index
          %swap3A_412 = tpu.vector_load %arg17[%swap3A_410, %swap3A_411] {strides = array<i32>} : memref<32x256xf32, #tpu.memory_space<vmem>>, vector<16xf32>,
          tpu.vector_store %arg17[%swap3A_410, %swap3A_411], %mul3A_409 {strides = array<i32>} : memref<32x256xf32, #tpu.memory_space<vmem>>, vector<16xf32>,
          %get3A_413 = arith.index_cast %while3A_341 : i32 to index
          %get3A_414 = arith.constant 160 : index
          %get3A_415 = tpu.vector_load %arg17[%get3A_413, %get3A_414] {strides = array<i32>} : memref<32x256xf32, #tpu.memory_space<vmem>>, vector<16xf32>,
          %mul3A_416 = arith.mulf %get3A_415, %gather3A : vector<16xf32>
          %swap3A_417 = arith.index_cast %while3A_341 : i32 to index
          %swap3A_418 = arith.constant 160 : index
          %swap3A_419 = tpu.vector_load %arg17[%swap3A_417, %swap3A_418] {strides = array<i32>} : memref<32x256xf32, #tpu.memory_space<vmem>>, vector<16xf32>,
          tpu.vector_store %arg17[%swap3A_417, %swap3A_418], %mul3A_416 {strides = array<i32>} : memref<32x256xf32, #tpu.memory_space<vmem>>, vector<16xf32>,
          %get3A_420 = arith.index_cast %while3A_341 : i32 to index
          %get3A_421 = arith.constant 176 : index
          %get3A_422 = tpu.vector_load %arg17[%get3A_420, %get3A_421] {strides = array<i32>} : memref<32x256xf32, #tpu.memory_space<vmem>>, vector<16xf32>,
          %mul3A_423 = arith.mulf %get3A_422, %gather3A : vector<16xf32>
          %swap3A_424 = arith.index_cast %while3A_341 : i32 to index
          %swap3A_425 = arith.constant 176 : index
          %swap3A_426 = tpu.vector_load %arg17[%swap3A_424, %swap3A_425] {strides = array<i32>} : memref<32x256xf32, #tpu.memory_space<vmem>>, vector<16xf32>,
          tpu.vector_store %arg17[%swap3A_424, %swap3A_425], %mul3A_423 {strides = array<i32>} : memref<32x256xf32, #tpu.memory_space<vmem>>, vector<16xf32>,
          %get3A_427 = arith.index_cast %while3A_341 : i32 to index
          %get3A_428 = arith.constant 192 : index
          %get3A_429 = tpu.vector_load %arg17[%get3A_427, %get3A_428] {strides = array<i32>} : memref<32x256xf32, #tpu.memory_space<vmem>>, vector<16xf32>,
          %mul3A_430 = arith.mulf %get3A_429, %gather3A : vector<16xf32>
          %swap3A_431 = arith.index_cast %while3A_341 : i32 to index
          %swap3A_432 = arith.constant 192 : index
          %swap3A_433 = tpu.vector_load %arg17[%swap3A_431, %swap3A_432] {strides = array<i32>} : memref<32x256xf32, #tpu.memory_space<vmem>>, vector<16xf32>,
          tpu.vector_store %arg17[%swap3A_431, %swap3A_432], %mul3A_430 {strides = array<i32>} : memref<32x256xf32, #tpu.memory_space<vmem>>, vector<16xf32>,
          %get3A_434 = arith.index_cast %while3A_341 : i32 to index
          %get3A_435 = arith.constant 208 : index
          %get3A_436 = tpu.vector_load %arg17[%get3A_434, %get3A_435] {strides = array<i32>} : memref<32x256xf32, #tpu.memory_space<vmem>>, vector<16xf32>,
          %mul3A_437 = arith.mulf %get3A_436, %gather3A : vector<16xf32>
          %swap3A_438 = arith.index_cast %while3A_341 : i32 to index
          %swap3A_439 = arith.constant 208 : index
          %swap3A_440 = tpu.vector_load %arg17[%swap3A_438, %swap3A_439] {strides = array<i32>} : memref<32x256xf32, #tpu.memory_space<vmem>>, vector<16xf32>,
          tpu.vector_store %arg17[%swap3A_438, %swap3A_439], %mul3A_437 {strides = array<i32>} : memref<32x256xf32, #tpu.memory_space<vmem>>, vector<16xf32>,
          %get3A_441 = arith.index_cast %while3A_341 : i32 to index
          %get3A_442 = arith.constant 224 : index
          %get3A_443 = tpu.vector_load %arg17[%get3A_441, %get3A_442] {strides = array<i32>} : memref<32x256xf32, #tpu.memory_space<vmem>>, vector<16xf32>,
          %mul3A_444 = arith.mulf %get3A_443, %gather3A : vector<16xf32>
          %swap3A_445 = arith.index_cast %while3A_341 : i32 to index
          %swap3A_446 = arith.constant 224 : index
          %swap3A_447 = tpu.vector_load %arg17[%swap3A_445, %swap3A_446] {strides = array<i32>} : memref<32x256xf32, #tpu.memory_space<vmem>>, vector<16xf32>,
          tpu.vector_store %arg17[%swap3A_445, %swap3A_446], %mul3A_444 {strides = array<i32>} : memref<32x256xf32, #tpu.memory_space<vmem>>, vector<16xf32>,
          %get3A_448 = arith.index_cast %while3A_341 : i32 to index
          %get3A_449 = arith.constant 240 : index
          %get3A_450 = tpu.vector_load %arg17[%get3A_448, %get3A_449] {strides = array<i32>} : memref<32x256xf32, #tpu.memory_space<vmem>>, vector<16xf32>,
          %mul3A_451 = arith.mulf %get3A_450, %gather3A : vector<16xf32>
          %swap3A_452 = arith.index_cast %while3A_341 : i32 to index
          %swap3A_453 = arith.constant 240 : index
          %swap3A_454 = tpu.vector_load %arg17[%swap3A_452, %swap3A_453] {strides = array<i32>} : memref<32x256xf32, #tpu.memory_space<vmem>>, vector<16xf32>,
          tpu.vector_store %arg17[%swap3A_452, %swap3A_453], %mul3A_451 {strides = array<i32>} : memref<32x256xf32, #tpu.memory_space<vmem>>, vector<16xf32>,
        }
        %while3A_340 = arith.constant 1 : i32
        scf.for %while3A_341 = %while3A_338 to %while3A_334 step %while3A_340  : i32 {
          %add3A_342 = vector.broadcast %while3A_341 : i32 to vector<16xi32>
          %add3A_343 = arith.addi %broadcast_in_dim3A_2, %add3A_342 : vector<16xi32>
          %gather3A = tpu.vector_load_idx %arg18[%add3A_343] : memref<32xf32, #tpu.memory_space<vmem>>[vector<16xi32>], vector<16xf32>,
          %get3A = arith.index_cast %while3A_341 : i32 to index
          %get3A_344 = arith.constant 0 : index
          %get3A_345 = tpu.vector_load %arg17[%get3A, %get3A_344] {strides = array<i32>} : memref<32x256xf32, #tpu.memory_space<vmem>>, vector<16xf32>,
          %mul3A_346 = arith.mulf %get3A_345, %gather3A : vector<16xf32>
          %swap3A_347 = arith.index_cast %while3A_341 : i32 to index
          %swap3A_348 = arith.constant 0 : index
          %swap3A_349 = tpu.vector_load %arg17[%swap3A_347, %swap3A_348] {strides = array<i32>} : memref<32x256xf32, #tpu.memory_space<vmem>>, vector<16xf32>,
          tpu.vector_store %arg17[%swap3A_347, %swap3A_348], %mul3A_346 {strides = array<i32>} : memref<32x256xf32, #tpu.memory_space<vmem>>, vector<16xf32>,
          %get3A_350 = arith.index_cast %while3A_341 : i32 to index
          %get3A_351 = arith.constant 16 : index
          %get3A_352 = tpu.vector_load %arg17[%get3A_350, %get3A_351] {strides = array<i32>} : memref<32x256xf32, #tpu.memory_space<vmem>>, vector<16xf32>,
          %mul3A_353 = arith.mulf %get3A_352, %gather3A : vector<16xf32>
          %swap3A_354 = arith.index_cast %while3A_341 : i32 to index
          %swap3A_355 = arith.constant 16 : index
          %swap3A_356 = tpu.vector_load %arg17[%swap3A_354, %swap3A_355] {strides = array<i32>} : memref<32x256xf32, #tpu.memory_space<vmem>>, vector<16xf32>,
          tpu.vector_store %arg17[%swap3A_354, %swap3A_355], %mul3A_353 {strides = array<i32>} : memref<32x256xf32, #tpu.memory_space<vmem>>, vector<16xf32>,
          %get3A_357 = arith.index_cast %while3A_341 : i32 to index
          %get3A_358 = arith.constant 32 : index
          %get3A_359 = tpu.vector_load %arg17[%get3A_357, %get3A_358] {strides = array<i32>} : memref<32x256xf32, #tpu.memory_space<vmem>>, vector<16xf32>,
          %mul3A_360 = arith.mulf %get3A_359, %gather3A : vector<16xf32>
          %swap3A_361 = arith.index_cast %while3A_341 : i32 to index
          %swap3A_362 = arith.constant 32 : index
          %swap3A_363 = tpu.vector_load %arg17[%swap3A_361, %swap3A_362] {strides = array<i32>} : memref<32x256xf32, #tpu.memory_space<vmem>>, vector<16xf32>,
          tpu.vector_store %arg17[%swap3A_361, %swap3A_362], %mul3A_360 {strides = array<i32>} : memref<32x256xf32, #tpu.memory_space<vmem>>, vector<16xf32>,
          %get3A_364 = arith.index_cast %while3A_341 : i32 to index
          %get3A_365 = arith.constant 48 : index
          %get3A_366 = tpu.vector_load %arg17[%get3A_364, %get3A_365] {strides = array<i32>} : memref<32x256xf32, #tpu.memory_space<vmem>>, vector<16xf32>,
          %mul3A_367 = arith.mulf %get3A_366, %gather3A : vector<16xf32>
          %swap3A_368 = arith.index_cast %while3A_341 : i32 to index
          %swap3A_369 = arith.constant 48 : index
          %swap3A_370 = tpu.vector_load %arg17[%swap3A_368, %swap3A_369] {strides = array<i32>} : memref<32x256xf32, #tpu.memory_space<vmem>>, vector<16xf32>,
          tpu.vector_store %arg17[%swap3A_368, %swap3A_369], %mul3A_367 {strides = array<i32>} : memref<32x256xf32, #tpu.memory_space<vmem>>, vector<16xf32>,
          %get3A_371 = arith.index_cast %while3A_341 : i32 to index
          %get3A_372 = arith.constant 64 : index
          %get3A_373 = tpu.vector_load %arg17[%get3A_371, %get3A_372] {strides = array<i32>} : memref<32x256xf32, #tpu.memory_space<vmem>>, vector<16xf32>,
          %mul3A_374 = arith.mulf %get3A_373, %gather3A : vector<16xf32>
          %swap3A_375 = arith.index_cast %while3A_341 : i32 to index
          %swap3A_376 = arith.constant 64 : index
          %swap3A_377 = tpu.vector_load %arg17[%swap3A_375, %swap3A_376] {strides = array<i32>} : memref<32x256xf32, #tpu.memory_space<vmem>>, vector<16xf32>,
          tpu.vector_store %arg17[%swap3A_375, %swap3A_376], %mul3A_374 {strides = array<i32>} : memref<32x256xf32, #tpu.memory_space<vmem>>, vector<16xf32>,
          %get3A_378 = arith.index_cast %while3A_341 : i32 to index
          %get3A_379 = arith.constant 80 : index
          %get3A_380 = tpu.vector_load %arg17[%get3A_378, %get3A_379] {strides = array<i32>} : memref<32x256xf32, #tpu.memory_space<vmem>>, vector<16xf32>,
          %mul3A_381 = arith.mulf %get3A_380, %gather3A : vector<16xf32>
          %swap3A_382 = arith.index_cast %while3A_341 : i32 to index
          %swap3A_383 = arith.constant 80 : index
          %swap3A_384 = tpu.vector_load %arg17[%swap3A_382, %swap3A_383] {strides = array<i32>} : memref<32x256xf32, #tpu.memory_space<vmem>>, vector<16xf32>,
          tpu.vector_store %arg17[%swap3A_382, %swap3A_383], %mul3A_381 {strides = array<i32>} : memref<32x256xf32, #tpu.memory_space<vmem>>, vector<16xf32>,
          %get3A_385 = arith.index_cast %while3A_341 : i32 to index
          %get3A_386 = arith.constant 96 : index
          %get3A_387 = tpu.vector_load %arg17[%get3A_385, %get3A_386] {strides = array<i32>} : memref<32x256xf32, #tpu.memory_space<vmem>>, vector<16xf32>,
          %mul3A_388 = arith.mulf %get3A_387, %gather3A : vector<16xf32>
          %swap3A_389 = arith.index_cast %while3A_341 : i32 to index
          %swap3A_390 = arith.constant 96 : index
          %swap3A_391 = tpu.vector_load %arg17[%swap3A_389, %swap3A_390] {strides = array<i32>} : memref<32x256xf32, #tpu.memory_space<vmem>>, vector<16xf32>,
          tpu.vector_store %arg17[%swap3A_389, %swap3A_390], %mul3A_388 {strides = array<i32>} : memref<32x256xf32, #tpu.memory_space<vmem>>, vector<16xf32>,
          %get3A_392 = arith.index_cast %while3A_341 : i32 to index
          %get3A_393 = arith.constant 112 : index
          %get3A_394 = tpu.vector_load %arg17[%get3A_392, %get3A_393] {strides = array<i32>} : memref<32x256xf32, #tpu.memory_space<vmem>>, vector<16xf32>,
          %mul3A_395 = arith.mulf %get3A_394, %gather3A : vector<16xf32>
          %swap3A_396 = arith.index_cast %while3A_341 : i32 to index
          %swap3A_397 = arith.constant 112 : index
          %swap3A_398 = tpu.vector_load %arg17[%swap3A_396, %swap3A_397] {strides = array<i32>} : memref<32x256xf32, #tpu.memory_space<vmem>>, vector<16xf32>,
          tpu.vector_store %arg17[%swap3A_396, %swap3A_397], %mul3A_395 {strides = array<i32>} : memref<32x256xf32, #tpu.memory_space<vmem>>, vector<16xf32>,
          %get3A_399 = arith.index_cast %while3A_341 : i32 to index
          %get3A_400 = arith.constant 128 : index
          %get3A_401 = tpu.vector_load %arg17[%get3A_399, %get3A_400] {strides = array<i32>} : memref<32x256xf32, #tpu.memory_space<vmem>>, vector<16xf32>,
          %mul3A_402 = arith.mulf %get3A_401, %gather3A : vector<16xf32>
          %swap3A_403 = arith.index_cast %while3A_341 : i32 to index
          %swap3A_404 = arith.constant 128 : index
          %swap3A_405 = tpu.vector_load %arg17[%swap3A_403, %swap3A_404] {strides = array<i32>} : memref<32x256xf32, #tpu.memory_space<vmem>>, vector<16xf32>,
          tpu.vector_store %arg17[%swap3A_403, %swap3A_404], %mul3A_402 {strides = array<i32>} : memref<32x256xf32, #tpu.memory_space<vmem>>, vector<16xf32>,
          %get3A_406 = arith.index_cast %while3A_341 : i32 to index
          %get3A_407 = arith.constant 144 : index
          %get3A_408 = tpu.vector_load %arg17[%get3A_406, %get3A_407] {strides = array<i32>} : memref<32x256xf32, #tpu.memory_space<vmem>>, vector<16xf32>,
          %mul3A_409 = arith.mulf %get3A_408, %gather3A : vector<16xf32>
          %swap3A_410 = arith.index_cast %while3A_341 : i32 to index
          %swap3A_411 = arith.constant 144 : index
          %swap3A_412 = tpu.vector_load %arg17[%swap3A_410, %swap3A_411] {strides = array<i32>} : memref<32x256xf32, #tpu.memory_space<vmem>>, vector<16xf32>,
          tpu.vector_store %arg17[%swap3A_410, %swap3A_411], %mul3A_409 {strides = array<i32>} : memref<32x256xf32, #tpu.memory_space<vmem>>, vector<16xf32>,
          %get3A_413 = arith.index_cast %while3A_341 : i32 to index
          %get3A_414 = arith.constant 160 : index
          %get3A_415 = tpu.vector_load %arg17[%get3A_413, %get3A_414] {strides = array<i32>} : memref<32x256xf32, #tpu.memory_space<vmem>>, vector<16xf32>,
          %mul3A_416 = arith.mulf %get3A_415, %gather3A : vector<16xf32>
          %swap3A_417 = arith.index_cast %while3A_341 : i32 to index
          %swap3A_418 = arith.constant 160 : index
          %swap3A_419 = tpu.vector_load %arg17[%swap3A_417, %swap3A_418] {strides = array<i32>} : memref<32x256xf32, #tpu.memory_space<vmem>>, vector<16xf32>,
          tpu.vector_store %arg17[%swap3A_417, %swap3A_418], %mul3A_416 {strides = array<i32>} : memref<32x256xf32, #tpu.memory_space<vmem>>, vector<16xf32>,
          %get3A_420 = arith.index_cast %while3A_341 : i32 to index
          %get3A_421 = arith.constant 176 : index
          %get3A_422 = tpu.vector_load %arg17[%get3A_420, %get3A_421] {strides = array<i32>} : memref<32x256xf32, #tpu.memory_space<vmem>>, vector<16xf32>,
          %mul3A_423 = arith.mulf %get3A_422, %gather3A : vector<16xf32>
          %swap3A_424 = arith.index_cast %while3A_341 : i32 to index
          %swap3A_425 = arith.constant 176 : index
          %swap3A_426 = tpu.vector_load %arg17[%swap3A_424, %swap3A_425] {strides = array<i32>} : memref<32x256xf32, #tpu.memory_space<vmem>>, vector<16xf32>,
          tpu.vector_store %arg17[%swap3A_424, %swap3A_425], %mul3A_423 {strides = array<i32>} : memref<32x256xf32, #tpu.memory_space<vmem>>, vector<16xf32>,
          %get3A_427 = arith.index_cast %while3A_341 : i32 to index
          %get3A_428 = arith.constant 192 : index
          %get3A_429 = tpu.vector_load %arg17[%get3A_427, %get3A_428] {strides = array<i32>} : memref<32x256xf32, #tpu.memory_space<vmem>>, vector<16xf32>,
          %mul3A_430 = arith.mulf %get3A_429, %gather3A : vector<16xf32>
          %swap3A_431 = arith.index_cast %while3A_341 : i32 to index
          %swap3A_432 = arith.constant 192 : index
          %swap3A_433 = tpu.vector_load %arg17[%swap3A_431, %swap3A_432] {strides = array<i32>} : memref<32x256xf32, #tpu.memory_space<vmem>>, vector<16xf32>,
          tpu.vector_store %arg17[%swap3A_431, %swap3A_432], %mul3A_430 {strides = array<i32>} : memref<32x256xf32, #tpu.memory_space<vmem>>, vector<16xf32>,
          %get3A_434 = arith.index_cast %while3A_341 : i32 to index
          %get3A_435 = arith.constant 208 : index
          %get3A_436 = tpu.vector_load %arg17[%get3A_434, %get3A_435] {strides = array<i32>} : memref<32x256xf32, #tpu.memory_space<vmem>>, vector<16xf32>,
          %mul3A_437 = arith.mulf %get3A_436, %gather3A : vector<16xf32>
          %swap3A_438 = arith.index_cast %while3A_341 : i32 to index
          %swap3A_439 = arith.constant 208 : index
          %swap3A_440 = tpu.vector_load %arg17[%swap3A_438, %swap3A_439] {strides = array<i32>} : memref<32x256xf32, #tpu.memory_space<vmem>>, vector<16xf32>,
          tpu.vector_store %arg17[%swap3A_438, %swap3A_439], %mul3A_437 {strides = array<i32>} : memref<32x256xf32, #tpu.memory_space<vmem>>, vector<16xf32>,
          %get3A_441 = arith.index_cast %while3A_341 : i32 to index
          %get3A_442 = arith.constant 224 : index
          %get3A_443 = tpu.vector_load %arg17[%get3A_441, %get3A_442] {strides = array<i32>} : memref<32x256xf32, #tpu.memory_space<vmem>>, vector<16xf32>,
          %mul3A_444 = arith.mulf %get3A_443, %gather3A : vector<16xf32>
          %swap3A_445 = arith.index_cast %while3A_341 : i32 to index
          %swap3A_446 = arith.constant 224 : index
          %swap3A_447 = tpu.vector_load %arg17[%swap3A_445, %swap3A_446] {strides = array<i32>} : memref<32x256xf32, #tpu.memory_space<vmem>>, vector<16xf32>,
          tpu.vector_store %arg17[%swap3A_445, %swap3A_446], %mul3A_444 {strides = array<i32>} : memref<32x256xf32, #tpu.memory_space<vmem>>, vector<16xf32>,
          %get3A_448 = arith.index_cast %while3A_341 : i32 to index
          %get3A_449 = arith.constant 240 : index
          %get3A_450 = tpu.vector_load %arg17[%get3A_448, %get3A_449] {strides = array<i32>} : memref<32x256xf32, #tpu.memory_space<vmem>>, vector<16xf32>,
          %mul3A_451 = arith.mulf %get3A_450, %gather3A : vector<16xf32>
          %swap3A_452 = arith.index_cast %while3A_341 : i32 to index
          %swap3A_453 = arith.constant 240 : index
          %swap3A_454 = tpu.vector_load %arg17[%swap3A_452, %swap3A_453] {strides = array<i32>} : memref<32x256xf32, #tpu.memory_space<vmem>>, vector<16xf32>,
          tpu.vector_store %arg17[%swap3A_452, %swap3A_453], %mul3A_451 {strides = array<i32>} : memref<32x256xf32, #tpu.memory_space<vmem>>, vector<16xf32>,
        }
        "tpu.region"() ({
          %run_scoped3A_341 = tpu.sem_alloc : memref<!tpu.dma_semaphore, #tpu.memory_space<semaphore_mem>>
          %dma_start3A_342 = arith.constant 0 : i32
          %dma_start3A_343 = arith.constant 0 : i32
          %dma_start3A_344 = tpu.memref_slice %arg23[%dma_start3A_342, %dma_start3A_343] : memref<1250x256xf32, #tpu.memory_space<vmem_shared>> -> memref<1250x256xf32, #tpu.memory_space<vmem_shared>>
          tpu.enqueue_indirect_dma source(%arg17 : memref<32x256xf32, #tpu.memory_space<vmem>>) target(%dma_start3A_344 : memref<1250x256xf32, #tpu.memory_space<vmem_shared>>) offsets(%arg19 : memref<32xi32, #tpu.memory_space<vmem>>) semaphore(%run_scoped3A_341 : memref<!tpu.dma_semaphore, #tpu.memory_space<semaphore_mem>>) {add = true}
          %dma_wait3A_345 = arith.constant 0 : i32
          %dma_wait3A_346 = arith.constant 0 : i32
          %dma_wait3A_347 = tpu.memref_slice %arg23[%dma_wait3A_345, %dma_wait3A_346] : memref<1250x256xf32, #tpu.memory_space<vmem_shared>> -> memref<1250x256xf32, #tpu.memory_space<vmem_shared>>
          tpu.wait_indirect_dma semaphore(%run_scoped3A_341 : memref<!tpu.dma_semaphore, #tpu.memory_space<semaphore_mem>>) src(%arg17 : memref<32x256xf32, #tpu.memory_space<vmem>>) dst(%dma_wait3A_347 : memref<1250x256xf32, #tpu.memory_space<vmem_shared>>)
          tpu.yield
        }) : () -> ()
      }
      %barrier3A_294 = arith.constant 0 : index
      tpu.barrier barrier_id(%barrier3A_294)
      %mul3A_295 = arith.constant 78 : i32
      %mul3A_296 = arith.muli %arg1, %mul3A_295 : i32
      %mul3A_297 = arith.constant 78 : i32
      %mul3A_298 = arith.muli %arg1, %mul3A_297 : i32
      %add3A_299 = arith.addi %mul3A_196, %mul3A_298 : i32
      "tpu.region"() ({
        %run_scoped3A_306 = tpu.sem_alloc : memref<!tpu.dma_semaphore, #tpu.memory_space<semaphore_mem>>
        %dma_start3A = arith.constant 0 : i32
        %dma_start3A_307 = tpu.memref_slice %arg8[%add3A_299, %dma_start3A] : memref<10000x256xf32, #tpu.memory_space<hbm>> -> memref<78x256xf32, #tpu.memory_space<hbm>>
        %dma_start3A_308 = arith.constant 0 : i32
        %dma_start3A_309 = tpu.memref_slice %arg23[%mul3A_296, %dma_start3A_308] : memref<1250x256xf32, #tpu.memory_space<vmem_shared>> -> memref<78x256xf32, #tpu.memory_space<vmem_shared>>
        tpu.enqueue_dma source(%dma_start3A_309 : memref<78x256xf32, #tpu.memory_space<vmem_shared>>) target(%dma_start3A_307 : memref<78x256xf32, #tpu.memory_space<hbm>>) target_semaphore(%run_scoped3A_306 : memref<!tpu.dma_semaphore, #tpu.memory_space<semaphore_mem>>)
        %dma_wait3A = arith.constant 0 : i32
        %dma_wait3A_310 = tpu.memref_slice %arg8[%add3A_299, %dma_wait3A] : memref<10000x256xf32, #tpu.memory_space<hbm>> -> memref<78x256xf32, #tpu.memory_space<hbm>>
        %dma_wait3A_311 = arith.constant 0 : i32
        %dma_wait3A_312 = tpu.memref_slice %arg23[%mul3A_296, %dma_wait3A_311] : memref<1250x256xf32, #tpu.memory_space<vmem_shared>> -> memref<78x256xf32, #tpu.memory_space<vmem_shared>>
        tpu.wait_dma2 semaphore(%run_scoped3A_306 : memref<!tpu.dma_semaphore, #tpu.memory_space<semaphore_mem>>) src(%dma_wait3A_312 : memref<78x256xf32, #tpu.memory_space<vmem_shared>>) dst(%dma_wait3A_310 : memref<78x256xf32, #tpu.memory_space<hbm>>)
        tpu.yield
      }) : () -> ()
      %eq3A_300 = arith.constant 0 : i32
      %eq3A_301 = arith.cmpi eq, %arg1, %eq3A_300 : i32
      %convert_element_type3A_302 = arith.extui %eq3A_301 : i1 to i32
      %cond3A_303 = arith.constant 0 : i32
      %cond3A_304 = arith.cmpi ne, %convert_element_type3A_302, %cond3A_303 : i32
      scf.if %cond3A_304 {
        %add3A_306 = arith.constant 1248 : i32
        %add3A_307 = arith.addi %mul3A_196, %add3A_306 : i32
        "tpu.region"() ({
          %run_scoped3A_308 = tpu.sem_alloc : memref<!tpu.dma_semaphore, #tpu.memory_space<semaphore_mem>>
          %dma_start3A = arith.constant 0 : i32
          %dma_start3A_309 = tpu.memref_slice %arg8[%add3A_307, %dma_start3A] : memref<10000x256xf32, #tpu.memory_space<hbm>> -> memref<2x256xf32, #tpu.memory_space<hbm>>
          %dma_start3A_310 = arith.constant 1248 : i32
          %dma_start3A_311 = arith.constant 0 : i32
          %dma_start3A_312 = tpu.memref_slice %arg23[%dma_start3A_310, %dma_start3A_311] : memref<1250x256xf32, #tpu.memory_space<vmem_shared>> -> memref<2x256xf32, #tpu.memory_space<vmem_shared>>
          tpu.enqueue_dma source(%dma_start3A_312 : memref<2x256xf32, #tpu.memory_space<vmem_shared>>) target(%dma_start3A_309 : memref<2x256xf32, #tpu.memory_space<hbm>>) target_semaphore(%run_scoped3A_308 : memref<!tpu.dma_semaphore, #tpu.memory_space<semaphore_mem>>)
          %dma_wait3A = arith.constant 0 : i32
          %dma_wait3A_313 = tpu.memref_slice %arg8[%add3A_307, %dma_wait3A] : memref<10000x256xf32, #tpu.memory_space<hbm>> -> memref<2x256xf32, #tpu.memory_space<hbm>>
          %dma_wait3A_314 = arith.constant 1248 : i32
          %dma_wait3A_315 = arith.constant 0 : i32
          %dma_wait3A_316 = tpu.memref_slice %arg23[%dma_wait3A_314, %dma_wait3A_315] : memref<1250x256xf32, #tpu.memory_space<vmem_shared>> -> memref<2x256xf32, #tpu.memory_space<vmem_shared>>
          tpu.wait_dma2 semaphore(%run_scoped3A_308 : memref<!tpu.dma_semaphore, #tpu.memory_space<semaphore_mem>>) src(%dma_wait3A_316 : memref<2x256xf32, #tpu.memory_space<vmem_shared>>) dst(%dma_wait3A_313 : memref<2x256xf32, #tpu.memory_space<hbm>>)
          tpu.yield
        }) : () -> ()
      } else {
      }
      %barrier3A_305 = arith.constant 0 : index
      tpu.barrier barrier_id(%barrier3A_305)
    }
    %while3A_191 = arith.constant 1 : i32
    scf.for %while3A_192 = %while3A_189 to %while3A_185 step %while3A_191  : i32 {
      %mul3A = arith.constant 4 : i32
      %mul3A_193 = arith.muli %arg0, %mul3A : i32
      %add3A_194 = arith.addi %mul3A_193, %while3A_192 : i32
      %mul3A_195 = arith.constant 1250 : i32
      %mul3A_196 = arith.muli %add3A_194, %mul3A_195 : i32
      %mul3A_197 = arith.constant 78 : i32
      %mul3A_198 = arith.muli %arg1, %mul3A_197 : i32
      %add3A_199 = arith.addi %mul3A_196, %mul3A_198 : i32
      %mul3A_200 = arith.constant 78 : i32
      %mul3A_201 = arith.muli %arg1, %mul3A_200 : i32
      "tpu.region"() ({
        %run_scoped3A_306 = tpu.sem_alloc : memref<!tpu.dma_semaphore, #tpu.memory_space<semaphore_mem>>
        %dma_start3A = arith.constant 0 : i32
        %dma_start3A_307 = tpu.memref_slice %arg23[%mul3A_201, %dma_start3A] : memref<1250x256xf32, #tpu.memory_space<vmem_shared>> -> memref<78x256xf32, #tpu.memory_space<vmem_shared>>
        %dma_start3A_308 = arith.constant 0 : i32
        %dma_start3A_309 = tpu.memref_slice %arg6[%add3A_199, %dma_start3A_308] : memref<10000x256xf32, #tpu.memory_space<hbm>> -> memref<78x256xf32, #tpu.memory_space<hbm>>
        tpu.enqueue_dma source(%dma_start3A_309 : memref<78x256xf32, #tpu.memory_space<hbm>>) target(%dma_start3A_307 : memref<78x256xf32, #tpu.memory_space<vmem_shared>>) target_semaphore(%run_scoped3A_306 : memref<!tpu.dma_semaphore, #tpu.memory_space<semaphore_mem>>)
        %dma_wait3A = arith.constant 0 : i32
        %dma_wait3A_310 = tpu.memref_slice %arg23[%mul3A_201, %dma_wait3A] : memref<1250x256xf32, #tpu.memory_space<vmem_shared>> -> memref<78x256xf32, #tpu.memory_space<vmem_shared>>
        %dma_wait3A_311 = arith.constant 0 : i32
        %dma_wait3A_312 = tpu.memref_slice %arg6[%add3A_199, %dma_wait3A_311] : memref<10000x256xf32, #tpu.memory_space<hbm>> -> memref<78x256xf32, #tpu.memory_space<hbm>>
        tpu.wait_dma2 semaphore(%run_scoped3A_306 : memref<!tpu.dma_semaphore, #tpu.memory_space<semaphore_mem>>) src(%dma_wait3A_312 : memref<78x256xf32, #tpu.memory_space<hbm>>) dst(%dma_wait3A_310 : memref<78x256xf32, #tpu.memory_space<vmem_shared>>)
        tpu.yield
      }) : () -> ()
      %eq3A = arith.constant 0 : i32
      %eq3A_202 = arith.cmpi eq, %arg1, %eq3A : i32
      %convert_element_type3A = arith.extui %eq3A_202 : i1 to i32
      %cond3A = arith.constant 0 : i32
      %cond3A_203 = arith.cmpi ne, %convert_element_type3A, %cond3A : i32
      scf.if %cond3A_203 {
        %add3A_306 = arith.constant 1248 : i32
        %add3A_307 = arith.addi %mul3A_196, %add3A_306 : i32
        "tpu.region"() ({
          %run_scoped3A_308 = tpu.sem_alloc : memref<!tpu.dma_semaphore, #tpu.memory_space<semaphore_mem>>
          %dma_start3A = arith.constant 1248 : i32
          %dma_start3A_309 = arith.constant 0 : i32
          %dma_start3A_310 = tpu.memref_slice %arg23[%dma_start3A, %dma_start3A_309] : memref<1250x256xf32, #tpu.memory_space<vmem_shared>> -> memref<2x256xf32, #tpu.memory_space<vmem_shared>>
          %dma_start3A_311 = arith.constant 0 : i32
          %dma_start3A_312 = tpu.memref_slice %arg6[%add3A_307, %dma_start3A_311] : memref<10000x256xf32, #tpu.memory_space<hbm>> -> memref<2x256xf32, #tpu.memory_space<hbm>>
          tpu.enqueue_dma source(%dma_start3A_312 : memref<2x256xf32, #tpu.memory_space<hbm>>) target(%dma_start3A_310 : memref<2x256xf32, #tpu.memory_space<vmem_shared>>) target_semaphore(%run_scoped3A_308 : memref<!tpu.dma_semaphore, #tpu.memory_space<semaphore_mem>>)
          %dma_wait3A = arith.constant 1248 : i32
          %dma_wait3A_313 = arith.constant 0 : i32
          %dma_wait3A_314 = tpu.memref_slice %arg23[%dma_wait3A, %dma_wait3A_313] : memref<1250x256xf32, #tpu.memory_space<vmem_shared>> -> memref<2x256xf32, #tpu.memory_space<vmem_shared>>
          %dma_wait3A_315 = arith.constant 0 : i32
          %dma_wait3A_316 = tpu.memref_slice %arg6[%add3A_307, %dma_wait3A_315] : memref<10000x256xf32, #tpu.memory_space<hbm>> -> memref<2x256xf32, #tpu.memory_space<hbm>>
          tpu.wait_dma2 semaphore(%run_scoped3A_308 : memref<!tpu.dma_semaphore, #tpu.memory_space<semaphore_mem>>) src(%dma_wait3A_316 : memref<2x256xf32, #tpu.memory_space<hbm>>) dst(%dma_wait3A_314 : memref<2x256xf32, #tpu.memory_space<vmem_shared>>)
          tpu.yield
        }) : () -> ()
      } else {
      }
      %while3A_204 = arith.constant 0 : i32
      %while3A_205 = arith.constant 0 : i32
      %while3A_206 = arith.constant 320 : i32
      %while3A_207 = arith.subi %while3A_206, %while3A_205 : i32
      %while3A_208 = arith.addi %while3A_205, %while3A_207 : i32
      %while3A_209 = arith.constant 1 : i32
      %while3A_210 = arith.divsi %while3A_207, %while3A_209 : i32
      %while3A_211 = arith.muli %while3A_210, %while3A_209 : i32
      %while3A_212 = arith.addi %while3A_205, %while3A_211 : i32
      %while3A_213 = arith.constant 1 : i32
      scf.for %while3A_306 = %while3A_205 to %while3A_212 step %while3A_213  : i32 {
        %swap3A_307 = arith.index_cast %while3A_306 : i32 to index
        %swap3A_308 = arith.constant 0 : index
        %swap3A_309 = tpu.vector_load %arg15[%swap3A_307, %swap3A_308] {strides = array<i32>} : memref<320x16xf32, #tpu.memory_space<vmem>>, vector<16xf32>,
        tpu.vector_store %arg15[%swap3A_307, %swap3A_308], %broadcast_in_dim3A_0 {strides = array<i32>} : memref<320x16xf32, #tpu.memory_space<vmem>>, vector<16xf32>,
      }
      %while3A_214 = arith.constant 1 : i32
      scf.for %while3A_306 = %while3A_212 to %while3A_208 step %while3A_214  : i32 {
        %swap3A_307 = arith.index_cast %while3A_306 : i32 to index
        %swap3A_308 = arith.constant 0 : index
        %swap3A_309 = tpu.vector_load %arg15[%swap3A_307, %swap3A_308] {strides = array<i32>} : memref<320x16xf32, #tpu.memory_space<vmem>>, vector<16xf32>,
        tpu.vector_store %arg15[%swap3A_307, %swap3A_308], %broadcast_in_dim3A_0 {strides = array<i32>} : memref<320x16xf32, #tpu.memory_space<vmem>>, vector<16xf32>,
      }
      %eq3A_215 = arith.constant 0 : i32
      %eq3A_216 = arith.cmpi eq, %arg1, %eq3A_215 : i32
      %convert_element_type3A_217 = arith.extui %eq3A_216 : i1 to i32
      %cond3A_218 = arith.constant 0 : i32
      %cond3A_219 = arith.cmpi ne, %convert_element_type3A_217, %cond3A_218 : i32
      scf.if %cond3A_219 {
        "tpu.region"() ({
          %run_scoped3A_306 = tpu.sem_alloc : memref<!tpu.dma_semaphore, #tpu.memory_space<semaphore_mem>>
          tpu.enqueue_dma source(%arg15 : memref<320x16xf32, #tpu.memory_space<vmem>>) target(%arg24 : memref<320x16xf32, #tpu.memory_space<vmem_shared>>) target_semaphore(%run_scoped3A_306 : memref<!tpu.dma_semaphore, #tpu.memory_space<semaphore_mem>>)
          tpu.wait_dma2 semaphore(%run_scoped3A_306 : memref<!tpu.dma_semaphore, #tpu.memory_space<semaphore_mem>>) src(%arg15 : memref<320x16xf32, #tpu.memory_space<vmem>>) dst(%arg24 : memref<320x16xf32, #tpu.memory_space<vmem_shared>>)
          tpu.yield
        }) : () -> ()
      } else {
      }
      %while3A_220 = arith.constant 0 : i32
      %while3A_221 = arith.constant 5 : i32
      %while3A_222 = arith.constant 0 : i32
      %while3A_223 = arith.subi %while3A_221, %while3A_220 : i32
      %while3A_224 = arith.addi %while3A_220, %while3A_223 : i32
      %while3A_225 = arith.constant 1 : i32
      %while3A_226 = arith.divsi %while3A_223, %while3A_225 : i32
      %while3A_227 = arith.muli %while3A_226, %while3A_225 : i32
      %while3A_228 = arith.addi %while3A_220, %while3A_227 : i32
      %while3A_229 = arith.constant 1 : i32
      %while3A_230 = scf.for %while3A_306 = %while3A_220 to %while3A_228 step %while3A_229 iter_args(%while3A_307 = %while3A_222) -> (i32)  : i32 {
        %mul3A_308 = arith.constant 5 : i32
        %mul3A_309 = arith.muli %arg1, %mul3A_308 : i32
        %add3A_310 = arith.addi %mul3A_309, %while3A_306 : i32
        "tpu.region"() ({
          %run_scoped3A_323 = tpu.sem_alloc : memref<!tpu.dma_semaphore, #tpu.memory_space<semaphore_mem>>
          %dma_start3A = arith.constant 0 : i32
          %dma_start3A_324 = arith.constant 0 : i32
          %dma_start3A_325 = tpu.memref_slice %arg2[%add3A_310, %dma_start3A, %dma_start3A_324] : memref<80x3x2000xi32, #tpu.memory_space<hbm>> -> memref<1x3x2000xi32, #tpu.memory_space<hbm>>
          %dma_start3A_326 = tpu.memref_squeeze %dma_start3A_325 : memref<1x3x2000xi32, #tpu.memory_space<hbm>> -> memref<3x2000xi32, #tpu.memory_space<hbm>>
          %dma_start3A_327 = arith.constant 0 : i32
          %dma_start3A_328 = arith.constant 0 : i32
          %dma_start3A_329 = tpu.memref_slice %arg2[%add3A_310, %dma_start3A_327, %dma_start3A_328] : memref<80x3x2000xi32, #tpu.memory_space<hbm>> -> memref<1x3x2000xi32, #tpu.memory_space<hbm>>
          %dma_start3A_330 = tpu.memref_squeeze %dma_start3A_329 : memref<1x3x2000xi32, #tpu.memory_space<hbm>> -> memref<3x2000xi32, #tpu.memory_space<hbm>>
          tpu.enqueue_dma source(%dma_start3A_330 : memref<3x2000xi32, #tpu.memory_space<hbm>>) target(%arg16 : memref<3x2000xi32, #tpu.memory_space<vmem>>) target_semaphore(%run_scoped3A_323 : memref<!tpu.dma_semaphore, #tpu.memory_space<semaphore_mem>>)
          %dma_wait3A = arith.constant 0 : i32
          %dma_wait3A_331 = arith.constant 0 : i32
          %dma_wait3A_332 = tpu.memref_slice %arg2[%add3A_310, %dma_wait3A, %dma_wait3A_331] : memref<80x3x2000xi32, #tpu.memory_space<hbm>> -> memref<1x3x2000xi32, #tpu.memory_space<hbm>>
          %dma_wait3A_333 = tpu.memref_squeeze %dma_wait3A_332 : memref<1x3x2000xi32, #tpu.memory_space<hbm>> -> memref<3x2000xi32, #tpu.memory_space<hbm>>
          %dma_wait3A_334 = arith.constant 0 : i32
          %dma_wait3A_335 = arith.constant 0 : i32
          %dma_wait3A_336 = tpu.memref_slice %arg2[%add3A_310, %dma_wait3A_334, %dma_wait3A_335] : memref<80x3x2000xi32, #tpu.memory_space<hbm>> -> memref<1x3x2000xi32, #tpu.memory_space<hbm>>
          %dma_wait3A_337 = tpu.memref_squeeze %dma_wait3A_336 : memref<1x3x2000xi32, #tpu.memory_space<hbm>> -> memref<3x2000xi32, #tpu.memory_space<hbm>>
          tpu.wait_dma2 semaphore(%run_scoped3A_323 : memref<!tpu.dma_semaphore, #tpu.memory_space<semaphore_mem>>) src(%dma_wait3A_337 : memref<3x2000xi32, #tpu.memory_space<hbm>>) dst(%arg16 : memref<3x2000xi32, #tpu.memory_space<vmem>>)
          tpu.yield
        }) : () -> ()
        %while3A_311 = arith.constant 0 : i32
        %while3A_312 = arith.constant 125 : i32
        %while3A_313 = arith.subi %while3A_312, %while3A_311 : i32
        %while3A_314 = arith.addi %while3A_311, %while3A_313 : i32
        %while3A_315 = arith.constant 1 : i32
        %while3A_316 = arith.divsi %while3A_313, %while3A_315 : i32
        %while3A_317 = arith.muli %while3A_316, %while3A_315 : i32
        %while3A_318 = arith.addi %while3A_311, %while3A_317 : i32
        %while3A_319 = arith.constant 1 : i32
        %while3A_320 = scf.for %while3A_323 = %while3A_311 to %while3A_318 step %while3A_319 iter_args(%while3A_324 = %while3A_307) -> (i32)  : i32 {
          %mul3A_325 = arith.constant 16 : i32
          %mul3A_326 = arith.muli %while3A_323, %mul3A_325 : i32
          %get3A = arith.constant 0 : i64
          %get3A_327 = arith.index_cast %get3A : i64 to index
          %get3A_328 = arith.index_cast %mul3A_326 : i32 to index
          %get3A_329 = tpu.vector_load %arg16[%get3A_327, %get3A_328] {strides = array<i32>} : memref<3x2000xi32, #tpu.memory_space<vmem>>, vector<16xi32>,
          %get3A_330 = arith.constant 1 : i64
          %get3A_331 = arith.index_cast %get3A_330 : i64 to index
          %get3A_332 = arith.index_cast %mul3A_326 : i32 to index
          %get3A_333 = tpu.vector_load %arg16[%get3A_331, %get3A_332] {strides = array<i32>} : memref<3x2000xi32, #tpu.memory_space<vmem>>, vector<16xi32>,
          %get3A_334 = arith.constant 2 : i64
          %get3A_335 = arith.index_cast %get3A_334 : i64 to index
          %get3A_336 = arith.index_cast %mul3A_326 : i32 to index
          %get3A_337 = tpu.vector_load %arg16[%get3A_335, %get3A_336] {strides = array<i32>} : memref<3x2000xi32, #tpu.memory_space<vmem>>, vector<16xi32>,
          %mul3A_338 = arith.constant 2000 : i32
          %mul3A_339 = arith.muli %while3A_306, %mul3A_338 : i32
          %mul3A_340 = arith.constant 16 : i32
          %mul3A_341 = arith.muli %while3A_323, %mul3A_340 : i32
          %add3A_342 = arith.addi %mul3A_339, %mul3A_341 : i32
          %get3A_343 = arith.index_cast %add3A_342 : i32 to index
          %get3A_344 = tpu.vector_load %arg11[%get3A_343] {strides = array<i32>} : memref<10000xf32, #tpu.memory_space<vmem>>, vector<16xf32>,
          %sub3A_345 = vector.broadcast %mul3A_196 : i32 to vector<16xi32>
          %sub3A_346 = arith.subi %get3A_333, %sub3A_345 : vector<16xi32>
          %ge3A = vector.broadcast %mul3A_196 : i32 to vector<16xi32>
          %ge3A_347 = arith.cmpi sge, %get3A_333, %ge3A : vector<16xi32>
          %lt3A = arith.constant 1250 : i32
          %lt3A_348 = vector.broadcast %lt3A : i32 to vector<16xi32>
          %lt3A_349 = arith.cmpi slt, %sub3A_346, %lt3A_348 : vector<16xi32>
          %and3A_350 = arith.andi %ge3A_347, %lt3A_349 : vector<16xi1>
          %mul3A_351 = arith.constant 4 : i32
          %mul3A_352 = vector.broadcast %mul3A_351 : i32 to vector<16xi32>
          %mul3A_353 = arith.muli %sub3A_346, %mul3A_352 : vector<16xi32>
          %add3A_354 = arith.addi %mul3A_353, %get3A_337 : vector<16xi32>
          %shift_right_logical3A = arith.constant 4 : i32
          %shift_right_logical3A_355 = vector.broadcast %shift_right_logical3A : i32 to vector<16xi32>
          %shift_right_logical3A_356 = arith.shrui %add3A_354, %shift_right_logical3A_355 : vector<16xi32>
          %and3A_357 = arith.constant 15 : i32
          %and3A_358 = vector.broadcast %and3A_357 : i32 to vector<16xi32>
          %and3A_359 = arith.andi %add3A_354, %and3A_358 : vector<16xi32>
          tpu.vector_store_idx %arg15[%shift_right_logical3A_356, %and3A_359], %get3A_344 masked %and3A_350 {add = true} : memref<320x16xf32, #tpu.memory_space<vmem>>[vector<16xi32>, vector<16xi32>], vector<16xf32>, vector<16xi1>
          %mul3A_360 = arith.constant 10000 : i32
          %mul3A_361 = vector.broadcast %mul3A_360 : i32 to vector<16xi32>
          %mul3A_362 = arith.muli %get3A_337, %mul3A_361 : vector<16xi32>
          %add3A_363 = arith.addi %mul3A_362, %get3A_329 : vector<16xi32>
          %swap3A_364 = arith.index_cast %while3A_324 : i32 to index
          %swap3A_365 = tpu.vector_load %arg12[%swap3A_364] masked %and3A_350 {strides = array<i32>} : memref<2624xi32, #tpu.memory_space<vmem>>, vector<16xi32>, vector<16xi1>
          tpu.vector_store %arg12[%swap3A_364], %add3A_363 masked %and3A_350 {strides = array<i32>} : memref<2624xi32, #tpu.memory_space<vmem>>, vector<16xi32>, vector<16xi1>
          %swap3A_366 = arith.index_cast %while3A_324 : i32 to index
          %swap3A_367 = tpu.vector_load %arg13[%swap3A_366] masked %and3A_350 {strides = array<i32>} : memref<2624xi32, #tpu.memory_space<vmem>>, vector<16xi32>, vector<16xi1>
          tpu.vector_store %arg13[%swap3A_366], %add3A_354 masked %and3A_350 {strides = array<i32>} : memref<2624xi32, #tpu.memory_space<vmem>>, vector<16xi32>, vector<16xi1>
          %swap3A_368 = arith.index_cast %while3A_324 : i32 to index
          %swap3A_369 = tpu.vector_load %arg14[%swap3A_368] masked %and3A_350 {strides = array<i32>} : memref<2624xf32, #tpu.memory_space<vmem>>, vector<16xf32>, vector<16xi1>
          tpu.vector_store %arg14[%swap3A_368], %get3A_344 masked %and3A_350 {strides = array<i32>} : memref<2624xf32, #tpu.memory_space<vmem>>, vector<16xf32>, vector<16xi1>
          %convert_element_type3A_370 = arith.extui %and3A_350 : vector<16xi1> to vector<16xi32>
          %reduce_sum3A = arith.constant true
          %reduce_sum3A_371 = vector.broadcast %reduce_sum3A : i1 to vector<16xi1>
          %reduce_sum3A_372 = tpu.scan <sum>, %convert_element_type3A_370 masked %reduce_sum3A_371 : vector<16xi32>, vector<16xi1> -> vector<16xi32>
          %reduce_sum3A_373 = vector.extract %reduce_sum3A_372[15] : i32 from vector<16xi32>
          %add3A_374 = arith.addi %while3A_324, %reduce_sum3A_373 : i32
          scf.yield %add3A_374 : i32
        }
        %while3A_321 = arith.constant 1 : i32
        %while3A_322 = scf.for %while3A_323 = %while3A_318 to %while3A_314 step %while3A_321 iter_args(%while3A_324 = %while3A_320) -> (i32)  : i32 {
          %mul3A_325 = arith.constant 16 : i32
          %mul3A_326 = arith.muli %while3A_323, %mul3A_325 : i32
          %get3A = arith.constant 0 : i64
          %get3A_327 = arith.index_cast %get3A : i64 to index
          %get3A_328 = arith.index_cast %mul3A_326 : i32 to index
          %get3A_329 = tpu.vector_load %arg16[%get3A_327, %get3A_328] {strides = array<i32>} : memref<3x2000xi32, #tpu.memory_space<vmem>>, vector<16xi32>,
          %get3A_330 = arith.constant 1 : i64
          %get3A_331 = arith.index_cast %get3A_330 : i64 to index
          %get3A_332 = arith.index_cast %mul3A_326 : i32 to index
          %get3A_333 = tpu.vector_load %arg16[%get3A_331, %get3A_332] {strides = array<i32>} : memref<3x2000xi32, #tpu.memory_space<vmem>>, vector<16xi32>,
          %get3A_334 = arith.constant 2 : i64
          %get3A_335 = arith.index_cast %get3A_334 : i64 to index
          %get3A_336 = arith.index_cast %mul3A_326 : i32 to index
          %get3A_337 = tpu.vector_load %arg16[%get3A_335, %get3A_336] {strides = array<i32>} : memref<3x2000xi32, #tpu.memory_space<vmem>>, vector<16xi32>,
          %mul3A_338 = arith.constant 2000 : i32
          %mul3A_339 = arith.muli %while3A_306, %mul3A_338 : i32
          %mul3A_340 = arith.constant 16 : i32
          %mul3A_341 = arith.muli %while3A_323, %mul3A_340 : i32
          %add3A_342 = arith.addi %mul3A_339, %mul3A_341 : i32
          %get3A_343 = arith.index_cast %add3A_342 : i32 to index
          %get3A_344 = tpu.vector_load %arg11[%get3A_343] {strides = array<i32>} : memref<10000xf32, #tpu.memory_space<vmem>>, vector<16xf32>,
          %sub3A_345 = vector.broadcast %mul3A_196 : i32 to vector<16xi32>
          %sub3A_346 = arith.subi %get3A_333, %sub3A_345 : vector<16xi32>
          %ge3A = vector.broadcast %mul3A_196 : i32 to vector<16xi32>
          %ge3A_347 = arith.cmpi sge, %get3A_333, %ge3A : vector<16xi32>
          %lt3A = arith.constant 1250 : i32
          %lt3A_348 = vector.broadcast %lt3A : i32 to vector<16xi32>
          %lt3A_349 = arith.cmpi slt, %sub3A_346, %lt3A_348 : vector<16xi32>
          %and3A_350 = arith.andi %ge3A_347, %lt3A_349 : vector<16xi1>
          %mul3A_351 = arith.constant 4 : i32
          %mul3A_352 = vector.broadcast %mul3A_351 : i32 to vector<16xi32>
          %mul3A_353 = arith.muli %sub3A_346, %mul3A_352 : vector<16xi32>
          %add3A_354 = arith.addi %mul3A_353, %get3A_337 : vector<16xi32>
          %shift_right_logical3A = arith.constant 4 : i32
          %shift_right_logical3A_355 = vector.broadcast %shift_right_logical3A : i32 to vector<16xi32>
          %shift_right_logical3A_356 = arith.shrui %add3A_354, %shift_right_logical3A_355 : vector<16xi32>
          %and3A_357 = arith.constant 15 : i32
          %and3A_358 = vector.broadcast %and3A_357 : i32 to vector<16xi32>
          %and3A_359 = arith.andi %add3A_354, %and3A_358 : vector<16xi32>
          tpu.vector_store_idx %arg15[%shift_right_logical3A_356, %and3A_359], %get3A_344 masked %and3A_350 {add = true} : memref<320x16xf32, #tpu.memory_space<vmem>>[vector<16xi32>, vector<16xi32>], vector<16xf32>, vector<16xi1>
          %mul3A_360 = arith.constant 10000 : i32
          %mul3A_361 = vector.broadcast %mul3A_360 : i32 to vector<16xi32>
          %mul3A_362 = arith.muli %get3A_337, %mul3A_361 : vector<16xi32>
          %add3A_363 = arith.addi %mul3A_362, %get3A_329 : vector<16xi32>
          %swap3A_364 = arith.index_cast %while3A_324 : i32 to index
          %swap3A_365 = tpu.vector_load %arg12[%swap3A_364] masked %and3A_350 {strides = array<i32>} : memref<2624xi32, #tpu.memory_space<vmem>>, vector<16xi32>, vector<16xi1>
          tpu.vector_store %arg12[%swap3A_364], %add3A_363 masked %and3A_350 {strides = array<i32>} : memref<2624xi32, #tpu.memory_space<vmem>>, vector<16xi32>, vector<16xi1>
          %swap3A_366 = arith.index_cast %while3A_324 : i32 to index
          %swap3A_367 = tpu.vector_load %arg13[%swap3A_366] masked %and3A_350 {strides = array<i32>} : memref<2624xi32, #tpu.memory_space<vmem>>, vector<16xi32>, vector<16xi1>
          tpu.vector_store %arg13[%swap3A_366], %add3A_354 masked %and3A_350 {strides = array<i32>} : memref<2624xi32, #tpu.memory_space<vmem>>, vector<16xi32>, vector<16xi1>
          %swap3A_368 = arith.index_cast %while3A_324 : i32 to index
          %swap3A_369 = tpu.vector_load %arg14[%swap3A_368] masked %and3A_350 {strides = array<i32>} : memref<2624xf32, #tpu.memory_space<vmem>>, vector<16xf32>, vector<16xi1>
          tpu.vector_store %arg14[%swap3A_368], %get3A_344 masked %and3A_350 {strides = array<i32>} : memref<2624xf32, #tpu.memory_space<vmem>>, vector<16xf32>, vector<16xi1>
          %convert_element_type3A_370 = arith.extui %and3A_350 : vector<16xi1> to vector<16xi32>
          %reduce_sum3A = arith.constant true
          %reduce_sum3A_371 = vector.broadcast %reduce_sum3A : i1 to vector<16xi1>
          %reduce_sum3A_372 = tpu.scan <sum>, %convert_element_type3A_370 masked %reduce_sum3A_371 : vector<16xi32>, vector<16xi1> -> vector<16xi32>
          %reduce_sum3A_373 = vector.extract %reduce_sum3A_372[15] : i32 from vector<16xi32>
          %add3A_374 = arith.addi %while3A_324, %reduce_sum3A_373 : i32
          scf.yield %add3A_374 : i32
        }
        scf.yield %while3A_322 : i32
      }
      %while3A_231 = arith.constant 1 : i32
      %while3A_232 = scf.for %while3A_306 = %while3A_228 to %while3A_224 step %while3A_231 iter_args(%while3A_307 = %while3A_230) -> (i32)  : i32 {
        %mul3A_308 = arith.constant 5 : i32
        %mul3A_309 = arith.muli %arg1, %mul3A_308 : i32
        %add3A_310 = arith.addi %mul3A_309, %while3A_306 : i32
        "tpu.region"() ({
          %run_scoped3A_323 = tpu.sem_alloc : memref<!tpu.dma_semaphore, #tpu.memory_space<semaphore_mem>>
          %dma_start3A = arith.constant 0 : i32
          %dma_start3A_324 = arith.constant 0 : i32
          %dma_start3A_325 = tpu.memref_slice %arg2[%add3A_310, %dma_start3A, %dma_start3A_324] : memref<80x3x2000xi32, #tpu.memory_space<hbm>> -> memref<1x3x2000xi32, #tpu.memory_space<hbm>>
          %dma_start3A_326 = tpu.memref_squeeze %dma_start3A_325 : memref<1x3x2000xi32, #tpu.memory_space<hbm>> -> memref<3x2000xi32, #tpu.memory_space<hbm>>
          %dma_start3A_327 = arith.constant 0 : i32
          %dma_start3A_328 = arith.constant 0 : i32
          %dma_start3A_329 = tpu.memref_slice %arg2[%add3A_310, %dma_start3A_327, %dma_start3A_328] : memref<80x3x2000xi32, #tpu.memory_space<hbm>> -> memref<1x3x2000xi32, #tpu.memory_space<hbm>>
          %dma_start3A_330 = tpu.memref_squeeze %dma_start3A_329 : memref<1x3x2000xi32, #tpu.memory_space<hbm>> -> memref<3x2000xi32, #tpu.memory_space<hbm>>
          tpu.enqueue_dma source(%dma_start3A_330 : memref<3x2000xi32, #tpu.memory_space<hbm>>) target(%arg16 : memref<3x2000xi32, #tpu.memory_space<vmem>>) target_semaphore(%run_scoped3A_323 : memref<!tpu.dma_semaphore, #tpu.memory_space<semaphore_mem>>)
          %dma_wait3A = arith.constant 0 : i32
          %dma_wait3A_331 = arith.constant 0 : i32
          %dma_wait3A_332 = tpu.memref_slice %arg2[%add3A_310, %dma_wait3A, %dma_wait3A_331] : memref<80x3x2000xi32, #tpu.memory_space<hbm>> -> memref<1x3x2000xi32, #tpu.memory_space<hbm>>
          %dma_wait3A_333 = tpu.memref_squeeze %dma_wait3A_332 : memref<1x3x2000xi32, #tpu.memory_space<hbm>> -> memref<3x2000xi32, #tpu.memory_space<hbm>>
          %dma_wait3A_334 = arith.constant 0 : i32
          %dma_wait3A_335 = arith.constant 0 : i32
          %dma_wait3A_336 = tpu.memref_slice %arg2[%add3A_310, %dma_wait3A_334, %dma_wait3A_335] : memref<80x3x2000xi32, #tpu.memory_space<hbm>> -> memref<1x3x2000xi32, #tpu.memory_space<hbm>>
          %dma_wait3A_337 = tpu.memref_squeeze %dma_wait3A_336 : memref<1x3x2000xi32, #tpu.memory_space<hbm>> -> memref<3x2000xi32, #tpu.memory_space<hbm>>
          tpu.wait_dma2 semaphore(%run_scoped3A_323 : memref<!tpu.dma_semaphore, #tpu.memory_space<semaphore_mem>>) src(%dma_wait3A_337 : memref<3x2000xi32, #tpu.memory_space<hbm>>) dst(%arg16 : memref<3x2000xi32, #tpu.memory_space<vmem>>)
          tpu.yield
        }) : () -> ()
        %while3A_311 = arith.constant 0 : i32
        %while3A_312 = arith.constant 125 : i32
        %while3A_313 = arith.subi %while3A_312, %while3A_311 : i32
        %while3A_314 = arith.addi %while3A_311, %while3A_313 : i32
        %while3A_315 = arith.constant 1 : i32
        %while3A_316 = arith.divsi %while3A_313, %while3A_315 : i32
        %while3A_317 = arith.muli %while3A_316, %while3A_315 : i32
        %while3A_318 = arith.addi %while3A_311, %while3A_317 : i32
        %while3A_319 = arith.constant 1 : i32
        %while3A_320 = scf.for %while3A_323 = %while3A_311 to %while3A_318 step %while3A_319 iter_args(%while3A_324 = %while3A_307) -> (i32)  : i32 {
          %mul3A_325 = arith.constant 16 : i32
          %mul3A_326 = arith.muli %while3A_323, %mul3A_325 : i32
          %get3A = arith.constant 0 : i64
          %get3A_327 = arith.index_cast %get3A : i64 to index
          %get3A_328 = arith.index_cast %mul3A_326 : i32 to index
          %get3A_329 = tpu.vector_load %arg16[%get3A_327, %get3A_328] {strides = array<i32>} : memref<3x2000xi32, #tpu.memory_space<vmem>>, vector<16xi32>,
          %get3A_330 = arith.constant 1 : i64
          %get3A_331 = arith.index_cast %get3A_330 : i64 to index
          %get3A_332 = arith.index_cast %mul3A_326 : i32 to index
          %get3A_333 = tpu.vector_load %arg16[%get3A_331, %get3A_332] {strides = array<i32>} : memref<3x2000xi32, #tpu.memory_space<vmem>>, vector<16xi32>,
          %get3A_334 = arith.constant 2 : i64
          %get3A_335 = arith.index_cast %get3A_334 : i64 to index
          %get3A_336 = arith.index_cast %mul3A_326 : i32 to index
          %get3A_337 = tpu.vector_load %arg16[%get3A_335, %get3A_336] {strides = array<i32>} : memref<3x2000xi32, #tpu.memory_space<vmem>>, vector<16xi32>,
          %mul3A_338 = arith.constant 2000 : i32
          %mul3A_339 = arith.muli %while3A_306, %mul3A_338 : i32
          %mul3A_340 = arith.constant 16 : i32
          %mul3A_341 = arith.muli %while3A_323, %mul3A_340 : i32
          %add3A_342 = arith.addi %mul3A_339, %mul3A_341 : i32
          %get3A_343 = arith.index_cast %add3A_342 : i32 to index
          %get3A_344 = tpu.vector_load %arg11[%get3A_343] {strides = array<i32>} : memref<10000xf32, #tpu.memory_space<vmem>>, vector<16xf32>,
          %sub3A_345 = vector.broadcast %mul3A_196 : i32 to vector<16xi32>
          %sub3A_346 = arith.subi %get3A_333, %sub3A_345 : vector<16xi32>
          %ge3A = vector.broadcast %mul3A_196 : i32 to vector<16xi32>
          %ge3A_347 = arith.cmpi sge, %get3A_333, %ge3A : vector<16xi32>
          %lt3A = arith.constant 1250 : i32
          %lt3A_348 = vector.broadcast %lt3A : i32 to vector<16xi32>
          %lt3A_349 = arith.cmpi slt, %sub3A_346, %lt3A_348 : vector<16xi32>
          %and3A_350 = arith.andi %ge3A_347, %lt3A_349 : vector<16xi1>
          %mul3A_351 = arith.constant 4 : i32
          %mul3A_352 = vector.broadcast %mul3A_351 : i32 to vector<16xi32>
          %mul3A_353 = arith.muli %sub3A_346, %mul3A_352 : vector<16xi32>
          %add3A_354 = arith.addi %mul3A_353, %get3A_337 : vector<16xi32>
          %shift_right_logical3A = arith.constant 4 : i32
          %shift_right_logical3A_355 = vector.broadcast %shift_right_logical3A : i32 to vector<16xi32>
          %shift_right_logical3A_356 = arith.shrui %add3A_354, %shift_right_logical3A_355 : vector<16xi32>
          %and3A_357 = arith.constant 15 : i32
          %and3A_358 = vector.broadcast %and3A_357 : i32 to vector<16xi32>
          %and3A_359 = arith.andi %add3A_354, %and3A_358 : vector<16xi32>
          tpu.vector_store_idx %arg15[%shift_right_logical3A_356, %and3A_359], %get3A_344 masked %and3A_350 {add = true} : memref<320x16xf32, #tpu.memory_space<vmem>>[vector<16xi32>, vector<16xi32>], vector<16xf32>, vector<16xi1>
          %mul3A_360 = arith.constant 10000 : i32
          %mul3A_361 = vector.broadcast %mul3A_360 : i32 to vector<16xi32>
          %mul3A_362 = arith.muli %get3A_337, %mul3A_361 : vector<16xi32>
          %add3A_363 = arith.addi %mul3A_362, %get3A_329 : vector<16xi32>
          %swap3A_364 = arith.index_cast %while3A_324 : i32 to index
          %swap3A_365 = tpu.vector_load %arg12[%swap3A_364] masked %and3A_350 {strides = array<i32>} : memref<2624xi32, #tpu.memory_space<vmem>>, vector<16xi32>, vector<16xi1>
          tpu.vector_store %arg12[%swap3A_364], %add3A_363 masked %and3A_350 {strides = array<i32>} : memref<2624xi32, #tpu.memory_space<vmem>>, vector<16xi32>, vector<16xi1>
          %swap3A_366 = arith.index_cast %while3A_324 : i32 to index
          %swap3A_367 = tpu.vector_load %arg13[%swap3A_366] masked %and3A_350 {strides = array<i32>} : memref<2624xi32, #tpu.memory_space<vmem>>, vector<16xi32>, vector<16xi1>
          tpu.vector_store %arg13[%swap3A_366], %add3A_354 masked %and3A_350 {strides = array<i32>} : memref<2624xi32, #tpu.memory_space<vmem>>, vector<16xi32>, vector<16xi1>
          %swap3A_368 = arith.index_cast %while3A_324 : i32 to index
          %swap3A_369 = tpu.vector_load %arg14[%swap3A_368] masked %and3A_350 {strides = array<i32>} : memref<2624xf32, #tpu.memory_space<vmem>>, vector<16xf32>, vector<16xi1>
          tpu.vector_store %arg14[%swap3A_368], %get3A_344 masked %and3A_350 {strides = array<i32>} : memref<2624xf32, #tpu.memory_space<vmem>>, vector<16xf32>, vector<16xi1>
          %convert_element_type3A_370 = arith.extui %and3A_350 : vector<16xi1> to vector<16xi32>
          %reduce_sum3A = arith.constant true
          %reduce_sum3A_371 = vector.broadcast %reduce_sum3A : i1 to vector<16xi1>
          %reduce_sum3A_372 = tpu.scan <sum>, %convert_element_type3A_370 masked %reduce_sum3A_371 : vector<16xi32>, vector<16xi1> -> vector<16xi32>
          %reduce_sum3A_373 = vector.extract %reduce_sum3A_372[15] : i32 from vector<16xi32>
          %add3A_374 = arith.addi %while3A_324, %reduce_sum3A_373 : i32
          scf.yield %add3A_374 : i32
        }
        %while3A_321 = arith.constant 1 : i32
        %while3A_322 = scf.for %while3A_323 = %while3A_318 to %while3A_314 step %while3A_321 iter_args(%while3A_324 = %while3A_320) -> (i32)  : i32 {
          %mul3A_325 = arith.constant 16 : i32
          %mul3A_326 = arith.muli %while3A_323, %mul3A_325 : i32
          %get3A = arith.constant 0 : i64
          %get3A_327 = arith.index_cast %get3A : i64 to index
          %get3A_328 = arith.index_cast %mul3A_326 : i32 to index
          %get3A_329 = tpu.vector_load %arg16[%get3A_327, %get3A_328] {strides = array<i32>} : memref<3x2000xi32, #tpu.memory_space<vmem>>, vector<16xi32>,
          %get3A_330 = arith.constant 1 : i64
          %get3A_331 = arith.index_cast %get3A_330 : i64 to index
          %get3A_332 = arith.index_cast %mul3A_326 : i32 to index
          %get3A_333 = tpu.vector_load %arg16[%get3A_331, %get3A_332] {strides = array<i32>} : memref<3x2000xi32, #tpu.memory_space<vmem>>, vector<16xi32>,
          %get3A_334 = arith.constant 2 : i64
          %get3A_335 = arith.index_cast %get3A_334 : i64 to index
          %get3A_336 = arith.index_cast %mul3A_326 : i32 to index
          %get3A_337 = tpu.vector_load %arg16[%get3A_335, %get3A_336] {strides = array<i32>} : memref<3x2000xi32, #tpu.memory_space<vmem>>, vector<16xi32>,
          %mul3A_338 = arith.constant 2000 : i32
          %mul3A_339 = arith.muli %while3A_306, %mul3A_338 : i32
          %mul3A_340 = arith.constant 16 : i32
          %mul3A_341 = arith.muli %while3A_323, %mul3A_340 : i32
          %add3A_342 = arith.addi %mul3A_339, %mul3A_341 : i32
          %get3A_343 = arith.index_cast %add3A_342 : i32 to index
          %get3A_344 = tpu.vector_load %arg11[%get3A_343] {strides = array<i32>} : memref<10000xf32, #tpu.memory_space<vmem>>, vector<16xf32>,
          %sub3A_345 = vector.broadcast %mul3A_196 : i32 to vector<16xi32>
          %sub3A_346 = arith.subi %get3A_333, %sub3A_345 : vector<16xi32>
          %ge3A = vector.broadcast %mul3A_196 : i32 to vector<16xi32>
          %ge3A_347 = arith.cmpi sge, %get3A_333, %ge3A : vector<16xi32>
          %lt3A = arith.constant 1250 : i32
          %lt3A_348 = vector.broadcast %lt3A : i32 to vector<16xi32>
          %lt3A_349 = arith.cmpi slt, %sub3A_346, %lt3A_348 : vector<16xi32>
          %and3A_350 = arith.andi %ge3A_347, %lt3A_349 : vector<16xi1>
          %mul3A_351 = arith.constant 4 : i32
          %mul3A_352 = vector.broadcast %mul3A_351 : i32 to vector<16xi32>
          %mul3A_353 = arith.muli %sub3A_346, %mul3A_352 : vector<16xi32>
          %add3A_354 = arith.addi %mul3A_353, %get3A_337 : vector<16xi32>
          %shift_right_logical3A = arith.constant 4 : i32
          %shift_right_logical3A_355 = vector.broadcast %shift_right_logical3A : i32 to vector<16xi32>
          %shift_right_logical3A_356 = arith.shrui %add3A_354, %shift_right_logical3A_355 : vector<16xi32>
          %and3A_357 = arith.constant 15 : i32
          %and3A_358 = vector.broadcast %and3A_357 : i32 to vector<16xi32>
          %and3A_359 = arith.andi %add3A_354, %and3A_358 : vector<16xi32>
          tpu.vector_store_idx %arg15[%shift_right_logical3A_356, %and3A_359], %get3A_344 masked %and3A_350 {add = true} : memref<320x16xf32, #tpu.memory_space<vmem>>[vector<16xi32>, vector<16xi32>], vector<16xf32>, vector<16xi1>
          %mul3A_360 = arith.constant 10000 : i32
          %mul3A_361 = vector.broadcast %mul3A_360 : i32 to vector<16xi32>
          %mul3A_362 = arith.muli %get3A_337, %mul3A_361 : vector<16xi32>
          %add3A_363 = arith.addi %mul3A_362, %get3A_329 : vector<16xi32>
          %swap3A_364 = arith.index_cast %while3A_324 : i32 to index
          %swap3A_365 = tpu.vector_load %arg12[%swap3A_364] masked %and3A_350 {strides = array<i32>} : memref<2624xi32, #tpu.memory_space<vmem>>, vector<16xi32>, vector<16xi1>
          tpu.vector_store %arg12[%swap3A_364], %add3A_363 masked %and3A_350 {strides = array<i32>} : memref<2624xi32, #tpu.memory_space<vmem>>, vector<16xi32>, vector<16xi1>
          %swap3A_366 = arith.index_cast %while3A_324 : i32 to index
          %swap3A_367 = tpu.vector_load %arg13[%swap3A_366] masked %and3A_350 {strides = array<i32>} : memref<2624xi32, #tpu.memory_space<vmem>>, vector<16xi32>, vector<16xi1>
          tpu.vector_store %arg13[%swap3A_366], %add3A_354 masked %and3A_350 {strides = array<i32>} : memref<2624xi32, #tpu.memory_space<vmem>>, vector<16xi32>, vector<16xi1>
          %swap3A_368 = arith.index_cast %while3A_324 : i32 to index
          %swap3A_369 = tpu.vector_load %arg14[%swap3A_368] masked %and3A_350 {strides = array<i32>} : memref<2624xf32, #tpu.memory_space<vmem>>, vector<16xf32>, vector<16xi1>
          tpu.vector_store %arg14[%swap3A_368], %get3A_344 masked %and3A_350 {strides = array<i32>} : memref<2624xf32, #tpu.memory_space<vmem>>, vector<16xf32>, vector<16xi1>
          %convert_element_type3A_370 = arith.extui %and3A_350 : vector<16xi1> to vector<16xi32>
          %reduce_sum3A = arith.constant true
          %reduce_sum3A_371 = vector.broadcast %reduce_sum3A : i1 to vector<16xi1>
          %reduce_sum3A_372 = tpu.scan <sum>, %convert_element_type3A_370 masked %reduce_sum3A_371 : vector<16xi32>, vector<16xi1> -> vector<16xi32>
          %reduce_sum3A_373 = vector.extract %reduce_sum3A_372[15] : i32 from vector<16xi32>
          %add3A_374 = arith.addi %while3A_324, %reduce_sum3A_373 : i32
          scf.yield %add3A_374 : i32
        }
        scf.yield %while3A_322 : i32
      }
      %while3A_233 = arith.constant 0 : i32
      %while3A_234 = arith.constant 0 : i32
      %while3A_235 = arith.constant 4 : i32
      %while3A_236 = arith.subi %while3A_235, %while3A_234 : i32
      %while3A_237 = arith.addi %while3A_234, %while3A_236 : i32
      %while3A_238 = arith.constant 1 : i32
      %while3A_239 = arith.divsi %while3A_236, %while3A_238 : i32
      %while3A_240 = arith.muli %while3A_239, %while3A_238 : i32
      %while3A_241 = arith.addi %while3A_234, %while3A_240 : i32
      %while3A_242 = arith.constant 1 : i32
      scf.for %while3A_306 = %while3A_234 to %while3A_241 step %while3A_242  : i32 {
        %mul3A_307 = arith.constant 16 : i32
        %mul3A_308 = arith.muli %while3A_306, %mul3A_307 : i32
        %add3A_309 = arith.addi %while3A_232, %mul3A_308 : i32
        %swap3A_310 = arith.index_cast %add3A_309 : i32 to index
        %swap3A_311 = tpu.vector_load %arg12[%swap3A_310] {strides = array<i32>} : memref<2624xi32, #tpu.memory_space<vmem>>, vector<16xi32>,
        tpu.vector_store %arg12[%swap3A_310], %broadcast_in_dim3A_2 {strides = array<i32>} : memref<2624xi32, #tpu.memory_space<vmem>>, vector<16xi32>,
        %mul3A_312 = arith.constant 16 : i32
        %mul3A_313 = arith.muli %while3A_306, %mul3A_312 : i32
        %add3A_314 = arith.addi %while3A_232, %mul3A_313 : i32
        %swap3A_315 = arith.index_cast %add3A_314 : i32 to index
        %swap3A_316 = tpu.vector_load %arg13[%swap3A_315] {strides = array<i32>} : memref<2624xi32, #tpu.memory_space<vmem>>, vector<16xi32>,
        tpu.vector_store %arg13[%swap3A_315], %broadcast_in_dim3A_2 {strides = array<i32>} : memref<2624xi32, #tpu.memory_space<vmem>>, vector<16xi32>,
        %mul3A_317 = arith.constant 16 : i32
        %mul3A_318 = arith.muli %while3A_306, %mul3A_317 : i32
        %add3A_319 = arith.addi %while3A_232, %mul3A_318 : i32
        %swap3A_320 = arith.index_cast %add3A_319 : i32 to index
        %swap3A_321 = tpu.vector_load %arg14[%swap3A_320] {strides = array<i32>} : memref<2624xf32, #tpu.memory_space<vmem>>, vector<16xf32>,
        tpu.vector_store %arg14[%swap3A_320], %broadcast_in_dim3A_0 {strides = array<i32>} : memref<2624xf32, #tpu.memory_space<vmem>>, vector<16xf32>,
      }
      %while3A_243 = arith.constant 1 : i32
      scf.for %while3A_306 = %while3A_241 to %while3A_237 step %while3A_243  : i32 {
        %mul3A_307 = arith.constant 16 : i32
        %mul3A_308 = arith.muli %while3A_306, %mul3A_307 : i32
        %add3A_309 = arith.addi %while3A_232, %mul3A_308 : i32
        %swap3A_310 = arith.index_cast %add3A_309 : i32 to index
        %swap3A_311 = tpu.vector_load %arg12[%swap3A_310] {strides = array<i32>} : memref<2624xi32, #tpu.memory_space<vmem>>, vector<16xi32>,
        tpu.vector_store %arg12[%swap3A_310], %broadcast_in_dim3A_2 {strides = array<i32>} : memref<2624xi32, #tpu.memory_space<vmem>>, vector<16xi32>,
        %mul3A_312 = arith.constant 16 : i32
        %mul3A_313 = arith.muli %while3A_306, %mul3A_312 : i32
        %add3A_314 = arith.addi %while3A_232, %mul3A_313 : i32
        %swap3A_315 = arith.index_cast %add3A_314 : i32 to index
        %swap3A_316 = tpu.vector_load %arg13[%swap3A_315] {strides = array<i32>} : memref<2624xi32, #tpu.memory_space<vmem>>, vector<16xi32>,
        tpu.vector_store %arg13[%swap3A_315], %broadcast_in_dim3A_2 {strides = array<i32>} : memref<2624xi32, #tpu.memory_space<vmem>>, vector<16xi32>,
        %mul3A_317 = arith.constant 16 : i32
        %mul3A_318 = arith.muli %while3A_306, %mul3A_317 : i32
        %add3A_319 = arith.addi %while3A_232, %mul3A_318 : i32
        %swap3A_320 = arith.index_cast %add3A_319 : i32 to index
        %swap3A_321 = tpu.vector_load %arg14[%swap3A_320] {strides = array<i32>} : memref<2624xf32, #tpu.memory_space<vmem>>, vector<16xf32>,
        tpu.vector_store %arg14[%swap3A_320], %broadcast_in_dim3A_0 {strides = array<i32>} : memref<2624xf32, #tpu.memory_space<vmem>>, vector<16xf32>,
      }
      %barrier3A = arith.constant 0 : index
      tpu.barrier barrier_id(%barrier3A)
      %run_scoped3A = arith.constant 0 : i32
      "tpu.region"() ({
        %run_scoped3A_306 = tpu.sem_alloc : memref<!tpu.dma_semaphore, #tpu.memory_space<semaphore_mem>>
        %dma_start3A = arith.constant 0 : i32
        %dma_start3A_307 = arith.constant 0 : i32
        %dma_start3A_308 = tpu.memref_slice %arg15[%dma_start3A, %dma_start3A_307] : memref<320x16xf32, #tpu.memory_space<vmem>> -> memref<80x16xf32, #tpu.memory_space<vmem>>
        %dma_start3A_309 = arith.constant 0 : i32
        %dma_start3A_310 = tpu.memref_slice %arg21[%run_scoped3A, %dma_start3A_309] : memref<4x80xi32, #tpu.memory_space<vmem>> -> memref<1x80xi32, #tpu.memory_space<vmem>>
        %dma_start3A_311 = tpu.memref_squeeze %dma_start3A_310 : memref<1x80xi32, #tpu.memory_space<vmem>> -> memref<80xi32, #tpu.memory_space<vmem>>
        %dma_start3A_312 = arith.constant 0 : i32
        %dma_start3A_313 = arith.constant 0 : i32
        %dma_start3A_314 = tpu.memref_slice %arg24[%dma_start3A_312, %dma_start3A_313] : memref<320x16xf32, #tpu.memory_space<vmem_shared>> -> memref<320x16xf32, #tpu.memory_space<vmem_shared>>
        tpu.enqueue_indirect_dma source(%dma_start3A_308 : memref<80x16xf32, #tpu.memory_space<vmem>>) target(%dma_start3A_314 : memref<320x16xf32, #tpu.memory_space<vmem_shared>>) offsets(%dma_start3A_311 : memref<80xi32, #tpu.memory_space<vmem>>) semaphore(%run_scoped3A_306 : memref<!tpu.dma_semaphore, #tpu.memory_space<semaphore_mem>>) {add = true}
        %dma_wait3A = arith.constant 0 : i32
        %dma_wait3A_315 = arith.constant 0 : i32
        %dma_wait3A_316 = tpu.memref_slice %arg15[%dma_wait3A, %dma_wait3A_315] : memref<320x16xf32, #tpu.memory_space<vmem>> -> memref<80x16xf32, #tpu.memory_space<vmem>>
        %dma_wait3A_317 = arith.constant 0 : i32
        %dma_wait3A_318 = tpu.memref_slice %arg21[%run_scoped3A, %dma_wait3A_317] : memref<4x80xi32, #tpu.memory_space<vmem>> -> memref<1x80xi32, #tpu.memory_space<vmem>>
        %dma_wait3A_319 = tpu.memref_squeeze %dma_wait3A_318 : memref<1x80xi32, #tpu.memory_space<vmem>> -> memref<80xi32, #tpu.memory_space<vmem>>
        %dma_wait3A_320 = arith.constant 0 : i32
        %dma_wait3A_321 = arith.constant 0 : i32
        %dma_wait3A_322 = tpu.memref_slice %arg24[%dma_wait3A_320, %dma_wait3A_321] : memref<320x16xf32, #tpu.memory_space<vmem_shared>> -> memref<320x16xf32, #tpu.memory_space<vmem_shared>>
        tpu.wait_indirect_dma semaphore(%run_scoped3A_306 : memref<!tpu.dma_semaphore, #tpu.memory_space<semaphore_mem>>) src(%dma_wait3A_316 : memref<80x16xf32, #tpu.memory_space<vmem>>) dst(%dma_wait3A_322 : memref<320x16xf32, #tpu.memory_space<vmem_shared>>)
        tpu.yield
      }) : () -> ()
      %run_scoped3A_244 = arith.constant 1 : i32
      "tpu.region"() ({
        %run_scoped3A_306 = tpu.sem_alloc : memref<!tpu.dma_semaphore, #tpu.memory_space<semaphore_mem>>
        %dma_start3A = arith.constant 80 : i32
        %dma_start3A_307 = arith.constant 0 : i32
        %dma_start3A_308 = tpu.memref_slice %arg15[%dma_start3A, %dma_start3A_307] : memref<320x16xf32, #tpu.memory_space<vmem>> -> memref<80x16xf32, #tpu.memory_space<vmem>>
        %dma_start3A_309 = arith.constant 0 : i32
        %dma_start3A_310 = tpu.memref_slice %arg21[%run_scoped3A_244, %dma_start3A_309] : memref<4x80xi32, #tpu.memory_space<vmem>> -> memref<1x80xi32, #tpu.memory_space<vmem>>
        %dma_start3A_311 = tpu.memref_squeeze %dma_start3A_310 : memref<1x80xi32, #tpu.memory_space<vmem>> -> memref<80xi32, #tpu.memory_space<vmem>>
        %dma_start3A_312 = arith.constant 0 : i32
        %dma_start3A_313 = arith.constant 0 : i32
        %dma_start3A_314 = tpu.memref_slice %arg24[%dma_start3A_312, %dma_start3A_313] : memref<320x16xf32, #tpu.memory_space<vmem_shared>> -> memref<320x16xf32, #tpu.memory_space<vmem_shared>>
        tpu.enqueue_indirect_dma source(%dma_start3A_308 : memref<80x16xf32, #tpu.memory_space<vmem>>) target(%dma_start3A_314 : memref<320x16xf32, #tpu.memory_space<vmem_shared>>) offsets(%dma_start3A_311 : memref<80xi32, #tpu.memory_space<vmem>>) semaphore(%run_scoped3A_306 : memref<!tpu.dma_semaphore, #tpu.memory_space<semaphore_mem>>) {add = true}
        %dma_wait3A = arith.constant 80 : i32
        %dma_wait3A_315 = arith.constant 0 : i32
        %dma_wait3A_316 = tpu.memref_slice %arg15[%dma_wait3A, %dma_wait3A_315] : memref<320x16xf32, #tpu.memory_space<vmem>> -> memref<80x16xf32, #tpu.memory_space<vmem>>
        %dma_wait3A_317 = arith.constant 0 : i32
        %dma_wait3A_318 = tpu.memref_slice %arg21[%run_scoped3A_244, %dma_wait3A_317] : memref<4x80xi32, #tpu.memory_space<vmem>> -> memref<1x80xi32, #tpu.memory_space<vmem>>
        %dma_wait3A_319 = tpu.memref_squeeze %dma_wait3A_318 : memref<1x80xi32, #tpu.memory_space<vmem>> -> memref<80xi32, #tpu.memory_space<vmem>>
        %dma_wait3A_320 = arith.constant 0 : i32
        %dma_wait3A_321 = arith.constant 0 : i32
        %dma_wait3A_322 = tpu.memref_slice %arg24[%dma_wait3A_320, %dma_wait3A_321] : memref<320x16xf32, #tpu.memory_space<vmem_shared>> -> memref<320x16xf32, #tpu.memory_space<vmem_shared>>
        tpu.wait_indirect_dma semaphore(%run_scoped3A_306 : memref<!tpu.dma_semaphore, #tpu.memory_space<semaphore_mem>>) src(%dma_wait3A_316 : memref<80x16xf32, #tpu.memory_space<vmem>>) dst(%dma_wait3A_322 : memref<320x16xf32, #tpu.memory_space<vmem_shared>>)
        tpu.yield
      }) : () -> ()
      %run_scoped3A_245 = arith.constant 2 : i32
      "tpu.region"() ({
        %run_scoped3A_306 = tpu.sem_alloc : memref<!tpu.dma_semaphore, #tpu.memory_space<semaphore_mem>>
        %dma_start3A = arith.constant 160 : i32
        %dma_start3A_307 = arith.constant 0 : i32
        %dma_start3A_308 = tpu.memref_slice %arg15[%dma_start3A, %dma_start3A_307] : memref<320x16xf32, #tpu.memory_space<vmem>> -> memref<80x16xf32, #tpu.memory_space<vmem>>
        %dma_start3A_309 = arith.constant 0 : i32
        %dma_start3A_310 = tpu.memref_slice %arg21[%run_scoped3A_245, %dma_start3A_309] : memref<4x80xi32, #tpu.memory_space<vmem>> -> memref<1x80xi32, #tpu.memory_space<vmem>>
        %dma_start3A_311 = tpu.memref_squeeze %dma_start3A_310 : memref<1x80xi32, #tpu.memory_space<vmem>> -> memref<80xi32, #tpu.memory_space<vmem>>
        %dma_start3A_312 = arith.constant 0 : i32
        %dma_start3A_313 = arith.constant 0 : i32
        %dma_start3A_314 = tpu.memref_slice %arg24[%dma_start3A_312, %dma_start3A_313] : memref<320x16xf32, #tpu.memory_space<vmem_shared>> -> memref<320x16xf32, #tpu.memory_space<vmem_shared>>
        tpu.enqueue_indirect_dma source(%dma_start3A_308 : memref<80x16xf32, #tpu.memory_space<vmem>>) target(%dma_start3A_314 : memref<320x16xf32, #tpu.memory_space<vmem_shared>>) offsets(%dma_start3A_311 : memref<80xi32, #tpu.memory_space<vmem>>) semaphore(%run_scoped3A_306 : memref<!tpu.dma_semaphore, #tpu.memory_space<semaphore_mem>>) {add = true}
        %dma_wait3A = arith.constant 160 : i32
        %dma_wait3A_315 = arith.constant 0 : i32
        %dma_wait3A_316 = tpu.memref_slice %arg15[%dma_wait3A, %dma_wait3A_315] : memref<320x16xf32, #tpu.memory_space<vmem>> -> memref<80x16xf32, #tpu.memory_space<vmem>>
        %dma_wait3A_317 = arith.constant 0 : i32
        %dma_wait3A_318 = tpu.memref_slice %arg21[%run_scoped3A_245, %dma_wait3A_317] : memref<4x80xi32, #tpu.memory_space<vmem>> -> memref<1x80xi32, #tpu.memory_space<vmem>>
        %dma_wait3A_319 = tpu.memref_squeeze %dma_wait3A_318 : memref<1x80xi32, #tpu.memory_space<vmem>> -> memref<80xi32, #tpu.memory_space<vmem>>
        %dma_wait3A_320 = arith.constant 0 : i32
        %dma_wait3A_321 = arith.constant 0 : i32
        %dma_wait3A_322 = tpu.memref_slice %arg24[%dma_wait3A_320, %dma_wait3A_321] : memref<320x16xf32, #tpu.memory_space<vmem_shared>> -> memref<320x16xf32, #tpu.memory_space<vmem_shared>>
        tpu.wait_indirect_dma semaphore(%run_scoped3A_306 : memref<!tpu.dma_semaphore, #tpu.memory_space<semaphore_mem>>) src(%dma_wait3A_316 : memref<80x16xf32, #tpu.memory_space<vmem>>) dst(%dma_wait3A_322 : memref<320x16xf32, #tpu.memory_space<vmem_shared>>)
        tpu.yield
      }) : () -> ()
      %run_scoped3A_246 = arith.constant 3 : i32
      "tpu.region"() ({
        %run_scoped3A_306 = tpu.sem_alloc : memref<!tpu.dma_semaphore, #tpu.memory_space<semaphore_mem>>
        %dma_start3A = arith.constant 240 : i32
        %dma_start3A_307 = arith.constant 0 : i32
        %dma_start3A_308 = tpu.memref_slice %arg15[%dma_start3A, %dma_start3A_307] : memref<320x16xf32, #tpu.memory_space<vmem>> -> memref<80x16xf32, #tpu.memory_space<vmem>>
        %dma_start3A_309 = arith.constant 0 : i32
        %dma_start3A_310 = tpu.memref_slice %arg21[%run_scoped3A_246, %dma_start3A_309] : memref<4x80xi32, #tpu.memory_space<vmem>> -> memref<1x80xi32, #tpu.memory_space<vmem>>
        %dma_start3A_311 = tpu.memref_squeeze %dma_start3A_310 : memref<1x80xi32, #tpu.memory_space<vmem>> -> memref<80xi32, #tpu.memory_space<vmem>>
        %dma_start3A_312 = arith.constant 0 : i32
        %dma_start3A_313 = arith.constant 0 : i32
        %dma_start3A_314 = tpu.memref_slice %arg24[%dma_start3A_312, %dma_start3A_313] : memref<320x16xf32, #tpu.memory_space<vmem_shared>> -> memref<320x16xf32, #tpu.memory_space<vmem_shared>>
        tpu.enqueue_indirect_dma source(%dma_start3A_308 : memref<80x16xf32, #tpu.memory_space<vmem>>) target(%dma_start3A_314 : memref<320x16xf32, #tpu.memory_space<vmem_shared>>) offsets(%dma_start3A_311 : memref<80xi32, #tpu.memory_space<vmem>>) semaphore(%run_scoped3A_306 : memref<!tpu.dma_semaphore, #tpu.memory_space<semaphore_mem>>) {add = true}
        %dma_wait3A = arith.constant 240 : i32
        %dma_wait3A_315 = arith.constant 0 : i32
        %dma_wait3A_316 = tpu.memref_slice %arg15[%dma_wait3A, %dma_wait3A_315] : memref<320x16xf32, #tpu.memory_space<vmem>> -> memref<80x16xf32, #tpu.memory_space<vmem>>
        %dma_wait3A_317 = arith.constant 0 : i32
        %dma_wait3A_318 = tpu.memref_slice %arg21[%run_scoped3A_246, %dma_wait3A_317] : memref<4x80xi32, #tpu.memory_space<vmem>> -> memref<1x80xi32, #tpu.memory_space<vmem>>
        %dma_wait3A_319 = tpu.memref_squeeze %dma_wait3A_318 : memref<1x80xi32, #tpu.memory_space<vmem>> -> memref<80xi32, #tpu.memory_space<vmem>>
        %dma_wait3A_320 = arith.constant 0 : i32
        %dma_wait3A_321 = arith.constant 0 : i32
        %dma_wait3A_322 = tpu.memref_slice %arg24[%dma_wait3A_320, %dma_wait3A_321] : memref<320x16xf32, #tpu.memory_space<vmem_shared>> -> memref<320x16xf32, #tpu.memory_space<vmem_shared>>
        tpu.wait_indirect_dma semaphore(%run_scoped3A_306 : memref<!tpu.dma_semaphore, #tpu.memory_space<semaphore_mem>>) src(%dma_wait3A_316 : memref<80x16xf32, #tpu.memory_space<vmem>>) dst(%dma_wait3A_322 : memref<320x16xf32, #tpu.memory_space<vmem_shared>>)
        tpu.yield
      }) : () -> ()
      %barrier3A_247 = arith.constant 0 : index
      tpu.barrier barrier_id(%barrier3A_247)
      %eq3A_248 = arith.constant 1 : i32
      %eq3A_249 = arith.cmpi eq, %arg1, %eq3A_248 : i32
      %convert_element_type3A_250 = arith.extui %eq3A_249 : i1 to i32
      %cond3A_251 = arith.constant 0 : i32
      %cond3A_252 = arith.cmpi ne, %convert_element_type3A_250, %cond3A_251 : i32
      scf.if %cond3A_252 {
        "tpu.region"() ({
          %run_scoped3A_306 = tpu.sem_alloc : memref<!tpu.dma_semaphore, #tpu.memory_space<semaphore_mem>>
          %dma_start3A = arith.constant 0 : i32
          %dma_start3A_307 = arith.constant 0 : i32
          %dma_start3A_308 = tpu.memref_slice %arg9[%add3A_194, %dma_start3A, %dma_start3A_307] : memref<8x320x16xf32, #tpu.memory_space<hbm>> -> memref<1x320x16xf32, #tpu.memory_space<hbm>>
          %dma_start3A_309 = tpu.memref_squeeze %dma_start3A_308 : memref<1x320x16xf32, #tpu.memory_space<hbm>> -> memref<320x16xf32, #tpu.memory_space<hbm>>
          tpu.enqueue_dma source(%arg24 : memref<320x16xf32, #tpu.memory_space<vmem_shared>>) target(%dma_start3A_309 : memref<320x16xf32, #tpu.memory_space<hbm>>) target_semaphore(%run_scoped3A_306 : memref<!tpu.dma_semaphore, #tpu.memory_space<semaphore_mem>>)
          %dma_wait3A = arith.constant 0 : i32
          %dma_wait3A_310 = arith.constant 0 : i32
          %dma_wait3A_311 = tpu.memref_slice %arg9[%add3A_194, %dma_wait3A, %dma_wait3A_310] : memref<8x320x16xf32, #tpu.memory_space<hbm>> -> memref<1x320x16xf32, #tpu.memory_space<hbm>>
          %dma_wait3A_312 = tpu.memref_squeeze %dma_wait3A_311 : memref<1x320x16xf32, #tpu.memory_space<hbm>> -> memref<320x16xf32, #tpu.memory_space<hbm>>
          tpu.wait_dma2 semaphore(%run_scoped3A_306 : memref<!tpu.dma_semaphore, #tpu.memory_space<semaphore_mem>>) src(%arg24 : memref<320x16xf32, #tpu.memory_space<vmem_shared>>) dst(%dma_wait3A_312 : memref<320x16xf32, #tpu.memory_space<hbm>>)
          tpu.yield
        }) : () -> ()
      } else {
      }
      "tpu.region"() ({
        %run_scoped3A_306 = tpu.sem_alloc : memref<!tpu.dma_semaphore, #tpu.memory_space<semaphore_mem>>
        tpu.enqueue_dma source(%arg24 : memref<320x16xf32, #tpu.memory_space<vmem_shared>>) target(%arg20 : memref<320x16xf32, #tpu.memory_space<vmem>>) target_semaphore(%run_scoped3A_306 : memref<!tpu.dma_semaphore, #tpu.memory_space<semaphore_mem>>)
        tpu.wait_dma2 semaphore(%run_scoped3A_306 : memref<!tpu.dma_semaphore, #tpu.memory_space<semaphore_mem>>) src(%arg24 : memref<320x16xf32, #tpu.memory_space<vmem_shared>>) dst(%arg20 : memref<320x16xf32, #tpu.memory_space<vmem>>)
        tpu.yield
      }) : () -> ()
      %mul3A_253 = arith.constant 5000 : i32
      %mul3A_254 = arith.muli %add3A_194, %mul3A_253 : i32
      "tpu.region"() ({
        %run_scoped3A_306 = tpu.sem_alloc : memref<!tpu.dma_semaphore, #tpu.memory_space<semaphore_mem>>
        %dma_start3A = arith.constant 0 : i32
        %dma_start3A_307 = tpu.memref_slice %arg22[%dma_start3A] : memref<5120xf32, #tpu.memory_space<vmem>> -> memref<5000xf32, #tpu.memory_space<vmem>>
        %dma_start3A_308 = tpu.memref_slice %arg5[%mul3A_254] : memref<40000xf32, #tpu.memory_space<hbm>> -> memref<5000xf32, #tpu.memory_space<hbm>>
        %dma_start3A_309 = arith.constant 0 : i32
        %dma_start3A_310 = tpu.memref_slice %arg22[%dma_start3A_309] : memref<5120xf32, #tpu.memory_space<vmem>> -> memref<5000xf32, #tpu.memory_space<vmem>>
        %dma_start3A_311 = tpu.memref_slice %arg5[%mul3A_254] : memref<40000xf32, #tpu.memory_space<hbm>> -> memref<5000xf32, #tpu.memory_space<hbm>>
        tpu.enqueue_dma source(%dma_start3A_311 : memref<5000xf32, #tpu.memory_space<hbm>>) target(%dma_start3A_310 : memref<5000xf32, #tpu.memory_space<vmem>>) target_semaphore(%run_scoped3A_306 : memref<!tpu.dma_semaphore, #tpu.memory_space<semaphore_mem>>)
        %dma_wait3A = arith.constant 0 : i32
        %dma_wait3A_312 = tpu.memref_slice %arg22[%dma_wait3A] : memref<5120xf32, #tpu.memory_space<vmem>> -> memref<5000xf32, #tpu.memory_space<vmem>>
        %dma_wait3A_313 = tpu.memref_slice %arg5[%mul3A_254] : memref<40000xf32, #tpu.memory_space<hbm>> -> memref<5000xf32, #tpu.memory_space<hbm>>
        %dma_wait3A_314 = arith.constant 0 : i32
        %dma_wait3A_315 = tpu.memref_slice %arg22[%dma_wait3A_314] : memref<5120xf32, #tpu.memory_space<vmem>> -> memref<5000xf32, #tpu.memory_space<vmem>>
        %dma_wait3A_316 = tpu.memref_slice %arg5[%mul3A_254] : memref<40000xf32, #tpu.memory_space<hbm>> -> memref<5000xf32, #tpu.memory_space<hbm>>
        tpu.wait_dma2 semaphore(%run_scoped3A_306 : memref<!tpu.dma_semaphore, #tpu.memory_space<semaphore_mem>>) src(%dma_wait3A_316 : memref<5000xf32, #tpu.memory_space<hbm>>) dst(%dma_wait3A_315 : memref<5000xf32, #tpu.memory_space<vmem>>)
        tpu.yield
      }) : () -> ()
      %while3A_255 = arith.constant 0 : i32
      %while3A_256 = arith.constant 0 : i32
      %while3A_257 = arith.constant 313 : i32
      %while3A_258 = arith.subi %while3A_257, %while3A_256 : i32
      %while3A_259 = arith.addi %while3A_256, %while3A_258 : i32
      %while3A_260 = arith.constant 1 : i32
      %while3A_261 = arith.divsi %while3A_258, %while3A_260 : i32
      %while3A_262 = arith.muli %while3A_261, %while3A_260 : i32
      %while3A_263 = arith.addi %while3A_256, %while3A_262 : i32
      %while3A_264 = arith.constant 1 : i32
      scf.for %while3A_306 = %while3A_256 to %while3A_263 step %while3A_264  : i32 {
        %get3A = arith.index_cast %while3A_306 : i32 to index
        %get3A_307 = arith.constant 0 : index
        %get3A_308 = tpu.vector_load %arg20[%get3A, %get3A_307] {strides = array<i32>} : memref<320x16xf32, #tpu.memory_space<vmem>>, vector<16xf32>,
        %mul3A_309 = arith.constant 16 : i32
        %mul3A_310 = arith.muli %while3A_306, %mul3A_309 : i32
        %get3A_311 = arith.index_cast %mul3A_310 : i32 to index
        %get3A_312 = tpu.vector_load %arg22[%get3A_311] {strides = array<i32>} : memref<5120xf32, #tpu.memory_space<vmem>>, vector<16xf32>,
        %add3A_313 = arith.addf %get3A_308, %get3A_312 : vector<16xf32>
        %swap3A_314 = arith.index_cast %while3A_306 : i32 to index
        %swap3A_315 = arith.constant 0 : index
        %swap3A_316 = tpu.vector_load %arg20[%swap3A_314, %swap3A_315] {strides = array<i32>} : memref<320x16xf32, #tpu.memory_space<vmem>>, vector<16xf32>,
        tpu.vector_store %arg20[%swap3A_314, %swap3A_315], %add3A_313 {strides = array<i32>} : memref<320x16xf32, #tpu.memory_space<vmem>>, vector<16xf32>,
      }
      %while3A_265 = arith.constant 1 : i32
      scf.for %while3A_306 = %while3A_263 to %while3A_259 step %while3A_265  : i32 {
        %get3A = arith.index_cast %while3A_306 : i32 to index
        %get3A_307 = arith.constant 0 : index
        %get3A_308 = tpu.vector_load %arg20[%get3A, %get3A_307] {strides = array<i32>} : memref<320x16xf32, #tpu.memory_space<vmem>>, vector<16xf32>,
        %mul3A_309 = arith.constant 16 : i32
        %mul3A_310 = arith.muli %while3A_306, %mul3A_309 : i32
        %get3A_311 = arith.index_cast %mul3A_310 : i32 to index
        %get3A_312 = tpu.vector_load %arg22[%get3A_311] {strides = array<i32>} : memref<5120xf32, #tpu.memory_space<vmem>>, vector<16xf32>,
        %add3A_313 = arith.addf %get3A_308, %get3A_312 : vector<16xf32>
        %swap3A_314 = arith.index_cast %while3A_306 : i32 to index
        %swap3A_315 = arith.constant 0 : index
        %swap3A_316 = tpu.vector_load %arg20[%swap3A_314, %swap3A_315] {strides = array<i32>} : memref<320x16xf32, #tpu.memory_space<vmem>>, vector<16xf32>,
        tpu.vector_store %arg20[%swap3A_314, %swap3A_315], %add3A_313 {strides = array<i32>} : memref<320x16xf32, #tpu.memory_space<vmem>>, vector<16xf32>,
      }
      %add3A_266 = arith.constant 31 : i32
      %add3A_267 = arith.addi %while3A_232, %add3A_266 : i32
      %jit3A = arith.constant 32 : i32
      %div3A = arith.divsi %add3A_267, %jit3A : i32
      %sign3A = arith.constant 0 : i32
      %sign3A_268 = arith.cmpi sgt, %add3A_267, %sign3A : i32
      %sign3A_269 = arith.extui %sign3A_268 : i1 to i32
      %sign3A_270 = arith.constant 0 : i32
      %sign3A_271 = arith.cmpi slt, %add3A_267, %sign3A_270 : i32
      %sign3A_272 = arith.extui %sign3A_271 : i1 to i32
      %sign3A_273 = arith.subi %sign3A_269, %sign3A_272 : i32
      %sign3A_274 = arith.constant 0 : i32
      %sign3A_275 = arith.cmpi sgt, %jit3A, %sign3A_274 : i32
      %sign3A_276 = arith.extui %sign3A_275 : i1 to i32
      %sign3A_277 = arith.constant 0 : i32
      %sign3A_278 = arith.cmpi slt, %jit3A, %sign3A_277 : i32
      %sign3A_279 = arith.extui %sign3A_278 : i1 to i32
      %sign3A_280 = arith.subi %sign3A_276, %sign3A_279 : i32
      %ne3A = arith.cmpi ne, %sign3A_273, %sign3A_280 : i32
      %rem3A = arith.remsi %add3A_267, %jit3A : i32
      %ne3A_281 = arith.constant 0 : i32
      %ne3A_282 = arith.cmpi ne, %rem3A, %ne3A_281 : i32
      %and3A = arith.andi %ne3A, %ne3A_282 : i1
      %sub3A = arith.constant 1 : i32
      %sub3A_283 = arith.subi %div3A, %sub3A : i32
      %select_n3A = arith.select %and3A, %sub3A_283, %div3A : i32
      %while3A_284 = arith.constant 0 : i32
      %while3A_285 = arith.constant 0 : i32
      %while3A_286 = arith.subi %select_n3A, %while3A_285 : i32
      %while3A_287 = arith.addi %while3A_285, %while3A_286 : i32
      %while3A_288 = arith.constant 1 : i32
      %while3A_289 = arith.divsi %while3A_286, %while3A_288 : i32
      %while3A_290 = arith.muli %while3A_289, %while3A_288 : i32
      %while3A_291 = arith.addi %while3A_285, %while3A_290 : i32
      %while3A_292 = arith.constant 1 : i32
      scf.for %while3A_306 = %while3A_285 to %while3A_291 step %while3A_292  : i32 {
        %min3A = arith.minsi %while3A_306, %select_n3A : i32
        %mul3A_307 = arith.constant 32 : i32
        %mul3A_308 = arith.muli %min3A, %mul3A_307 : i32
        %dma_start3A = tpu.memref_slice %arg12[%mul3A_308] : memref<2624xi32, #tpu.memory_space<vmem>> -> memref<32xi32, #tpu.memory_space<vmem>>
        %dma_start3A_309 = arith.constant 0 : i32
        %dma_start3A_310 = arith.constant 0 : i32
        %dma_start3A_311 = tpu.memref_slice %arg7[%dma_start3A_309, %dma_start3A_310] : memref<40000x256xf32, #tpu.memory_space<hbm>> -> memref<40000x256xf32, #tpu.memory_space<hbm>>
        tpu.enqueue_indirect_dma source(%dma_start3A_311 : memref<40000x256xf32, #tpu.memory_space<hbm>>) target(%arg17 : memref<32x256xf32, #tpu.memory_space<vmem>>) offsets(%dma_start3A : memref<32xi32, #tpu.memory_space<vmem>>) semaphore(%arg25 : memref<!tpu.dma_semaphore, #tpu.memory_space<semaphore_mem>>)
        %mul3A_312 = arith.constant 32 : i32
        %mul3A_313 = arith.muli %while3A_306, %mul3A_312 : i32
        %while3A_314 = arith.constant 0 : i32
        %while3A_315 = arith.constant 0 : i32
        %while3A_316 = arith.constant 2 : i32
        %while3A_317 = arith.subi %while3A_316, %while3A_315 : i32
        %while3A_318 = arith.addi %while3A_315, %while3A_317 : i32
        %while3A_319 = arith.constant 1 : i32
        %while3A_320 = arith.divsi %while3A_317, %while3A_319 : i32
        %while3A_321 = arith.muli %while3A_320, %while3A_319 : i32
        %while3A_322 = arith.addi %while3A_315, %while3A_321 : i32
        %while3A_323 = arith.constant 1 : i32
        scf.for %while3A_341 = %while3A_315 to %while3A_322 step %while3A_323  : i32 {
          %mul3A_342 = arith.constant 16 : i32
          %mul3A_343 = arith.muli %while3A_341, %mul3A_342 : i32
          %add3A_344 = arith.addi %mul3A_313, %mul3A_343 : i32
          %get3A = arith.index_cast %add3A_344 : i32 to index
          %get3A_345 = tpu.vector_load %arg13[%get3A] {strides = array<i32>} : memref<2624xi32, #tpu.memory_space<vmem>>, vector<16xi32>,
          %shift_right_logical3A = arith.constant 4 : i32
          %shift_right_logical3A_346 = vector.broadcast %shift_right_logical3A : i32 to vector<16xi32>
          %shift_right_logical3A_347 = arith.shrui %get3A_345, %shift_right_logical3A_346 : vector<16xi32>
          %and3A_348 = arith.constant 15 : i32
          %and3A_349 = vector.broadcast %and3A_348 : i32 to vector<16xi32>
          %and3A_350 = arith.andi %get3A_345, %and3A_349 : vector<16xi32>
          %gather3A = tpu.vector_load_idx %arg20[%shift_right_logical3A_347, %and3A_350] : memref<320x16xf32, #tpu.memory_space<vmem>>[vector<16xi32>, vector<16xi32>], vector<16xf32>,
          %get3A_351 = arith.index_cast %add3A_344 : i32 to index
          %get3A_352 = tpu.vector_load %arg14[%get3A_351] {strides = array<i32>} : memref<2624xf32, #tpu.memory_space<vmem>>, vector<16xf32>,
          %div3A_353 = arith.divf %get3A_352, %gather3A : vector<16xf32>
          %mul3A_354 = arith.constant 16 : i32
          %mul3A_355 = arith.muli %while3A_341, %mul3A_354 : i32
          %swap3A_356 = arith.index_cast %mul3A_355 : i32 to index
          %swap3A_357 = tpu.vector_load %arg18[%swap3A_356] {strides = array<i32>} : memref<32xf32, #tpu.memory_space<vmem>>, vector<16xf32>,
          tpu.vector_store %arg18[%swap3A_356], %div3A_353 {strides = array<i32>} : memref<32xf32, #tpu.memory_space<vmem>>, vector<16xf32>,
          %shift_right_logical3A_358 = arith.constant 2 : i32
          %shift_right_logical3A_359 = vector.broadcast %shift_right_logical3A_358 : i32 to vector<16xi32>
          %shift_right_logical3A_360 = arith.shrui %get3A_345, %shift_right_logical3A_359 : vector<16xi32>
          %mul3A_361 = arith.constant 16 : i32
          %mul3A_362 = arith.muli %while3A_341, %mul3A_361 : i32
          %swap3A_363 = arith.index_cast %mul3A_362 : i32 to index
          %swap3A_364 = tpu.vector_load %arg19[%swap3A_363] {strides = array<i32>} : memref<32xi32, #tpu.memory_space<vmem>>, vector<16xi32>,
          tpu.vector_store %arg19[%swap3A_363], %shift_right_logical3A_360 {strides = array<i32>} : memref<32xi32, #tpu.memory_space<vmem>>, vector<16xi32>,
        }
        %while3A_324 = arith.constant 1 : i32
        scf.for %while3A_341 = %while3A_322 to %while3A_318 step %while3A_324  : i32 {
          %mul3A_342 = arith.constant 16 : i32
          %mul3A_343 = arith.muli %while3A_341, %mul3A_342 : i32
          %add3A_344 = arith.addi %mul3A_313, %mul3A_343 : i32
          %get3A = arith.index_cast %add3A_344 : i32 to index
          %get3A_345 = tpu.vector_load %arg13[%get3A] {strides = array<i32>} : memref<2624xi32, #tpu.memory_space<vmem>>, vector<16xi32>,
          %shift_right_logical3A = arith.constant 4 : i32
          %shift_right_logical3A_346 = vector.broadcast %shift_right_logical3A : i32 to vector<16xi32>
          %shift_right_logical3A_347 = arith.shrui %get3A_345, %shift_right_logical3A_346 : vector<16xi32>
          %and3A_348 = arith.constant 15 : i32
          %and3A_349 = vector.broadcast %and3A_348 : i32 to vector<16xi32>
          %and3A_350 = arith.andi %get3A_345, %and3A_349 : vector<16xi32>
          %gather3A = tpu.vector_load_idx %arg20[%shift_right_logical3A_347, %and3A_350] : memref<320x16xf32, #tpu.memory_space<vmem>>[vector<16xi32>, vector<16xi32>], vector<16xf32>,
          %get3A_351 = arith.index_cast %add3A_344 : i32 to index
          %get3A_352 = tpu.vector_load %arg14[%get3A_351] {strides = array<i32>} : memref<2624xf32, #tpu.memory_space<vmem>>, vector<16xf32>,
          %div3A_353 = arith.divf %get3A_352, %gather3A : vector<16xf32>
          %mul3A_354 = arith.constant 16 : i32
          %mul3A_355 = arith.muli %while3A_341, %mul3A_354 : i32
          %swap3A_356 = arith.index_cast %mul3A_355 : i32 to index
          %swap3A_357 = tpu.vector_load %arg18[%swap3A_356] {strides = array<i32>} : memref<32xf32, #tpu.memory_space<vmem>>, vector<16xf32>,
          tpu.vector_store %arg18[%swap3A_356], %div3A_353 {strides = array<i32>} : memref<32xf32, #tpu.memory_space<vmem>>, vector<16xf32>,
          %shift_right_logical3A_358 = arith.constant 2 : i32
          %shift_right_logical3A_359 = vector.broadcast %shift_right_logical3A_358 : i32 to vector<16xi32>
          %shift_right_logical3A_360 = arith.shrui %get3A_345, %shift_right_logical3A_359 : vector<16xi32>
          %mul3A_361 = arith.constant 16 : i32
          %mul3A_362 = arith.muli %while3A_341, %mul3A_361 : i32
          %swap3A_363 = arith.index_cast %mul3A_362 : i32 to index
          %swap3A_364 = tpu.vector_load %arg19[%swap3A_363] {strides = array<i32>} : memref<32xi32, #tpu.memory_space<vmem>>, vector<16xi32>,
          tpu.vector_store %arg19[%swap3A_363], %shift_right_logical3A_360 {strides = array<i32>} : memref<32xi32, #tpu.memory_space<vmem>>, vector<16xi32>,
        }
        %dma_wait3A = arith.constant 0 : i32
        %dma_wait3A_325 = arith.constant 0 : i32
        %dma_wait3A_326 = tpu.memref_slice %arg7[%dma_wait3A, %dma_wait3A_325] : memref<40000x256xf32, #tpu.memory_space<hbm>> -> memref<32x256xf32, #tpu.memory_space<hbm>>
        %dma_wait3A_327 = arith.constant 0 : i32
        %dma_wait3A_328 = arith.constant 0 : i32
        %dma_wait3A_329 = tpu.memref_slice %arg7[%dma_wait3A_327, %dma_wait3A_328] : memref<40000x256xf32, #tpu.memory_space<hbm>> -> memref<32x256xf32, #tpu.memory_space<hbm>>
        tpu.wait_dma2 semaphore(%arg25 : memref<!tpu.dma_semaphore, #tpu.memory_space<semaphore_mem>>) src(%dma_wait3A_329 : memref<32x256xf32, #tpu.memory_space<hbm>>) dst(%arg17 : memref<32x256xf32, #tpu.memory_space<vmem>>)
        %while3A_330 = arith.constant 0 : i32
        %while3A_331 = arith.constant 0 : i32
        %while3A_332 = arith.constant 32 : i32
        %while3A_333 = arith.subi %while3A_332, %while3A_331 : i32
        %while3A_334 = arith.addi %while3A_331, %while3A_333 : i32
        %while3A_335 = arith.constant 1 : i32
        %while3A_336 = arith.divsi %while3A_333, %while3A_335 : i32
        %while3A_337 = arith.muli %while3A_336, %while3A_335 : i32
        %while3A_338 = arith.addi %while3A_331, %while3A_337 : i32
        %while3A_339 = arith.constant 1 : i32
        scf.for %while3A_341 = %while3A_331 to %while3A_338 step %while3A_339  : i32 {
          %add3A_342 = vector.broadcast %while3A_341 : i32 to vector<16xi32>
          %add3A_343 = arith.addi %broadcast_in_dim3A_2, %add3A_342 : vector<16xi32>
          %gather3A = tpu.vector_load_idx %arg18[%add3A_343] : memref<32xf32, #tpu.memory_space<vmem>>[vector<16xi32>], vector<16xf32>,
          %get3A = arith.index_cast %while3A_341 : i32 to index
          %get3A_344 = arith.constant 0 : index
          %get3A_345 = tpu.vector_load %arg17[%get3A, %get3A_344] {strides = array<i32>} : memref<32x256xf32, #tpu.memory_space<vmem>>, vector<16xf32>,
          %mul3A_346 = arith.mulf %get3A_345, %gather3A : vector<16xf32>
          %swap3A_347 = arith.index_cast %while3A_341 : i32 to index
          %swap3A_348 = arith.constant 0 : index
          %swap3A_349 = tpu.vector_load %arg17[%swap3A_347, %swap3A_348] {strides = array<i32>} : memref<32x256xf32, #tpu.memory_space<vmem>>, vector<16xf32>,
          tpu.vector_store %arg17[%swap3A_347, %swap3A_348], %mul3A_346 {strides = array<i32>} : memref<32x256xf32, #tpu.memory_space<vmem>>, vector<16xf32>,
          %get3A_350 = arith.index_cast %while3A_341 : i32 to index
          %get3A_351 = arith.constant 16 : index
          %get3A_352 = tpu.vector_load %arg17[%get3A_350, %get3A_351] {strides = array<i32>} : memref<32x256xf32, #tpu.memory_space<vmem>>, vector<16xf32>,
          %mul3A_353 = arith.mulf %get3A_352, %gather3A : vector<16xf32>
          %swap3A_354 = arith.index_cast %while3A_341 : i32 to index
          %swap3A_355 = arith.constant 16 : index
          %swap3A_356 = tpu.vector_load %arg17[%swap3A_354, %swap3A_355] {strides = array<i32>} : memref<32x256xf32, #tpu.memory_space<vmem>>, vector<16xf32>,
          tpu.vector_store %arg17[%swap3A_354, %swap3A_355], %mul3A_353 {strides = array<i32>} : memref<32x256xf32, #tpu.memory_space<vmem>>, vector<16xf32>,
          %get3A_357 = arith.index_cast %while3A_341 : i32 to index
          %get3A_358 = arith.constant 32 : index
          %get3A_359 = tpu.vector_load %arg17[%get3A_357, %get3A_358] {strides = array<i32>} : memref<32x256xf32, #tpu.memory_space<vmem>>, vector<16xf32>,
          %mul3A_360 = arith.mulf %get3A_359, %gather3A : vector<16xf32>
          %swap3A_361 = arith.index_cast %while3A_341 : i32 to index
          %swap3A_362 = arith.constant 32 : index
          %swap3A_363 = tpu.vector_load %arg17[%swap3A_361, %swap3A_362] {strides = array<i32>} : memref<32x256xf32, #tpu.memory_space<vmem>>, vector<16xf32>,
          tpu.vector_store %arg17[%swap3A_361, %swap3A_362], %mul3A_360 {strides = array<i32>} : memref<32x256xf32, #tpu.memory_space<vmem>>, vector<16xf32>,
          %get3A_364 = arith.index_cast %while3A_341 : i32 to index
          %get3A_365 = arith.constant 48 : index
          %get3A_366 = tpu.vector_load %arg17[%get3A_364, %get3A_365] {strides = array<i32>} : memref<32x256xf32, #tpu.memory_space<vmem>>, vector<16xf32>,
          %mul3A_367 = arith.mulf %get3A_366, %gather3A : vector<16xf32>
          %swap3A_368 = arith.index_cast %while3A_341 : i32 to index
          %swap3A_369 = arith.constant 48 : index
          %swap3A_370 = tpu.vector_load %arg17[%swap3A_368, %swap3A_369] {strides = array<i32>} : memref<32x256xf32, #tpu.memory_space<vmem>>, vector<16xf32>,
          tpu.vector_store %arg17[%swap3A_368, %swap3A_369], %mul3A_367 {strides = array<i32>} : memref<32x256xf32, #tpu.memory_space<vmem>>, vector<16xf32>,
          %get3A_371 = arith.index_cast %while3A_341 : i32 to index
          %get3A_372 = arith.constant 64 : index
          %get3A_373 = tpu.vector_load %arg17[%get3A_371, %get3A_372] {strides = array<i32>} : memref<32x256xf32, #tpu.memory_space<vmem>>, vector<16xf32>,
          %mul3A_374 = arith.mulf %get3A_373, %gather3A : vector<16xf32>
          %swap3A_375 = arith.index_cast %while3A_341 : i32 to index
          %swap3A_376 = arith.constant 64 : index
          %swap3A_377 = tpu.vector_load %arg17[%swap3A_375, %swap3A_376] {strides = array<i32>} : memref<32x256xf32, #tpu.memory_space<vmem>>, vector<16xf32>,
          tpu.vector_store %arg17[%swap3A_375, %swap3A_376], %mul3A_374 {strides = array<i32>} : memref<32x256xf32, #tpu.memory_space<vmem>>, vector<16xf32>,
          %get3A_378 = arith.index_cast %while3A_341 : i32 to index
          %get3A_379 = arith.constant 80 : index
          %get3A_380 = tpu.vector_load %arg17[%get3A_378, %get3A_379] {strides = array<i32>} : memref<32x256xf32, #tpu.memory_space<vmem>>, vector<16xf32>,
          %mul3A_381 = arith.mulf %get3A_380, %gather3A : vector<16xf32>
          %swap3A_382 = arith.index_cast %while3A_341 : i32 to index
          %swap3A_383 = arith.constant 80 : index
          %swap3A_384 = tpu.vector_load %arg17[%swap3A_382, %swap3A_383] {strides = array<i32>} : memref<32x256xf32, #tpu.memory_space<vmem>>, vector<16xf32>,
          tpu.vector_store %arg17[%swap3A_382, %swap3A_383], %mul3A_381 {strides = array<i32>} : memref<32x256xf32, #tpu.memory_space<vmem>>, vector<16xf32>,
          %get3A_385 = arith.index_cast %while3A_341 : i32 to index
          %get3A_386 = arith.constant 96 : index
          %get3A_387 = tpu.vector_load %arg17[%get3A_385, %get3A_386] {strides = array<i32>} : memref<32x256xf32, #tpu.memory_space<vmem>>, vector<16xf32>,
          %mul3A_388 = arith.mulf %get3A_387, %gather3A : vector<16xf32>
          %swap3A_389 = arith.index_cast %while3A_341 : i32 to index
          %swap3A_390 = arith.constant 96 : index
          %swap3A_391 = tpu.vector_load %arg17[%swap3A_389, %swap3A_390] {strides = array<i32>} : memref<32x256xf32, #tpu.memory_space<vmem>>, vector<16xf32>,
          tpu.vector_store %arg17[%swap3A_389, %swap3A_390], %mul3A_388 {strides = array<i32>} : memref<32x256xf32, #tpu.memory_space<vmem>>, vector<16xf32>,
          %get3A_392 = arith.index_cast %while3A_341 : i32 to index
          %get3A_393 = arith.constant 112 : index
          %get3A_394 = tpu.vector_load %arg17[%get3A_392, %get3A_393] {strides = array<i32>} : memref<32x256xf32, #tpu.memory_space<vmem>>, vector<16xf32>,
          %mul3A_395 = arith.mulf %get3A_394, %gather3A : vector<16xf32>
          %swap3A_396 = arith.index_cast %while3A_341 : i32 to index
          %swap3A_397 = arith.constant 112 : index
          %swap3A_398 = tpu.vector_load %arg17[%swap3A_396, %swap3A_397] {strides = array<i32>} : memref<32x256xf32, #tpu.memory_space<vmem>>, vector<16xf32>,
          tpu.vector_store %arg17[%swap3A_396, %swap3A_397], %mul3A_395 {strides = array<i32>} : memref<32x256xf32, #tpu.memory_space<vmem>>, vector<16xf32>,
          %get3A_399 = arith.index_cast %while3A_341 : i32 to index
          %get3A_400 = arith.constant 128 : index
          %get3A_401 = tpu.vector_load %arg17[%get3A_399, %get3A_400] {strides = array<i32>} : memref<32x256xf32, #tpu.memory_space<vmem>>, vector<16xf32>,
          %mul3A_402 = arith.mulf %get3A_401, %gather3A : vector<16xf32>
          %swap3A_403 = arith.index_cast %while3A_341 : i32 to index
          %swap3A_404 = arith.constant 128 : index
          %swap3A_405 = tpu.vector_load %arg17[%swap3A_403, %swap3A_404] {strides = array<i32>} : memref<32x256xf32, #tpu.memory_space<vmem>>, vector<16xf32>,
          tpu.vector_store %arg17[%swap3A_403, %swap3A_404], %mul3A_402 {strides = array<i32>} : memref<32x256xf32, #tpu.memory_space<vmem>>, vector<16xf32>,
          %get3A_406 = arith.index_cast %while3A_341 : i32 to index
          %get3A_407 = arith.constant 144 : index
          %get3A_408 = tpu.vector_load %arg17[%get3A_406, %get3A_407] {strides = array<i32>} : memref<32x256xf32, #tpu.memory_space<vmem>>, vector<16xf32>,
          %mul3A_409 = arith.mulf %get3A_408, %gather3A : vector<16xf32>
          %swap3A_410 = arith.index_cast %while3A_341 : i32 to index
          %swap3A_411 = arith.constant 144 : index
          %swap3A_412 = tpu.vector_load %arg17[%swap3A_410, %swap3A_411] {strides = array<i32>} : memref<32x256xf32, #tpu.memory_space<vmem>>, vector<16xf32>,
          tpu.vector_store %arg17[%swap3A_410, %swap3A_411], %mul3A_409 {strides = array<i32>} : memref<32x256xf32, #tpu.memory_space<vmem>>, vector<16xf32>,
          %get3A_413 = arith.index_cast %while3A_341 : i32 to index
          %get3A_414 = arith.constant 160 : index
          %get3A_415 = tpu.vector_load %arg17[%get3A_413, %get3A_414] {strides = array<i32>} : memref<32x256xf32, #tpu.memory_space<vmem>>, vector<16xf32>,
          %mul3A_416 = arith.mulf %get3A_415, %gather3A : vector<16xf32>
          %swap3A_417 = arith.index_cast %while3A_341 : i32 to index
          %swap3A_418 = arith.constant 160 : index
          %swap3A_419 = tpu.vector_load %arg17[%swap3A_417, %swap3A_418] {strides = array<i32>} : memref<32x256xf32, #tpu.memory_space<vmem>>, vector<16xf32>,
          tpu.vector_store %arg17[%swap3A_417, %swap3A_418], %mul3A_416 {strides = array<i32>} : memref<32x256xf32, #tpu.memory_space<vmem>>, vector<16xf32>,
          %get3A_420 = arith.index_cast %while3A_341 : i32 to index
          %get3A_421 = arith.constant 176 : index
          %get3A_422 = tpu.vector_load %arg17[%get3A_420, %get3A_421] {strides = array<i32>} : memref<32x256xf32, #tpu.memory_space<vmem>>, vector<16xf32>,
          %mul3A_423 = arith.mulf %get3A_422, %gather3A : vector<16xf32>
          %swap3A_424 = arith.index_cast %while3A_341 : i32 to index
          %swap3A_425 = arith.constant 176 : index
          %swap3A_426 = tpu.vector_load %arg17[%swap3A_424, %swap3A_425] {strides = array<i32>} : memref<32x256xf32, #tpu.memory_space<vmem>>, vector<16xf32>,
          tpu.vector_store %arg17[%swap3A_424, %swap3A_425], %mul3A_423 {strides = array<i32>} : memref<32x256xf32, #tpu.memory_space<vmem>>, vector<16xf32>,
          %get3A_427 = arith.index_cast %while3A_341 : i32 to index
          %get3A_428 = arith.constant 192 : index
          %get3A_429 = tpu.vector_load %arg17[%get3A_427, %get3A_428] {strides = array<i32>} : memref<32x256xf32, #tpu.memory_space<vmem>>, vector<16xf32>,
          %mul3A_430 = arith.mulf %get3A_429, %gather3A : vector<16xf32>
          %swap3A_431 = arith.index_cast %while3A_341 : i32 to index
          %swap3A_432 = arith.constant 192 : index
          %swap3A_433 = tpu.vector_load %arg17[%swap3A_431, %swap3A_432] {strides = array<i32>} : memref<32x256xf32, #tpu.memory_space<vmem>>, vector<16xf32>,
          tpu.vector_store %arg17[%swap3A_431, %swap3A_432], %mul3A_430 {strides = array<i32>} : memref<32x256xf32, #tpu.memory_space<vmem>>, vector<16xf32>,
          %get3A_434 = arith.index_cast %while3A_341 : i32 to index
          %get3A_435 = arith.constant 208 : index
          %get3A_436 = tpu.vector_load %arg17[%get3A_434, %get3A_435] {strides = array<i32>} : memref<32x256xf32, #tpu.memory_space<vmem>>, vector<16xf32>,
          %mul3A_437 = arith.mulf %get3A_436, %gather3A : vector<16xf32>
          %swap3A_438 = arith.index_cast %while3A_341 : i32 to index
          %swap3A_439 = arith.constant 208 : index
          %swap3A_440 = tpu.vector_load %arg17[%swap3A_438, %swap3A_439] {strides = array<i32>} : memref<32x256xf32, #tpu.memory_space<vmem>>, vector<16xf32>,
          tpu.vector_store %arg17[%swap3A_438, %swap3A_439], %mul3A_437 {strides = array<i32>} : memref<32x256xf32, #tpu.memory_space<vmem>>, vector<16xf32>,
          %get3A_441 = arith.index_cast %while3A_341 : i32 to index
          %get3A_442 = arith.constant 224 : index
          %get3A_443 = tpu.vector_load %arg17[%get3A_441, %get3A_442] {strides = array<i32>} : memref<32x256xf32, #tpu.memory_space<vmem>>, vector<16xf32>,
          %mul3A_444 = arith.mulf %get3A_443, %gather3A : vector<16xf32>
          %swap3A_445 = arith.index_cast %while3A_341 : i32 to index
          %swap3A_446 = arith.constant 224 : index
          %swap3A_447 = tpu.vector_load %arg17[%swap3A_445, %swap3A_446] {strides = array<i32>} : memref<32x256xf32, #tpu.memory_space<vmem>>, vector<16xf32>,
          tpu.vector_store %arg17[%swap3A_445, %swap3A_446], %mul3A_444 {strides = array<i32>} : memref<32x256xf32, #tpu.memory_space<vmem>>, vector<16xf32>,
          %get3A_448 = arith.index_cast %while3A_341 : i32 to index
          %get3A_449 = arith.constant 240 : index
          %get3A_450 = tpu.vector_load %arg17[%get3A_448, %get3A_449] {strides = array<i32>} : memref<32x256xf32, #tpu.memory_space<vmem>>, vector<16xf32>,
          %mul3A_451 = arith.mulf %get3A_450, %gather3A : vector<16xf32>
          %swap3A_452 = arith.index_cast %while3A_341 : i32 to index
          %swap3A_453 = arith.constant 240 : index
          %swap3A_454 = tpu.vector_load %arg17[%swap3A_452, %swap3A_453] {strides = array<i32>} : memref<32x256xf32, #tpu.memory_space<vmem>>, vector<16xf32>,
          tpu.vector_store %arg17[%swap3A_452, %swap3A_453], %mul3A_451 {strides = array<i32>} : memref<32x256xf32, #tpu.memory_space<vmem>>, vector<16xf32>,
        }
        %while3A_340 = arith.constant 1 : i32
        scf.for %while3A_341 = %while3A_338 to %while3A_334 step %while3A_340  : i32 {
          %add3A_342 = vector.broadcast %while3A_341 : i32 to vector<16xi32>
          %add3A_343 = arith.addi %broadcast_in_dim3A_2, %add3A_342 : vector<16xi32>
          %gather3A = tpu.vector_load_idx %arg18[%add3A_343] : memref<32xf32, #tpu.memory_space<vmem>>[vector<16xi32>], vector<16xf32>,
          %get3A = arith.index_cast %while3A_341 : i32 to index
          %get3A_344 = arith.constant 0 : index
          %get3A_345 = tpu.vector_load %arg17[%get3A, %get3A_344] {strides = array<i32>} : memref<32x256xf32, #tpu.memory_space<vmem>>, vector<16xf32>,
          %mul3A_346 = arith.mulf %get3A_345, %gather3A : vector<16xf32>
          %swap3A_347 = arith.index_cast %while3A_341 : i32 to index
          %swap3A_348 = arith.constant 0 : index
          %swap3A_349 = tpu.vector_load %arg17[%swap3A_347, %swap3A_348] {strides = array<i32>} : memref<32x256xf32, #tpu.memory_space<vmem>>, vector<16xf32>,
          tpu.vector_store %arg17[%swap3A_347, %swap3A_348], %mul3A_346 {strides = array<i32>} : memref<32x256xf32, #tpu.memory_space<vmem>>, vector<16xf32>,
          %get3A_350 = arith.index_cast %while3A_341 : i32 to index
          %get3A_351 = arith.constant 16 : index
          %get3A_352 = tpu.vector_load %arg17[%get3A_350, %get3A_351] {strides = array<i32>} : memref<32x256xf32, #tpu.memory_space<vmem>>, vector<16xf32>,
          %mul3A_353 = arith.mulf %get3A_352, %gather3A : vector<16xf32>
          %swap3A_354 = arith.index_cast %while3A_341 : i32 to index
          %swap3A_355 = arith.constant 16 : index
          %swap3A_356 = tpu.vector_load %arg17[%swap3A_354, %swap3A_355] {strides = array<i32>} : memref<32x256xf32, #tpu.memory_space<vmem>>, vector<16xf32>,
          tpu.vector_store %arg17[%swap3A_354, %swap3A_355], %mul3A_353 {strides = array<i32>} : memref<32x256xf32, #tpu.memory_space<vmem>>, vector<16xf32>,
          %get3A_357 = arith.index_cast %while3A_341 : i32 to index
          %get3A_358 = arith.constant 32 : index
          %get3A_359 = tpu.vector_load %arg17[%get3A_357, %get3A_358] {strides = array<i32>} : memref<32x256xf32, #tpu.memory_space<vmem>>, vector<16xf32>,
          %mul3A_360 = arith.mulf %get3A_359, %gather3A : vector<16xf32>
          %swap3A_361 = arith.index_cast %while3A_341 : i32 to index
          %swap3A_362 = arith.constant 32 : index
          %swap3A_363 = tpu.vector_load %arg17[%swap3A_361, %swap3A_362] {strides = array<i32>} : memref<32x256xf32, #tpu.memory_space<vmem>>, vector<16xf32>,
          tpu.vector_store %arg17[%swap3A_361, %swap3A_362], %mul3A_360 {strides = array<i32>} : memref<32x256xf32, #tpu.memory_space<vmem>>, vector<16xf32>,
          %get3A_364 = arith.index_cast %while3A_341 : i32 to index
          %get3A_365 = arith.constant 48 : index
          %get3A_366 = tpu.vector_load %arg17[%get3A_364, %get3A_365] {strides = array<i32>} : memref<32x256xf32, #tpu.memory_space<vmem>>, vector<16xf32>,
          %mul3A_367 = arith.mulf %get3A_366, %gather3A : vector<16xf32>
          %swap3A_368 = arith.index_cast %while3A_341 : i32 to index
          %swap3A_369 = arith.constant 48 : index
          %swap3A_370 = tpu.vector_load %arg17[%swap3A_368, %swap3A_369] {strides = array<i32>} : memref<32x256xf32, #tpu.memory_space<vmem>>, vector<16xf32>,
          tpu.vector_store %arg17[%swap3A_368, %swap3A_369], %mul3A_367 {strides = array<i32>} : memref<32x256xf32, #tpu.memory_space<vmem>>, vector<16xf32>,
          %get3A_371 = arith.index_cast %while3A_341 : i32 to index
          %get3A_372 = arith.constant 64 : index
          %get3A_373 = tpu.vector_load %arg17[%get3A_371, %get3A_372] {strides = array<i32>} : memref<32x256xf32, #tpu.memory_space<vmem>>, vector<16xf32>,
          %mul3A_374 = arith.mulf %get3A_373, %gather3A : vector<16xf32>
          %swap3A_375 = arith.index_cast %while3A_341 : i32 to index
          %swap3A_376 = arith.constant 64 : index
          %swap3A_377 = tpu.vector_load %arg17[%swap3A_375, %swap3A_376] {strides = array<i32>} : memref<32x256xf32, #tpu.memory_space<vmem>>, vector<16xf32>,
          tpu.vector_store %arg17[%swap3A_375, %swap3A_376], %mul3A_374 {strides = array<i32>} : memref<32x256xf32, #tpu.memory_space<vmem>>, vector<16xf32>,
          %get3A_378 = arith.index_cast %while3A_341 : i32 to index
          %get3A_379 = arith.constant 80 : index
          %get3A_380 = tpu.vector_load %arg17[%get3A_378, %get3A_379] {strides = array<i32>} : memref<32x256xf32, #tpu.memory_space<vmem>>, vector<16xf32>,
          %mul3A_381 = arith.mulf %get3A_380, %gather3A : vector<16xf32>
          %swap3A_382 = arith.index_cast %while3A_341 : i32 to index
          %swap3A_383 = arith.constant 80 : index
          %swap3A_384 = tpu.vector_load %arg17[%swap3A_382, %swap3A_383] {strides = array<i32>} : memref<32x256xf32, #tpu.memory_space<vmem>>, vector<16xf32>,
          tpu.vector_store %arg17[%swap3A_382, %swap3A_383], %mul3A_381 {strides = array<i32>} : memref<32x256xf32, #tpu.memory_space<vmem>>, vector<16xf32>,
          %get3A_385 = arith.index_cast %while3A_341 : i32 to index
          %get3A_386 = arith.constant 96 : index
          %get3A_387 = tpu.vector_load %arg17[%get3A_385, %get3A_386] {strides = array<i32>} : memref<32x256xf32, #tpu.memory_space<vmem>>, vector<16xf32>,
          %mul3A_388 = arith.mulf %get3A_387, %gather3A : vector<16xf32>
          %swap3A_389 = arith.index_cast %while3A_341 : i32 to index
          %swap3A_390 = arith.constant 96 : index
          %swap3A_391 = tpu.vector_load %arg17[%swap3A_389, %swap3A_390] {strides = array<i32>} : memref<32x256xf32, #tpu.memory_space<vmem>>, vector<16xf32>,
          tpu.vector_store %arg17[%swap3A_389, %swap3A_390], %mul3A_388 {strides = array<i32>} : memref<32x256xf32, #tpu.memory_space<vmem>>, vector<16xf32>,
          %get3A_392 = arith.index_cast %while3A_341 : i32 to index
          %get3A_393 = arith.constant 112 : index
          %get3A_394 = tpu.vector_load %arg17[%get3A_392, %get3A_393] {strides = array<i32>} : memref<32x256xf32, #tpu.memory_space<vmem>>, vector<16xf32>,
          %mul3A_395 = arith.mulf %get3A_394, %gather3A : vector<16xf32>
          %swap3A_396 = arith.index_cast %while3A_341 : i32 to index
          %swap3A_397 = arith.constant 112 : index
          %swap3A_398 = tpu.vector_load %arg17[%swap3A_396, %swap3A_397] {strides = array<i32>} : memref<32x256xf32, #tpu.memory_space<vmem>>, vector<16xf32>,
          tpu.vector_store %arg17[%swap3A_396, %swap3A_397], %mul3A_395 {strides = array<i32>} : memref<32x256xf32, #tpu.memory_space<vmem>>, vector<16xf32>,
          %get3A_399 = arith.index_cast %while3A_341 : i32 to index
          %get3A_400 = arith.constant 128 : index
          %get3A_401 = tpu.vector_load %arg17[%get3A_399, %get3A_400] {strides = array<i32>} : memref<32x256xf32, #tpu.memory_space<vmem>>, vector<16xf32>,
          %mul3A_402 = arith.mulf %get3A_401, %gather3A : vector<16xf32>
          %swap3A_403 = arith.index_cast %while3A_341 : i32 to index
          %swap3A_404 = arith.constant 128 : index
          %swap3A_405 = tpu.vector_load %arg17[%swap3A_403, %swap3A_404] {strides = array<i32>} : memref<32x256xf32, #tpu.memory_space<vmem>>, vector<16xf32>,
          tpu.vector_store %arg17[%swap3A_403, %swap3A_404], %mul3A_402 {strides = array<i32>} : memref<32x256xf32, #tpu.memory_space<vmem>>, vector<16xf32>,
          %get3A_406 = arith.index_cast %while3A_341 : i32 to index
          %get3A_407 = arith.constant 144 : index
          %get3A_408 = tpu.vector_load %arg17[%get3A_406, %get3A_407] {strides = array<i32>} : memref<32x256xf32, #tpu.memory_space<vmem>>, vector<16xf32>,
          %mul3A_409 = arith.mulf %get3A_408, %gather3A : vector<16xf32>
          %swap3A_410 = arith.index_cast %while3A_341 : i32 to index
          %swap3A_411 = arith.constant 144 : index
          %swap3A_412 = tpu.vector_load %arg17[%swap3A_410, %swap3A_411] {strides = array<i32>} : memref<32x256xf32, #tpu.memory_space<vmem>>, vector<16xf32>,
          tpu.vector_store %arg17[%swap3A_410, %swap3A_411], %mul3A_409 {strides = array<i32>} : memref<32x256xf32, #tpu.memory_space<vmem>>, vector<16xf32>,
          %get3A_413 = arith.index_cast %while3A_341 : i32 to index
          %get3A_414 = arith.constant 160 : index
          %get3A_415 = tpu.vector_load %arg17[%get3A_413, %get3A_414] {strides = array<i32>} : memref<32x256xf32, #tpu.memory_space<vmem>>, vector<16xf32>,
          %mul3A_416 = arith.mulf %get3A_415, %gather3A : vector<16xf32>
          %swap3A_417 = arith.index_cast %while3A_341 : i32 to index
          %swap3A_418 = arith.constant 160 : index
          %swap3A_419 = tpu.vector_load %arg17[%swap3A_417, %swap3A_418] {strides = array<i32>} : memref<32x256xf32, #tpu.memory_space<vmem>>, vector<16xf32>,
          tpu.vector_store %arg17[%swap3A_417, %swap3A_418], %mul3A_416 {strides = array<i32>} : memref<32x256xf32, #tpu.memory_space<vmem>>, vector<16xf32>,
          %get3A_420 = arith.index_cast %while3A_341 : i32 to index
          %get3A_421 = arith.constant 176 : index
          %get3A_422 = tpu.vector_load %arg17[%get3A_420, %get3A_421] {strides = array<i32>} : memref<32x256xf32, #tpu.memory_space<vmem>>, vector<16xf32>,
          %mul3A_423 = arith.mulf %get3A_422, %gather3A : vector<16xf32>
          %swap3A_424 = arith.index_cast %while3A_341 : i32 to index
          %swap3A_425 = arith.constant 176 : index
          %swap3A_426 = tpu.vector_load %arg17[%swap3A_424, %swap3A_425] {strides = array<i32>} : memref<32x256xf32, #tpu.memory_space<vmem>>, vector<16xf32>,
          tpu.vector_store %arg17[%swap3A_424, %swap3A_425], %mul3A_423 {strides = array<i32>} : memref<32x256xf32, #tpu.memory_space<vmem>>, vector<16xf32>,
          %get3A_427 = arith.index_cast %while3A_341 : i32 to index
          %get3A_428 = arith.constant 192 : index
          %get3A_429 = tpu.vector_load %arg17[%get3A_427, %get3A_428] {strides = array<i32>} : memref<32x256xf32, #tpu.memory_space<vmem>>, vector<16xf32>,
          %mul3A_430 = arith.mulf %get3A_429, %gather3A : vector<16xf32>
          %swap3A_431 = arith.index_cast %while3A_341 : i32 to index
          %swap3A_432 = arith.constant 192 : index
          %swap3A_433 = tpu.vector_load %arg17[%swap3A_431, %swap3A_432] {strides = array<i32>} : memref<32x256xf32, #tpu.memory_space<vmem>>, vector<16xf32>,
          tpu.vector_store %arg17[%swap3A_431, %swap3A_432], %mul3A_430 {strides = array<i32>} : memref<32x256xf32, #tpu.memory_space<vmem>>, vector<16xf32>,
          %get3A_434 = arith.index_cast %while3A_341 : i32 to index
          %get3A_435 = arith.constant 208 : index
          %get3A_436 = tpu.vector_load %arg17[%get3A_434, %get3A_435] {strides = array<i32>} : memref<32x256xf32, #tpu.memory_space<vmem>>, vector<16xf32>,
          %mul3A_437 = arith.mulf %get3A_436, %gather3A : vector<16xf32>
          %swap3A_438 = arith.index_cast %while3A_341 : i32 to index
          %swap3A_439 = arith.constant 208 : index
          %swap3A_440 = tpu.vector_load %arg17[%swap3A_438, %swap3A_439] {strides = array<i32>} : memref<32x256xf32, #tpu.memory_space<vmem>>, vector<16xf32>,
          tpu.vector_store %arg17[%swap3A_438, %swap3A_439], %mul3A_437 {strides = array<i32>} : memref<32x256xf32, #tpu.memory_space<vmem>>, vector<16xf32>,
          %get3A_441 = arith.index_cast %while3A_341 : i32 to index
          %get3A_442 = arith.constant 224 : index
          %get3A_443 = tpu.vector_load %arg17[%get3A_441, %get3A_442] {strides = array<i32>} : memref<32x256xf32, #tpu.memory_space<vmem>>, vector<16xf32>,
          %mul3A_444 = arith.mulf %get3A_443, %gather3A : vector<16xf32>
          %swap3A_445 = arith.index_cast %while3A_341 : i32 to index
          %swap3A_446 = arith.constant 224 : index
          %swap3A_447 = tpu.vector_load %arg17[%swap3A_445, %swap3A_446] {strides = array<i32>} : memref<32x256xf32, #tpu.memory_space<vmem>>, vector<16xf32>,
          tpu.vector_store %arg17[%swap3A_445, %swap3A_446], %mul3A_444 {strides = array<i32>} : memref<32x256xf32, #tpu.memory_space<vmem>>, vector<16xf32>,
          %get3A_448 = arith.index_cast %while3A_341 : i32 to index
          %get3A_449 = arith.constant 240 : index
          %get3A_450 = tpu.vector_load %arg17[%get3A_448, %get3A_449] {strides = array<i32>} : memref<32x256xf32, #tpu.memory_space<vmem>>, vector<16xf32>,
          %mul3A_451 = arith.mulf %get3A_450, %gather3A : vector<16xf32>
          %swap3A_452 = arith.index_cast %while3A_341 : i32 to index
          %swap3A_453 = arith.constant 240 : index
          %swap3A_454 = tpu.vector_load %arg17[%swap3A_452, %swap3A_453] {strides = array<i32>} : memref<32x256xf32, #tpu.memory_space<vmem>>, vector<16xf32>,
          tpu.vector_store %arg17[%swap3A_452, %swap3A_453], %mul3A_451 {strides = array<i32>} : memref<32x256xf32, #tpu.memory_space<vmem>>, vector<16xf32>,
        }
        "tpu.region"() ({
          %run_scoped3A_341 = tpu.sem_alloc : memref<!tpu.dma_semaphore, #tpu.memory_space<semaphore_mem>>
          %dma_start3A_342 = arith.constant 0 : i32
          %dma_start3A_343 = arith.constant 0 : i32
          %dma_start3A_344 = tpu.memref_slice %arg23[%dma_start3A_342, %dma_start3A_343] : memref<1250x256xf32, #tpu.memory_space<vmem_shared>> -> memref<1250x256xf32, #tpu.memory_space<vmem_shared>>
          tpu.enqueue_indirect_dma source(%arg17 : memref<32x256xf32, #tpu.memory_space<vmem>>) target(%dma_start3A_344 : memref<1250x256xf32, #tpu.memory_space<vmem_shared>>) offsets(%arg19 : memref<32xi32, #tpu.memory_space<vmem>>) semaphore(%run_scoped3A_341 : memref<!tpu.dma_semaphore, #tpu.memory_space<semaphore_mem>>) {add = true}
          %dma_wait3A_345 = arith.constant 0 : i32
          %dma_wait3A_346 = arith.constant 0 : i32
          %dma_wait3A_347 = tpu.memref_slice %arg23[%dma_wait3A_345, %dma_wait3A_346] : memref<1250x256xf32, #tpu.memory_space<vmem_shared>> -> memref<1250x256xf32, #tpu.memory_space<vmem_shared>>
          tpu.wait_indirect_dma semaphore(%run_scoped3A_341 : memref<!tpu.dma_semaphore, #tpu.memory_space<semaphore_mem>>) src(%arg17 : memref<32x256xf32, #tpu.memory_space<vmem>>) dst(%dma_wait3A_347 : memref<1250x256xf32, #tpu.memory_space<vmem_shared>>)
          tpu.yield
        }) : () -> ()
      }
      %while3A_293 = arith.constant 1 : i32
      scf.for %while3A_306 = %while3A_291 to %while3A_287 step %while3A_293  : i32 {
        %min3A = arith.minsi %while3A_306, %select_n3A : i32
        %mul3A_307 = arith.constant 32 : i32
        %mul3A_308 = arith.muli %min3A, %mul3A_307 : i32
        %dma_start3A = tpu.memref_slice %arg12[%mul3A_308] : memref<2624xi32, #tpu.memory_space<vmem>> -> memref<32xi32, #tpu.memory_space<vmem>>
        %dma_start3A_309 = arith.constant 0 : i32
        %dma_start3A_310 = arith.constant 0 : i32
        %dma_start3A_311 = tpu.memref_slice %arg7[%dma_start3A_309, %dma_start3A_310] : memref<40000x256xf32, #tpu.memory_space<hbm>> -> memref<40000x256xf32, #tpu.memory_space<hbm>>
        tpu.enqueue_indirect_dma source(%dma_start3A_311 : memref<40000x256xf32, #tpu.memory_space<hbm>>) target(%arg17 : memref<32x256xf32, #tpu.memory_space<vmem>>) offsets(%dma_start3A : memref<32xi32, #tpu.memory_space<vmem>>) semaphore(%arg25 : memref<!tpu.dma_semaphore, #tpu.memory_space<semaphore_mem>>)
        %mul3A_312 = arith.constant 32 : i32
        %mul3A_313 = arith.muli %while3A_306, %mul3A_312 : i32
        %while3A_314 = arith.constant 0 : i32
        %while3A_315 = arith.constant 0 : i32
        %while3A_316 = arith.constant 2 : i32
        %while3A_317 = arith.subi %while3A_316, %while3A_315 : i32
        %while3A_318 = arith.addi %while3A_315, %while3A_317 : i32
        %while3A_319 = arith.constant 1 : i32
        %while3A_320 = arith.divsi %while3A_317, %while3A_319 : i32
        %while3A_321 = arith.muli %while3A_320, %while3A_319 : i32
        %while3A_322 = arith.addi %while3A_315, %while3A_321 : i32
        %while3A_323 = arith.constant 1 : i32
        scf.for %while3A_341 = %while3A_315 to %while3A_322 step %while3A_323  : i32 {
          %mul3A_342 = arith.constant 16 : i32
          %mul3A_343 = arith.muli %while3A_341, %mul3A_342 : i32
          %add3A_344 = arith.addi %mul3A_313, %mul3A_343 : i32
          %get3A = arith.index_cast %add3A_344 : i32 to index
          %get3A_345 = tpu.vector_load %arg13[%get3A] {strides = array<i32>} : memref<2624xi32, #tpu.memory_space<vmem>>, vector<16xi32>,
          %shift_right_logical3A = arith.constant 4 : i32
          %shift_right_logical3A_346 = vector.broadcast %shift_right_logical3A : i32 to vector<16xi32>
          %shift_right_logical3A_347 = arith.shrui %get3A_345, %shift_right_logical3A_346 : vector<16xi32>
          %and3A_348 = arith.constant 15 : i32
          %and3A_349 = vector.broadcast %and3A_348 : i32 to vector<16xi32>
          %and3A_350 = arith.andi %get3A_345, %and3A_349 : vector<16xi32>
          %gather3A = tpu.vector_load_idx %arg20[%shift_right_logical3A_347, %and3A_350] : memref<320x16xf32, #tpu.memory_space<vmem>>[vector<16xi32>, vector<16xi32>], vector<16xf32>,
          %get3A_351 = arith.index_cast %add3A_344 : i32 to index
          %get3A_352 = tpu.vector_load %arg14[%get3A_351] {strides = array<i32>} : memref<2624xf32, #tpu.memory_space<vmem>>, vector<16xf32>,
          %div3A_353 = arith.divf %get3A_352, %gather3A : vector<16xf32>
          %mul3A_354 = arith.constant 16 : i32
          %mul3A_355 = arith.muli %while3A_341, %mul3A_354 : i32
          %swap3A_356 = arith.index_cast %mul3A_355 : i32 to index
          %swap3A_357 = tpu.vector_load %arg18[%swap3A_356] {strides = array<i32>} : memref<32xf32, #tpu.memory_space<vmem>>, vector<16xf32>,
          tpu.vector_store %arg18[%swap3A_356], %div3A_353 {strides = array<i32>} : memref<32xf32, #tpu.memory_space<vmem>>, vector<16xf32>,
          %shift_right_logical3A_358 = arith.constant 2 : i32
          %shift_right_logical3A_359 = vector.broadcast %shift_right_logical3A_358 : i32 to vector<16xi32>
          %shift_right_logical3A_360 = arith.shrui %get3A_345, %shift_right_logical3A_359 : vector<16xi32>
          %mul3A_361 = arith.constant 16 : i32
          %mul3A_362 = arith.muli %while3A_341, %mul3A_361 : i32
          %swap3A_363 = arith.index_cast %mul3A_362 : i32 to index
          %swap3A_364 = tpu.vector_load %arg19[%swap3A_363] {strides = array<i32>} : memref<32xi32, #tpu.memory_space<vmem>>, vector<16xi32>,
          tpu.vector_store %arg19[%swap3A_363], %shift_right_logical3A_360 {strides = array<i32>} : memref<32xi32, #tpu.memory_space<vmem>>, vector<16xi32>,
        }
        %while3A_324 = arith.constant 1 : i32
        scf.for %while3A_341 = %while3A_322 to %while3A_318 step %while3A_324  : i32 {
          %mul3A_342 = arith.constant 16 : i32
          %mul3A_343 = arith.muli %while3A_341, %mul3A_342 : i32
          %add3A_344 = arith.addi %mul3A_313, %mul3A_343 : i32
          %get3A = arith.index_cast %add3A_344 : i32 to index
          %get3A_345 = tpu.vector_load %arg13[%get3A] {strides = array<i32>} : memref<2624xi32, #tpu.memory_space<vmem>>, vector<16xi32>,
          %shift_right_logical3A = arith.constant 4 : i32
          %shift_right_logical3A_346 = vector.broadcast %shift_right_logical3A : i32 to vector<16xi32>
          %shift_right_logical3A_347 = arith.shrui %get3A_345, %shift_right_logical3A_346 : vector<16xi32>
          %and3A_348 = arith.constant 15 : i32
          %and3A_349 = vector.broadcast %and3A_348 : i32 to vector<16xi32>
          %and3A_350 = arith.andi %get3A_345, %and3A_349 : vector<16xi32>
          %gather3A = tpu.vector_load_idx %arg20[%shift_right_logical3A_347, %and3A_350] : memref<320x16xf32, #tpu.memory_space<vmem>>[vector<16xi32>, vector<16xi32>], vector<16xf32>,
          %get3A_351 = arith.index_cast %add3A_344 : i32 to index
          %get3A_352 = tpu.vector_load %arg14[%get3A_351] {strides = array<i32>} : memref<2624xf32, #tpu.memory_space<vmem>>, vector<16xf32>,
          %div3A_353 = arith.divf %get3A_352, %gather3A : vector<16xf32>
          %mul3A_354 = arith.constant 16 : i32
          %mul3A_355 = arith.muli %while3A_341, %mul3A_354 : i32
          %swap3A_356 = arith.index_cast %mul3A_355 : i32 to index
          %swap3A_357 = tpu.vector_load %arg18[%swap3A_356] {strides = array<i32>} : memref<32xf32, #tpu.memory_space<vmem>>, vector<16xf32>,
          tpu.vector_store %arg18[%swap3A_356], %div3A_353 {strides = array<i32>} : memref<32xf32, #tpu.memory_space<vmem>>, vector<16xf32>,
          %shift_right_logical3A_358 = arith.constant 2 : i32
          %shift_right_logical3A_359 = vector.broadcast %shift_right_logical3A_358 : i32 to vector<16xi32>
          %shift_right_logical3A_360 = arith.shrui %get3A_345, %shift_right_logical3A_359 : vector<16xi32>
          %mul3A_361 = arith.constant 16 : i32
          %mul3A_362 = arith.muli %while3A_341, %mul3A_361 : i32
          %swap3A_363 = arith.index_cast %mul3A_362 : i32 to index
          %swap3A_364 = tpu.vector_load %arg19[%swap3A_363] {strides = array<i32>} : memref<32xi32, #tpu.memory_space<vmem>>, vector<16xi32>,
          tpu.vector_store %arg19[%swap3A_363], %shift_right_logical3A_360 {strides = array<i32>} : memref<32xi32, #tpu.memory_space<vmem>>, vector<16xi32>,
        }
        %dma_wait3A = arith.constant 0 : i32
        %dma_wait3A_325 = arith.constant 0 : i32
        %dma_wait3A_326 = tpu.memref_slice %arg7[%dma_wait3A, %dma_wait3A_325] : memref<40000x256xf32, #tpu.memory_space<hbm>> -> memref<32x256xf32, #tpu.memory_space<hbm>>
        %dma_wait3A_327 = arith.constant 0 : i32
        %dma_wait3A_328 = arith.constant 0 : i32
        %dma_wait3A_329 = tpu.memref_slice %arg7[%dma_wait3A_327, %dma_wait3A_328] : memref<40000x256xf32, #tpu.memory_space<hbm>> -> memref<32x256xf32, #tpu.memory_space<hbm>>
        tpu.wait_dma2 semaphore(%arg25 : memref<!tpu.dma_semaphore, #tpu.memory_space<semaphore_mem>>) src(%dma_wait3A_329 : memref<32x256xf32, #tpu.memory_space<hbm>>) dst(%arg17 : memref<32x256xf32, #tpu.memory_space<vmem>>)
        %while3A_330 = arith.constant 0 : i32
        %while3A_331 = arith.constant 0 : i32
        %while3A_332 = arith.constant 32 : i32
        %while3A_333 = arith.subi %while3A_332, %while3A_331 : i32
        %while3A_334 = arith.addi %while3A_331, %while3A_333 : i32
        %while3A_335 = arith.constant 1 : i32
        %while3A_336 = arith.divsi %while3A_333, %while3A_335 : i32
        %while3A_337 = arith.muli %while3A_336, %while3A_335 : i32
        %while3A_338 = arith.addi %while3A_331, %while3A_337 : i32
        %while3A_339 = arith.constant 1 : i32
        scf.for %while3A_341 = %while3A_331 to %while3A_338 step %while3A_339  : i32 {
          %add3A_342 = vector.broadcast %while3A_341 : i32 to vector<16xi32>
          %add3A_343 = arith.addi %broadcast_in_dim3A_2, %add3A_342 : vector<16xi32>
          %gather3A = tpu.vector_load_idx %arg18[%add3A_343] : memref<32xf32, #tpu.memory_space<vmem>>[vector<16xi32>], vector<16xf32>,
          %get3A = arith.index_cast %while3A_341 : i32 to index
          %get3A_344 = arith.constant 0 : index
          %get3A_345 = tpu.vector_load %arg17[%get3A, %get3A_344] {strides = array<i32>} : memref<32x256xf32, #tpu.memory_space<vmem>>, vector<16xf32>,
          %mul3A_346 = arith.mulf %get3A_345, %gather3A : vector<16xf32>
          %swap3A_347 = arith.index_cast %while3A_341 : i32 to index
          %swap3A_348 = arith.constant 0 : index
          %swap3A_349 = tpu.vector_load %arg17[%swap3A_347, %swap3A_348] {strides = array<i32>} : memref<32x256xf32, #tpu.memory_space<vmem>>, vector<16xf32>,
          tpu.vector_store %arg17[%swap3A_347, %swap3A_348], %mul3A_346 {strides = array<i32>} : memref<32x256xf32, #tpu.memory_space<vmem>>, vector<16xf32>,
          %get3A_350 = arith.index_cast %while3A_341 : i32 to index
          %get3A_351 = arith.constant 16 : index
          %get3A_352 = tpu.vector_load %arg17[%get3A_350, %get3A_351] {strides = array<i32>} : memref<32x256xf32, #tpu.memory_space<vmem>>, vector<16xf32>,
          %mul3A_353 = arith.mulf %get3A_352, %gather3A : vector<16xf32>
          %swap3A_354 = arith.index_cast %while3A_341 : i32 to index
          %swap3A_355 = arith.constant 16 : index
          %swap3A_356 = tpu.vector_load %arg17[%swap3A_354, %swap3A_355] {strides = array<i32>} : memref<32x256xf32, #tpu.memory_space<vmem>>, vector<16xf32>,
          tpu.vector_store %arg17[%swap3A_354, %swap3A_355], %mul3A_353 {strides = array<i32>} : memref<32x256xf32, #tpu.memory_space<vmem>>, vector<16xf32>,
          %get3A_357 = arith.index_cast %while3A_341 : i32 to index
          %get3A_358 = arith.constant 32 : index
          %get3A_359 = tpu.vector_load %arg17[%get3A_357, %get3A_358] {strides = array<i32>} : memref<32x256xf32, #tpu.memory_space<vmem>>, vector<16xf32>,
          %mul3A_360 = arith.mulf %get3A_359, %gather3A : vector<16xf32>
          %swap3A_361 = arith.index_cast %while3A_341 : i32 to index
          %swap3A_362 = arith.constant 32 : index
          %swap3A_363 = tpu.vector_load %arg17[%swap3A_361, %swap3A_362] {strides = array<i32>} : memref<32x256xf32, #tpu.memory_space<vmem>>, vector<16xf32>,
          tpu.vector_store %arg17[%swap3A_361, %swap3A_362], %mul3A_360 {strides = array<i32>} : memref<32x256xf32, #tpu.memory_space<vmem>>, vector<16xf32>,
          %get3A_364 = arith.index_cast %while3A_341 : i32 to index
          %get3A_365 = arith.constant 48 : index
          %get3A_366 = tpu.vector_load %arg17[%get3A_364, %get3A_365] {strides = array<i32>} : memref<32x256xf32, #tpu.memory_space<vmem>>, vector<16xf32>,
          %mul3A_367 = arith.mulf %get3A_366, %gather3A : vector<16xf32>
          %swap3A_368 = arith.index_cast %while3A_341 : i32 to index
          %swap3A_369 = arith.constant 48 : index
          %swap3A_370 = tpu.vector_load %arg17[%swap3A_368, %swap3A_369] {strides = array<i32>} : memref<32x256xf32, #tpu.memory_space<vmem>>, vector<16xf32>,
          tpu.vector_store %arg17[%swap3A_368, %swap3A_369], %mul3A_367 {strides = array<i32>} : memref<32x256xf32, #tpu.memory_space<vmem>>, vector<16xf32>,
          %get3A_371 = arith.index_cast %while3A_341 : i32 to index
          %get3A_372 = arith.constant 64 : index
          %get3A_373 = tpu.vector_load %arg17[%get3A_371, %get3A_372] {strides = array<i32>} : memref<32x256xf32, #tpu.memory_space<vmem>>, vector<16xf32>,
          %mul3A_374 = arith.mulf %get3A_373, %gather3A : vector<16xf32>
          %swap3A_375 = arith.index_cast %while3A_341 : i32 to index
          %swap3A_376 = arith.constant 64 : index
          %swap3A_377 = tpu.vector_load %arg17[%swap3A_375, %swap3A_376] {strides = array<i32>} : memref<32x256xf32, #tpu.memory_space<vmem>>, vector<16xf32>,
          tpu.vector_store %arg17[%swap3A_375, %swap3A_376], %mul3A_374 {strides = array<i32>} : memref<32x256xf32, #tpu.memory_space<vmem>>, vector<16xf32>,
          %get3A_378 = arith.index_cast %while3A_341 : i32 to index
          %get3A_379 = arith.constant 80 : index
          %get3A_380 = tpu.vector_load %arg17[%get3A_378, %get3A_379] {strides = array<i32>} : memref<32x256xf32, #tpu.memory_space<vmem>>, vector<16xf32>,
          %mul3A_381 = arith.mulf %get3A_380, %gather3A : vector<16xf32>
          %swap3A_382 = arith.index_cast %while3A_341 : i32 to index
          %swap3A_383 = arith.constant 80 : index
          %swap3A_384 = tpu.vector_load %arg17[%swap3A_382, %swap3A_383] {strides = array<i32>} : memref<32x256xf32, #tpu.memory_space<vmem>>, vector<16xf32>,
          tpu.vector_store %arg17[%swap3A_382, %swap3A_383], %mul3A_381 {strides = array<i32>} : memref<32x256xf32, #tpu.memory_space<vmem>>, vector<16xf32>,
          %get3A_385 = arith.index_cast %while3A_341 : i32 to index
          %get3A_386 = arith.constant 96 : index
          %get3A_387 = tpu.vector_load %arg17[%get3A_385, %get3A_386] {strides = array<i32>} : memref<32x256xf32, #tpu.memory_space<vmem>>, vector<16xf32>,
          %mul3A_388 = arith.mulf %get3A_387, %gather3A : vector<16xf32>
          %swap3A_389 = arith.index_cast %while3A_341 : i32 to index
          %swap3A_390 = arith.constant 96 : index
          %swap3A_391 = tpu.vector_load %arg17[%swap3A_389, %swap3A_390] {strides = array<i32>} : memref<32x256xf32, #tpu.memory_space<vmem>>, vector<16xf32>,
          tpu.vector_store %arg17[%swap3A_389, %swap3A_390], %mul3A_388 {strides = array<i32>} : memref<32x256xf32, #tpu.memory_space<vmem>>, vector<16xf32>,
          %get3A_392 = arith.index_cast %while3A_341 : i32 to index
          %get3A_393 = arith.constant 112 : index
          %get3A_394 = tpu.vector_load %arg17[%get3A_392, %get3A_393] {strides = array<i32>} : memref<32x256xf32, #tpu.memory_space<vmem>>, vector<16xf32>,
          %mul3A_395 = arith.mulf %get3A_394, %gather3A : vector<16xf32>
          %swap3A_396 = arith.index_cast %while3A_341 : i32 to index
          %swap3A_397 = arith.constant 112 : index
          %swap3A_398 = tpu.vector_load %arg17[%swap3A_396, %swap3A_397] {strides = array<i32>} : memref<32x256xf32, #tpu.memory_space<vmem>>, vector<16xf32>,
          tpu.vector_store %arg17[%swap3A_396, %swap3A_397], %mul3A_395 {strides = array<i32>} : memref<32x256xf32, #tpu.memory_space<vmem>>, vector<16xf32>,
          %get3A_399 = arith.index_cast %while3A_341 : i32 to index
          %get3A_400 = arith.constant 128 : index
          %get3A_401 = tpu.vector_load %arg17[%get3A_399, %get3A_400] {strides = array<i32>} : memref<32x256xf32, #tpu.memory_space<vmem>>, vector<16xf32>,
          %mul3A_402 = arith.mulf %get3A_401, %gather3A : vector<16xf32>
          %swap3A_403 = arith.index_cast %while3A_341 : i32 to index
          %swap3A_404 = arith.constant 128 : index
          %swap3A_405 = tpu.vector_load %arg17[%swap3A_403, %swap3A_404] {strides = array<i32>} : memref<32x256xf32, #tpu.memory_space<vmem>>, vector<16xf32>,
          tpu.vector_store %arg17[%swap3A_403, %swap3A_404], %mul3A_402 {strides = array<i32>} : memref<32x256xf32, #tpu.memory_space<vmem>>, vector<16xf32>,
          %get3A_406 = arith.index_cast %while3A_341 : i32 to index
          %get3A_407 = arith.constant 144 : index
          %get3A_408 = tpu.vector_load %arg17[%get3A_406, %get3A_407] {strides = array<i32>} : memref<32x256xf32, #tpu.memory_space<vmem>>, vector<16xf32>,
          %mul3A_409 = arith.mulf %get3A_408, %gather3A : vector<16xf32>
          %swap3A_410 = arith.index_cast %while3A_341 : i32 to index
          %swap3A_411 = arith.constant 144 : index
          %swap3A_412 = tpu.vector_load %arg17[%swap3A_410, %swap3A_411] {strides = array<i32>} : memref<32x256xf32, #tpu.memory_space<vmem>>, vector<16xf32>,
          tpu.vector_store %arg17[%swap3A_410, %swap3A_411], %mul3A_409 {strides = array<i32>} : memref<32x256xf32, #tpu.memory_space<vmem>>, vector<16xf32>,
          %get3A_413 = arith.index_cast %while3A_341 : i32 to index
          %get3A_414 = arith.constant 160 : index
          %get3A_415 = tpu.vector_load %arg17[%get3A_413, %get3A_414] {strides = array<i32>} : memref<32x256xf32, #tpu.memory_space<vmem>>, vector<16xf32>,
          %mul3A_416 = arith.mulf %get3A_415, %gather3A : vector<16xf32>
          %swap3A_417 = arith.index_cast %while3A_341 : i32 to index
          %swap3A_418 = arith.constant 160 : index
          %swap3A_419 = tpu.vector_load %arg17[%swap3A_417, %swap3A_418] {strides = array<i32>} : memref<32x256xf32, #tpu.memory_space<vmem>>, vector<16xf32>,
          tpu.vector_store %arg17[%swap3A_417, %swap3A_418], %mul3A_416 {strides = array<i32>} : memref<32x256xf32, #tpu.memory_space<vmem>>, vector<16xf32>,
          %get3A_420 = arith.index_cast %while3A_341 : i32 to index
          %get3A_421 = arith.constant 176 : index
          %get3A_422 = tpu.vector_load %arg17[%get3A_420, %get3A_421] {strides = array<i32>} : memref<32x256xf32, #tpu.memory_space<vmem>>, vector<16xf32>,
          %mul3A_423 = arith.mulf %get3A_422, %gather3A : vector<16xf32>
          %swap3A_424 = arith.index_cast %while3A_341 : i32 to index
          %swap3A_425 = arith.constant 176 : index
          %swap3A_426 = tpu.vector_load %arg17[%swap3A_424, %swap3A_425] {strides = array<i32>} : memref<32x256xf32, #tpu.memory_space<vmem>>, vector<16xf32>,
          tpu.vector_store %arg17[%swap3A_424, %swap3A_425], %mul3A_423 {strides = array<i32>} : memref<32x256xf32, #tpu.memory_space<vmem>>, vector<16xf32>,
          %get3A_427 = arith.index_cast %while3A_341 : i32 to index
          %get3A_428 = arith.constant 192 : index
          %get3A_429 = tpu.vector_load %arg17[%get3A_427, %get3A_428] {strides = array<i32>} : memref<32x256xf32, #tpu.memory_space<vmem>>, vector<16xf32>,
          %mul3A_430 = arith.mulf %get3A_429, %gather3A : vector<16xf32>
          %swap3A_431 = arith.index_cast %while3A_341 : i32 to index
          %swap3A_432 = arith.constant 192 : index
          %swap3A_433 = tpu.vector_load %arg17[%swap3A_431, %swap3A_432] {strides = array<i32>} : memref<32x256xf32, #tpu.memory_space<vmem>>, vector<16xf32>,
          tpu.vector_store %arg17[%swap3A_431, %swap3A_432], %mul3A_430 {strides = array<i32>} : memref<32x256xf32, #tpu.memory_space<vmem>>, vector<16xf32>,
          %get3A_434 = arith.index_cast %while3A_341 : i32 to index
          %get3A_435 = arith.constant 208 : index
          %get3A_436 = tpu.vector_load %arg17[%get3A_434, %get3A_435] {strides = array<i32>} : memref<32x256xf32, #tpu.memory_space<vmem>>, vector<16xf32>,
          %mul3A_437 = arith.mulf %get3A_436, %gather3A : vector<16xf32>
          %swap3A_438 = arith.index_cast %while3A_341 : i32 to index
          %swap3A_439 = arith.constant 208 : index
          %swap3A_440 = tpu.vector_load %arg17[%swap3A_438, %swap3A_439] {strides = array<i32>} : memref<32x256xf32, #tpu.memory_space<vmem>>, vector<16xf32>,
          tpu.vector_store %arg17[%swap3A_438, %swap3A_439], %mul3A_437 {strides = array<i32>} : memref<32x256xf32, #tpu.memory_space<vmem>>, vector<16xf32>,
          %get3A_441 = arith.index_cast %while3A_341 : i32 to index
          %get3A_442 = arith.constant 224 : index
          %get3A_443 = tpu.vector_load %arg17[%get3A_441, %get3A_442] {strides = array<i32>} : memref<32x256xf32, #tpu.memory_space<vmem>>, vector<16xf32>,
          %mul3A_444 = arith.mulf %get3A_443, %gather3A : vector<16xf32>
          %swap3A_445 = arith.index_cast %while3A_341 : i32 to index
          %swap3A_446 = arith.constant 224 : index
          %swap3A_447 = tpu.vector_load %arg17[%swap3A_445, %swap3A_446] {strides = array<i32>} : memref<32x256xf32, #tpu.memory_space<vmem>>, vector<16xf32>,
          tpu.vector_store %arg17[%swap3A_445, %swap3A_446], %mul3A_444 {strides = array<i32>} : memref<32x256xf32, #tpu.memory_space<vmem>>, vector<16xf32>,
          %get3A_448 = arith.index_cast %while3A_341 : i32 to index
          %get3A_449 = arith.constant 240 : index
          %get3A_450 = tpu.vector_load %arg17[%get3A_448, %get3A_449] {strides = array<i32>} : memref<32x256xf32, #tpu.memory_space<vmem>>, vector<16xf32>,
          %mul3A_451 = arith.mulf %get3A_450, %gather3A : vector<16xf32>
          %swap3A_452 = arith.index_cast %while3A_341 : i32 to index
          %swap3A_453 = arith.constant 240 : index
          %swap3A_454 = tpu.vector_load %arg17[%swap3A_452, %swap3A_453] {strides = array<i32>} : memref<32x256xf32, #tpu.memory_space<vmem>>, vector<16xf32>,
          tpu.vector_store %arg17[%swap3A_452, %swap3A_453], %mul3A_451 {strides = array<i32>} : memref<32x256xf32, #tpu.memory_space<vmem>>, vector<16xf32>,
        }
        %while3A_340 = arith.constant 1 : i32
        scf.for %while3A_341 = %while3A_338 to %while3A_334 step %while3A_340  : i32 {
          %add3A_342 = vector.broadcast %while3A_341 : i32 to vector<16xi32>
          %add3A_343 = arith.addi %broadcast_in_dim3A_2, %add3A_342 : vector<16xi32>
          %gather3A = tpu.vector_load_idx %arg18[%add3A_343] : memref<32xf32, #tpu.memory_space<vmem>>[vector<16xi32>], vector<16xf32>,
          %get3A = arith.index_cast %while3A_341 : i32 to index
          %get3A_344 = arith.constant 0 : index
          %get3A_345 = tpu.vector_load %arg17[%get3A, %get3A_344] {strides = array<i32>} : memref<32x256xf32, #tpu.memory_space<vmem>>, vector<16xf32>,
          %mul3A_346 = arith.mulf %get3A_345, %gather3A : vector<16xf32>
          %swap3A_347 = arith.index_cast %while3A_341 : i32 to index
          %swap3A_348 = arith.constant 0 : index
          %swap3A_349 = tpu.vector_load %arg17[%swap3A_347, %swap3A_348] {strides = array<i32>} : memref<32x256xf32, #tpu.memory_space<vmem>>, vector<16xf32>,
          tpu.vector_store %arg17[%swap3A_347, %swap3A_348], %mul3A_346 {strides = array<i32>} : memref<32x256xf32, #tpu.memory_space<vmem>>, vector<16xf32>,
          %get3A_350 = arith.index_cast %while3A_341 : i32 to index
          %get3A_351 = arith.constant 16 : index
          %get3A_352 = tpu.vector_load %arg17[%get3A_350, %get3A_351] {strides = array<i32>} : memref<32x256xf32, #tpu.memory_space<vmem>>, vector<16xf32>,
          %mul3A_353 = arith.mulf %get3A_352, %gather3A : vector<16xf32>
          %swap3A_354 = arith.index_cast %while3A_341 : i32 to index
          %swap3A_355 = arith.constant 16 : index
          %swap3A_356 = tpu.vector_load %arg17[%swap3A_354, %swap3A_355] {strides = array<i32>} : memref<32x256xf32, #tpu.memory_space<vmem>>, vector<16xf32>,
          tpu.vector_store %arg17[%swap3A_354, %swap3A_355], %mul3A_353 {strides = array<i32>} : memref<32x256xf32, #tpu.memory_space<vmem>>, vector<16xf32>,
          %get3A_357 = arith.index_cast %while3A_341 : i32 to index
          %get3A_358 = arith.constant 32 : index
          %get3A_359 = tpu.vector_load %arg17[%get3A_357, %get3A_358] {strides = array<i32>} : memref<32x256xf32, #tpu.memory_space<vmem>>, vector<16xf32>,
          %mul3A_360 = arith.mulf %get3A_359, %gather3A : vector<16xf32>
          %swap3A_361 = arith.index_cast %while3A_341 : i32 to index
          %swap3A_362 = arith.constant 32 : index
          %swap3A_363 = tpu.vector_load %arg17[%swap3A_361, %swap3A_362] {strides = array<i32>} : memref<32x256xf32, #tpu.memory_space<vmem>>, vector<16xf32>,
          tpu.vector_store %arg17[%swap3A_361, %swap3A_362], %mul3A_360 {strides = array<i32>} : memref<32x256xf32, #tpu.memory_space<vmem>>, vector<16xf32>,
          %get3A_364 = arith.index_cast %while3A_341 : i32 to index
          %get3A_365 = arith.constant 48 : index
          %get3A_366 = tpu.vector_load %arg17[%get3A_364, %get3A_365] {strides = array<i32>} : memref<32x256xf32, #tpu.memory_space<vmem>>, vector<16xf32>,
          %mul3A_367 = arith.mulf %get3A_366, %gather3A : vector<16xf32>
          %swap3A_368 = arith.index_cast %while3A_341 : i32 to index
          %swap3A_369 = arith.constant 48 : index
          %swap3A_370 = tpu.vector_load %arg17[%swap3A_368, %swap3A_369] {strides = array<i32>} : memref<32x256xf32, #tpu.memory_space<vmem>>, vector<16xf32>,
          tpu.vector_store %arg17[%swap3A_368, %swap3A_369], %mul3A_367 {strides = array<i32>} : memref<32x256xf32, #tpu.memory_space<vmem>>, vector<16xf32>,
          %get3A_371 = arith.index_cast %while3A_341 : i32 to index
          %get3A_372 = arith.constant 64 : index
          %get3A_373 = tpu.vector_load %arg17[%get3A_371, %get3A_372] {strides = array<i32>} : memref<32x256xf32, #tpu.memory_space<vmem>>, vector<16xf32>,
          %mul3A_374 = arith.mulf %get3A_373, %gather3A : vector<16xf32>
          %swap3A_375 = arith.index_cast %while3A_341 : i32 to index
          %swap3A_376 = arith.constant 64 : index
          %swap3A_377 = tpu.vector_load %arg17[%swap3A_375, %swap3A_376] {strides = array<i32>} : memref<32x256xf32, #tpu.memory_space<vmem>>, vector<16xf32>,
          tpu.vector_store %arg17[%swap3A_375, %swap3A_376], %mul3A_374 {strides = array<i32>} : memref<32x256xf32, #tpu.memory_space<vmem>>, vector<16xf32>,
          %get3A_378 = arith.index_cast %while3A_341 : i32 to index
          %get3A_379 = arith.constant 80 : index
          %get3A_380 = tpu.vector_load %arg17[%get3A_378, %get3A_379] {strides = array<i32>} : memref<32x256xf32, #tpu.memory_space<vmem>>, vector<16xf32>,
          %mul3A_381 = arith.mulf %get3A_380, %gather3A : vector<16xf32>
          %swap3A_382 = arith.index_cast %while3A_341 : i32 to index
          %swap3A_383 = arith.constant 80 : index
          %swap3A_384 = tpu.vector_load %arg17[%swap3A_382, %swap3A_383] {strides = array<i32>} : memref<32x256xf32, #tpu.memory_space<vmem>>, vector<16xf32>,
          tpu.vector_store %arg17[%swap3A_382, %swap3A_383], %mul3A_381 {strides = array<i32>} : memref<32x256xf32, #tpu.memory_space<vmem>>, vector<16xf32>,
          %get3A_385 = arith.index_cast %while3A_341 : i32 to index
          %get3A_386 = arith.constant 96 : index
          %get3A_387 = tpu.vector_load %arg17[%get3A_385, %get3A_386] {strides = array<i32>} : memref<32x256xf32, #tpu.memory_space<vmem>>, vector<16xf32>,
          %mul3A_388 = arith.mulf %get3A_387, %gather3A : vector<16xf32>
          %swap3A_389 = arith.index_cast %while3A_341 : i32 to index
          %swap3A_390 = arith.constant 96 : index
          %swap3A_391 = tpu.vector_load %arg17[%swap3A_389, %swap3A_390] {strides = array<i32>} : memref<32x256xf32, #tpu.memory_space<vmem>>, vector<16xf32>,
          tpu.vector_store %arg17[%swap3A_389, %swap3A_390], %mul3A_388 {strides = array<i32>} : memref<32x256xf32, #tpu.memory_space<vmem>>, vector<16xf32>,
          %get3A_392 = arith.index_cast %while3A_341 : i32 to index
          %get3A_393 = arith.constant 112 : index
          %get3A_394 = tpu.vector_load %arg17[%get3A_392, %get3A_393] {strides = array<i32>} : memref<32x256xf32, #tpu.memory_space<vmem>>, vector<16xf32>,
          %mul3A_395 = arith.mulf %get3A_394, %gather3A : vector<16xf32>
          %swap3A_396 = arith.index_cast %while3A_341 : i32 to index
          %swap3A_397 = arith.constant 112 : index
          %swap3A_398 = tpu.vector_load %arg17[%swap3A_396, %swap3A_397] {strides = array<i32>} : memref<32x256xf32, #tpu.memory_space<vmem>>, vector<16xf32>,
          tpu.vector_store %arg17[%swap3A_396, %swap3A_397], %mul3A_395 {strides = array<i32>} : memref<32x256xf32, #tpu.memory_space<vmem>>, vector<16xf32>,
          %get3A_399 = arith.index_cast %while3A_341 : i32 to index
          %get3A_400 = arith.constant 128 : index
          %get3A_401 = tpu.vector_load %arg17[%get3A_399, %get3A_400] {strides = array<i32>} : memref<32x256xf32, #tpu.memory_space<vmem>>, vector<16xf32>,
          %mul3A_402 = arith.mulf %get3A_401, %gather3A : vector<16xf32>
          %swap3A_403 = arith.index_cast %while3A_341 : i32 to index
          %swap3A_404 = arith.constant 128 : index
          %swap3A_405 = tpu.vector_load %arg17[%swap3A_403, %swap3A_404] {strides = array<i32>} : memref<32x256xf32, #tpu.memory_space<vmem>>, vector<16xf32>,
          tpu.vector_store %arg17[%swap3A_403, %swap3A_404], %mul3A_402 {strides = array<i32>} : memref<32x256xf32, #tpu.memory_space<vmem>>, vector<16xf32>,
          %get3A_406 = arith.index_cast %while3A_341 : i32 to index
          %get3A_407 = arith.constant 144 : index
          %get3A_408 = tpu.vector_load %arg17[%get3A_406, %get3A_407] {strides = array<i32>} : memref<32x256xf32, #tpu.memory_space<vmem>>, vector<16xf32>,
          %mul3A_409 = arith.mulf %get3A_408, %gather3A : vector<16xf32>
          %swap3A_410 = arith.index_cast %while3A_341 : i32 to index
          %swap3A_411 = arith.constant 144 : index
          %swap3A_412 = tpu.vector_load %arg17[%swap3A_410, %swap3A_411] {strides = array<i32>} : memref<32x256xf32, #tpu.memory_space<vmem>>, vector<16xf32>,
          tpu.vector_store %arg17[%swap3A_410, %swap3A_411], %mul3A_409 {strides = array<i32>} : memref<32x256xf32, #tpu.memory_space<vmem>>, vector<16xf32>,
          %get3A_413 = arith.index_cast %while3A_341 : i32 to index
          %get3A_414 = arith.constant 160 : index
          %get3A_415 = tpu.vector_load %arg17[%get3A_413, %get3A_414] {strides = array<i32>} : memref<32x256xf32, #tpu.memory_space<vmem>>, vector<16xf32>,
          %mul3A_416 = arith.mulf %get3A_415, %gather3A : vector<16xf32>
          %swap3A_417 = arith.index_cast %while3A_341 : i32 to index
          %swap3A_418 = arith.constant 160 : index
          %swap3A_419 = tpu.vector_load %arg17[%swap3A_417, %swap3A_418] {strides = array<i32>} : memref<32x256xf32, #tpu.memory_space<vmem>>, vector<16xf32>,
          tpu.vector_store %arg17[%swap3A_417, %swap3A_418], %mul3A_416 {strides = array<i32>} : memref<32x256xf32, #tpu.memory_space<vmem>>, vector<16xf32>,
          %get3A_420 = arith.index_cast %while3A_341 : i32 to index
          %get3A_421 = arith.constant 176 : index
          %get3A_422 = tpu.vector_load %arg17[%get3A_420, %get3A_421] {strides = array<i32>} : memref<32x256xf32, #tpu.memory_space<vmem>>, vector<16xf32>,
          %mul3A_423 = arith.mulf %get3A_422, %gather3A : vector<16xf32>
          %swap3A_424 = arith.index_cast %while3A_341 : i32 to index
          %swap3A_425 = arith.constant 176 : index
          %swap3A_426 = tpu.vector_load %arg17[%swap3A_424, %swap3A_425] {strides = array<i32>} : memref<32x256xf32, #tpu.memory_space<vmem>>, vector<16xf32>,
          tpu.vector_store %arg17[%swap3A_424, %swap3A_425], %mul3A_423 {strides = array<i32>} : memref<32x256xf32, #tpu.memory_space<vmem>>, vector<16xf32>,
          %get3A_427 = arith.index_cast %while3A_341 : i32 to index
          %get3A_428 = arith.constant 192 : index
          %get3A_429 = tpu.vector_load %arg17[%get3A_427, %get3A_428] {strides = array<i32>} : memref<32x256xf32, #tpu.memory_space<vmem>>, vector<16xf32>,
          %mul3A_430 = arith.mulf %get3A_429, %gather3A : vector<16xf32>
          %swap3A_431 = arith.index_cast %while3A_341 : i32 to index
          %swap3A_432 = arith.constant 192 : index
          %swap3A_433 = tpu.vector_load %arg17[%swap3A_431, %swap3A_432] {strides = array<i32>} : memref<32x256xf32, #tpu.memory_space<vmem>>, vector<16xf32>,
          tpu.vector_store %arg17[%swap3A_431, %swap3A_432], %mul3A_430 {strides = array<i32>} : memref<32x256xf32, #tpu.memory_space<vmem>>, vector<16xf32>,
          %get3A_434 = arith.index_cast %while3A_341 : i32 to index
          %get3A_435 = arith.constant 208 : index
          %get3A_436 = tpu.vector_load %arg17[%get3A_434, %get3A_435] {strides = array<i32>} : memref<32x256xf32, #tpu.memory_space<vmem>>, vector<16xf32>,
          %mul3A_437 = arith.mulf %get3A_436, %gather3A : vector<16xf32>
          %swap3A_438 = arith.index_cast %while3A_341 : i32 to index
          %swap3A_439 = arith.constant 208 : index
          %swap3A_440 = tpu.vector_load %arg17[%swap3A_438, %swap3A_439] {strides = array<i32>} : memref<32x256xf32, #tpu.memory_space<vmem>>, vector<16xf32>,
          tpu.vector_store %arg17[%swap3A_438, %swap3A_439], %mul3A_437 {strides = array<i32>} : memref<32x256xf32, #tpu.memory_space<vmem>>, vector<16xf32>,
          %get3A_441 = arith.index_cast %while3A_341 : i32 to index
          %get3A_442 = arith.constant 224 : index
          %get3A_443 = tpu.vector_load %arg17[%get3A_441, %get3A_442] {strides = array<i32>} : memref<32x256xf32, #tpu.memory_space<vmem>>, vector<16xf32>,
          %mul3A_444 = arith.mulf %get3A_443, %gather3A : vector<16xf32>
          %swap3A_445 = arith.index_cast %while3A_341 : i32 to index
          %swap3A_446 = arith.constant 224 : index
          %swap3A_447 = tpu.vector_load %arg17[%swap3A_445, %swap3A_446] {strides = array<i32>} : memref<32x256xf32, #tpu.memory_space<vmem>>, vector<16xf32>,
          tpu.vector_store %arg17[%swap3A_445, %swap3A_446], %mul3A_444 {strides = array<i32>} : memref<32x256xf32, #tpu.memory_space<vmem>>, vector<16xf32>,
          %get3A_448 = arith.index_cast %while3A_341 : i32 to index
          %get3A_449 = arith.constant 240 : index
          %get3A_450 = tpu.vector_load %arg17[%get3A_448, %get3A_449] {strides = array<i32>} : memref<32x256xf32, #tpu.memory_space<vmem>>, vector<16xf32>,
          %mul3A_451 = arith.mulf %get3A_450, %gather3A : vector<16xf32>
          %swap3A_452 = arith.index_cast %while3A_341 : i32 to index
          %swap3A_453 = arith.constant 240 : index
          %swap3A_454 = tpu.vector_load %arg17[%swap3A_452, %swap3A_453] {strides = array<i32>} : memref<32x256xf32, #tpu.memory_space<vmem>>, vector<16xf32>,
          tpu.vector_store %arg17[%swap3A_452, %swap3A_453], %mul3A_451 {strides = array<i32>} : memref<32x256xf32, #tpu.memory_space<vmem>>, vector<16xf32>,
        }
        "tpu.region"() ({
          %run_scoped3A_341 = tpu.sem_alloc : memref<!tpu.dma_semaphore, #tpu.memory_space<semaphore_mem>>
          %dma_start3A_342 = arith.constant 0 : i32
          %dma_start3A_343 = arith.constant 0 : i32
          %dma_start3A_344 = tpu.memref_slice %arg23[%dma_start3A_342, %dma_start3A_343] : memref<1250x256xf32, #tpu.memory_space<vmem_shared>> -> memref<1250x256xf32, #tpu.memory_space<vmem_shared>>
          tpu.enqueue_indirect_dma source(%arg17 : memref<32x256xf32, #tpu.memory_space<vmem>>) target(%dma_start3A_344 : memref<1250x256xf32, #tpu.memory_space<vmem_shared>>) offsets(%arg19 : memref<32xi32, #tpu.memory_space<vmem>>) semaphore(%run_scoped3A_341 : memref<!tpu.dma_semaphore, #tpu.memory_space<semaphore_mem>>) {add = true}
          %dma_wait3A_345 = arith.constant 0 : i32
          %dma_wait3A_346 = arith.constant 0 : i32
          %dma_wait3A_347 = tpu.memref_slice %arg23[%dma_wait3A_345, %dma_wait3A_346] : memref<1250x256xf32, #tpu.memory_space<vmem_shared>> -> memref<1250x256xf32, #tpu.memory_space<vmem_shared>>
          tpu.wait_indirect_dma semaphore(%run_scoped3A_341 : memref<!tpu.dma_semaphore, #tpu.memory_space<semaphore_mem>>) src(%arg17 : memref<32x256xf32, #tpu.memory_space<vmem>>) dst(%dma_wait3A_347 : memref<1250x256xf32, #tpu.memory_space<vmem_shared>>)
          tpu.yield
        }) : () -> ()
      }
      %barrier3A_294 = arith.constant 0 : index
      tpu.barrier barrier_id(%barrier3A_294)
      %mul3A_295 = arith.constant 78 : i32
      %mul3A_296 = arith.muli %arg1, %mul3A_295 : i32
      %mul3A_297 = arith.constant 78 : i32
      %mul3A_298 = arith.muli %arg1, %mul3A_297 : i32
      %add3A_299 = arith.addi %mul3A_196, %mul3A_298 : i32
      "tpu.region"() ({
        %run_scoped3A_306 = tpu.sem_alloc : memref<!tpu.dma_semaphore, #tpu.memory_space<semaphore_mem>>
        %dma_start3A = arith.constant 0 : i32
        %dma_start3A_307 = tpu.memref_slice %arg8[%add3A_299, %dma_start3A] : memref<10000x256xf32, #tpu.memory_space<hbm>> -> memref<78x256xf32, #tpu.memory_space<hbm>>
        %dma_start3A_308 = arith.constant 0 : i32
        %dma_start3A_309 = tpu.memref_slice %arg23[%mul3A_296, %dma_start3A_308] : memref<1250x256xf32, #tpu.memory_space<vmem_shared>> -> memref<78x256xf32, #tpu.memory_space<vmem_shared>>
        tpu.enqueue_dma source(%dma_start3A_309 : memref<78x256xf32, #tpu.memory_space<vmem_shared>>) target(%dma_start3A_307 : memref<78x256xf32, #tpu.memory_space<hbm>>) target_semaphore(%run_scoped3A_306 : memref<!tpu.dma_semaphore, #tpu.memory_space<semaphore_mem>>)
        %dma_wait3A = arith.constant 0 : i32
        %dma_wait3A_310 = tpu.memref_slice %arg8[%add3A_299, %dma_wait3A] : memref<10000x256xf32, #tpu.memory_space<hbm>> -> memref<78x256xf32, #tpu.memory_space<hbm>>
        %dma_wait3A_311 = arith.constant 0 : i32
        %dma_wait3A_312 = tpu.memref_slice %arg23[%mul3A_296, %dma_wait3A_311] : memref<1250x256xf32, #tpu.memory_space<vmem_shared>> -> memref<78x256xf32, #tpu.memory_space<vmem_shared>>
        tpu.wait_dma2 semaphore(%run_scoped3A_306 : memref<!tpu.dma_semaphore, #tpu.memory_space<semaphore_mem>>) src(%dma_wait3A_312 : memref<78x256xf32, #tpu.memory_space<vmem_shared>>) dst(%dma_wait3A_310 : memref<78x256xf32, #tpu.memory_space<hbm>>)
        tpu.yield
      }) : () -> ()
      %eq3A_300 = arith.constant 0 : i32
      %eq3A_301 = arith.cmpi eq, %arg1, %eq3A_300 : i32
      %convert_element_type3A_302 = arith.extui %eq3A_301 : i1 to i32
      %cond3A_303 = arith.constant 0 : i32
      %cond3A_304 = arith.cmpi ne, %convert_element_type3A_302, %cond3A_303 : i32
      scf.if %cond3A_304 {
        %add3A_306 = arith.constant 1248 : i32
        %add3A_307 = arith.addi %mul3A_196, %add3A_306 : i32
        "tpu.region"() ({
          %run_scoped3A_308 = tpu.sem_alloc : memref<!tpu.dma_semaphore, #tpu.memory_space<semaphore_mem>>
          %dma_start3A = arith.constant 0 : i32
          %dma_start3A_309 = tpu.memref_slice %arg8[%add3A_307, %dma_start3A] : memref<10000x256xf32, #tpu.memory_space<hbm>> -> memref<2x256xf32, #tpu.memory_space<hbm>>
          %dma_start3A_310 = arith.constant 1248 : i32
          %dma_start3A_311 = arith.constant 0 : i32
          %dma_start3A_312 = tpu.memref_slice %arg23[%dma_start3A_310, %dma_start3A_311] : memref<1250x256xf32, #tpu.memory_space<vmem_shared>> -> memref<2x256xf32, #tpu.memory_space<vmem_shared>>
          tpu.enqueue_dma source(%dma_start3A_312 : memref<2x256xf32, #tpu.memory_space<vmem_shared>>) target(%dma_start3A_309 : memref<2x256xf32, #tpu.memory_space<hbm>>) target_semaphore(%run_scoped3A_308 : memref<!tpu.dma_semaphore, #tpu.memory_space<semaphore_mem>>)
          %dma_wait3A = arith.constant 0 : i32
          %dma_wait3A_313 = tpu.memref_slice %arg8[%add3A_307, %dma_wait3A] : memref<10000x256xf32, #tpu.memory_space<hbm>> -> memref<2x256xf32, #tpu.memory_space<hbm>>
          %dma_wait3A_314 = arith.constant 1248 : i32
          %dma_wait3A_315 = arith.constant 0 : i32
          %dma_wait3A_316 = tpu.memref_slice %arg23[%dma_wait3A_314, %dma_wait3A_315] : memref<1250x256xf32, #tpu.memory_space<vmem_shared>> -> memref<2x256xf32, #tpu.memory_space<vmem_shared>>
          tpu.wait_dma2 semaphore(%run_scoped3A_308 : memref<!tpu.dma_semaphore, #tpu.memory_space<semaphore_mem>>) src(%dma_wait3A_316 : memref<2x256xf32, #tpu.memory_space<vmem_shared>>) dst(%dma_wait3A_313 : memref<2x256xf32, #tpu.memory_space<hbm>>)
          tpu.yield
        }) : () -> ()
      } else {
      }
      %barrier3A_305 = arith.constant 0 : index
      tpu.barrier barrier_id(%barrier3A_305)
    }
    return
  }
}

module attributes {stable_mosaic.version = 14 : i64} {
  func.func @_dense_body(%arg0: i32, %arg1: memref<1000x256xf32, #tpu.memory_space<vmem>>, %arg2: memref<256x1280xf32, #tpu.memory_space<vmem>>, %arg3: memref<1x256xf32, #tpu.memory_space<vmem>>, %arg4: memref<4x256xf32, #tpu.memory_space<vmem>>, %arg5: memref<4x256xf32, #tpu.memory_space<vmem>>, %arg6: memref<1000x256xf32, #tpu.memory_space<vmem>>, %arg7: memref<4x1000x256xf32, #tpu.memory_space<vmem>>, %arg8: memref<1000x4xf32, #tpu.memory_space<vmem>>, %arg9: memref<1000x4xf32, #tpu.memory_space<vmem>>, %arg10: memref<1000x4xf32, #tpu.memory_space<vmem>>) attributes {dimension_semantics = [#tpu.dimension_semantics<arbitrary>], iteration_bounds = array<i64: 10>, scalar_prefetch = 0 : i64, scratch_operands = 0 : i64, tpu.core_type = #tpu.core_type<tc>, window_params = [{transform_indices = @transform_0, window_bounds = array<i64: 1000, 256>}, {pipeline_mode = #tpu.pipeline_mode<synchronous>, transform_indices = @transform_1, window_bounds = array<i64: 256, 1280>}, {pipeline_mode = #tpu.pipeline_mode<synchronous>, transform_indices = @transform_2, window_bounds = array<i64: 1, 256>}, {pipeline_mode = #tpu.pipeline_mode<synchronous>, transform_indices = @transform_3, window_bounds = array<i64: 4, 256>}, {pipeline_mode = #tpu.pipeline_mode<synchronous>, transform_indices = @transform_4, window_bounds = array<i64: 4, 256>}, {transform_indices = @transform_5, window_bounds = array<i64: 1000, 256>}, {transform_indices = @transform_6, window_bounds = array<i64: 4, 1000, 256>}, {transform_indices = @transform_7, window_bounds = array<i64: 1000, 4>}, {transform_indices = @transform_8, window_bounds = array<i64: 1000, 4>}, {transform_indices = @transform_9, window_bounds = array<i64: 1000, 4>}]} {
    %get3A = arith.constant 0 : index
    %get3A_0 = arith.constant 0 : index
    %get3A_1 = vector.load %arg1[%get3A, %get3A_0] : memref<1000x256xf32, #tpu.memory_space<vmem>>, vector<1000x256xf32>
    %get3A_2 = arith.constant 0 : index
    %get3A_3 = arith.constant 0 : index
    %get3A_4 = vector.load %arg2[%get3A_2, %get3A_3] : memref<256x1280xf32, #tpu.memory_space<vmem>>, vector<256x1280xf32>
    %dot_general3A = arith.constant dense<0.000000e+00> : vector<1000x1280xf32>
    %dot_general3A_5 = tpu.matmul %get3A_1, %get3A_4, %dot_general3A {dimension_numbers = #tpu.dot_dimension_numbers<[1], [0], [0], [1], [0, 0, 1, 1], [], []>, transpose_lhs_hint = false} : vector<1000x256xf32>, vector<256x1280xf32>, vector<1000x1280xf32> -> vector<1000x1280xf32>
    %slice3A = vector.extract_strided_slice %dot_general3A_5 {offsets = [0, 0], sizes = [1000, 256], strides = [1, 1]} : vector<1000x1280xf32> to vector<1000x256xf32>
    %get3A_6 = arith.constant 0 : index
    %get3A_7 = arith.constant 0 : index
    %get3A_8 = vector.load %arg3[%get3A_6, %get3A_7] : memref<1x256xf32, #tpu.memory_space<vmem>>, vector<1x256xf32>
    %add3A = vector.broadcast %get3A_8 : vector<1x256xf32> to vector<1000x256xf32>
    %add3A_9 = arith.addf %slice3A, %add3A : vector<1000x256xf32>
    %swap3A = arith.constant 0 : index
    %swap3A_10 = arith.constant 0 : index
    %swap3A_11 = vector.load %arg6[%swap3A, %swap3A_10] : memref<1000x256xf32, #tpu.memory_space<vmem>>, vector<1000x256xf32>
    tpu.vector_store %arg6[%swap3A, %swap3A_10], %add3A_9 {strides = array<i32>} : memref<1000x256xf32, #tpu.memory_space<vmem>>, vector<1000x256xf32>,
    %slice3A_12 = vector.extract_strided_slice %dot_general3A_5 {offsets = [0, 256], sizes = [1000, 256], strides = [1, 1]} : vector<1000x1280xf32> to vector<1000x256xf32>
    %swap3A_13 = arith.constant 0 : index
    %swap3A_14 = arith.constant 0 : index
    %swap3A_15 = arith.constant 0 : index
    %swap3A_16 = vector.load %arg7[%swap3A_13, %swap3A_14, %swap3A_15] : memref<4x1000x256xf32, #tpu.memory_space<vmem>>, vector<1x1000x256xf32>
    %swap3A_17 = vector.shape_cast %swap3A_16 : vector<1x1000x256xf32> to vector<1000x256xf32>
    %swap3A_18 = vector.shape_cast %slice3A_12 : vector<1000x256xf32> to vector<1x1000x256xf32>
    tpu.vector_store %arg7[%swap3A_13, %swap3A_14, %swap3A_15], %swap3A_18 {strides = array<i32>} : memref<4x1000x256xf32, #tpu.memory_space<vmem>>, vector<1x1000x256xf32>,
    %get3A_19 = arith.constant 0 : index
    %get3A_20 = arith.constant 0 : index
    %get3A_21 = vector.load %arg4[%get3A_19, %get3A_20] : memref<4x256xf32, #tpu.memory_space<vmem>>, vector<1x256xf32>
    %get3A_22 = vector.shape_cast %get3A_21 : vector<1x256xf32> to vector<256xf32>
    %broadcast_in_dim3A = vector.shape_cast %get3A_22 : vector<256xf32> to vector<1x256xf32>
    %mul3A = vector.broadcast %broadcast_in_dim3A : vector<1x256xf32> to vector<1000x256xf32>
    %mul3A_23 = arith.mulf %slice3A_12, %mul3A : vector<1000x256xf32>
    %reduce_sum3A = arith.constant dense<0.000000e+00> : vector<1000xf32>
    %reduce_sum3A_24 = vector.multi_reduction <add>, %mul3A_23, %reduce_sum3A [1] : vector<1000x256xf32> to vector<1000xf32>
    %broadcast_in_dim3A_25 = vector.shape_cast %reduce_sum3A_24 : vector<1000xf32> to vector<1000x1xf32>
    %get3A_26 = arith.constant 0 : index
    %get3A_27 = arith.constant 0 : index
    %get3A_28 = vector.load %arg5[%get3A_26, %get3A_27] : memref<4x256xf32, #tpu.memory_space<vmem>>, vector<1x256xf32>
    %get3A_29 = vector.shape_cast %get3A_28 : vector<1x256xf32> to vector<256xf32>
    %broadcast_in_dim3A_30 = vector.shape_cast %get3A_29 : vector<256xf32> to vector<1x256xf32>
    %mul3A_31 = vector.broadcast %broadcast_in_dim3A_30 : vector<1x256xf32> to vector<1000x256xf32>
    %mul3A_32 = arith.mulf %slice3A_12, %mul3A_31 : vector<1000x256xf32>
    %reduce_sum3A_33 = arith.constant dense<0.000000e+00> : vector<1000xf32>
    %reduce_sum3A_34 = vector.multi_reduction <add>, %mul3A_32, %reduce_sum3A_33 [1] : vector<1000x256xf32> to vector<1000xf32>
    %broadcast_in_dim3A_35 = vector.shape_cast %reduce_sum3A_34 : vector<1000xf32> to vector<1000x1xf32>
    %slice3A_36 = vector.extract_strided_slice %dot_general3A_5 {offsets = [0, 512], sizes = [1000, 256], strides = [1, 1]} : vector<1000x1280xf32> to vector<1000x256xf32>
    %swap3A_37 = arith.constant 1 : index
    %swap3A_38 = arith.constant 0 : index
    %swap3A_39 = arith.constant 0 : index
    %swap3A_40 = vector.load %arg7[%swap3A_37, %swap3A_38, %swap3A_39] : memref<4x1000x256xf32, #tpu.memory_space<vmem>>, vector<1x1000x256xf32>
    %swap3A_41 = vector.shape_cast %swap3A_40 : vector<1x1000x256xf32> to vector<1000x256xf32>
    %swap3A_42 = vector.shape_cast %slice3A_36 : vector<1000x256xf32> to vector<1x1000x256xf32>
    tpu.vector_store %arg7[%swap3A_37, %swap3A_38, %swap3A_39], %swap3A_42 {strides = array<i32>} : memref<4x1000x256xf32, #tpu.memory_space<vmem>>, vector<1x1000x256xf32>,
    %get3A_43 = arith.constant 1 : index
    %get3A_44 = arith.constant 0 : index
    %get3A_45 = vector.load %arg4[%get3A_43, %get3A_44] : memref<4x256xf32, #tpu.memory_space<vmem>>, vector<1x256xf32>
    %get3A_46 = vector.shape_cast %get3A_45 : vector<1x256xf32> to vector<256xf32>
    %broadcast_in_dim3A_47 = vector.shape_cast %get3A_46 : vector<256xf32> to vector<1x256xf32>
    %mul3A_48 = vector.broadcast %broadcast_in_dim3A_47 : vector<1x256xf32> to vector<1000x256xf32>
    %mul3A_49 = arith.mulf %slice3A_36, %mul3A_48 : vector<1000x256xf32>
    %reduce_sum3A_50 = arith.constant dense<0.000000e+00> : vector<1000xf32>
    %reduce_sum3A_51 = vector.multi_reduction <add>, %mul3A_49, %reduce_sum3A_50 [1] : vector<1000x256xf32> to vector<1000xf32>
    %broadcast_in_dim3A_52 = vector.shape_cast %reduce_sum3A_51 : vector<1000xf32> to vector<1000x1xf32>
    %get3A_53 = arith.constant 1 : index
    %get3A_54 = arith.constant 0 : index
    %get3A_55 = vector.load %arg5[%get3A_53, %get3A_54] : memref<4x256xf32, #tpu.memory_space<vmem>>, vector<1x256xf32>
    %get3A_56 = vector.shape_cast %get3A_55 : vector<1x256xf32> to vector<256xf32>
    %broadcast_in_dim3A_57 = vector.shape_cast %get3A_56 : vector<256xf32> to vector<1x256xf32>
    %mul3A_58 = vector.broadcast %broadcast_in_dim3A_57 : vector<1x256xf32> to vector<1000x256xf32>
    %mul3A_59 = arith.mulf %slice3A_36, %mul3A_58 : vector<1000x256xf32>
    %reduce_sum3A_60 = arith.constant dense<0.000000e+00> : vector<1000xf32>
    %reduce_sum3A_61 = vector.multi_reduction <add>, %mul3A_59, %reduce_sum3A_60 [1] : vector<1000x256xf32> to vector<1000xf32>
    %broadcast_in_dim3A_62 = vector.shape_cast %reduce_sum3A_61 : vector<1000xf32> to vector<1000x1xf32>
    %slice3A_63 = vector.extract_strided_slice %dot_general3A_5 {offsets = [0, 768], sizes = [1000, 256], strides = [1, 1]} : vector<1000x1280xf32> to vector<1000x256xf32>
    %swap3A_64 = arith.constant 2 : index
    %swap3A_65 = arith.constant 0 : index
    %swap3A_66 = arith.constant 0 : index
    %swap3A_67 = vector.load %arg7[%swap3A_64, %swap3A_65, %swap3A_66] : memref<4x1000x256xf32, #tpu.memory_space<vmem>>, vector<1x1000x256xf32>
    %swap3A_68 = vector.shape_cast %swap3A_67 : vector<1x1000x256xf32> to vector<1000x256xf32>
    %swap3A_69 = vector.shape_cast %slice3A_63 : vector<1000x256xf32> to vector<1x1000x256xf32>
    tpu.vector_store %arg7[%swap3A_64, %swap3A_65, %swap3A_66], %swap3A_69 {strides = array<i32>} : memref<4x1000x256xf32, #tpu.memory_space<vmem>>, vector<1x1000x256xf32>,
    %get3A_70 = arith.constant 2 : index
    %get3A_71 = arith.constant 0 : index
    %get3A_72 = vector.load %arg4[%get3A_70, %get3A_71] : memref<4x256xf32, #tpu.memory_space<vmem>>, vector<1x256xf32>
    %get3A_73 = vector.shape_cast %get3A_72 : vector<1x256xf32> to vector<256xf32>
    %broadcast_in_dim3A_74 = vector.shape_cast %get3A_73 : vector<256xf32> to vector<1x256xf32>
    %mul3A_75 = vector.broadcast %broadcast_in_dim3A_74 : vector<1x256xf32> to vector<1000x256xf32>
    %mul3A_76 = arith.mulf %slice3A_63, %mul3A_75 : vector<1000x256xf32>
    %reduce_sum3A_77 = arith.constant dense<0.000000e+00> : vector<1000xf32>
    %reduce_sum3A_78 = vector.multi_reduction <add>, %mul3A_76, %reduce_sum3A_77 [1] : vector<1000x256xf32> to vector<1000xf32>
    %broadcast_in_dim3A_79 = vector.shape_cast %reduce_sum3A_78 : vector<1000xf32> to vector<1000x1xf32>
    %get3A_80 = arith.constant 2 : index
    %get3A_81 = arith.constant 0 : index
    %get3A_82 = vector.load %arg5[%get3A_80, %get3A_81] : memref<4x256xf32, #tpu.memory_space<vmem>>, vector<1x256xf32>
    %get3A_83 = vector.shape_cast %get3A_82 : vector<1x256xf32> to vector<256xf32>
    %broadcast_in_dim3A_84 = vector.shape_cast %get3A_83 : vector<256xf32> to vector<1x256xf32>
    %mul3A_85 = vector.broadcast %broadcast_in_dim3A_84 : vector<1x256xf32> to vector<1000x256xf32>
    %mul3A_86 = arith.mulf %slice3A_63, %mul3A_85 : vector<1000x256xf32>
    %reduce_sum3A_87 = arith.constant dense<0.000000e+00> : vector<1000xf32>
    %reduce_sum3A_88 = vector.multi_reduction <add>, %mul3A_86, %reduce_sum3A_87 [1] : vector<1000x256xf32> to vector<1000xf32>
    %broadcast_in_dim3A_89 = vector.shape_cast %reduce_sum3A_88 : vector<1000xf32> to vector<1000x1xf32>
    %slice3A_90 = vector.extract_strided_slice %dot_general3A_5 {offsets = [0, 1024], sizes = [1000, 256], strides = [1, 1]} : vector<1000x1280xf32> to vector<1000x256xf32>
    %swap3A_91 = arith.constant 3 : index
    %swap3A_92 = arith.constant 0 : index
    %swap3A_93 = arith.constant 0 : index
    %swap3A_94 = vector.load %arg7[%swap3A_91, %swap3A_92, %swap3A_93] : memref<4x1000x256xf32, #tpu.memory_space<vmem>>, vector<1x1000x256xf32>
    %swap3A_95 = vector.shape_cast %swap3A_94 : vector<1x1000x256xf32> to vector<1000x256xf32>
    %swap3A_96 = vector.shape_cast %slice3A_90 : vector<1000x256xf32> to vector<1x1000x256xf32>
    tpu.vector_store %arg7[%swap3A_91, %swap3A_92, %swap3A_93], %swap3A_96 {strides = array<i32>} : memref<4x1000x256xf32, #tpu.memory_space<vmem>>, vector<1x1000x256xf32>,
    %get3A_97 = arith.constant 3 : index
    %get3A_98 = arith.constant 0 : index
    %get3A_99 = vector.load %arg4[%get3A_97, %get3A_98] : memref<4x256xf32, #tpu.memory_space<vmem>>, vector<1x256xf32>
    %get3A_100 = vector.shape_cast %get3A_99 : vector<1x256xf32> to vector<256xf32>
    %broadcast_in_dim3A_101 = vector.shape_cast %get3A_100 : vector<256xf32> to vector<1x256xf32>
    %mul3A_102 = vector.broadcast %broadcast_in_dim3A_101 : vector<1x256xf32> to vector<1000x256xf32>
    %mul3A_103 = arith.mulf %slice3A_90, %mul3A_102 : vector<1000x256xf32>
    %reduce_sum3A_104 = arith.constant dense<0.000000e+00> : vector<1000xf32>
    %reduce_sum3A_105 = vector.multi_reduction <add>, %mul3A_103, %reduce_sum3A_104 [1] : vector<1000x256xf32> to vector<1000xf32>
    %broadcast_in_dim3A_106 = vector.shape_cast %reduce_sum3A_105 : vector<1000xf32> to vector<1000x1xf32>
    %get3A_107 = arith.constant 3 : index
    %get3A_108 = arith.constant 0 : index
    %get3A_109 = vector.load %arg5[%get3A_107, %get3A_108] : memref<4x256xf32, #tpu.memory_space<vmem>>, vector<1x256xf32>
    %get3A_110 = vector.shape_cast %get3A_109 : vector<1x256xf32> to vector<256xf32>
    %broadcast_in_dim3A_111 = vector.shape_cast %get3A_110 : vector<256xf32> to vector<1x256xf32>
    %mul3A_112 = vector.broadcast %broadcast_in_dim3A_111 : vector<1x256xf32> to vector<1000x256xf32>
    %mul3A_113 = arith.mulf %slice3A_90, %mul3A_112 : vector<1000x256xf32>
    %reduce_sum3A_114 = arith.constant dense<0.000000e+00> : vector<1000xf32>
    %reduce_sum3A_115 = vector.multi_reduction <add>, %mul3A_113, %reduce_sum3A_114 [1] : vector<1000x256xf32> to vector<1000xf32>
    %broadcast_in_dim3A_116 = vector.shape_cast %reduce_sum3A_115 : vector<1000xf32> to vector<1000x1xf32>
    %concatenate3A = tpu.concatenate %broadcast_in_dim3A_25, %broadcast_in_dim3A_52, %broadcast_in_dim3A_79, %broadcast_in_dim3A_106 in 1 : vector<1000x1xf32>, vector<1000x1xf32>, vector<1000x1xf32>, vector<1000x1xf32> -> vector<1000x4xf32>
    %concatenate3A_117 = tpu.concatenate %broadcast_in_dim3A_35, %broadcast_in_dim3A_62, %broadcast_in_dim3A_89, %broadcast_in_dim3A_116 in 1 : vector<1000x1xf32>, vector<1000x1xf32>, vector<1000x1xf32>, vector<1000x1xf32> -> vector<1000x4xf32>
    %swap3A_118 = arith.constant 0 : index
    %swap3A_119 = arith.constant 0 : index
    %swap3A_120 = vector.load %arg8[%swap3A_118, %swap3A_119] : memref<1000x4xf32, #tpu.memory_space<vmem>>, vector<1000x4xf32>
    tpu.vector_store %arg8[%swap3A_118, %swap3A_119], %concatenate3A {strides = array<i32>} : memref<1000x4xf32, #tpu.memory_space<vmem>>, vector<1000x4xf32>,
    %swap3A_121 = arith.constant 0 : index
    %swap3A_122 = arith.constant 0 : index
    %swap3A_123 = vector.load %arg9[%swap3A_121, %swap3A_122] : memref<1000x4xf32, #tpu.memory_space<vmem>>, vector<1000x4xf32>
    tpu.vector_store %arg9[%swap3A_121, %swap3A_122], %concatenate3A_117 {strides = array<i32>} : memref<1000x4xf32, #tpu.memory_space<vmem>>, vector<1000x4xf32>,
    %add3A_124 = arith.addf %concatenate3A, %concatenate3A_117 : vector<1000x4xf32>
    %mul3A_125 = arith.constant 2.000000e-01 : f32
    %mul3A_126 = vector.broadcast %mul3A_125 : f32 to vector<1000x4xf32>
    %mul3A_127 = arith.mulf %mul3A_126, %add3A_124 : vector<1000x4xf32>
    %max3A = arith.maximumf %add3A_124, %mul3A_127 : vector<1000x4xf32>
    %exp3A = math.exp %max3A : vector<1000x4xf32>
    %swap3A_128 = arith.constant 0 : index
    %swap3A_129 = arith.constant 0 : index
    %swap3A_130 = vector.load %arg10[%swap3A_128, %swap3A_129] : memref<1000x4xf32, #tpu.memory_space<vmem>>, vector<1000x4xf32>
    tpu.vector_store %arg10[%swap3A_128, %swap3A_129], %exp3A {strides = array<i32>} : memref<1000x4xf32, #tpu.memory_space<vmem>>, vector<1000x4xf32>,
    return
  }
  func.func @transform_0(%arg0: i32) -> (i32, i32) {
    %c0_i32 = arith.constant 0 : i32
    %c0_i32_0 = arith.constant 0 : i32
    return %arg0, %c0_i32 : i32, i32
  }
  func.func @transform_1(%arg0: i32) -> (i32, i32) {
    %c0_i32 = arith.constant 0 : i32
    %c0_i32_0 = arith.constant 0 : i32
    %c0_i32_1 = arith.constant 0 : i32
    return %c0_i32, %c0_i32_0 : i32, i32
  }
  func.func @transform_2(%arg0: i32) -> (i32, i32) {
    %c0_i32 = arith.constant 0 : i32
    %c0_i32_0 = arith.constant 0 : i32
    %c0_i32_1 = arith.constant 0 : i32
    return %c0_i32, %c0_i32_0 : i32, i32
  }
  func.func @transform_3(%arg0: i32) -> (i32, i32) {
    %c0_i32 = arith.constant 0 : i32
    %c0_i32_0 = arith.constant 0 : i32
    %c0_i32_1 = arith.constant 0 : i32
    return %c0_i32, %c0_i32_0 : i32, i32
  }
  func.func @transform_4(%arg0: i32) -> (i32, i32) {
    %c0_i32 = arith.constant 0 : i32
    %c0_i32_0 = arith.constant 0 : i32
    %c0_i32_1 = arith.constant 0 : i32
    return %c0_i32, %c0_i32_0 : i32, i32
  }
  func.func @transform_5(%arg0: i32) -> (i32, i32) {
    %c0_i32 = arith.constant 0 : i32
    %c0_i32_0 = arith.constant 0 : i32
    return %arg0, %c0_i32 : i32, i32
  }
  func.func @transform_6(%arg0: i32) -> (i32, i32, i32) {
    %c0_i32 = arith.constant 0 : i32
    %c0_i32_0 = arith.constant 0 : i32
    %c0_i32_1 = arith.constant 0 : i32
    return %c0_i32, %arg0, %c0_i32_0 : i32, i32, i32
  }
  func.func @transform_7(%arg0: i32) -> (i32, i32) {
    %c0_i32 = arith.constant 0 : i32
    %c0_i32_0 = arith.constant 0 : i32
    return %arg0, %c0_i32 : i32, i32
  }
  func.func @transform_8(%arg0: i32) -> (i32, i32) {
    %c0_i32 = arith.constant 0 : i32
    %c0_i32_0 = arith.constant 0 : i32
    return %arg0, %c0_i32 : i32, i32
  }
  func.func @transform_9(%arg0: i32) -> (i32, i32) {
    %c0_i32 = arith.constant 0 : i32
    %c0_i32_0 = arith.constant 0 : i32
    return %arg0, %c0_i32 : i32, i32
  }
}

module attributes {stable_mosaic.version = 14 : i64} {
  func.func @_comb_body(%arg0: i32, %arg1: memref<1000x256xf32, #tpu.memory_space<vmem>>, %arg2: memref<4x1000x256xf32, #tpu.memory_space<vmem>>, %arg3: memref<1000x4xf32, #tpu.memory_space<vmem>>, %arg4: memref<1000x4xf32, #tpu.memory_space<vmem>>, %arg5: memref<1000x256xf32, #tpu.memory_space<vmem>>) attributes {dimension_semantics = [#tpu.dimension_semantics<arbitrary>], iteration_bounds = array<i64: 10>, scalar_prefetch = 0 : i64, scratch_operands = 0 : i64, tpu.core_type = #tpu.core_type<tc>, window_params = [{transform_indices = @transform_0, window_bounds = array<i64: 1000, 256>}, {transform_indices = @transform_1, window_bounds = array<i64: 4, 1000, 256>}, {transform_indices = @transform_2, window_bounds = array<i64: 1000, 4>}, {transform_indices = @transform_3, window_bounds = array<i64: 1000, 4>}, {transform_indices = @transform_4, window_bounds = array<i64: 1000, 256>}]} {
    %get3A = arith.constant 0 : index
    %get3A_0 = arith.constant 0 : index
    %get3A_1 = vector.load %arg3[%get3A, %get3A_0] : memref<1000x4xf32, #tpu.memory_space<vmem>>, vector<1000x4xf32>
    %get3A_2 = arith.constant 0 : index
    %get3A_3 = arith.constant 0 : index
    %get3A_4 = vector.load %arg4[%get3A_2, %get3A_3] : memref<1000x4xf32, #tpu.memory_space<vmem>>, vector<1000x4xf32>
    %add3A = arith.addf %get3A_4, %get3A_1 : vector<1000x4xf32>
    %div3A = arith.divf %get3A_1, %add3A : vector<1000x4xf32>
    %get3A_5 = arith.constant 0 : index
    %get3A_6 = arith.constant 0 : index
    %get3A_7 = vector.load %arg1[%get3A_5, %get3A_6] : memref<1000x256xf32, #tpu.memory_space<vmem>>, vector<1000x256xf32>
    %slice3A = vector.extract_strided_slice %div3A {offsets = [0, 0], sizes = [1000, 1], strides = [1, 1]} : vector<1000x4xf32> to vector<1000x1xf32>
    %get3A_8 = arith.constant 0 : index
    %get3A_9 = arith.constant 0 : index
    %get3A_10 = arith.constant 0 : index
    %get3A_11 = vector.load %arg2[%get3A_8, %get3A_9, %get3A_10] : memref<4x1000x256xf32, #tpu.memory_space<vmem>>, vector<1x1000x256xf32>
    %get3A_12 = vector.shape_cast %get3A_11 : vector<1x1000x256xf32> to vector<1000x256xf32>
    %mul3A = vector.broadcast %slice3A : vector<1000x1xf32> to vector<1000x256xf32>
    %mul3A_13 = arith.mulf %mul3A, %get3A_12 : vector<1000x256xf32>
    %add3A_14 = arith.addf %get3A_7, %mul3A_13 : vector<1000x256xf32>
    %slice3A_15 = vector.extract_strided_slice %div3A {offsets = [0, 1], sizes = [1000, 1], strides = [1, 1]} : vector<1000x4xf32> to vector<1000x1xf32>
    %get3A_16 = arith.constant 1 : index
    %get3A_17 = arith.constant 0 : index
    %get3A_18 = arith.constant 0 : index
    %get3A_19 = vector.load %arg2[%get3A_16, %get3A_17, %get3A_18] : memref<4x1000x256xf32, #tpu.memory_space<vmem>>, vector<1x1000x256xf32>
    %get3A_20 = vector.shape_cast %get3A_19 : vector<1x1000x256xf32> to vector<1000x256xf32>
    %mul3A_21 = vector.broadcast %slice3A_15 : vector<1000x1xf32> to vector<1000x256xf32>
    %mul3A_22 = arith.mulf %mul3A_21, %get3A_20 : vector<1000x256xf32>
    %add3A_23 = arith.addf %add3A_14, %mul3A_22 : vector<1000x256xf32>
    %slice3A_24 = vector.extract_strided_slice %div3A {offsets = [0, 2], sizes = [1000, 1], strides = [1, 1]} : vector<1000x4xf32> to vector<1000x1xf32>
    %get3A_25 = arith.constant 2 : index
    %get3A_26 = arith.constant 0 : index
    %get3A_27 = arith.constant 0 : index
    %get3A_28 = vector.load %arg2[%get3A_25, %get3A_26, %get3A_27] : memref<4x1000x256xf32, #tpu.memory_space<vmem>>, vector<1x1000x256xf32>
    %get3A_29 = vector.shape_cast %get3A_28 : vector<1x1000x256xf32> to vector<1000x256xf32>
    %mul3A_30 = vector.broadcast %slice3A_24 : vector<1000x1xf32> to vector<1000x256xf32>
    %mul3A_31 = arith.mulf %mul3A_30, %get3A_29 : vector<1000x256xf32>
    %add3A_32 = arith.addf %add3A_23, %mul3A_31 : vector<1000x256xf32>
    %slice3A_33 = vector.extract_strided_slice %div3A {offsets = [0, 3], sizes = [1000, 1], strides = [1, 1]} : vector<1000x4xf32> to vector<1000x1xf32>
    %get3A_34 = arith.constant 3 : index
    %get3A_35 = arith.constant 0 : index
    %get3A_36 = arith.constant 0 : index
    %get3A_37 = vector.load %arg2[%get3A_34, %get3A_35, %get3A_36] : memref<4x1000x256xf32, #tpu.memory_space<vmem>>, vector<1x1000x256xf32>
    %get3A_38 = vector.shape_cast %get3A_37 : vector<1x1000x256xf32> to vector<1000x256xf32>
    %mul3A_39 = vector.broadcast %slice3A_33 : vector<1000x1xf32> to vector<1000x256xf32>
    %mul3A_40 = arith.mulf %mul3A_39, %get3A_38 : vector<1000x256xf32>
    %add3A_41 = arith.addf %add3A_32, %mul3A_40 : vector<1000x256xf32>
    %swap3A = arith.constant 0 : index
    %swap3A_42 = arith.constant 0 : index
    %swap3A_43 = vector.load %arg5[%swap3A, %swap3A_42] : memref<1000x256xf32, #tpu.memory_space<vmem>>, vector<1000x256xf32>
    tpu.vector_store %arg5[%swap3A, %swap3A_42], %add3A_41 {strides = array<i32>} : memref<1000x256xf32, #tpu.memory_space<vmem>>, vector<1000x256xf32>,
    return
  }
  func.func @transform_0(%arg0: i32) -> (i32, i32) {
    %c0_i32 = arith.constant 0 : i32
    %c0_i32_0 = arith.constant 0 : i32
    return %arg0, %c0_i32 : i32, i32
  }
  func.func @transform_1(%arg0: i32) -> (i32, i32, i32) {
    %c0_i32 = arith.constant 0 : i32
    %c0_i32_0 = arith.constant 0 : i32
    %c0_i32_1 = arith.constant 0 : i32
    return %c0_i32, %arg0, %c0_i32_0 : i32, i32, i32
  }
  func.func @transform_2(%arg0: i32) -> (i32, i32) {
    %c0_i32 = arith.constant 0 : i32
    %c0_i32_0 = arith.constant 0 : i32
    return %arg0, %c0_i32 : i32, i32
  }
  func.func @transform_3(%arg0: i32) -> (i32, i32) {
    %c0_i32 = arith.constant 0 : i32
    %c0_i32_0 = arith.constant 0 : i32
    return %arg0, %c0_i32 : i32, i32
  }
  func.func @transform_4(%arg0: i32) -> (i32, i32) {
    %c0_i32 = arith.constant 0 : i32
    %c0_i32_0 = arith.constant 0 : i32
    return %arg0, %c0_i32 : i32, i32
  }
}

</mosaic_0001>

<sc_bundles>
// kernel: kernel.5.cloned.1.call-start
scs
__scs_entry_jumppad:
0x0: {  	(pc) =	sbr.rel $0x88, $3  }
0x1: {  	(tag) =	ssettag $0x0;
	lr =	simm.s32 $0x1  }
0x2: {  	[smem:$0x3F98] =	sst lr;
	_ =	strace $0xD0000000  }
0x3: {  	_ = 	snop  }
0x4: {  	_ = 	snop  }
0x5: {  	_ = 	snop  }
0x6: {  	_ = 	snop  }
0x7: {  	_ = 	snop  }
__scs_overlays_trampoline_lowered:
0x8: {  	[smem:$0x3FA7] =	sst s0  }
0x9: {  	[smem:$0x3FA8] =	sst s1  }
0xa: {  	[smem:$0x3FA9] =	sst s2  }
0xb: {  	[smem:$0x3FAA] =	sst s3  }
0xc: {  	[smem:$0x3FAB] =	sst s4  }
0xd: {  	[smem:$0x3FAC] =	sst s5  }
0xe: {  	[smem:$0x3FAD] =	sst s6  }
0xf: {  	[smem:$0x3FAE] =	sst s7  }
0x10: {  	[smem:$0x3FAF] =	sst s8  }
0x11: {  	[smem:$0x3FB0] =	sst s9;
	s0 =	simm.s32 @!p0 $0x0  }
0x12: {  	s1 =	sld [smem:$0x3F96];
	s0 =	simm.s32 @p0 $0x1  }
0x13: {  	[smem:$0x3FB1] =	sst s0;
	s0 =	simm.s32 @!p1 $0x0  }
0x14: {  	s2 =	sld [smem:$0x3F95];
	s0 =	simm.s32 @p1 $0x1  }
0x15: {  	[smem:$0x3FB2] =	sst s0;
	s0 =	simm.s32 @!p2 $0x0  }
0x16: {  	s3 =	sld [smem:$0x3FDB];
	s0 =	simm.s32 @p2 $0x1  }
0x17: {  	s4 =	simm.s32 $0x1BF5;
	[smem:$0x3FB4] =	sst s0  }
0x18: {  	s0 =	sld [smem:$0x3F97];
	_ =	swait.ge [sflag:s4], $0x0  }
0x19: {  	s7 =	sld [smem:$0x3F98]  }
0x1a: {  	s8 =	sadd.s32 $0xFFFFE003, lr  }
0x1b: {  	s9 =	sadd.s32 $0xFFFFFEF7, lr;
	s5 =	simm.s32 $0xFFFFFFFF;
	p2 =	slt.u32 s8, $0xFFFFF086  }
0x1c: {  	p1 =	slt.u32 s9, $0xF7A;
	s5 =	simm.s32 @!p2 $0x0  }
0x1d: {  	s5 =	simm.s32 @p1 $0x1;
	p0 =	seq.s32 s7, s2  }
0x1e: {  	s7 =	smul.u32 @!p0 $0xF7A, s2;
	p2 =	seq.s32 @!p0 s5, $0x0  }
0x1f: {  	s9 =	smul.u32 $0xF7A, s1;
	s8 =	simm.s32 @!p0 $0x1BF5;
	p2 =	por !p2, p0  }
0x20: {  	[sflag:s8] =	ssyncset.s32 @!p0 $0xFFFFF086;
	s6 =	sadd.s32 @!p0 s3, s7;
	s7 =	simm.s32 @!p0 $0x108  }
0x21: {  	s3 =	sadd.s32 s3, s9;
	s6 =	sadd.s32 @!p0 $0x88, s6;
	s7 =	simm.s32 @p2 $0x1082  }
0x22: {  	[simem:s7], [sflag:s8] =	dma.local @!p0 [hbm:s6], $0xF7A  }
0x23: {  	s9 =	sor.u32 $0xD0000000, s2;
	s6 =	simm.s32 $0x108;
	_ =	swait.ge @!p0 [sflag:s8], $0x0  }
0x24: {  	s3 =	sadd.s32 $0x88, s3;
	s6 =	simm.s32 @!p1 $0x1082;
	[sflag:s4] =	ssyncset.s32 $0xFFFFF086  }
0x25: {  	[simem:s6], [sflag:s4] =	dma.local [hbm:s3], $0xF7A  }
0x26: {  	[smem:$0x3F98] =	sst s1;
	(tag) =	ssettag s2;
	_ =	strace s9  }
0x27: {  	s1 =	sld [smem:$0x3FA8]  }
0x28: {  	s2 =	sld [smem:$0x3FA9]  }
0x29: {  	s4 =	sld [smem:$0x3FAB]  }
0x2a: {  	p0 =	seq.s32 s5, $0x0;
	s5 =	sld [smem:$0x3FAC]  }
0x2b: {  	s6 =	sld [smem:$0x3FAD]  }
0x2c: {  	s7 =	sld [smem:$0x3FAE]  }
0x2d: {  	s3 =	simm.s32 $0x108;
	s8 =	sld [smem:$0x3FAF]  }
0x2e: {  	s3 =	simm.s32 @!p0 $0x1082;
	s9 =	sld [smem:$0x3FB0]  }
0x2f: {  	lr =	sadd.s32 s0, s3;
	s0 =	sld [smem:$0x3FA7]  }
0x30: {  	s3 =	sld [smem:$0x3FAA]  }
0x31: {  	[smem:$0x3FB3] =	sst s10  }
0x32: {  	s10 =	sld [smem:$0x3FB1];
	_ =	sdelay $0x3  }
0x33: {  	p0 =	seq.s32 s10, $0x1;
	s10 =	sld [smem:$0x3FB3];
	_ =	sdelay $0x3  }
0x34: {  	[smem:$0x3FB3] =	sst s10  }
0x35: {  	s10 =	sld [smem:$0x3FB2];
	_ =	sdelay $0x3  }
0x36: {  	p1 =	seq.s32 s10, $0x1;
	s10 =	sld [smem:$0x3FB3];
	_ =	sdelay $0x3  }
0x37: {  	[smem:$0x3FB3] =	sst s10  }
0x38: {  	s10 =	sld [smem:$0x3FB4]  }
0x39: {  	_ = 	snop;
	(pc) =	sbr.ind lr, $3  }
0x3a: {  	_ = 	snop  }
0x3b: {  	_ = 	snop  }
0x3c: {  	p2 =	seq.s32 s10, $0x1;
	s10 =	sld [smem:$0x3FB3]  }
0x3d: {  	_ =	shalt  }
0x3e: {  	_ =	shalt  }
0x3f: {  	_ =	shalt  }
0x40: {  	_ =	shalt  }
0x41: {  	_ =	shalt  }
0x42: {  	_ =	shalt  }
0x43: {  	_ =	shalt  }
0x44: {  	_ =	shalt  }
0x45: {  	_ =	shalt  }
0x46: {  	_ =	shalt  }
0x47: {  	_ =	shalt  }
0x48: {  	_ =	shalt  }
0x49: {  	_ =	shalt  }
0x4a: {  	_ =	shalt  }
0x4b: {  	_ =	shalt  }
0x4c: {  	_ =	shalt  }
0x4d: {  	_ =	shalt  }
0x4e: {  	_ =	shalt  }
0x4f: {  	_ =	shalt  }
0x50: {  	_ =	shalt  }
0x51: {  	_ =	shalt  }
0x52: {  	_ =	shalt  }
0x53: {  	_ =	shalt  }
0x54: {  	_ =	shalt  }
0x55: {  	_ =	shalt  }
0x56: {  	_ =	shalt  }
0x57: {  	_ =	shalt  }
0x58: {  	_ =	shalt  }
0x59: {  	_ =	shalt  }
0x5a: {  	_ =	shalt  }
0x5b: {  	_ =	shalt  }
0x5c: {  	_ =	shalt  }
0x5d: {  	_ =	shalt  }
0x5e: {  	_ =	shalt  }
0x5f: {  	_ =	shalt  }
0x60: {  	_ =	shalt  }
0x61: {  	_ =	shalt  }
0x62: {  	_ =	shalt  }
0x63: {  	_ =	shalt  }
0x64: {  	_ =	shalt  }
0x65: {  	_ =	shalt  }
0x66: {  	_ =	shalt  }
0x67: {  	_ =	shalt  }
0x68: {  	_ =	shalt  }
0x69: {  	_ =	shalt  }
0x6a: {  	_ =	shalt  }
0x6b: {  	_ =	shalt  }
0x6c: {  	_ =	shalt  }
0x6d: {  	_ =	shalt  }
0x6e: {  	_ =	shalt  }
0x6f: {  	_ =	shalt  }
0x70: {  	_ =	shalt  }
0x71: {  	_ =	shalt  }
0x72: {  	_ =	shalt  }
0x73: {  	_ =	shalt  }
0x74: {  	_ =	shalt  }
0x75: {  	_ =	shalt  }
0x76: {  	_ =	shalt  }
0x77: {  	_ =	shalt  }
0x78: {  	_ =	shalt  }
0x79: {  	_ =	shalt  }
0x7a: {  	_ =	shalt  }
0x7b: {  	_ =	shalt  }
0x7c: {  	_ =	shalt  }
0x7d: {  	_ =	shalt  }
0x7e: {  	_ =	shalt  }
0x7f: {  	_ =	shalt  }
0x80: {  	_ =	shalt  }
0x81: {  	_ =	shalt  }
0x82: {  	_ =	shalt  }
0x83: {  	_ =	shalt  }
0x84: {  	_ =	shalt  }
0x85: {  	_ =	shalt  }
0x86: {  	_ =	shalt  }
0x87: {  	_ =	shalt  }
.Lfunc_end0:
.L_simem_size_0:
called_computation.1_lowered:
.L_overlay_start_0:
0x88: {  	s2 =	sld [smem:$0x3FD9]  }
0x89: {  	s3 =	sld [smem:$0x3FFE];
	_ =	sdelay $0x1  }
0x8a: {  	s1 =	srdreg.scid  }
0x8b: {  	s0 =	sand.u32 $0x1, s1  }
0x8c: {  	s17 =	sshll.u32 s0, $0xA;
	s2 =	sadd.s32 s3, s2  }
0x8d: {  	s2 =	sadd.s32 s2, s17  }
0x8e: {  	[smem:$0x3FBF] =	sst s2  }
0x8f: {  	_ = 	snop  }
0x90: {  	s2 =	sld [smem:$0x3FD0];
	(tm) =	ssettm $0x1  }
0x91: {  	s18 =	sld [smem:$0x3FFB];
	_ =	sdelay $0x3  }
0x92: {  	_ =	strace s18  }
0x93: {  	s3 =	sld [smem:$0x3FFC];
	_ =	sdelay $0x3  }
0x94: {  	_ =	strace s3  }
0x95: {  	s3 =	sld [smem:$0x3FFD];
	_ =	sdelay $0x3  }
0x96: {  	_ =	strace s3  }
0x97: {  	_ =	strace $0x8FFFFFFF  }
0x98: {  	s19 =	sld [smem:$0x3FDB];
	_ =	sdelay $0x1  }
0x99: {  	s4 =	simm.s32 $_scs_section_size  }
0x9a: {  	s5 =	simm.s32 $_size__tile_overlayer_lowered;
	s6 =	simm.s32 $_tile_overlayer_lowered  }
0x9b: {  	s22 =	simm.s32 $0x1BFF;
	s21 =	sshll.u32 s6, $0x1;
	s3 =	sadd.s32 s4, s19  }
0x9c: {  	s7 =	simm.s32 $0x0;
	s20 =	sshll.u32 s5, $0x1;
	s5 =	sadd.s32 s21, s3  }
0x9d: {  	[timem:s7], [sflag:s22] =	dma.local [hbm:s5], s20  }
0x9e: {  	_ =	swait.ge [sflag:s22], s20  }
0x9f: {  	s4 =	ssub.s32 $0x0, s20;
	[sflag:s22] =	ssyncset.done $0x0  }
0xa0: {  	[sflag:s22] =	ssyncadd.s32 s4;
	_ =	sdelay $0x1  }
0xa1: {  	s23 =	simm.s32 $0x1B8B  }
0xa2: {  	_ =	swait.ge [sflag:s23], $0x1  }
0xa3: {  	[sflag:s23] =	ssyncset.done $0x0  }
0xa4: {  	s25 =	simm.s32 $0x1B8E;
	s24 =	sld [smem:$0x3FFE];
	[sflag:s23] =	ssyncadd.s32 $0xFFFFFFFF  }
0xa5: {  	s26 =	simm.s32 $execute0_lowered;
	[smem:$0x3FD2] =	sst s25  }
0xa6: {  	s5 =	sshll.u32 s26, $0x1;
	_ =	strace $0x80000049;
	[dreg:$0x1] =	wrdreg $0xFFFFFFFF  }
0xa7: {  	s28 =	simm.s32 $_size_execute0_lowered;
	s3 =	sadd.s32 s3, s5;
	[dreg:$0x0] =	wrdreg $0x0  }
0xa8: {  	s5 =	sshll.u32 s28, $0x1;
	[dreg:$0x2] =	wrdreg s3  }
0xa9: {  	[dreg:$0x3] =	wrdreg s5  }
0xaa: {  	[dreg:$0x4] =	wrdreg $0xC0  }
0xab: {  	_ =	task [dreg:s7], $0x5FFFF  }
0xac: {  	[dreg:$0x1] =	wrdreg $0xFFFFFFFF  }
0xad: {  	[dreg:$0x0] =	wrdreg $0x60  }
0xae: {  	[dreg:$0x2] =	wrdreg s24  }
0xaf: {  	[dreg:$0x3] =	wrdreg s2  }
0xb0: {  	[dreg:$0x4] =	wrdreg $0x157000  }
0xb1: {  	[dreg:$0x5] =	wrdreg $0x1A5200  }
0xb2: {  	[dreg:$0x6] =	wrdreg $0x9  }
0xb3: {  	_ =	task.clear_ibuf [dreg:s7], $0x7FFFF;
	_ =	strace $0x90000049  }
0xb4: {  	s29 =	simm.s32 $0x9;
	_ =	strace $0x8000004B  }
0xb5: {  	_ =	swait.ge [sflag:s29], $0x1  }
0xb6: {  	[sflag:s29] =	ssyncadd.s32 $0xFFFFFFFF  }
0xb7: {  	_ =	strace $0x9000004B  }
0xb8: {  	_ =	sfence  }
0xb9: {  	s30 =	sld [smem:$0x0];
	_ =	sdelay $0x2  }
0xba: {  	s31 =	sshll.u32 s1, $0xD;
	s1 =	sshrl.u32 s1, $0x2  }
0xbb: {  	s3 =	sand.u32 $0x4000, s31;
	s1 =	sadd.s32 s1, s30  }
0xbc: {  	s0 =	sor.u32 s3, s0;
	s1 =	sshll.u32 s1, $0x11  }
0xbd: {  	s0 =	sor.u32 s1, s0  }
0xbe: {  	s0 =	sadd.s32 $0x8F2B, s0  }
0xbf: {  	[sflag:s0] =	ssyncadd.remote.s32 $0x1  }
0xc0: {  	_ =	sfence.sel $0xFFFF  }
0xc1: {  	[dreg:$0x0] =	wrdreg $0xFFFFFFFF;
	(pc) =	sbr.abs _section_cstart, $3  }
0xc2: {  	[dreg:$0x1] =	wrdreg $0xFFFFFFFF  }
0xc3: {  	_ =	task.clear_ibuf [dreg:s7], $0x2FFFF;
	_ =	strace $0x9FFFFFFF  }
0xc4: {  	(tm) =	ssettm $0x7FFFFFFF  }
0xc5: {  	_ =	shalt  }
tec
execute0_lowered:
.L_overlay_start_1:
0x0: {  	(tag) =	ssettag $0x1  }
0x1: {  	s0 =	rddreg [dreg:$0x0]  }
0x2: {  	s2 =	rddreg [dreg:$0x2]  }
0x3: {  	s3 =	rddreg [dreg:$0x3]  }
0x4: {  	s4 =	simm.s32 $0x0;
	s17 =	srdreg.scid;
	s28 =	simm.s32 $0x50  }
0x5: {  	s29 =	simm.s32 $0x12DA0;
	[smem:$0x7FF] =	sst s4;
	s1 =	sadd.s32 $0x281C00, s0  }
0x6: {  	s10 =	stileid.u32;
	s18 =	sadd.s32 $0x284400, s0;
	s9 =	sadd.s32 $0x13A800, s0  }
0x7: {  	s5 =	sadd.s32 $0x273000, s0;
	s11 =	sadd.s32 $0x285800, s0;
	s8 =	smul.u32 $0x13800, s10  }
0x8: {  	s6 =	sadd.s32 $0x283000, s0;
	s0 =	sadd.s32 $0x2D3A00, s0;
	s21 =	smul.u32 $0xEA6, s10  }
0x9: {  	s13 =	smul.u32 $0x5, s10;
	_ =	strace $0x8000004A;
	[dreg:$0x5] =	wrdreg s1  }
0xa: {  	s23 =	smul.u32 $0x4E, s10;
	p0 =	sne.s32 s10, $0x0;
	[dreg:$0x6] =	wrdreg s6  }
0xb: {  	p1 =	seq.s32 s10, $0x1;
	s10 =	simm.s32 $0x12D80;
	[dreg:$0x7] =	wrdreg s18  }
0xc: {  	s1 =	sand.u32 $0x1, s17;
	[dreg:$0x8] =	wrdreg s0;
	s18 =	sadd.s32 $0x4E000, s2  }
0xd: {  	s19 =	ssub.s32 $0x2, s1;
	s1 =	sshll.u32 s1, $0x2;
	[dreg:$0xb] =	wrdreg s23  }
0xe: {  	s22 =	sshrl.u32 s8, $0x2;
	s24 =	sadd.s32 s5, s21;
	[dreg:$0x9] =	wrdreg s1  }
0xf: {  	v0 =	vlaneseq.u32;
	s17 =	simm.s32 $0x10D80;
	s1 =	sadd.s32 s22, s2;
	[dreg:$0xc] =	wrdreg s24  }
0x10: {  	v20 =	vimm.f32 $0.0e+00;
	v21 =	vimm.s32 $0x0;
	v1 =	vor.u32 $0x10, v0;
	s23 =	simm.s32 $0x20;
	s25 =	sadd.s32 $0x2EE, s24;
	[dreg:$0xa] =	wrdreg s1  }
0x11: {  	v2 =	vor.u32 $0x20, v0;
	v3 =	vor.u32 $0x30, v0;
	v4 =	vor.u32 $0x40, v0;
	s7 =	sshrl.u32 s19, $0x1;
	s26 =	sadd.s32 $0x5DC, s24;
	[dreg:$0xe] =	wrdreg s25  }
.Ltmp0:
0x12: {  	v5 =	vor.u32 $0x50, v0;
	v6 =	vor.u32 $0x60, v0;
	v7 =	vor.u32 $0x70, v0;
	s30 =	sadd.s32 $0x8CA, s24;
	[dreg:$0xf] =	wrdreg s26;
	(pc) =	sbr.rel .LBB2_1-.Ltmp0, $4  }
0x13: {  	v8 =	vor.u32 $0x80, v0;
	v9 =	vor.u32 $0x90, v0;
	v10 =	vor.u32 $0xA0, v0;
	s31 =	sadd.s32 $0xBB8, s24;
	s24 =	simm.s32 $0x2;
	[dreg:$0x10] =	wrdreg s30  }
0x14: {  	v11 =	vor.u32 $0xB0, v0;
	v12 =	vor.u32 $0xC0, v0;
	v13 =	vor.u32 $0xD0, v0;
	s22 =	simm.s32 $0x1;
	s20 =	ssub.s32 s19, s7;
	[dreg:$0x11] =	wrdreg s31  }
0x15: {  	v14 =	vor.u32 $0xE0, v0;
	v15 =	vor.u32 $0xF0, v0;
	v16 =	vor.u32 $0x100, v0;
	s25 =	simm.s32 $0xF610;
	s26 =	simm.s32 $0xE210;
	s0 =	smax.u32 s20, $0x1  }
0x16: {  	v17 =	vor.u32 $0x110, v0;
	v18 =	vor.u32 $0x120, v0;
	v19 =	vor.u32 $0x130, v0;
	s1 =	simm.s32 $0x0;
	s20 =	simm.s32 $0x12DC0;
	[dreg:$0xd] =	wrdreg s0  }
.LBB2_29:
0x17: {  	s1 =	rddreg [dreg:$0x12]  }
0x18: {  	s0 =	rddreg [dreg:$0xd];
	s1 =	sadd.s32 $0x1, s1  }
0x19: {  	p2 =	sne.s32 s1, s0  }
.Ltmp1:
0x1a: {  	_ = 	snop;
	(pc) =	sbr.rel @!p2 .LBB2_30-.Ltmp1, $1  }
0x1b: {  	_ =	sdelay $0x3  }
.LBB2_1:
0x1c: {  	[dreg:$0x12] =	wrdreg s1  }
0x1d: {  	s0 =	rddreg [dreg:$0x5]  }
0x1e: {  	[tilespmem:s4], [sflag:$0x2] =	stream.linear.gather [hbm4b:s0+s4], $0x9C40, $0x38;
	[tilespmem:$0x1A660] =	vst v63  }
0x1f: {  	_ =	swait.ge [sflag:s24], $0x9C40  }
0x20: {  	[sflag:s24] =	ssyncset.done $0x0  }
0x21: {  	s31 =	rddreg [dreg:$0xc];
	[sflag:s24] =	ssyncadd.s32 $0xFFFF63C0  }
0x22: {  	[tilespmem:s25], [sflag:$0x2] =	stream.linear.gather [hbm4b:s31+s4], $0x1770, $0x38;
	[tilespmem:$0x1A660] =	vst v63  }
0x23: {  	_ =	swait.ge [sflag:s24], $0x1770  }
0x24: {  	[sflag:s24] =	ssyncset.done $0x0  }
0x25: {  	s1 =	simm.s32 $0x0;
	[sflag:s24] =	ssyncadd.s32 $0xFFFFE890  }
0x26: {  	v22 =	vld [tilespmem:s1+$0xF610]  }
0x27: {  	v23 =	vld [tilespmem:s1+$0x105B0];
	_ =	sdelay $0x3  }
0x28: {  	s0 =	simm.s32 $0x10;
	v22 =	vshll.u32 v22, $0x2  }
0x29: {  	v24 =	vld [tilespmem:s0+$0xF610];
	v22 =	vadd.s32 v23, v22  }
0x2a: {  	v23 =	vld [tilespmem:s0+$0x105B0];
	_ =	sdelay $0x3  }
0x2b: {  	v24 =	vshll.u32 v24, $0x2;
	v22 =	vld.idx.msk [tilespmem:v22+s4+$0x0], $0xffff  }
0x2c: {  	s6 =	simm.s32 $0x20;
	s7 =	simm.s32 $0xC0;
	v23 =	vadd.s32 v23, v24  }
.LBB2_2:
0x2d: {  	p2 =	sne.s32 s7, $0x1F00;
	v24 =	vld [tilespmem:s6+$0xF610]  }
0x2e: {  	v25 =	vld [tilespmem:s6+$0x105B0]  }
.Ltmp2:
0x2f: {  	(pc) =	sbr.rel @p2 .LBB2_2-.Ltmp2, $4  }
0x30: {  	[tilespmem:s1+$0x9C40] =	vst v22;
	s1 =	smov.u32 s0;
	s0 =	smov.u32 s6  }
0x31: {  	v22 =	vld.idx.msk [tilespmem:v23+s4+$0x0], $0xffff  }
0x32: {  	v23 =	vshll.u32 v24, $0x2  }
0x33: {  	s6 =	sshra.s32 s7, $0x2;
	s7 =	sadd.s32 $0x40, s7;
	v23 =	vadd.s32 v25, v23  }
0x34: {  	v24 =	vld [tilespmem:s6+$0xF610]  }
0x35: {  	v25 =	vld [tilespmem:s6+$0x105B0];
	_ =	sdelay $0x2  }
0x36: {  	[tilespmem:s1+$0x9C40] =	vst v22  }
0x37: {  	v22 =	vld.idx.msk [tilespmem:v23+s4+$0x0], $0xffff;
	v23 =	vshll.u32 v24, $0x2  }
0x38: {  	v23 =	vadd.s32 v25, v23;
	_ =	sdelay $0x3  }
0x39: {  	[tilespmem:s0+$0x9C40] =	vst v22  }
0x3a: {  	v22 =	vld.idx.msk [tilespmem:v23+s4+$0x0], $0xffff;
	_ =	sdelay $0x4  }
0x3b: {  	s30 =	simm.s32 $0x0;
	s31 =	rddreg [dreg:$0xe];
	[tilespmem:s6+$0x9C40] =	vst v22  }
0x3c: {  	[tilespmem:s25], [sflag:$0x2] =	stream.linear.gather [hbm4b:s31+s30], $0x1770, $0x38;
	[tilespmem:$0x1A660] =	vst v63  }
0x3d: {  	_ =	swait.ge [sflag:s24], $0x1770  }
0x3e: {  	[sflag:s24] =	ssyncset.done $0x0  }
0x3f: {  	s1 =	simm.s32 $0x0;
	[sflag:s24] =	ssyncadd.s32 $0xFFFFE890  }
0x40: {  	v22 =	vld [tilespmem:s1+$0xF610]  }
0x41: {  	v23 =	vld [tilespmem:s1+$0x105B0];
	_ =	sdelay $0x3  }
0x42: {  	s0 =	simm.s32 $0x10;
	v22 =	vshll.u32 v22, $0x2  }
0x43: {  	v63 =	vld [tilespmem:s0+$0xF610];
	v22 =	vadd.s32 v23, v22  }
0x44: {  	v23 =	vld [tilespmem:s0+$0x105B0];
	_ =	sdelay $0x3  }
0x45: {  	v24 =	vshll.u32 v63, $0x2;
	v22 =	vld.idx.msk [tilespmem:v22+s4+$0x0], $0xffff  }
0x46: {  	s7 =	simm.s32 $0xC0;
	s6 =	simm.s32 $0x20;
	v23 =	vadd.s32 v23, v24  }
.LBB2_4:
0x47: {  	p2 =	sne.s32 s7, $0x1F00;
	v24 =	vld [tilespmem:s6+$0xF610]  }
0x48: {  	v25 =	vld [tilespmem:s6+$0x105B0]  }
.Ltmp3:
0x49: {  	(pc) =	sbr.rel @p2 .LBB2_4-.Ltmp3, $4  }
0x4a: {  	[tilespmem:s1+$0xA410] =	vst v22;
	s1 =	smov.u32 s0;
	s0 =	smov.u32 s6  }
0x4b: {  	v22 =	vld.idx.msk [tilespmem:v23+s4+$0x0], $0xffff  }
0x4c: {  	v23 =	vshll.u32 v24, $0x2  }
0x4d: {  	s6 =	sshra.s32 s7, $0x2;
	s7 =	sadd.s32 $0x40, s7;
	v23 =	vadd.s32 v25, v23  }
0x4e: {  	v24 =	vld [tilespmem:s6+$0xF610]  }
0x4f: {  	v25 =	vld [tilespmem:s6+$0x105B0];
	_ =	sdelay $0x2  }
0x50: {  	[tilespmem:s1+$0xA410] =	vst v22  }
0x51: {  	v22 =	vld.idx.msk [tilespmem:v23+s4+$0x0], $0xffff;
	v23 =	vshll.u32 v24, $0x2  }
0x52: {  	v23 =	vadd.s32 v25, v23;
	_ =	sdelay $0x3  }
0x53: {  	[tilespmem:s0+$0xA410] =	vst v22  }
0x54: {  	v22 =	vld.idx.msk [tilespmem:v23+s4+$0x0], $0xffff;
	_ =	sdelay $0x4  }
0x55: {  	s30 =	simm.s32 $0x0;
	s31 =	rddreg [dreg:$0xf];
	[tilespmem:s6+$0xA410] =	vst v22  }
0x56: {  	[tilespmem:s25], [sflag:$0x2] =	stream.linear.gather [hbm4b:s31+s30], $0x1770, $0x38;
	[tilespmem:$0x1A660] =	vst v63  }
0x57: {  	_ =	swait.ge [sflag:s24], $0x1770  }
0x58: {  	[sflag:s24] =	ssyncset.done $0x0  }
0x59: {  	s1 =	simm.s32 $0x0;
	[sflag:s24] =	ssyncadd.s32 $0xFFFFE890  }
0x5a: {  	v22 =	vld [tilespmem:s1+$0xF610]  }
0x5b: {  	v23 =	vld [tilespmem:s1+$0x105B0];
	_ =	sdelay $0x3  }
0x5c: {  	s0 =	simm.s32 $0x10;
	v22 =	vshll.u32 v22, $0x2  }
0x5d: {  	v63 =	vld [tilespmem:s0+$0xF610];
	v22 =	vadd.s32 v23, v22  }
0x5e: {  	v23 =	vld [tilespmem:s0+$0x105B0];
	_ =	sdelay $0x3  }
0x5f: {  	v24 =	vshll.u32 v63, $0x2;
	v22 =	vld.idx.msk [tilespmem:v22+s4+$0x0], $0xffff  }
0x60: {  	s7 =	simm.s32 $0xC0;
	s6 =	simm.s32 $0x20;
	v23 =	vadd.s32 v23, v24  }
.LBB2_6:
0x61: {  	p2 =	sne.s32 s7, $0x1F00;
	v24 =	vld [tilespmem:s6+$0xF610]  }
0x62: {  	v25 =	vld [tilespmem:s6+$0x105B0]  }
.Ltmp4:
0x63: {  	(pc) =	sbr.rel @p2 .LBB2_6-.Ltmp4, $4  }
0x64: {  	[tilespmem:s1+$0xABE0] =	vst v22;
	s1 =	smov.u32 s0;
	s0 =	smov.u32 s6  }
0x65: {  	v22 =	vld.idx.msk [tilespmem:v23+s4+$0x0], $0xffff  }
0x66: {  	v23 =	vshll.u32 v24, $0x2  }
0x67: {  	s6 =	sshra.s32 s7, $0x2;
	s7 =	sadd.s32 $0x40, s7;
	v23 =	vadd.s32 v25, v23  }
0x68: {  	v24 =	vld [tilespmem:s6+$0xF610]  }
0x69: {  	v25 =	vld [tilespmem:s6+$0x105B0];
	_ =	sdelay $0x2  }
0x6a: {  	[tilespmem:s1+$0xABE0] =	vst v22  }
0x6b: {  	v22 =	vld.idx.msk [tilespmem:v23+s4+$0x0], $0xffff;
	v23 =	vshll.u32 v24, $0x2  }
0x6c: {  	v23 =	vadd.s32 v25, v23;
	_ =	sdelay $0x3  }
0x6d: {  	[tilespmem:s0+$0xABE0] =	vst v22  }
0x6e: {  	v22 =	vld.idx.msk [tilespmem:v23+s4+$0x0], $0xffff;
	_ =	sdelay $0x4  }
0x6f: {  	s30 =	simm.s32 $0x0;
	s31 =	rddreg [dreg:$0x10];
	[tilespmem:s6+$0xABE0] =	vst v22  }
0x70: {  	[tilespmem:s25], [sflag:$0x2] =	stream.linear.gather [hbm4b:s31+s30], $0x1770, $0x38;
	[tilespmem:$0x1A660] =	vst v63  }
0x71: {  	_ =	swait.ge [sflag:s24], $0x1770  }
0x72: {  	[sflag:s24] =	ssyncset.done $0x0  }
0x73: {  	s1 =	simm.s32 $0x0;
	[sflag:s24] =	ssyncadd.s32 $0xFFFFE890  }
0x74: {  	v22 =	vld [tilespmem:s1+$0xF610]  }
0x75: {  	v23 =	vld [tilespmem:s1+$0x105B0];
	_ =	sdelay $0x3  }
0x76: {  	s0 =	simm.s32 $0x10;
	v22 =	vshll.u32 v22, $0x2  }
0x77: {  	v63 =	vld [tilespmem:s0+$0xF610];
	v22 =	vadd.s32 v23, v22  }
0x78: {  	v23 =	vld [tilespmem:s0+$0x105B0];
	_ =	sdelay $0x3  }
0x79: {  	v24 =	vshll.u32 v63, $0x2;
	v22 =	vld.idx.msk [tilespmem:v22+s4+$0x0], $0xffff  }
0x7a: {  	s7 =	simm.s32 $0xC0;
	s6 =	simm.s32 $0x20;
	v23 =	vadd.s32 v23, v24  }
.LBB2_8:
0x7b: {  	p2 =	sne.s32 s7, $0x1F00;
	v24 =	vld [tilespmem:s6+$0xF610]  }
0x7c: {  	v25 =	vld [tilespmem:s6+$0x105B0]  }
.Ltmp5:
0x7d: {  	(pc) =	sbr.rel @p2 .LBB2_8-.Ltmp5, $4  }
0x7e: {  	[tilespmem:s1+$0xB3B0] =	vst v22;
	s1 =	smov.u32 s0;
	s0 =	smov.u32 s6  }
0x7f: {  	v22 =	vld.idx.msk [tilespmem:v23+s4+$0x0], $0xffff  }
0x80: {  	v23 =	vshll.u32 v24, $0x2  }
0x81: {  	s6 =	sshra.s32 s7, $0x2;
	s7 =	sadd.s32 $0x40, s7;
	v23 =	vadd.s32 v25, v23  }
0x82: {  	v24 =	vld [tilespmem:s6+$0xF610]  }
0x83: {  	v25 =	vld [tilespmem:s6+$0x105B0];
	_ =	sdelay $0x2  }
0x84: {  	[tilespmem:s1+$0xB3B0] =	vst v22  }
0x85: {  	v22 =	vld.idx.msk [tilespmem:v23+s4+$0x0], $0xffff;
	v23 =	vshll.u32 v24, $0x2  }
0x86: {  	v23 =	vadd.s32 v25, v23;
	_ =	sdelay $0x3  }
0x87: {  	[tilespmem:s0+$0xB3B0] =	vst v22  }
0x88: {  	v22 =	vld.idx.msk [tilespmem:v23+s4+$0x0], $0xffff;
	_ =	sdelay $0x4  }
0x89: {  	s30 =	simm.s32 $0x0;
	s31 =	rddreg [dreg:$0x11];
	[tilespmem:s6+$0xB3B0] =	vst v22  }
0x8a: {  	[tilespmem:s25], [sflag:$0x2] =	stream.linear.gather [hbm4b:s31+s30], $0x1770, $0x38;
	[tilespmem:$0x1A660] =	vst v63  }
0x8b: {  	_ =	swait.ge [sflag:s24], $0x1770  }
0x8c: {  	[sflag:s24] =	ssyncset.done $0x0  }
0x8d: {  	s1 =	simm.s32 $0x0;
	[sflag:s24] =	ssyncadd.s32 $0xFFFFE890  }
0x8e: {  	v22 =	vld [tilespmem:s1+$0xF610]  }
0x8f: {  	v23 =	vld [tilespmem:s1+$0x105B0];
	_ =	sdelay $0x3  }
0x90: {  	s0 =	simm.s32 $0x10;
	v22 =	vshll.u32 v22, $0x2  }
0x91: {  	v63 =	vld [tilespmem:s0+$0xF610];
	v22 =	vadd.s32 v23, v22  }
0x92: {  	v23 =	vld [tilespmem:s0+$0x105B0];
	_ =	sdelay $0x3  }
0x93: {  	v24 =	vshll.u32 v63, $0x2;
	v22 =	vld.idx.msk [tilespmem:v22+s4+$0x0], $0xffff  }
0x94: {  	s7 =	simm.s32 $0xC0;
	s6 =	simm.s32 $0x20;
	v23 =	vadd.s32 v23, v24  }
.LBB2_10:
0x95: {  	p2 =	sne.s32 s7, $0x1F00;
	v24 =	vld [tilespmem:s6+$0xF610]  }
0x96: {  	v25 =	vld [tilespmem:s6+$0x105B0]  }
.Ltmp6:
0x97: {  	(pc) =	sbr.rel @p2 .LBB2_10-.Ltmp6, $4  }
0x98: {  	[tilespmem:s1+$0xBB80] =	vst v22;
	s1 =	smov.u32 s0;
	s0 =	smov.u32 s6  }
0x99: {  	v22 =	vld.idx.msk [tilespmem:v23+s4+$0x0], $0xffff  }
0x9a: {  	v23 =	vshll.u32 v24, $0x2  }
0x9b: {  	s6 =	sshra.s32 s7, $0x2;
	s7 =	sadd.s32 $0x40, s7;
	v23 =	vadd.s32 v25, v23  }
0x9c: {  	v24 =	vld [tilespmem:s6+$0xF610]  }
0x9d: {  	v25 =	vld [tilespmem:s6+$0x105B0];
	_ =	sdelay $0x2  }
0x9e: {  	[tilespmem:s1+$0xBB80] =	vst v22  }
0x9f: {  	v22 =	vld.idx.msk [tilespmem:v23+s4+$0x0], $0xffff;
	v23 =	vshll.u32 v24, $0x2  }
0xa0: {  	v23 =	vadd.s32 v25, v23;
	_ =	sdelay $0x3  }
0xa1: {  	[tilespmem:s0+$0xBB80] =	vst v22  }
0xa2: {  	v22 =	vld.idx.msk [tilespmem:v23+s4+$0x0], $0xffff;
	_ =	sdelay $0x4  }
0xa3: {  	s31 =	rddreg [dreg:$0x6];
	s0 =	simm.s32 $0x0;
	[tilespmem:s6+$0xBB80] =	vst v22  }
0xa4: {  	[tilespmem:s0], [sflag:$0x2] =	stream.linear.gather [hbm4b:s31+s0], $0x9C40, $0x38;
	[tilespmem:$0x1A660] =	vst v63  }
0xa5: {  	_ =	swait.ge [sflag:s24], $0x9C40  }
0xa6: {  	[sflag:s24] =	ssyncset.done $0x0  }
0xa7: {  	s1 =	simm.s32 $0x9C40;
	s6 =	simm.s32 $0x0;
	[sflag:s24] =	ssyncadd.s32 $0xFFFF63C0  }
.LBB2_12:
0xa8: {  	s7 =	sadd.s32 s13, s6  }
0xa9: {  	s7 =	smul.u32 $0x2EE, s7;
	_ =	sdelay $0x1  }
0xaa: {  	s7 =	sadd.s32 s5, s7  }
0xab: {  	[tilespmem:s25], [sflag:$0x2] =	stream.linear.gather [hbm4b:s7+s0], $0x1770, $0x38;
	[tilespmem:$0x1A660] =	vst v63  }
0xac: {  	_ =	swait.ge [sflag:s24], $0x1770  }
0xad: {  	[sflag:s24] =	ssyncset.done $0x0  }
0xae: {  	v22 =	vmov s1;
	s8 =	simm.s32 $0x40;
	s7 =	simm.s32 $0x0;
	[sflag:s24] =	ssyncadd.s32 $0xFFFFE890  }
.LBB2_13:
0xaf: {  	p2 =	sne.s32 s8, $0x1F00;
	v23 =	vld [tilespmem:s7+$0xFDE0]  }
0xb0: {  	v24 =	vld [tilespmem:s7+$0x105B0];
	_ =	sdelay $0x3  }
0xb1: {  	v23 =	vshll.u32 v23, $0x2  }
0xb2: {  	v23 =	vadd.s32 v24, v23;
	_ =	sdelay $0x3  }
0xb3: {  	v24 =	vld.idx.msk [tilespmem:v22+s7+$0x0 ss:$0x1], $0xffff  }
0xb4: {  	v23 =	vld.idx.msk [tilespmem:v23+s4+$0x0], $0xffff;
	_ =	sdelay $0x5  }
0xb5: {  	v23 =	vadd.f32 v24, v23;
	_ =	sdelay $0x1  }
0xb6: {  	v24 =	vmul.f32 $2.000000030e-01, v23;
	_ =	sdelay $0x1  }
0xb7: {  	v23 =	vmax.f32 v23, v24  }
0xb8: {  	v23 =	vmul.f32 $1.442695020e+00, v23;
	_ =	sdelay $0x1  }
0xb9: {  	(erf) = vpow2.f32 v23;
	_ =	sdelay $0x5  }
.Ltmp7:
0xba: {  	(pc) =	sbr.rel @p2 .LBB2_13-.Ltmp7, $3  }
0xbb: {  	_ =	sdelay $0x1  }
0xbc: {  	v23 =	vpop (erf)  }
0xbd: {  	[tilespmem:v22+s7+$0x0 ss:$0x1] =	vst.idx.msk $0xffff, v23;
	s7 =	sshra.s32 s8, $0x2;
	s8 =	sadd.s32 $0x40, s8  }
0xbe: {  	v23 =	vld [tilespmem:s7+$0xFDE0]  }
0xbf: {  	v24 =	vld [tilespmem:s7+$0x105B0];
	_ =	sdelay $0x3  }
0xc0: {  	v23 =	vshll.u32 v23, $0x2  }
0xc1: {  	v23 =	vadd.s32 v24, v23;
	_ =	sdelay $0x3  }
0xc2: {  	v63 =	vld.idx.msk [tilespmem:v22+s7+$0x0 ss:$0x1], $0xffff  }
0xc3: {  	v23 =	vld.idx.msk [tilespmem:v23+s4+$0x0], $0xffff;
	_ =	sdelay $0x4  }
0xc4: {  	v23 =	vadd.f32 v63, v23;
	_ =	sdelay $0x1  }
0xc5: {  	v24 =	vmul.f32 $2.000000030e-01, v23;
	_ =	sdelay $0x1  }
0xc6: {  	v23 =	vmax.f32 v23, v24  }
0xc7: {  	v23 =	vmul.f32 $1.442695020e+00, v23;
	_ =	sdelay $0x1  }
0xc8: {  	(erf) = vpow2.f32 v23;
	_ =	sdelay $0x3  }
0xc9: {  	s6 =	sadd.s32 $0x1, s6  }
0xca: {  	p2 =	sne.s32 s6, $0x5  }
.Ltmp8:
0xcb: {  	_ = 	snop;
	(pc) =	sbr.rel @p2 .LBB2_12-.Ltmp8, $3  }
0xcc: {  	_ =	sdelay $0x1  }
0xcd: {  	v23 =	vpop (erf)  }
0xce: {  	s1 =	sadd.s32 $0x7D0, s1;
	[tilespmem:v22+s7+$0x0 ss:$0x1] =	vst.idx.msk $0xffff, v23  }
0xcf: {  	[tilespmem:$0x141C0] =	vst v0  }
0xd0: {  	[tilespmem:$0x141D0] =	vst v1  }
0xd1: {  	[tilespmem:$0x141E0] =	vst v2  }
0xd2: {  	[tilespmem:$0x141F0] =	vst v3  }
0xd3: {  	[tilespmem:$0x14200] =	vst v4  }
0xd4: {  	[tilespmem:$0x14210] =	vst v5  }
0xd5: {  	[tilespmem:$0x14220] =	vst v6  }
0xd6: {  	[tilespmem:$0x14230] =	vst v7  }
0xd7: {  	[tilespmem:$0x14240] =	vst v8  }
0xd8: {  	[tilespmem:$0x14250] =	vst v9  }
0xd9: {  	[tilespmem:$0x14260] =	vst v10  }
0xda: {  	[tilespmem:$0x14270] =	vst v11  }
0xdb: {  	[tilespmem:$0x14280] =	vst v12  }
0xdc: {  	[tilespmem:$0x14290] =	vst v13  }
0xdd: {  	[tilespmem:$0x142A0] =	vst v14  }
.Ltmp9:
0xde: {  	[tilespmem:$0x142B0] =	vst v15;
	(pc) =	sbr.rel .LBB2_16-.Ltmp9, $4  }
0xdf: {  	[tilespmem:$0x142C0] =	vst v16  }
0xe0: {  	[tilespmem:$0x142D0] =	vst v17  }
0xe1: {  	[tilespmem:$0x142E0] =	vst v18  }
0xe2: {  	[tilespmem:$0x142F0] =	vst v19;
	s30 =	simm.s32 $0x0  }
.LBB2_28:
0xe3: {  	[bflag:$0x0] =	sbarrier.arrive $0xFFFF;
	s0 =	sadd.s32 s11, s0  }
0xe4: {  	[hbm:s0], [sflag:s31] =	dma.local [spmem:s6], $0x9C0  }
0xe5: {  	_ =	swait.ge [sflag:s24], $0x9C0  }
0xe6: {  	s0 =	sadd.s32 @!p0 s11, s7;
	[sflag:s24] =	ssyncset.done $0x0  }
0xe7: {  	s30 =	sadd.s32 $0x1, s30;
	s0 =	sadd.s32 @!p0 $0x9C00, s0;
	[sflag:s24] =	ssyncadd.s32 $0xFFFFF640  }
0xe8: {  	[hbm:s0], [sflag:s31] =	dma.local @!p0 [spmem:s19], $0x40  }
0xe9: {  	p2 =	sne.s32 s30, $0x4;
	s0 =	simm.s32 @!p0 $0x2  }
.Ltmp10:
0xea: {  	_ =	swait.ge @!p0 [sflag:s0], $0x40;
	(pc) =	sbr.rel @!p2 .LBB2_29-.Ltmp10, $3  }
0xeb: {  	[sflag:s0] =	ssyncset.done @!p0 $0x0  }
0xec: {  	[sflag:s0] =	ssyncadd.s32 @!p0 $0xFFFFFFC0  }
0xed: {  	[bflag:$0x0] =	sbarrier.arrive $0xFFFF;
	_ =	sdelay $0x1  }
.LBB2_16:
0xee: {  	s0 =	rddreg [dreg:$0x9]  }
0xef: {  	s21 =	sadd.s32 s0, s30  }
0xf0: {  	s1 =	smul.u32 $0x4E2, s21  }
0xf1: {  	s16 =	rddreg [dreg:$0xb];
	s6 =	stileid.u32  }
0xf2: {  	s12 =	rddreg [dreg:$0x1];
	s6 =	sshll.u32 s6, $0x6;
	s0 =	sadd.s32 s16, s1  }
0xf3: {  	s19 =	rddreg [dreg:$0xa];
	s31 =	sor.u32 $0x1C02, s6;
	s0 =	sshll.u32 s0, $0x5  }
0xf4: {  	s6 =	sshrl.u32 s19, $0x3;
	s8 =	smul.u32 @!p0 $0x4E200, s21;
	s7 =	sadd.s32 s12, s0  }
0xf5: {  	[spmem:s6], [sflag:s31] =	dma.local [hbm:s7], $0x9C0  }
0xf6: {  	s7 =	sshrl.u32 @!p0 s8, $0x3;
	_ =	swait.ge [sflag:s24], $0x9C0  }
0xf7: {  	s8 =	sadd.s32 @!p0 s12, s7;
	[sflag:s24] =	ssyncset.done $0x0  }
0xf8: {  	s19 =	sshrl.u32 @!p0 s18, $0x3;
	s8 =	sadd.s32 @!p0 $0x9C00, s8;
	[sflag:s24] =	ssyncadd.s32 $0xFFFFF640  }
0xf9: {  	[spmem:s19], [sflag:s31] =	dma.local @!p0 [hbm:s8], $0x40  }
0xfa: {  	s8 =	simm.s32 @!p0 $0x2  }
0xfb: {  	_ =	swait.ge @!p0 [sflag:s8], $0x40  }
0xfc: {  	[sflag:s8] =	ssyncset.done @!p0 $0x0  }
0xfd: {  	s12 =	simm.s32 $0x0;
	[sflag:s8] =	ssyncadd.s32 @!p0 $0xFFFFFFC0;
	s8 =	simm.s32 $0x40  }
.LBB2_17:
0xfe: {  	p2 =	sne.s32 s8, $0x4FC0;
	[tilespmem:s12+$0xE210] =	vst v20;
	s12 =	smov.u32 s8;
	s8 =	sadd.s32 $0x40, s8  }
.Ltmp11:
0xff: {  	(pc) =	sbr.rel @p2 .LBB2_17-.Ltmp11, $2  }
0x100: {  	_ =	sdelay $0x2  }
0x101: {  	s12 =	sshra.s32 s12, $0x2  }
0x102: {  	[tilespmem:s12+$0xE210] =	vst v20;
	s8 =	simm.s32 @!p0 $0xE210  }
0x103: {  	[spmem:s3] =	stream.linear.scatter @!p0 [tilespmem:s8], [sflag:$0x2], $0x1400, $0x38;
	[tilespmem:$0x1A660] =	vst v63  }
0x104: {  	s8 =	simm.s32 @!p0 $0x2  }
0x105: {  	_ =	swait.ge @!p0 [sflag:s8], $0x1400  }
0x106: {  	v22 =	vmov s1;
	s12 =	simm.s32 $0x9C40;
	s1 =	simm.s32 $0x0;
	[sflag:s8] =	ssyncset.done @!p0 $0x0  }
0x107: {  	s14 =	simm.s32 $0x0;
	[sflag:s8] =	ssyncadd.s32 @!p0 $0xFFFFEC00;
	s8 =	simm.s32 $0x0  }
.LBB2_19:
0x108: {  	s15 =	sadd.s32 s13, s14  }
0x109: {  	s15 =	smul.u32 $0x2EE, s15;
	_ =	sdelay $0x1  }
0x10a: {  	s15 =	sadd.s32 s5, s15  }
0x10b: {  	[tilespmem:s25], [sflag:$0x2] =	stream.linear.gather [hbm4b:s15+s8], $0x1770, $0x38;
	[tilespmem:$0x1A660] =	vst v63  }
0x10c: {  	_ =	swait.ge [sflag:s24], $0x1770  }
0x10d: {  	[sflag:s24] =	ssyncset.done $0x0  }
0x10e: {  	s16 =	simm.s32 $0x0;
	[sflag:s24] =	ssyncadd.s32 $0xFFFFE890  }
0x10f: {  	v24 =	vld [tilespmem:s16+$0xFDE0];
	_ =	sdelay $0x3  }
0x110: {  	v23 =	vmov s12;
	v25 =	vld [tilespmem:s16+$0x105B0]  }
0x111: {  	v26 =	vsub.s32 v24, v22  }
0x112: {  	vm0 =	vge.s32 v24, v22;
	vm1 =	vlt.s32 v26, $0x4E2  }
0x113: {  	vm0 =	vmand vm0, vm1  }
0x114: {  	v62 =	vld [tilespmem:s16+$0xF610];
	v26 =	vshll.u32 v26, $0x2;
	v28 =	vsel vm0, $0x1, v21  }
0x115: {  	v27 =	vld.idx.msk [tilespmem:v23+s16+$0x0 ss:$0x1], $0xffff;
	v26 =	vadd.s32 v25, v26;
	(xrf0) =	vadd.scan.msk.s32 $0xffff, v28;
	_ =	sdelay $0x2  }
0x116: {  	v25 =	vmul.u32 $0x2710, v25;
	_ =	sdelay $0x1  }
0x117: {  	v24 =	vadd.s32 v62, v25;
	[tilespmem:v26+s26+$0x0] =	vst.idx.add.f32.msk vm0, v27  }
0x118: {  	[tilespmem:s1+$0xC350] =	vst.msk vm0, v24;
	v63, _, _ =	vpop (xrf0)  }
0x119: {  	[tilespmem:s1+$0xCD90] =	vst.msk vm0, v26;
	(v2sf) =	vpush v63, $0xF  }
0x11a: {  	s15 =	simm.s32 $0x80;
	s16 =	simm.s32 $0x10;
	[tilespmem:s1+$0xD7D0] =	vst.msk vm0, v27  }
.LBB2_20:
0x11b: {  	p2 =	sne.s32 s15, $0x1F00;
	v24 =	vld [tilespmem:s16+$0xFDE0]  }
0x11c: {  	v25 =	vld [tilespmem:s16+$0x105B0]  }
0x11d: {  	v26 =	vld [tilespmem:s16+$0xF610]  }
0x11e: {  	v27 =	vld.idx.msk [tilespmem:v23+s16+$0x0 ss:$0x1], $0xffff;
	_ =	sdelay $0x1  }
0x11f: {  	v28 =	vsub.s32 v24, v22  }
0x120: {  	vm0 =	vge.s32 v24, v22;
	vm1 =	vlt.s32 v28, $0x4E2;
	v24 =	vshll.u32 v28, $0x2  }
0x121: {  	vm0 =	vmand vm0, vm1  }
0x122: {  	v24 =	vadd.s32 v25, v24;
	v28 =	vsel vm0, $0x1, v21  }
0x123: {  	(xrf0) =	vadd.scan.msk.s32 $0xffff, v28;
	_ =	sdelay $0x2  }
0x124: {  	v28 =	vmul.u32 $0x2710, v25  }
.Ltmp12:
0x125: {  	[tilespmem:v24+s26+$0x0] =	vst.idx.add.f32.msk vm0, v27;
	s16 =	spop (v2sf);
	(pc) =	sbr.rel @p2 .LBB2_20-.Ltmp12, $4  }
0x126: {  	v26 =	vadd.s32 v26, v28;
	s1 =	sadd.s32 s1, s16  }
0x127: {  	[tilespmem:s1+$0xC350] =	vst.msk vm0, v26;
	v25, _, _ =	vpop (xrf0)  }
0x128: {  	[tilespmem:s1+$0xCD90] =	vst.msk vm0, v24;
	(v2sf) =	vpush v25, $0xF  }
0x129: {  	s16 =	sshra.s32 s15, $0x2;
	s15 =	sadd.s32 $0x40, s15;
	[tilespmem:s1+$0xD7D0] =	vst.msk vm0, v27  }
0x12a: {  	v24 =	vld [tilespmem:s16+$0xFDE0];
	_ =	sdelay $0x4  }
0x12b: {  	v25 =	vsub.s32 v24, v22  }
0x12c: {  	vm0 =	vge.s32 v24, v22;
	vm1 =	vlt.s32 v25, $0x4E2  }
0x12d: {  	vm0 =	vmand vm0, vm1  }
0x12e: {  	v62 =	vsel vm0, $0x1, v21  }
0x12f: {  	(xrf0) =	vadd.scan.msk.s32 $0xffff, v62;
	_ =	sdelay $0x5  }
0x130: {  	v24, _, _ =	vpop (xrf0)  }
0x131: {  	(v2sf) =	vpush v24, $0xF;
	_ =	sdelay $0x2  }
0x132: {  	v63 =	vld [tilespmem:s16+$0x105B0];
	_ =	sdelay $0x3  }
0x133: {  	v26 =	vld [tilespmem:s16+$0xF610];
	v25 =	vshll.u32 v25, $0x2  }
0x134: {  	v23 =	vld.idx.msk [tilespmem:v23+s16+$0x0 ss:$0x1], $0xffff;
	v25 =	vadd.s32 v63, v25;
	_ =	sdelay $0x1  }
0x135: {  	s14 =	sadd.s32 $0x1, s14  }
0x136: {  	p2 =	seq.s32 s14, $0x5;
	v24 =	vmul.u32 $0x2710, v63  }
.Ltmp13:
0x137: {  	s15 =	spop (v2sf);
	(pc) =	sbr.rel @!p2 .LBB2_19-.Ltmp13, $4  }
0x138: {  	[tilespmem:v25+s26+$0x0] =	vst.idx.add.f32.msk vm0, v23;
	s1 =	sadd.s32 s1, s15;
	v24 =	vadd.s32 v26, v24  }
0x139: {  	[tilespmem:s1+$0xC350] =	vst.msk vm0, v24  }
0x13a: {  	[tilespmem:s1+$0xCD90] =	vst.msk vm0, v25;
	s16 =	spop (v2sf)  }
0x13b: {  	s12 =	sadd.s32 $0x7D0, s12;
	[tilespmem:s1+$0xD7D0] =	vst.msk vm0, v23;
	s1 =	sadd.s32 s1, s16  }
0x13c: {  	[tilespmem:s1+$0xC350] =	vst v21  }
0x13d: {  	[tilespmem:s1+$0xCD90] =	vst v21  }
0x13e: {  	[tilespmem:s1+$0xD7D0] =	vst v20  }
0x13f: {  	[tilespmem:s1+$0xC360] =	vst v21  }
0x140: {  	[tilespmem:s1+$0xCDA0] =	vst v21  }
0x141: {  	[tilespmem:s1+$0xD7E0] =	vst v20  }
0x142: {  	[tilespmem:s1+$0xC370] =	vst v21  }
0x143: {  	[tilespmem:s1+$0xCDB0] =	vst v21  }
0x144: {  	[tilespmem:s1+$0xD7F0] =	vst v20  }
0x145: {  	[tilespmem:s1+$0xC380] =	vst v21  }
0x146: {  	[tilespmem:s1+$0xCDC0] =	vst v21  }
0x147: {  	[tilespmem:s1+$0xD800] =	vst v20  }
0x148: {  	s8 =	simm.s32 $0x141C0;
	[bflag:$0x0] =	sbarrier.arrive $0xFFFF  }
0x149: {  	[spmem:s3] =	stream.indirect.scatter.add.f32 [tilespmem:s26], [sflag:$0x2], $0x10, s8, s28, $0xb8;
	[tilespmem:$0x1A660] =	vst v63  }
0x14a: {  	_ =	swait.ge [sflag:s24], $0x500  }
0x14b: {  	[sflag:s24] =	ssyncset.done $0x0  }
0x14c: {  	s14 =	simm.s32 $0x14210;
	s12 =	simm.s32 $0xE710;
	[sflag:s24] =	ssyncadd.s32 $0xFFFFFB00  }
0x14d: {  	[spmem:s3] =	stream.indirect.scatter.add.f32 [tilespmem:s12], [sflag:$0x2], $0x10, s14, s28, $0xb8;
	[tilespmem:$0x1A660] =	vst v63  }
0x14e: {  	_ =	swait.ge [sflag:s24], $0x500  }
0x14f: {  	[sflag:s24] =	ssyncset.done $0x0  }
0x150: {  	s15 =	simm.s32 $0x14260;
	s16 =	simm.s32 $0xEC10;
	[sflag:s24] =	ssyncadd.s32 $0xFFFFFB00  }
0x151: {  	[spmem:s3] =	stream.indirect.scatter.add.f32 [tilespmem:s16], [sflag:$0x2], $0x10, s15, s28, $0xb8;
	[tilespmem:$0x1A660] =	vst v63  }
0x152: {  	_ =	swait.ge [sflag:s24], $0x500  }
0x153: {  	[sflag:s24] =	ssyncset.done $0x0  }
0x154: {  	s12 =	simm.s32 $0x142B0;
	s14 =	simm.s32 $0xF110;
	[sflag:s24] =	ssyncadd.s32 $0xFFFFFB00  }
0x155: {  	[spmem:s3] =	stream.indirect.scatter.add.f32 [tilespmem:s14], [sflag:$0x2], $0x10, s12, s28, $0xb8;
	[tilespmem:$0x1A660] =	vst v63  }
0x156: {  	_ =	swait.ge [sflag:s24], $0x500  }
0x157: {  	[sflag:s24] =	ssyncset.done $0x0  }
0x158: {  	[sflag:s24] =	ssyncadd.s32 $0xFFFFFB00  }
0x159: {  	s8 =	smul.u32 @p1 $0x280, s21;
	[bflag:$0x0] =	sbarrier.arrive $0xFFFF  }
0x15a: {  	s12 =	rddreg [dreg:$0x8]  }
0x15b: {  	s8 =	sadd.s32 @p1 s12, s8;
	s12 =	sshrl.u32 @p1 s3, $0x3  }
0x15c: {  	[hbm:s8], [sflag:s31] =	dma.local @p1 [spmem:s12], $0x280  }
0x15d: {  	s8 =	simm.s32 @p1 $0x2  }
0x15e: {  	_ =	swait.ge @p1 [sflag:s8], $0x280  }
0x15f: {  	[sflag:s8] =	ssyncset.done @p1 $0x0  }
0x160: {  	[sflag:s8] =	ssyncadd.s32 @p1 $0xFFFFFD80  }
0x161: {  	[tilespmem:s20], [sflag:$0x2] =	stream.linear.gather [spmem:s3], $0x1400, $0x38;
	[tilespmem:$0x1A660] =	vst v63  }
0x162: {  	s15 =	smul.u32 $0x271, s21;
	_ =	swait.ge [sflag:s24], $0x1400  }
0x163: {  	s21 =	simm.s32 $0x0;
	[sflag:s24] =	ssyncset.done $0x0;
	s16 =	rddreg [dreg:$0x7]  }
0x164: {  	s14 =	simm.s32 $0x14300;
	[sflag:s24] =	ssyncadd.s32 $0xFFFFEC00;
	s8 =	sadd.s32 s16, s15  }
0x165: {  	[tilespmem:s14], [sflag:$0x2] =	stream.linear.gather [hbm4b:s8+s21], $0x1388, $0x38;
	[tilespmem:$0x1A660] =	vst v63  }
0x166: {  	_ =	swait.ge [sflag:s24], $0x1388  }
0x167: {  	[sflag:s24] =	ssyncset.done $0x0  }
0x168: {  	s8 =	simm.s32 $0x0;
	[sflag:s24] =	ssyncadd.s32 $0xFFFFEC78  }
0x169: {  	s12 =	simm.s32 $0x40;
	v22 =	vld [tilespmem:s8+$0x14300]  }
.LBB2_23:
0x16a: {  	p2 =	sne.s32 s12, $0x4E00;
	v23 =	vld [tilespmem:s8+$0x12DC0];
	_ =	sdelay $0x2  }
.Ltmp14:
0x16b: {  	(pc) =	sbr.rel @p2 .LBB2_23-.Ltmp14, $4  }
0x16c: {  	_ = 	snop  }
0x16d: {  	v23 =	vadd.f32 v22, v23  }
0x16e: {  	s14 =	sshra.s32 s12, $0x2  }
0x16f: {  	s12 =	sadd.s32 $0x40, s12;
	v22 =	vld [tilespmem:s14+$0x14300];
	[tilespmem:s8+$0x12DC0] =	vst v23;
	s8 =	smov.u32 s14  }
0x170: {  	s1 =	sadd.s32 $0x1F, s1  }
0x171: {  	s12 =	sand.u32 $0x1F, s1  }
0x172: {  	s21 =	sshra.s32 s1, $0x1F;
	p3 =	slt.s32 s1, $0x1;
	p2 =	sne.s32 s12, $0x0  }
0x173: {  	s12 =	sshrl.u32 s21, $0x1B;
	p2 =	por !p3, !p2  }
0x174: {  	s1 =	sadd.s32 s12, s1;
	s12 =	simm.s32 $0x1;
	p2 =	por !p2, !p2  }
0x175: {  	v23 =	vld [tilespmem:s8+$0x12DC0];
	s1 =	sshra.s32 s1, $0x5;
	s12 =	simm.s32 @!p2 $0x0  }
0x176: {  	s1 =	ssub.s32 s1, s12  }
0x177: {  	p2 =	slt.s32 s1, $0x1  }
.Ltmp15:
0x178: {  	_ = 	snop;
	(pc) =	sbr.rel @p2 .LBB2_28-.Ltmp15, $3  }
0x179: {  	_ = 	snop  }
0x17a: {  	v22 =	vadd.f32 v22, v23;
	_ =	sdelay $0x1  }
0x17b: {  	s21 =	simm.s32 $0x0;
	[tilespmem:s8+$0x12DC0] =	vst v22;
	s8 =	simm.s32 $0x0  }
.LBB2_25:
0x17c: {  	s12 =	sshll.u32 s8, $0x5  }
0x17d: {  	s14 =	sadd.s32 $0xC350, s12  }
0x17e: {  	[tilespmem:s17], [sflag:$0x1] =	stream.indirect.gather [hbm4b:s9+s23], $0x100, s14, s23, $0xb8;
	[tilespmem:$0x1A660] =	vst v63  }
0x17f: {  	v22 =	vld [tilespmem:s12+$0xCD90];
	_ =	sdelay $0x7  }
0x180: {  	v23 =	vld.idx.msk [tilespmem:v22+s20+$0x0], $0xffff;
	_ =	sdelay $0x4  }
0x181: {  	(erf) = vrcp.f32 v23;
	_ =	sdelay $0x4  }
0x182: {  	v23 =	vld [tilespmem:s12+$0xD7D0];
	_ =	sdelay $0x3  }
0x183: {  	v24 =	vpop (erf)  }
0x184: {  	v22 =	vshrl.u32 v22, $0x2;
	v23 =	vmul.f32 v24, v23  }
0x185: {  	[tilespmem:$0x12DA0] =	vst v22  }
0x186: {  	[tilespmem:$0x12D80] =	vst v23  }
0x187: {  	v22 =	vld [tilespmem:s12+$0xCDA0];
	_ =	sdelay $0x7  }
0x188: {  	v23 =	vld.idx.msk [tilespmem:v22+s20+$0x0], $0xffff;
	_ =	sdelay $0x4  }
0x189: {  	(erf) = vrcp.f32 v23;
	_ =	sdelay $0x4  }
0x18a: {  	v23 =	vld [tilespmem:s12+$0xD7E0];
	_ =	sdelay $0x3  }
0x18b: {  	v24 =	vpop (erf)  }
0x18c: {  	v22 =	vshrl.u32 v22, $0x2;
	v23 =	vmul.f32 v24, v23  }
0x18d: {  	[tilespmem:$0x12DB0] =	vst v22  }
0x18e: {  	[tilespmem:$0x12D90] =	vst v23  }
0x18f: {  	_ =	swait.ge [sflag:s22], $0x2000  }
0x190: {  	[sflag:s22] =	ssyncset.done $0x0  }
0x191: {  	s12 =	simm.s32 $0x10E00;
	[sflag:s22] =	ssyncadd.s32 $0xFFFFE000  }
0x192: {  	v22 =	vld [tilespmem:s12+$0xFFFFFFF0]  }
0x193: {  	v34 =	vld [tilespmem:s12+$0x70]  }
0x194: {  	v23 =	vld [tilespmem:s12+$0x60]  }
0x195: {  	v24 =	vld [tilespmem:s12+$0x20]  }
0x196: {  	v25 =	vmov s21;
	v26 =	vld [tilespmem:s12+$0x10]  }
0x197: {  	v29 =	vld [tilespmem:s12+$0x30]  }
0x198: {  	v37 =	vld [tilespmem:s12+$0x50]  }
0x199: {  	v30 =	vld [tilespmem:s12+$0xFFFFFF80]  }
0x19a: {  	v28 =	vld [tilespmem:s12+$0x0]  }
0x19b: {  	v25 =	vld.idx.msk [tilespmem:v25+s10+$0x0], $0xffff  }
0x19c: {  	v35 =	vld [tilespmem:s12+$0xFFFFFFA0]  }
0x19d: {  	v27 =	vld [tilespmem:s12+$0xFFFFFFD0]  }
0x19e: {  	v33 =	vld [tilespmem:s12+$0xFFFFFF90]  }
0x19f: {  	v31 =	vld [tilespmem:s12+$0xFFFFFFB0]  }
0x1a0: {  	v32 =	vld [tilespmem:s12+$0x40]  }
0x1a1: {  	v36 =	vmul.f32 v30, v25;
	v30 =	vld [tilespmem:s12+$0xFFFFFFC0];
	v38 =	vmul.f32 v34, v25  }
0x1a2: {  	s15 =	simm.s32 $0x10E00;
	s14 =	simm.s32 $0x1;
	v34 =	vmul.f32 v35, v25;
	v35 =	vld [tilespmem:s12+$0xFFFFFFE0];
	v37 =	vmul.f32 v37, v25  }
.LBB2_26:
0x1a3: {  	p2 =	sne.s32 s14, $0x1F  }
0x1a4: {  	v33 =	vmul.f32 v33, v25;
	v29 =	vmul.f32 v29, v25;
	[tilespmem:s12+$0x70] =	vst v38;
	s15 =	sadd.s32 $0x100, s15;
	s16 =	smov.u32 s14;
	s14 =	sadd.s32 $0x1, s14  }
0x1a5: {  	v26 =	vmul.f32 v26, v25;
	[tilespmem:s12+$0xFFFFFF80] =	vst v36;
	v31 =	vmul.f32 v31, v25  }
0x1a6: {  	v28 =	vmul.f32 v28, v25;
	v32 =	vmul.f32 v32, v25;
	[tilespmem:s12+$0x50] =	vst v37  }
0x1a7: {  	v27 =	vmul.f32 v27, v25;
	v30 =	vmul.f32 v30, v25;
	[tilespmem:s12+$0x30] =	vst v29  }
0x1a8: {  	v29 =	vmul.f32 v35, v25;
	v35 =	vmul.f32 v22, v25;
	[tilespmem:s12+$0x10] =	vst v26  }
0x1a9: {  	v24 =	vmul.f32 v24, v25;
	v23 =	vmul.f32 v23, v25;
	[tilespmem:s12+$0xFFFFFFA0] =	vst v34  }
0x1aa: {  	[tilespmem:s12+$0x0] =	vst v28  }
0x1ab: {  	v22 =	vld [tilespmem:s15+$0xFFFFFFF0];
	[tilespmem:s12+$0xFFFFFFE0] =	vst v29  }
0x1ac: {  	v34 =	vld [tilespmem:s15+$0x70];
	[tilespmem:s12+$0x60] =	vst v23  }
0x1ad: {  	v23 =	vld [tilespmem:s15+$0x60];
	[tilespmem:s12+$0x20] =	vst v24  }
0x1ae: {  	v24 =	vld [tilespmem:s15+$0x20];
	[tilespmem:s12+$0xFFFFFFD0] =	vst v27  }
0x1af: {  	v25 =	vmov s16;
	v26 =	vld [tilespmem:s15+$0x10];
	[tilespmem:s12+$0xFFFFFF90] =	vst v33  }
0x1b0: {  	v29 =	vld [tilespmem:s15+$0x30];
	[tilespmem:s12+$0xFFFFFFF0] =	vst v35  }
0x1b1: {  	v37 =	vld [tilespmem:s15+$0x50];
	[tilespmem:s12+$0x40] =	vst v32  }
0x1b2: {  	v35 =	vld [tilespmem:s15+$0xFFFFFF80];
	[tilespmem:s12+$0xFFFFFFB0] =	vst v31  }
0x1b3: {  	v28 =	vld [tilespmem:s15+$0x0];
	[tilespmem:s12+$0xFFFFFFC0] =	vst v30;
	s12 =	smov.u32 s15  }
0x1b4: {  	v25 =	vld.idx.msk [tilespmem:v25+s10+$0x0], $0xffff  }
0x1b5: {  	v39 =	vld [tilespmem:s15+$0xFFFFFFA0]  }
0x1b6: {  	v27 =	vld [tilespmem:s15+$0xFFFFFFD0]  }
.Ltmp16:
0x1b7: {  	v33 =	vld [tilespmem:s15+$0xFFFFFF90];
	(pc) =	sbr.rel @p2 .LBB2_26-.Ltmp16, $4  }
0x1b8: {  	v31 =	vld [tilespmem:s15+$0xFFFFFFB0]  }
0x1b9: {  	v32 =	vld [tilespmem:s15+$0x40]  }
0x1ba: {  	v36 =	vmul.f32 v35, v25;
	v38 =	vmul.f32 v34, v25;
	v30 =	vld [tilespmem:s15+$0xFFFFFFC0]  }
0x1bb: {  	v37 =	vmul.f32 v37, v25;
	v34 =	vmul.f32 v39, v25;
	v35 =	vld [tilespmem:s15+$0xFFFFFFE0]  }
0x1bc: {  	[tilespmem:s12+$0x70] =	vst v38  }
0x1bd: {  	[tilespmem:s12+$0xFFFFFF80] =	vst v36  }
0x1be: {  	v29 =	vmul.f32 v29, v25;
	[tilespmem:s12+$0x50] =	vst v37  }
0x1bf: {  	v26 =	vmul.f32 v26, v25;
	[tilespmem:s12+$0xFFFFFFA0] =	vst v34  }
0x1c0: {  	v28 =	vmul.f32 v28, v25;
	[tilespmem:s12+$0x30] =	vst v29  }
0x1c1: {  	v23 =	vmul.f32 v23, v25;
	[tilespmem:s12+$0x10] =	vst v26  }
0x1c2: {  	v24 =	vmul.f32 v24, v25;
	[tilespmem:s12+$0x0] =	vst v28  }
0x1c3: {  	v62 =	vmul.f32 v27, v25;
	[tilespmem:s12+$0x60] =	vst v23  }
0x1c4: {  	v22 =	vmul.f32 v22, v25;
	[tilespmem:s12+$0x20] =	vst v24  }
0x1c5: {  	v23 =	vmul.f32 v33, v25;
	[tilespmem:s12+$0xFFFFFFD0] =	vst v62  }
0x1c6: {  	v63 =	vmul.f32 v32, v25;
	[tilespmem:s12+$0xFFFFFFF0] =	vst v22  }
0x1c7: {  	v22 =	vmul.f32 v30, v25;
	[tilespmem:s12+$0xFFFFFF90] =	vst v23  }
0x1c8: {  	v61 =	vmul.f32 v35, v25;
	[tilespmem:s12+$0x40] =	vst v63  }
0x1c9: {  	v23 =	vmul.f32 v31, v25;
	[tilespmem:s12+$0xFFFFFFC0] =	vst v22  }
0x1ca: {  	s8 =	sadd.s32 $0x1, s8;
	[tilespmem:s12+$0xFFFFFFE0] =	vst v61  }
0x1cb: {  	p2 =	sne.s32 s8, s1;
	[tilespmem:s12+$0xFFFFFFB0] =	vst v23  }
0x1cc: {  	[spmem:s2] =	stream.indirect.scatter.add.f32 [tilespmem:s17], [sflag:$0x2], $0x100, s29, s23, $0xb8;
	[tilespmem:$0x1A660] =	vst v63  }
.Ltmp17:
0x1cd: {  	_ = 	snop;
	(pc) =	sbr.rel @p2 .LBB2_25-.Ltmp17, $4  }
.Ltmp18:
0x1ce: {  	_ = 	snop;
	(pc) =	sbr.rel @!p2 .LBB2_28-.Ltmp18, $4  }
0x1cf: {  	_ =	swait.ge [sflag:s24], $0x2000  }
0x1d0: {  	[sflag:s24] =	ssyncset.done $0x0  }
0x1d1: {  	[sflag:s24] =	ssyncadd.s32 $0xFFFFE000  }
0x1d2: {  	_ = 	snop  }
.LBB2_30:
0x1d3: {  	_ =	sfence.sel $0x180000  }
0x1d4: {  	[bflag:$0x0] =	sbarrier.arrive $0xFFFF  }
0x1d5: {  	_ =	strace $0x9000004A  }
0x1d6: {  	[bflag:$0x2] =	sbarrier.arrive $0xFFFF  }
0x1d7: {  	s0 =	rddreg [dreg:$0x4]  }
0x1d8: {  	s0 =	sadd.s32 @!p0 $0x100000, s0  }
0x1d9: {  	[sflag:s0] =	ssyncadd.tile.s32 @!p0 $0x1;
	_ =	shalt  }
.Lfunc_end2:
_tile_overlayer_lowered:
.L_overlay_start_2:
0x1da: {  	(tag) =	ssettag $0x2  }
0x1db: {  	s0 =	rddreg [dreg:$0x0];
	s2 =	stileid.u32  }
0x1dc: {  	s1 =	rddreg [dreg:$0x1];
	p0 =	sne.s32 s2, $0x0  }
0x1dd: {  	s3 =	rddreg [dreg:$0x2];
	[bflag:$0x3] =	sbarrier.arrive $0xFFFF;
	s2 =	simm.s32 @!p0 $0x1C02  }
0x1de: {  	[timem:s3], [sflag:s2] =	dma.local @!p0 [hbm:s0], s1  }
0x1df: {  	s0 =	simm.s32 @!p0 $0x2  }
0x1e0: {  	_ =	swait.ge @!p0 [sflag:s0], s1  }
0x1e1: {  	s1 =	ssub.s32 @!p0 $0x0, s1;
	[sflag:s0] =	ssyncset.done @!p0 $0x0  }
0x1e2: {  	[sflag:s0] =	ssyncadd.s32 @!p0 s1  }
0x1e3: {  	[bflag:$0x3] =	sbarrier.arrive $0xFFFF  }
0x1e4: {  	_ =	shalt  }

// kernel: sparse-core-data-format-call.cloned.1.call-start
scs
called_computation_lowered:
.L_overlay_start_0:
0x0: {  	s1 =	sld [smem:$0x3FD9]  }
0x1: {  	s2 =	sld [smem:$0x3FFE];
	_ =	sdelay $0x1  }
0x2: {  	s3 =	srdreg.scid  }
0x3: {  	s0 =	sand.u32 $0x1, s3  }
0x4: {  	s17 =	sshll.u32 s0, $0xA;
	s1 =	sadd.s32 s2, s1  }
0x5: {  	s1 =	sadd.s32 s1, s17  }
0x6: {  	[smem:$0x3FBF] =	sst s1  }
0x7: {  	_ = 	snop  }
0x8: {  	(tm) =	ssettm $0x1  }
0x9: {  	s18 =	sld [smem:$0x3FFB];
	_ =	sdelay $0x3  }
0xa: {  	_ =	strace s18  }
0xb: {  	s1 =	sld [smem:$0x3FFC];
	_ =	sdelay $0x3  }
0xc: {  	_ =	strace s1  }
0xd: {  	s1 =	sld [smem:$0x3FFD];
	_ =	sdelay $0x3  }
0xe: {  	_ =	strace s1  }
0xf: {  	_ =	strace $0x8FFFFFFF  }
0x10: {  	s19 =	sld [smem:$0x3FDB];
	_ =	sdelay $0x1  }
0x11: {  	s20 =	simm.s32 $_scs_section_size  }
0x12: {  	s4 =	simm.s32 $_size__tile_overlayer_lowered;
	s5 =	simm.s32 $_tile_overlayer_lowered  }
0x13: {  	s23 =	simm.s32 $0x1BFF;
	s22 =	sshll.u32 s5, $0x1;
	s1 =	sadd.s32 s20, s19  }
0x14: {  	s6 =	simm.s32 $0x0;
	s21 =	sshll.u32 s4, $0x1;
	s4 =	sadd.s32 s22, s1  }
0x15: {  	[timem:s6], [sflag:s23] =	dma.local [hbm:s4], s21  }
0x16: {  	_ =	swait.ge [sflag:s23], s21  }
0x17: {  	s2 =	ssub.s32 $0x0, s21;
	[sflag:s23] =	ssyncset.done $0x0  }
0x18: {  	[sflag:s23] =	ssyncadd.s32 s2;
	_ =	sdelay $0x1  }
0x19: {  	s24 =	simm.s32 $0x1B8B  }
0x1a: {  	_ =	swait.ge [sflag:s24], $0x1  }
0x1b: {  	[sflag:s24] =	ssyncset.done $0x0  }
0x1c: {  	s26 =	simm.s32 $0x1B8E;
	s25 =	sld [smem:$0x3FFE];
	[sflag:s24] =	ssyncadd.s32 $0xFFFFFFFF  }
0x1d: {  	s27 =	simm.s32 $execute0_lowered;
	[smem:$0x3FD2] =	sst s26  }
0x1e: {  	s4 =	sshll.u32 s27, $0x1;
	_ =	strace $0x80000046;
	[dreg:$0x1] =	wrdreg $0xFFFFFFFF  }
0x1f: {  	s28 =	simm.s32 $_size_execute0_lowered;
	s1 =	sadd.s32 s1, s4;
	[dreg:$0x0] =	wrdreg $0x0  }
0x20: {  	s4 =	sshll.u32 s28, $0x1;
	[dreg:$0x2] =	wrdreg s1  }
0x21: {  	[dreg:$0x3] =	wrdreg s4  }
0x22: {  	[dreg:$0x4] =	wrdreg $0xC0  }
0x23: {  	_ =	task [dreg:s6], $0x5FFFF  }
0x24: {  	[dreg:$0x1] =	wrdreg $0xFFFFFFFF  }
0x25: {  	[dreg:$0x0] =	wrdreg $0x60  }
0x26: {  	[dreg:$0x2] =	wrdreg s25  }
0x27: {  	[dreg:$0x3] =	wrdreg $0x9  }
0x28: {  	_ =	task.clear_ibuf [dreg:s6], $0x4FFFF;
	_ =	strace $0x90000046  }
0x29: {  	s29 =	simm.s32 $0x9;
	_ =	strace $0x80000048  }
0x2a: {  	_ =	swait.ge [sflag:s29], $0x1  }
0x2b: {  	[sflag:s29] =	ssyncadd.s32 $0xFFFFFFFF  }
0x2c: {  	_ =	strace $0x90000048  }
0x2d: {  	_ =	sfence  }
0x2e: {  	s30 =	sld [smem:$0x0];
	_ =	sdelay $0x2  }
0x2f: {  	s31 =	sshll.u32 s3, $0xD;
	s3 =	sshrl.u32 s3, $0x2  }
0x30: {  	s2 =	sand.u32 $0x4000, s31;
	s1 =	sadd.s32 s3, s30  }
0x31: {  	s0 =	sor.u32 s2, s0;
	s1 =	sshll.u32 s1, $0x11  }
0x32: {  	s0 =	sor.u32 s1, s0  }
0x33: {  	s0 =	sadd.s32 $0x8F2B, s0  }
0x34: {  	[sflag:s0] =	ssyncadd.remote.s32 $0x1  }
0x35: {  	_ =	sfence.sel $0xFFFF  }
0x36: {  	[dreg:$0x0] =	wrdreg $0xFFFFFFFF;
	(pc) =	sbr.abs _section_cstart, $3  }
0x37: {  	[dreg:$0x1] =	wrdreg $0xFFFFFFFF  }
0x38: {  	_ =	task.clear_ibuf [dreg:s6], $0x2FFFF;
	_ =	strace $0x9FFFFFFF  }
0x39: {  	(tm) =	ssettm $0x7FFFFFFF  }
tec
execute0_lowered:
.L_overlay_start_1:
0x0: {  	(tag) =	ssettag $0x1  }
0x1: {  	s0 =	srdreg.scid  }
0x2: {  	s1 =	sshll.u32 s0, $0x4  }
0x3: {  	s4 =	rddreg [dreg:$0x0];
	s0 =	stileid.u32;
	s1 =	sand.u32 $0x10, s1  }
0x4: {  	s7 =	simm.s32 $0x1;
	s8 =	simm.s32 $0x2;
	s1 =	sor.u32 s0, s1  }
0x5: {  	s9 =	simm.s32 $0x0;
	s12 =	simm.s32 $0x0;
	s2 =	sshll.u32 s1, $0x3  }
0x6: {  	s11 =	simm.s32 $0x0;
	s3 =	sadd.s32 $0x2000, s4;
	s6 =	ssub.s32 $0x1388, s2  }
.Ltmp0:
0x7: {  	s4 =	sadd.s32 $0x13A800, s4;
	s5 =	sand.u32 $0xF8, s6;
	(pc) =	sbr.rel .LBB1_1-.Ltmp0, $4  }
0x8: {  	s1 =	rddreg [dreg:$0x1];
	_ =	strace $0x80000047;
	p0 =	sne.s32 s5, $0x0  }
0x9: {  	s6 =	sshrl.u32 s6, $0x8;
	s5 =	simm.s32 $0x1;
	s7 =	simm.s32 @!p0 $0x0  }
0xa: {  	s10 =	smov.u32 s2;
	[sflag:s5] =	ssyncpa.u1 $0x0;
	s6 =	sadd.s32 s7, s6  }
0xb: {  	[sflag:s8] =	ssyncpa.u1 $0x0;
	s8 =	simm.s32 $0x0;
	s7 =	sadd.s32 $0x1, s6  }
.LBB1_9:
0xc: {  	s14 =	sadd.s32 $0x100, s10  }
0xd: {  	p1 =	sgt.s32 s14, $0x1387  }
0xe: {  	s14 =	smov.u32 @p1 s2;
	p1 =	sne.s32 s11, s7  }
.Ltmp1:
0xf: {  	p0 =	slt.u32 s11, $0x2;
	(pc) =	sbr.rel @!p1 .LBB1_10-.Ltmp1, $4  }
0x10: {  	s13 =	simm.s32 @!p0 $0x2  }
0x11: {  	s15 =	sadd.s32 $0x1, s11;
	_ =	swait.ge @!p0 [sflag:s13], $0x4000  }
0x12: {  	s12 =	smov.u32 s10;
	s9 =	sadd.s32 $0x4000, s9;
	[sflag:s13] =	ssyncset.done @!p0 $0x0  }
0x13: {  	s11 =	smov.u32 s15;
	s10 =	smov.u32 s14;
	[sflag:s13] =	ssyncadd.s32 @!p0 $0xFFFFC000  }
.LBB1_1:
0x14: {  	p0 =	sge.u32 s11, s6  }
0x15: {  	s13 =	sxor.u32 @!p0 $0xFFFFFFFF, s11  }
0x16: {  	s31 =	sadd.s32 $0xFFFFFFFF, s11;
	s14 =	sshll.u32 @!p0 s10, $0x8;
	s13 =	sshll.u32 @!p0 s13, $0xE  }
0x17: {  	s15 =	simm.s32 @!p0 $0x0;
	s14 =	sadd.s32 @!p0 s3, s14;
	s13 =	sand.u32 @!p0 $0x4000, s13  }
0x18: {  	[tilespmem:s13], [sflag:$0x1] =	stream.linear.gather @!p0 [hbm4b:s14+s15], $0x4000, $0x38;
	[tilespmem:$0x10000] =	vst v63  }
0x19: {  	p0 =	sge.u32 s31, s6  }
.Ltmp2:
0x1a: {  	_ = 	snop;
	(pc) =	sbr.rel @p0 .LBB1_9-.Ltmp2, $1  }
0x1b: {  	_ =	sdelay $0x3  }
0x1c: {  	s13 =	sshll.u32 s9, $0x2;
	_ =	swait.ge [sflag:s5], $0x4000;
	s14 =	sshll.u32 s11, $0xE  }
0x1d: {  	s16 =	simm.s32 $0x0;
	s17 =	simm.s32 $0x0;
	s15 =	sand.u32 $0x10000, s13  }
0x1e: {  	[sflag:s5] =	ssyncset.done $0x0;
	s31 =	sand.u32 $0x4000, s14;
	s14 =	sshrl.u32 s15, $0x2  }
0x1f: {  	[sflag:s5] =	ssyncadd.s32 $0xFFFFC000;
	s13 =	sor.u32 $0x8000, s31;
	s15 =	sor.u32 $0x8000, s14  }
.LBB1_3:
0x20: {  	s18 =	sshra.s32 s16, $0x2  }
0x21: {  	v0 =	vmov s18;
	_ =	sdelay $0x3  }
0x22: {  	p1 =	por $0x1, $0x1;
	s18 =	simm.s32 $0x0  }
.LBB1_4:
0x23: {  	_ = 	snop  }
0x24: {  	s19 =	sshll.u32 s18, $0xA  }
0x25: {  	s19 =	sand.u32 $0x3FFFFC00, s19  }
0x26: {  	s19 =	sadd.s32 s19, s14  }
0x27: {  	v5 =	vld.idx.msk [tilespmem:v0+s19+$0x70 ss:$0x1], $0xffff  }
0x28: {  	v6 =	vld.idx.msk [tilespmem:v0+s19+$0x10 ss:$0x1], $0xffff  }
0x29: {  	v7 =	vld.idx.msk [tilespmem:v0+s19+$0x20 ss:$0x1], $0xffff  }
0x2a: {  	s31 =	sshll.u32 s18, $0x7;
	v1 =	vld.idx.msk [tilespmem:v0+s19+$0x30 ss:$0x1], $0xffff  }
0x2b: {  	s18 =	sand.u32 $0x3FFFFF80, s31;
	v2 =	vld.idx.msk [tilespmem:v0+s19+$0x40 ss:$0x1], $0xffff  }
0x2c: {  	s18 =	sadd.s32 s18, s15;
	v3 =	vld.idx.msk [tilespmem:v0+s19+$0x50 ss:$0x1], $0xffff  }
0x2d: {  	v4 =	vld.idx.msk [tilespmem:v0+s19+$0x60 ss:$0x1], $0xffff;
	[tilespmem:v0+s18+$0x70 ss:$0x1] =	vst.idx.msk $0xffff, v5  }
0x2e: {  	v5 =	vld.idx.msk [tilespmem:v0+s19+$0x0 ss:$0x1], $0xffff;
	[tilespmem:v0+s18+$0x10 ss:$0x1] =	vst.idx.msk $0xffff, v6;
	s19 =	sadd.s32 $0x80, s19  }
0x2f: {  	p0 =	por p1, p1;
	s20 =	simm.s32 $0x6;
	[tilespmem:v0+s18+$0x20 ss:$0x1] =	vst.idx.msk $0xffff, v7;
	v6 =	vld.idx.msk [tilespmem:v0+s19+$0x70 ss:$0x1], $0xffff  }
.LBB1_5:
0x30: {  	p1 =	sne.s32 s20, $0x1;
	v7 =	vld.idx.msk [tilespmem:v0+s19+$0x10 ss:$0x1], $0xffff;
	[tilespmem:v0+s18+$0x30 ss:$0x1] =	vst.idx.msk $0xffff, v1  }
0x31: {  	v8 =	vld.idx.msk [tilespmem:v0+s19+$0x20 ss:$0x1], $0xffff;
	[tilespmem:v0+s18+$0x40 ss:$0x1] =	vst.idx.msk $0xffff, v2  }
0x32: {  	v1 =	vld.idx.msk [tilespmem:v0+s19+$0x30 ss:$0x1], $0xffff;
	[tilespmem:v0+s18+$0x50 ss:$0x1] =	vst.idx.msk $0xffff, v3  }
.Ltmp3:
0x33: {  	v2 =	vld.idx.msk [tilespmem:v0+s19+$0x40 ss:$0x1], $0xffff;
	[tilespmem:v0+s18+$0x60 ss:$0x1] =	vst.idx.msk $0xffff, v4;
	(pc) =	sbr.rel @p1 .LBB1_5-.Ltmp3, $4  }
0x34: {  	v3 =	vld.idx.msk [tilespmem:v0+s19+$0x50 ss:$0x1], $0xffff;
	[tilespmem:v0+s18+$0x0 ss:$0x1] =	vst.idx.msk $0xffff, v5;
	s18 =	sadd.s32 $0x100, s18  }
0x35: {  	v4 =	vld.idx.msk [tilespmem:v0+s19+$0x60 ss:$0x1], $0xffff;
	[tilespmem:v0+s18+$0x70 ss:$0x1] =	vst.idx.msk $0xffff, v6  }
0x36: {  	v5 =	vld.idx.msk [tilespmem:v0+s19+$0x0 ss:$0x1], $0xffff;
	[tilespmem:v0+s18+$0x10 ss:$0x1] =	vst.idx.msk $0xffff, v7;
	s19 =	sadd.s32 $0x80, s19  }
0x37: {  	s20 =	sadd.s32 $0xFFFFFFFF, s20;
	v6 =	vld.idx.msk [tilespmem:v0+s19+$0x70 ss:$0x1], $0xffff;
	[tilespmem:v0+s18+$0x20 ss:$0x1] =	vst.idx.msk $0xffff, v8  }
0x38: {  	_ =	sdelay $0x3  }
0x39: {  	[tilespmem:v0+s18+$0x30 ss:$0x1] =	vst.idx.msk $0xffff, v1  }
0x3a: {  	v1 =	vld.idx.msk [tilespmem:v0+s19+$0x10 ss:$0x1], $0xffff;
	[tilespmem:v0+s18+$0x40 ss:$0x1] =	vst.idx.msk $0xffff, v2  }
0x3b: {  	v2 =	vld.idx.msk [tilespmem:v0+s19+$0x20 ss:$0x1], $0xffff;
	[tilespmem:v0+s18+$0x50 ss:$0x1] =	vst.idx.msk $0xffff, v3  }
0x3c: {  	v61 =	vld.idx.msk [tilespmem:v0+s19+$0x40 ss:$0x1], $0xffff;
	[tilespmem:v0+s18+$0x60 ss:$0x1] =	vst.idx.msk $0xffff, v4  }
0x3d: {  	s31 =	sadd.s32 $0x100, s18;
	v62 =	vld.idx.msk [tilespmem:v0+s19+$0x50 ss:$0x1], $0xffff;
	[tilespmem:v0+s18+$0x0 ss:$0x1] =	vst.idx.msk $0xffff, v5  }
0x3e: {  	v63 =	vld.idx.msk [tilespmem:v0+s19+$0x60 ss:$0x1], $0xffff;
	[tilespmem:v0+s31+$0x70 ss:$0x1] =	vst.idx.msk $0xffff, v6  }
0x3f: {  	v3 =	vld.idx.msk [tilespmem:v0+s19+$0x30 ss:$0x1], $0xffff;
	[tilespmem:v0+s31+$0x10 ss:$0x1] =	vst.idx.msk $0xffff, v1  }
0x40: {  	v1 =	vld.idx.msk [tilespmem:v0+s19+$0x0 ss:$0x1], $0xffff;
	[tilespmem:v0+s31+$0x20 ss:$0x1] =	vst.idx.msk $0xffff, v2  }
.Ltmp4:
0x41: {  	[tilespmem:v0+s31+$0x40 ss:$0x1] =	vst.idx.msk $0xffff, v61;
	(pc) =	sbr.rel @p0 .LBB1_4-.Ltmp4, $4  }
0x42: {  	[tilespmem:v0+s31+$0x50 ss:$0x1] =	vst.idx.msk $0xffff, v62  }
0x43: {  	[tilespmem:v0+s31+$0x60 ss:$0x1] =	vst.idx.msk $0xffff, v63  }
0x44: {  	[tilespmem:v0+s31+$0x30 ss:$0x1] =	vst.idx.msk $0xffff, v3  }
0x45: {  	p1 =	por $0x0, $0x0;
	s18 =	simm.s32 $0x1;
	[tilespmem:v0+s31+$0x0 ss:$0x1] =	vst.idx.msk $0xffff, v1  }
0x46: {  	s17 =	sadd.s32 $0x1, s17  }
0x47: {  	p0 =	sne.s32 s17, $0x8  }
.Ltmp5:
0x48: {  	_ = 	snop;
	(pc) =	sbr.rel @p0 .LBB1_3-.Ltmp5, $2  }
0x49: {  	_ =	sdelay $0x2  }
0x4a: {  	s16 =	sadd.s32 $0x2000, s16  }
.Ltmp6:
0x4b: {  	(pc) =	sbr.rel .LBB1_9-.Ltmp6, $4  }
0x4c: {  	_ = 	snop  }
0x4d: {  	s12 =	sshll.u32 s12, $0x8  }
0x4e: {  	s12 =	sadd.s32 s4, s12  }
0x4f: {  	[hbm4b:s12+s8] =	stream.linear.scatter [tilespmem:s13], [sflag:$0x2], $0x4000, $0x38;
	[tilespmem:$0x10000] =	vst v63  }
.LBB1_10:
0x50: {  	_ =	sfence.sel $0x180000  }
0x51: {  	s2 =	simm.s32 $0x1;
	[bflag:$0x0] =	sbarrier.arrive $0xFFFF  }
0x52: {  	s31 =	simm.s32 $0x2;
	[sflag:s2] =	ssyncpa.u1 $0x1  }
0x53: {  	[sflag:s31] =	ssyncpa.u1 $0x1  }
0x54: {  	p0 =	sne.s32 s0, $0x0;
	_ =	strace $0x90000047  }
0x55: {  	s0 =	sadd.s32 @!p0 $0x100000, s1;
	[bflag:$0x2] =	sbarrier.arrive $0xFFFF  }
0x56: {  	[sflag:s0] =	ssyncadd.tile.s32 @!p0 $0x1;
	_ =	shalt  }
.Lfunc_end1:
_tile_overlayer_lowered:
.L_overlay_start_2:
0x57: {  	(tag) =	ssettag $0x2  }
0x58: {  	s0 =	rddreg [dreg:$0x0];
	s2 =	stileid.u32  }
0x59: {  	s1 =	rddreg [dreg:$0x1];
	p0 =	sne.s32 s2, $0x0  }
0x5a: {  	s3 =	rddreg [dreg:$0x2];
	[bflag:$0x3] =	sbarrier.arrive $0xFFFF;
	s2 =	simm.s32 @!p0 $0x1C01  }
0x5b: {  	[timem:s3], [sflag:s2] =	dma.local @!p0 [hbm:s0], s1  }
0x5c: {  	s0 =	simm.s32 @!p0 $0x1  }
0x5d: {  	_ =	swait.ge @!p0 [sflag:s0], s1  }
0x5e: {  	s1 =	ssub.s32 @!p0 $0x0, s1;
	[sflag:s0] =	ssyncset.done @!p0 $0x0  }
0x5f: {  	[sflag:s0] =	ssyncadd.s32 @!p0 s1  }
0x60: {  	[bflag:$0x3] =	sbarrier.arrive $0xFFFF  }
0x61: {  	_ =	shalt  }

</sc_bundles>
